<compile_context>
chip_gen: v7x
topology: tpu7x:2x2x1
jax: 0.10.2.dev20260603
libtpu: 0.0.44.dev20260713+nightly
codegen_flags: <defaults>
</compile_context>

<pallas_src>
import functools
import jax
import jax.numpy as jnp
from jax import lax
from jax.experimental import pallas as pl
from jax.experimental.pallas import tpu as pltpu
from jax.experimental.pallas import tpu_sc as plsc

_NC = 2
_NS = 16
_NW = _NC * _NS
_L = 16

_CHUNK = 80
_XR = 4


def _proj_body(emb_ref, w_ref, b_ref, out_ref):
    out_ref[...] = lax.dot_general(
        emb_ref[...], w_ref[...],
        (((1,), (1,)), ((), ())),
        preferred_element_type=jnp.float32,
    ) + b_ref[...]


def _compute_proj(emb_weight, lin_weight, lin_bias):
    m, d = emb_weight.shape
    return pl.pallas_call(
        _proj_body,
        out_shape=jax.ShapeDtypeStruct((m, d), jnp.float32),
    )(emb_weight, lin_weight, lin_bias.reshape(1, d))


def _sc_gather_add(x, t, proj):
    n, d = x.shape
    m = proj.shape[0]
    per_w = n // _NW
    assert per_w * _NW == n and per_w % _CHUNK == 0
    n_chunks = per_w // _CHUNK
    t3 = t.reshape(_NW, n_chunks, _CHUNK)
    mesh = plsc.VectorSubcoreMesh(
        core_axis_name="c", subcore_axis_name="s",
        num_cores=_NC, num_subcores=_NS,
    )

    @functools.partial(
        pl.kernel,
        out_type=jax.ShapeDtypeStruct((n, d), jnp.float32),
        mesh=mesh,
        scratch_types=[
            pltpu.VMEM((n_chunks, _CHUNK), jnp.int32),
            pltpu.VMEM((m, d), jnp.float32),
            pltpu.VMEM((_XR, _CHUNK, d), jnp.float32),
            pltpu.SemaphoreType.DMA((_XR,)),
            pltpu.SemaphoreType.DMA((_XR, 2)),
        ],
    )
    def run(x_hbm, t3_hbm, proj_hbm, out_hbm, idx_all, table_v, x_v,
            xsem, osem):
        wid = lax.axis_index("s") * _NC + lax.axis_index("c")
        w_base = wid * per_w

        def x_slice(k):
            return x_hbm.at[pl.ds(w_base + k * _CHUNK, _CHUNK)]

        _H0 = 2 * _L
        _H1 = _CHUNK - _H0

        def out_half(k, h):
            base = w_base + k * _CHUNK + h * _H0
            return out_hbm.at[pl.ds(base, _H1 if h else _H0)]

        def xv_half(kb, h):
            return x_v.at[kb, pl.ds(h * _H0, _H1 if h else _H0)]

        def issue_x(k):
            kb = lax.rem(k, _XR)
            pltpu.async_copy(x_slice(k), x_v.at[kb], xsem.at[kb])

        pltpu.sync_copy(proj_hbm, table_v)
        pltpu.sync_copy(t3_hbm.at[wid], idx_all)
        issue_x(0)
        issue_x(1)

        def chunk_body(k, carry):
            xb = lax.rem(k, _XR)
            pltpu.make_async_copy(x_slice(k), x_v.at[xb], xsem.at[xb]).wait()

            def add_tokens(off, j_lo):
                tv = idx_all[k, pl.ds(off, _L)]
                for j in range(j_lo, _L):
                    ti = tv[j]
                    for c in range(d // _L):
                        sl = pl.ds(c * _L, _L)
                        plsc.addupdate(x_v.at[xb, off + j, sl],
                                       table_v[ti, sl])

            @pl.when(k + 2 < n_chunks)
            def _():
                @pl.when(k >= 2)
                def _():
                    for h in range(2):
                        pltpu.make_async_copy(
                            xv_half(lax.rem(k - 2, _XR), h),
                            out_half(k - 2, h),
                            osem.at[lax.rem(k - 2, _XR), h],
                        ).wait()
                issue_x(k + 2)

            @plsc.parallel_loop(0, 2)
            def tok_body_a(g):
                add_tokens(g * _L, 0)

            pltpu.async_copy(xv_half(xb, 0), out_half(k, 0), osem.at[xb, 0])

            @plsc.parallel_loop(2, _CHUNK // _L)
            def tok_body_b(g):
                add_tokens(g * _L, 0)

            pltpu.async_copy(xv_half(xb, 1), out_half(k, 1), osem.at[xb, 1])

            return carry

        lax.fori_loop(0, n_chunks, chunk_body, 0)
        for j in range(n_chunks - 4, n_chunks):
            for h in range(2):
                pltpu.make_async_copy(xv_half(j % _XR, h), out_half(j, h),
                                      osem.at[j % _XR, h]).wait()

    return run(x, t3, proj)


def kernel(x, t, emb_weight, lin_weight, lin_bias):
    proj = _compute_proj(emb_weight, lin_weight, lin_bias)
    return _sc_gather_add(x, t, proj)

# --- scband reference (transcript-rebuilt; emitter-appended) ---
"""Pipeline reference for scband-rel-temporal-encoding-30562987278725 (READ-ONLY COPY).

The authoritative reference and input builder live on the scoring server;
editing this copy changes nothing except your own understanding.
"""

import jax, jax.numpy as jnp
import numpy as np
import math

N_HID = 128
MAX_LEN = 240
N = 320000

def _build_sinusoid_table(n_hid, max_len):
    position = np.arange(0.0, max_len, dtype=np.float32)[:, None]
    div_term = np.exp(np.arange(0, n_hid, 2, dtype=np.float32) * -(math.log(10000.0) / n_hid))
    emb = np.zeros((max_len, n_hid), dtype=np.float32)
    emb[:, 0::2] = np.sin(position * div_term) / n_hid ** 0.5
    emb[:, 1::2] = np.cos(position * div_term) / n_hid ** 0.5
    return jnp.asarray(emb)

def setup_inputs(seed: int = 0) -> dict:
    key = jax.random.key(seed)
    k1, k2, k3, k4 = jax.random.split(key, 4)
    x = jax.random.normal(k1, (N, N_HID), dtype=jnp.float32)
    t = jax.random.randint(k2, (N,), 0, MAX_LEN, dtype=jnp.int32)
    emb_weight = _build_sinusoid_table(N_HID, MAX_LEN)
    bound = 1.0 / math.sqrt(N_HID)
    lin_weight = jax.random.uniform(k3, (N_HID, N_HID), dtype=jnp.float32, minval=-bound, maxval=bound)
    lin_bias = jax.random.uniform(k4, (N_HID,), dtype=jnp.float32, minval=-bound, maxval=bound)
    return {"x": x, "t": t, "emb_weight": emb_weight, "lin_weight": lin_weight, "lin_bias": lin_bias}

def reference(x, t, emb_weight, lin_weight, lin_bias):
    # emb(t): gather rows of the sinusoid table
    e = jnp.take(emb_weight, t, axis=0)
    # lin(e): torch Linear computes e @ W.T + b
    proj = e @ lin_weight.T + lin_bias
    return x + proj

if __name__ == "__main__":
    import jax
    _d = setup_inputs()
    print(jax.jit(kernel)(*tuple(_d.values())))

</pallas_src>

<mosaic_0001>
#map = affine_map<(d0, d1) -> (0, 0)>
#map1 = affine_map<(d0, d1) -> (0, 0, 0)>
module attributes {stable_mosaic.version = 14 : i64} {
  func.func @run(%arg0: i32, %arg1: i32, %arg2: memref<320000x128xf32, #tpu.memory_space<hbm>>, %arg3: memref<32x125x80xi32, #tpu.memory_space<hbm>>, %arg4: memref<240x128xf32, #tpu.memory_space<hbm>>, %arg5: memref<320000x128xf32, #tpu.memory_space<hbm>>, %arg6: memref<125x80xi32, #tpu.memory_space<vmem>>, %arg7: memref<240x128xf32, #tpu.memory_space<vmem>>, %arg8: memref<4x80x128xf32, #tpu.memory_space<vmem>>, %arg9: memref<4x!tpu.dma_semaphore, #tpu.memory_space<semaphore_mem>>, %arg10: memref<4x2x!tpu.dma_semaphore, #tpu.memory_space<semaphore_mem>>) attributes {dimension_semantics = [#tpu.dimension_semantics<core_parallel>, #tpu.dimension_semantics<subcore_parallel>], iteration_bounds = array<i64: 2, 16>, scalar_prefetch = 0 : i64, scratch_operands = 5 : i64, tpu.core_type = #tpu.core_type<sc_vector_subcore>, window_params = [{transform_indices = #map}, {transform_indices = #map1}, {transform_indices = #map}, {transform_indices = #map}]} {
    %mul3A = arith.constant 2 : i32
    %mul3A_0 = arith.muli %arg1, %mul3A : i32
    %add3A = arith.addi %mul3A_0, %arg0 : i32
    %mul3A_1 = arith.constant 10000 : i32
    %mul3A_2 = arith.muli %add3A, %mul3A_1 : i32
    "tpu.region"() ({
      %run_scoped3A = tpu.sem_alloc : memref<!tpu.dma_semaphore, #tpu.memory_space<semaphore_mem>>
      tpu.enqueue_dma source(%arg4 : memref<240x128xf32, #tpu.memory_space<hbm>>) target(%arg7 : memref<240x128xf32, #tpu.memory_space<vmem>>) target_semaphore(%run_scoped3A : memref<!tpu.dma_semaphore, #tpu.memory_space<semaphore_mem>>)
      tpu.wait_dma2 semaphore(%run_scoped3A : memref<!tpu.dma_semaphore, #tpu.memory_space<semaphore_mem>>) src(%arg4 : memref<240x128xf32, #tpu.memory_space<hbm>>) dst(%arg7 : memref<240x128xf32, #tpu.memory_space<vmem>>)
      tpu.yield
    }) : () -> ()
    "tpu.region"() ({
      %run_scoped3A = tpu.sem_alloc : memref<!tpu.dma_semaphore, #tpu.memory_space<semaphore_mem>>
      %dma_start3A_211 = arith.constant 0 : i32
      %dma_start3A_212 = arith.constant 0 : i32
      %dma_start3A_213 = tpu.memref_slice %arg3[%add3A, %dma_start3A_211, %dma_start3A_212] : memref<32x125x80xi32, #tpu.memory_space<hbm>> -> memref<1x125x80xi32, #tpu.memory_space<hbm>>
      %dma_start3A_214 = tpu.memref_squeeze %dma_start3A_213 : memref<1x125x80xi32, #tpu.memory_space<hbm>> -> memref<125x80xi32, #tpu.memory_space<hbm>>
      %dma_start3A_215 = arith.constant 0 : i32
      %dma_start3A_216 = arith.constant 0 : i32
      %dma_start3A_217 = tpu.memref_slice %arg3[%add3A, %dma_start3A_215, %dma_start3A_216] : memref<32x125x80xi32, #tpu.memory_space<hbm>> -> memref<1x125x80xi32, #tpu.memory_space<hbm>>
      %dma_start3A_218 = tpu.memref_squeeze %dma_start3A_217 : memref<1x125x80xi32, #tpu.memory_space<hbm>> -> memref<125x80xi32, #tpu.memory_space<hbm>>
      tpu.enqueue_dma source(%dma_start3A_218 : memref<125x80xi32, #tpu.memory_space<hbm>>) target(%arg6 : memref<125x80xi32, #tpu.memory_space<vmem>>) target_semaphore(%run_scoped3A : memref<!tpu.dma_semaphore, #tpu.memory_space<semaphore_mem>>)
      %dma_wait3A_219 = arith.constant 0 : i32
      %dma_wait3A_220 = arith.constant 0 : i32
      %dma_wait3A_221 = tpu.memref_slice %arg3[%add3A, %dma_wait3A_219, %dma_wait3A_220] : memref<32x125x80xi32, #tpu.memory_space<hbm>> -> memref<1x125x80xi32, #tpu.memory_space<hbm>>
      %dma_wait3A_222 = tpu.memref_squeeze %dma_wait3A_221 : memref<1x125x80xi32, #tpu.memory_space<hbm>> -> memref<125x80xi32, #tpu.memory_space<hbm>>
      %dma_wait3A_223 = arith.constant 0 : i32
      %dma_wait3A_224 = arith.constant 0 : i32
      %dma_wait3A_225 = tpu.memref_slice %arg3[%add3A, %dma_wait3A_223, %dma_wait3A_224] : memref<32x125x80xi32, #tpu.memory_space<hbm>> -> memref<1x125x80xi32, #tpu.memory_space<hbm>>
      %dma_wait3A_226 = tpu.memref_squeeze %dma_wait3A_225 : memref<1x125x80xi32, #tpu.memory_space<hbm>> -> memref<125x80xi32, #tpu.memory_space<hbm>>
      tpu.wait_dma2 semaphore(%run_scoped3A : memref<!tpu.dma_semaphore, #tpu.memory_space<semaphore_mem>>) src(%dma_wait3A_226 : memref<125x80xi32, #tpu.memory_space<hbm>>) dst(%arg6 : memref<125x80xi32, #tpu.memory_space<vmem>>)
      tpu.yield
    }) : () -> ()
    %rem3A = arith.constant 0 : i32
    %rem3A_3 = arith.constant 4 : i32
    %rem3A_4 = arith.remsi %rem3A, %rem3A_3 : i32
    %add3A_5 = arith.constant 0 : i32
    %add3A_6 = arith.addi %mul3A_2, %add3A_5 : i32
    %dma_start3A = arith.constant 0 : i32
    %dma_start3A_7 = arith.constant 0 : i32
    %dma_start3A_8 = tpu.memref_slice %arg8[%rem3A_4, %dma_start3A, %dma_start3A_7] : memref<4x80x128xf32, #tpu.memory_space<vmem>> -> memref<1x80x128xf32, #tpu.memory_space<vmem>>
    %dma_start3A_9 = tpu.memref_squeeze %dma_start3A_8 : memref<1x80x128xf32, #tpu.memory_space<vmem>> -> memref<80x128xf32, #tpu.memory_space<vmem>>
    %dma_start3A_10 = arith.constant 0 : i32
    %dma_start3A_11 = tpu.memref_slice %arg2[%add3A_6, %dma_start3A_10] : memref<320000x128xf32, #tpu.memory_space<hbm>> -> memref<80x128xf32, #tpu.memory_space<hbm>>
    %dma_start3A_12 = tpu.memref_slice %arg9[%rem3A_4] : memref<4x!tpu.dma_semaphore, #tpu.memory_space<semaphore_mem>> -> memref<1x!tpu.dma_semaphore, #tpu.memory_space<semaphore_mem>>
    %dma_start3A_13 = tpu.memref_squeeze %dma_start3A_12 : memref<1x!tpu.dma_semaphore, #tpu.memory_space<semaphore_mem>> -> memref<!tpu.dma_semaphore, #tpu.memory_space<semaphore_mem>>
    %dma_start3A_14 = arith.constant 0 : i32
    %dma_start3A_15 = arith.constant 0 : i32
    %dma_start3A_16 = tpu.memref_slice %arg8[%rem3A_4, %dma_start3A_14, %dma_start3A_15] : memref<4x80x128xf32, #tpu.memory_space<vmem>> -> memref<1x80x128xf32, #tpu.memory_space<vmem>>
    %dma_start3A_17 = tpu.memref_squeeze %dma_start3A_16 : memref<1x80x128xf32, #tpu.memory_space<vmem>> -> memref<80x128xf32, #tpu.memory_space<vmem>>
    %dma_start3A_18 = arith.constant 0 : i32
    %dma_start3A_19 = tpu.memref_slice %arg2[%add3A_6, %dma_start3A_18] : memref<320000x128xf32, #tpu.memory_space<hbm>> -> memref<80x128xf32, #tpu.memory_space<hbm>>
    tpu.enqueue_dma source(%dma_start3A_19 : memref<80x128xf32, #tpu.memory_space<hbm>>) target(%dma_start3A_17 : memref<80x128xf32, #tpu.memory_space<vmem>>) target_semaphore(%dma_start3A_13 : memref<!tpu.dma_semaphore, #tpu.memory_space<semaphore_mem>>)
    %rem3A_20 = arith.constant 1 : i32
    %rem3A_21 = arith.constant 4 : i32
    %rem3A_22 = arith.remsi %rem3A_20, %rem3A_21 : i32
    %add3A_23 = arith.constant 80 : i32
    %add3A_24 = arith.addi %mul3A_2, %add3A_23 : i32
    %dma_start3A_25 = arith.constant 0 : i32
    %dma_start3A_26 = arith.constant 0 : i32
    %dma_start3A_27 = tpu.memref_slice %arg8[%rem3A_22, %dma_start3A_25, %dma_start3A_26] : memref<4x80x128xf32, #tpu.memory_space<vmem>> -> memref<1x80x128xf32, #tpu.memory_space<vmem>>
    %dma_start3A_28 = tpu.memref_squeeze %dma_start3A_27 : memref<1x80x128xf32, #tpu.memory_space<vmem>> -> memref<80x128xf32, #tpu.memory_space<vmem>>
    %dma_start3A_29 = arith.constant 0 : i32
    %dma_start3A_30 = tpu.memref_slice %arg2[%add3A_24, %dma_start3A_29] : memref<320000x128xf32, #tpu.memory_space<hbm>> -> memref<80x128xf32, #tpu.memory_space<hbm>>
    %dma_start3A_31 = tpu.memref_slice %arg9[%rem3A_22] : memref<4x!tpu.dma_semaphore, #tpu.memory_space<semaphore_mem>> -> memref<1x!tpu.dma_semaphore, #tpu.memory_space<semaphore_mem>>
    %dma_start3A_32 = tpu.memref_squeeze %dma_start3A_31 : memref<1x!tpu.dma_semaphore, #tpu.memory_space<semaphore_mem>> -> memref<!tpu.dma_semaphore, #tpu.memory_space<semaphore_mem>>
    %dma_start3A_33 = arith.constant 0 : i32
    %dma_start3A_34 = arith.constant 0 : i32
    %dma_start3A_35 = tpu.memref_slice %arg8[%rem3A_22, %dma_start3A_33, %dma_start3A_34] : memref<4x80x128xf32, #tpu.memory_space<vmem>> -> memref<1x80x128xf32, #tpu.memory_space<vmem>>
    %dma_start3A_36 = tpu.memref_squeeze %dma_start3A_35 : memref<1x80x128xf32, #tpu.memory_space<vmem>> -> memref<80x128xf32, #tpu.memory_space<vmem>>
    %dma_start3A_37 = arith.constant 0 : i32
    %dma_start3A_38 = tpu.memref_slice %arg2[%add3A_24, %dma_start3A_37] : memref<320000x128xf32, #tpu.memory_space<hbm>> -> memref<80x128xf32, #tpu.memory_space<hbm>>
    tpu.enqueue_dma source(%dma_start3A_38 : memref<80x128xf32, #tpu.memory_space<hbm>>) target(%dma_start3A_36 : memref<80x128xf32, #tpu.memory_space<vmem>>) target_semaphore(%dma_start3A_32 : memref<!tpu.dma_semaphore, #tpu.memory_space<semaphore_mem>>)
    %scan3A = arith.constant 0 : i32
    %scan3A_39 = arith.constant 0 : i32
    %scan3A_40 = arith.constant 125 : i32
    %scan3A_41 = arith.addi %scan3A_39, %scan3A_40 : i32
    %scan3A_42 = arith.constant 1 : i32
    scf.for %scan3A_211 = %scan3A_39 to %scan3A_41 step %scan3A_42  : i32 {
      %rem3A_212 = arith.constant 4 : i32
      %rem3A_213 = arith.remsi %scan3A_211, %rem3A_212 : i32
      %mul3A_214 = arith.constant 80 : i32
      %mul3A_215 = arith.muli %scan3A_211, %mul3A_214 : i32
      %add3A_216 = arith.addi %mul3A_2, %mul3A_215 : i32
      %dma_wait3A_217 = arith.constant 0 : i32
      %dma_wait3A_218 = arith.constant 0 : i32
      %dma_wait3A_219 = tpu.memref_slice %arg8[%rem3A_213, %dma_wait3A_217, %dma_wait3A_218] : memref<4x80x128xf32, #tpu.memory_space<vmem>> -> memref<1x80x128xf32, #tpu.memory_space<vmem>>
      %dma_wait3A_220 = tpu.memref_squeeze %dma_wait3A_219 : memref<1x80x128xf32, #tpu.memory_space<vmem>> -> memref<80x128xf32, #tpu.memory_space<vmem>>
      %dma_wait3A_221 = arith.constant 0 : i32
      %dma_wait3A_222 = tpu.memref_slice %arg2[%add3A_216, %dma_wait3A_221] : memref<320000x128xf32, #tpu.memory_space<hbm>> -> memref<80x128xf32, #tpu.memory_space<hbm>>
      %dma_wait3A_223 = tpu.memref_slice %arg9[%rem3A_213] : memref<4x!tpu.dma_semaphore, #tpu.memory_space<semaphore_mem>> -> memref<1x!tpu.dma_semaphore, #tpu.memory_space<semaphore_mem>>
      %dma_wait3A_224 = tpu.memref_squeeze %dma_wait3A_223 : memref<1x!tpu.dma_semaphore, #tpu.memory_space<semaphore_mem>> -> memref<!tpu.dma_semaphore, #tpu.memory_space<semaphore_mem>>
      %dma_wait3A_225 = arith.constant 0 : i32
      %dma_wait3A_226 = arith.constant 0 : i32
      %dma_wait3A_227 = tpu.memref_slice %arg8[%rem3A_213, %dma_wait3A_225, %dma_wait3A_226] : memref<4x80x128xf32, #tpu.memory_space<vmem>> -> memref<1x80x128xf32, #tpu.memory_space<vmem>>
      %dma_wait3A_228 = tpu.memref_squeeze %dma_wait3A_227 : memref<1x80x128xf32, #tpu.memory_space<vmem>> -> memref<80x128xf32, #tpu.memory_space<vmem>>
      %dma_wait3A_229 = arith.constant 0 : i32
      %dma_wait3A_230 = tpu.memref_slice %arg2[%add3A_216, %dma_wait3A_229] : memref<320000x128xf32, #tpu.memory_space<hbm>> -> memref<80x128xf32, #tpu.memory_space<hbm>>
      tpu.wait_dma2 semaphore(%dma_wait3A_224 : memref<!tpu.dma_semaphore, #tpu.memory_space<semaphore_mem>>) src(%dma_wait3A_230 : memref<80x128xf32, #tpu.memory_space<hbm>>) dst(%dma_wait3A_228 : memref<80x128xf32, #tpu.memory_space<vmem>>)
      %add3A_231 = arith.constant 2 : i32
      %add3A_232 = arith.addi %scan3A_211, %add3A_231 : i32
      %lt3A = arith.constant 125 : i32
      %lt3A_233 = arith.cmpi slt, %add3A_232, %lt3A : i32
      %convert_element_type3A = arith.extui %lt3A_233 : i1 to i32
      %cond3A = arith.constant 0 : i32
      %cond3A_234 = arith.cmpi ne, %convert_element_type3A, %cond3A : i32
      scf.if %cond3A_234 {
        %ge3A = arith.constant 2 : i32
        %ge3A_280 = arith.cmpi sge, %scan3A_211, %ge3A : i32
        %convert_element_type3A_281 = arith.extui %ge3A_280 : i1 to i32
        %cond3A_282 = arith.constant 0 : i32
        %cond3A_283 = arith.cmpi ne, %convert_element_type3A_281, %cond3A_282 : i32
        scf.if %cond3A_283 {
          %sub3A = arith.constant 2 : i32
          %sub3A_305 = arith.subi %scan3A_211, %sub3A : i32
          %rem3A_306 = arith.constant 4 : i32
          %rem3A_307 = arith.remsi %sub3A_305, %rem3A_306 : i32
          %sub3A_308 = arith.constant 2 : i32
          %sub3A_309 = arith.subi %scan3A_211, %sub3A_308 : i32
          %mul3A_310 = arith.constant 80 : i32
          %mul3A_311 = arith.muli %sub3A_309, %mul3A_310 : i32
          %add3A_312 = arith.addi %mul3A_2, %mul3A_311 : i32
          %add3A_313 = arith.constant 0 : i32
          %add3A_314 = arith.addi %add3A_312, %add3A_313 : i32
          %sub3A_315 = arith.constant 2 : i32
          %sub3A_316 = arith.subi %scan3A_211, %sub3A_315 : i32
          %rem3A_317 = arith.constant 4 : i32
          %rem3A_318 = arith.remsi %sub3A_316, %rem3A_317 : i32
          %dma_wait3A_319 = arith.constant 0 : i32
          %dma_wait3A_320 = arith.constant 0 : i32
          %dma_wait3A_321 = arith.constant 0 : i32
          %dma_wait3A_322 = tpu.memref_slice %arg8[%rem3A_307, %dma_wait3A_320, %dma_wait3A_321] : memref<4x80x128xf32, #tpu.memory_space<vmem>> -> memref<1x32x128xf32, #tpu.memory_space<vmem>>
          %dma_wait3A_323 = tpu.memref_squeeze %dma_wait3A_322 : memref<1x32x128xf32, #tpu.memory_space<vmem>> -> memref<32x128xf32, #tpu.memory_space<vmem>>
          %dma_wait3A_324 = arith.constant 0 : i32
          %dma_wait3A_325 = tpu.memref_slice %arg5[%add3A_314, %dma_wait3A_324] : memref<320000x128xf32, #tpu.memory_space<hbm>> -> memref<32x128xf32, #tpu.memory_space<hbm>>
          %dma_wait3A_326 = tpu.memref_slice %arg10[%rem3A_318, %dma_wait3A_319] : memref<4x2x!tpu.dma_semaphore, #tpu.memory_space<semaphore_mem>> -> memref<1x1x!tpu.dma_semaphore, #tpu.memory_space<semaphore_mem>>
          %dma_wait3A_327 = tpu.memref_squeeze %dma_wait3A_326 : memref<1x1x!tpu.dma_semaphore, #tpu.memory_space<semaphore_mem>> -> memref<!tpu.dma_semaphore, #tpu.memory_space<semaphore_mem>>
          %dma_wait3A_328 = arith.constant 0 : i32
          %dma_wait3A_329 = tpu.memref_slice %arg5[%add3A_314, %dma_wait3A_328] : memref<320000x128xf32, #tpu.memory_space<hbm>> -> memref<32x128xf32, #tpu.memory_space<hbm>>
          %dma_wait3A_330 = arith.constant 0 : i32
          %dma_wait3A_331 = arith.constant 0 : i32
          %dma_wait3A_332 = tpu.memref_slice %arg8[%rem3A_307, %dma_wait3A_330, %dma_wait3A_331] : memref<4x80x128xf32, #tpu.memory_space<vmem>> -> memref<1x32x128xf32, #tpu.memory_space<vmem>>
          %dma_wait3A_333 = tpu.memref_squeeze %dma_wait3A_332 : memref<1x32x128xf32, #tpu.memory_space<vmem>> -> memref<32x128xf32, #tpu.memory_space<vmem>>
          tpu.wait_dma2 semaphore(%dma_wait3A_327 : memref<!tpu.dma_semaphore, #tpu.memory_space<semaphore_mem>>) src(%dma_wait3A_333 : memref<32x128xf32, #tpu.memory_space<vmem>>) dst(%dma_wait3A_329 : memref<32x128xf32, #tpu.memory_space<hbm>>)
          %sub3A_334 = arith.constant 2 : i32
          %sub3A_335 = arith.subi %scan3A_211, %sub3A_334 : i32
          %rem3A_336 = arith.constant 4 : i32
          %rem3A_337 = arith.remsi %sub3A_335, %rem3A_336 : i32
          %sub3A_338 = arith.constant 2 : i32
          %sub3A_339 = arith.subi %scan3A_211, %sub3A_338 : i32
          %mul3A_340 = arith.constant 80 : i32
          %mul3A_341 = arith.muli %sub3A_339, %mul3A_340 : i32
          %add3A_342 = arith.addi %mul3A_2, %mul3A_341 : i32
          %add3A_343 = arith.constant 32 : i32
          %add3A_344 = arith.addi %add3A_342, %add3A_343 : i32
          %sub3A_345 = arith.constant 2 : i32
          %sub3A_346 = arith.subi %scan3A_211, %sub3A_345 : i32
          %rem3A_347 = arith.constant 4 : i32
          %rem3A_348 = arith.remsi %sub3A_346, %rem3A_347 : i32
          %dma_wait3A_349 = arith.constant 1 : i32
          %dma_wait3A_350 = arith.constant 32 : i32
          %dma_wait3A_351 = arith.constant 0 : i32
          %dma_wait3A_352 = tpu.memref_slice %arg8[%rem3A_337, %dma_wait3A_350, %dma_wait3A_351] : memref<4x80x128xf32, #tpu.memory_space<vmem>> -> memref<1x48x128xf32, #tpu.memory_space<vmem>>
          %dma_wait3A_353 = tpu.memref_squeeze %dma_wait3A_352 : memref<1x48x128xf32, #tpu.memory_space<vmem>> -> memref<48x128xf32, #tpu.memory_space<vmem>>
          %dma_wait3A_354 = arith.constant 0 : i32
          %dma_wait3A_355 = tpu.memref_slice %arg5[%add3A_344, %dma_wait3A_354] : memref<320000x128xf32, #tpu.memory_space<hbm>> -> memref<48x128xf32, #tpu.memory_space<hbm>>
          %dma_wait3A_356 = tpu.memref_slice %arg10[%rem3A_348, %dma_wait3A_349] : memref<4x2x!tpu.dma_semaphore, #tpu.memory_space<semaphore_mem>> -> memref<1x1x!tpu.dma_semaphore, #tpu.memory_space<semaphore_mem>>
          %dma_wait3A_357 = tpu.memref_squeeze %dma_wait3A_356 : memref<1x1x!tpu.dma_semaphore, #tpu.memory_space<semaphore_mem>> -> memref<!tpu.dma_semaphore, #tpu.memory_space<semaphore_mem>>
          %dma_wait3A_358 = arith.constant 0 : i32
          %dma_wait3A_359 = tpu.memref_slice %arg5[%add3A_344, %dma_wait3A_358] : memref<320000x128xf32, #tpu.memory_space<hbm>> -> memref<48x128xf32, #tpu.memory_space<hbm>>
          %dma_wait3A_360 = arith.constant 32 : i32
          %dma_wait3A_361 = arith.constant 0 : i32
          %dma_wait3A_362 = tpu.memref_slice %arg8[%rem3A_337, %dma_wait3A_360, %dma_wait3A_361] : memref<4x80x128xf32, #tpu.memory_space<vmem>> -> memref<1x48x128xf32, #tpu.memory_space<vmem>>
          %dma_wait3A_363 = tpu.memref_squeeze %dma_wait3A_362 : memref<1x48x128xf32, #tpu.memory_space<vmem>> -> memref<48x128xf32, #tpu.memory_space<vmem>>
          tpu.wait_dma2 semaphore(%dma_wait3A_357 : memref<!tpu.dma_semaphore, #tpu.memory_space<semaphore_mem>>) src(%dma_wait3A_363 : memref<48x128xf32, #tpu.memory_space<vmem>>) dst(%dma_wait3A_359 : memref<48x128xf32, #tpu.memory_space<hbm>>)
        } else {
        }
        %add3A_284 = arith.constant 2 : i32
        %add3A_285 = arith.addi %scan3A_211, %add3A_284 : i32
        %rem3A_286 = arith.constant 4 : i32
        %rem3A_287 = arith.remsi %add3A_285, %rem3A_286 : i32
        %mul3A_288 = arith.constant 80 : i32
        %mul3A_289 = arith.muli %add3A_285, %mul3A_288 : i32
        %add3A_290 = arith.addi %mul3A_2, %mul3A_289 : i32
        %dma_start3A_291 = arith.constant 0 : i32
        %dma_start3A_292 = arith.constant 0 : i32
        %dma_start3A_293 = tpu.memref_slice %arg8[%rem3A_287, %dma_start3A_291, %dma_start3A_292] : memref<4x80x128xf32, #tpu.memory_space<vmem>> -> memref<1x80x128xf32, #tpu.memory_space<vmem>>
        %dma_start3A_294 = tpu.memref_squeeze %dma_start3A_293 : memref<1x80x128xf32, #tpu.memory_space<vmem>> -> memref<80x128xf32, #tpu.memory_space<vmem>>
        %dma_start3A_295 = arith.constant 0 : i32
        %dma_start3A_296 = tpu.memref_slice %arg2[%add3A_290, %dma_start3A_295] : memref<320000x128xf32, #tpu.memory_space<hbm>> -> memref<80x128xf32, #tpu.memory_space<hbm>>
        %dma_start3A_297 = tpu.memref_slice %arg9[%rem3A_287] : memref<4x!tpu.dma_semaphore, #tpu.memory_space<semaphore_mem>> -> memref<1x!tpu.dma_semaphore, #tpu.memory_space<semaphore_mem>>
        %dma_start3A_298 = tpu.memref_squeeze %dma_start3A_297 : memref<1x!tpu.dma_semaphore, #tpu.memory_space<semaphore_mem>> -> memref<!tpu.dma_semaphore, #tpu.memory_space<semaphore_mem>>
        %dma_start3A_299 = arith.constant 0 : i32
        %dma_start3A_300 = arith.constant 0 : i32
        %dma_start3A_301 = tpu.memref_slice %arg8[%rem3A_287, %dma_start3A_299, %dma_start3A_300] : memref<4x80x128xf32, #tpu.memory_space<vmem>> -> memref<1x80x128xf32, #tpu.memory_space<vmem>>
        %dma_start3A_302 = tpu.memref_squeeze %dma_start3A_301 : memref<1x80x128xf32, #tpu.memory_space<vmem>> -> memref<80x128xf32, #tpu.memory_space<vmem>>
        %dma_start3A_303 = arith.constant 0 : i32
        %dma_start3A_304 = tpu.memref_slice %arg2[%add3A_290, %dma_start3A_303] : memref<320000x128xf32, #tpu.memory_space<hbm>> -> memref<80x128xf32, #tpu.memory_space<hbm>>
        tpu.enqueue_dma source(%dma_start3A_304 : memref<80x128xf32, #tpu.memory_space<hbm>>) target(%dma_start3A_302 : memref<80x128xf32, #tpu.memory_space<vmem>>) target_semaphore(%dma_start3A_298 : memref<!tpu.dma_semaphore, #tpu.memory_space<semaphore_mem>>)
      } else {
      }
      %parallel_loop3A = arith.constant 0 : i32
      %parallel_loop3A_235 = arith.constant 2 : i32
      %parallel_loop3A_236 = arith.constant 1 : i32
      scf.for %parallel_loop3A_280 = %parallel_loop3A to %parallel_loop3A_235 step %parallel_loop3A_236  : i32 {
        %parallel_loop3A_281 = arith.constant 16 : i32
        %parallel_loop3A_282 = arith.muli %parallel_loop3A_280, %parallel_loop3A_281 : i32
        %parallel_loop3A_283 = arith.index_cast %scan3A_211 : i32 to index
        %parallel_loop3A_284 = arith.index_cast %parallel_loop3A_282 : i32 to index
        %parallel_loop3A_285 = tpu.vector_load %arg6[%parallel_loop3A_283, %parallel_loop3A_284] {strides = array<i32>} : memref<125x80xi32, #tpu.memory_space<vmem>>, vector<1x16xi32>,
        %parallel_loop3A_286 = vector.shape_cast %parallel_loop3A_285 : vector<1x16xi32> to vector<16xi32>
        %parallel_loop3A_287 = vector.extract_strided_slice %parallel_loop3A_286 {offsets = [0], sizes = [1], strides = [1]} : vector<16xi32> to vector<1xi32>
        %parallel_loop3A_288 = vector.extract %parallel_loop3A_287[0] : i32 from vector<1xi32>
        %parallel_loop3A_289 = arith.constant 0 : i32
        %parallel_loop3A_290 = arith.addi %parallel_loop3A_282, %parallel_loop3A_289 : i32
        %parallel_loop3A_291 = arith.index_cast %parallel_loop3A_288 : i32 to index
        %parallel_loop3A_292 = arith.constant 0 : index
        %parallel_loop3A_293 = tpu.vector_load %arg7[%parallel_loop3A_291, %parallel_loop3A_292] {strides = array<i32>} : memref<240x128xf32, #tpu.memory_space<vmem>>, vector<1x16xf32>,
        %parallel_loop3A_294 = vector.shape_cast %parallel_loop3A_293 : vector<1x16xf32> to vector<16xf32>
        %parallel_loop3A_295 = arith.index_cast %rem3A_213 : i32 to index
        %parallel_loop3A_296 = arith.index_cast %parallel_loop3A_290 : i32 to index
        %parallel_loop3A_297 = arith.constant 0 : index
        %parallel_loop3A_298 = tpu.vector_load %arg8[%parallel_loop3A_295, %parallel_loop3A_296, %parallel_loop3A_297] {strides = array<i32>} : memref<4x80x128xf32, #tpu.memory_space<vmem>>, vector<1x1x16xf32>,
        %parallel_loop3A_299 = vector.shape_cast %parallel_loop3A_298 : vector<1x1x16xf32> to vector<16xf32>
        %parallel_loop3A_300 = vector.shape_cast %parallel_loop3A_294 : vector<16xf32> to vector<1x1x16xf32>
        tpu.vector_store %arg8[%parallel_loop3A_295, %parallel_loop3A_296, %parallel_loop3A_297], %parallel_loop3A_300 {add = true, strides = array<i32>} : memref<4x80x128xf32, #tpu.memory_space<vmem>>, vector<1x1x16xf32>,
        %parallel_loop3A_301 = arith.constant 0 : i32
        %parallel_loop3A_302 = arith.addi %parallel_loop3A_282, %parallel_loop3A_301 : i32
        %parallel_loop3A_303 = arith.index_cast %parallel_loop3A_288 : i32 to index
        %parallel_loop3A_304 = arith.constant 16 : index
        %parallel_loop3A_305 = tpu.vector_load %arg7[%parallel_loop3A_303, %parallel_loop3A_304] {strides = array<i32>} : memref<240x128xf32, #tpu.memory_space<vmem>>, vector<1x16xf32>,
        %parallel_loop3A_306 = vector.shape_cast %parallel_loop3A_305 : vector<1x16xf32> to vector<16xf32>
        %parallel_loop3A_307 = arith.index_cast %rem3A_213 : i32 to index
        %parallel_loop3A_308 = arith.index_cast %parallel_loop3A_302 : i32 to index
        %parallel_loop3A_309 = arith.constant 16 : index
        %parallel_loop3A_310 = tpu.vector_load %arg8[%parallel_loop3A_307, %parallel_loop3A_308, %parallel_loop3A_309] {strides = array<i32>} : memref<4x80x128xf32, #tpu.memory_space<vmem>>, vector<1x1x16xf32>,
        %parallel_loop3A_311 = vector.shape_cast %parallel_loop3A_310 : vector<1x1x16xf32> to vector<16xf32>
        %parallel_loop3A_312 = vector.shape_cast %parallel_loop3A_306 : vector<16xf32> to vector<1x1x16xf32>
        tpu.vector_store %arg8[%parallel_loop3A_307, %parallel_loop3A_308, %parallel_loop3A_309], %parallel_loop3A_312 {add = true, strides = array<i32>} : memref<4x80x128xf32, #tpu.memory_space<vmem>>, vector<1x1x16xf32>,
        %parallel_loop3A_313 = arith.constant 0 : i32
        %parallel_loop3A_314 = arith.addi %parallel_loop3A_282, %parallel_loop3A_313 : i32
        %parallel_loop3A_315 = arith.index_cast %parallel_loop3A_288 : i32 to index
        %parallel_loop3A_316 = arith.constant 32 : index
        %parallel_loop3A_317 = tpu.vector_load %arg7[%parallel_loop3A_315, %parallel_loop3A_316] {strides = array<i32>} : memref<240x128xf32, #tpu.memory_space<vmem>>, vector<1x16xf32>,
        %parallel_loop3A_318 = vector.shape_cast %parallel_loop3A_317 : vector<1x16xf32> to vector<16xf32>
        %parallel_loop3A_319 = arith.index_cast %rem3A_213 : i32 to index
        %parallel_loop3A_320 = arith.index_cast %parallel_loop3A_314 : i32 to index
        %parallel_loop3A_321 = arith.constant 32 : index
        %parallel_loop3A_322 = tpu.vector_load %arg8[%parallel_loop3A_319, %parallel_loop3A_320, %parallel_loop3A_321] {strides = array<i32>} : memref<4x80x128xf32, #tpu.memory_space<vmem>>, vector<1x1x16xf32>,
        %parallel_loop3A_323 = vector.shape_cast %parallel_loop3A_322 : vector<1x1x16xf32> to vector<16xf32>
        %parallel_loop3A_324 = vector.shape_cast %parallel_loop3A_318 : vector<16xf32> to vector<1x1x16xf32>
        tpu.vector_store %arg8[%parallel_loop3A_319, %parallel_loop3A_320, %parallel_loop3A_321], %parallel_loop3A_324 {add = true, strides = array<i32>} : memref<4x80x128xf32, #tpu.memory_space<vmem>>, vector<1x1x16xf32>,
        %parallel_loop3A_325 = arith.constant 0 : i32
        %parallel_loop3A_326 = arith.addi %parallel_loop3A_282, %parallel_loop3A_325 : i32
        %parallel_loop3A_327 = arith.index_cast %parallel_loop3A_288 : i32 to index
        %parallel_loop3A_328 = arith.constant 48 : index
        %parallel_loop3A_329 = tpu.vector_load %arg7[%parallel_loop3A_327, %parallel_loop3A_328] {strides = array<i32>} : memref<240x128xf32, #tpu.memory_space<vmem>>, vector<1x16xf32>,
        %parallel_loop3A_330 = vector.shape_cast %parallel_loop3A_329 : vector<1x16xf32> to vector<16xf32>
        %parallel_loop3A_331 = arith.index_cast %rem3A_213 : i32 to index
        %parallel_loop3A_332 = arith.index_cast %parallel_loop3A_326 : i32 to index
        %parallel_loop3A_333 = arith.constant 48 : index
        %parallel_loop3A_334 = tpu.vector_load %arg8[%parallel_loop3A_331, %parallel_loop3A_332, %parallel_loop3A_333] {strides = array<i32>} : memref<4x80x128xf32, #tpu.memory_space<vmem>>, vector<1x1x16xf32>,
        %parallel_loop3A_335 = vector.shape_cast %parallel_loop3A_334 : vector<1x1x16xf32> to vector<16xf32>
        %parallel_loop3A_336 = vector.shape_cast %parallel_loop3A_330 : vector<16xf32> to vector<1x1x16xf32>
        tpu.vector_store %arg8[%parallel_loop3A_331, %parallel_loop3A_332, %parallel_loop3A_333], %parallel_loop3A_336 {add = true, strides = array<i32>} : memref<4x80x128xf32, #tpu.memory_space<vmem>>, vector<1x1x16xf32>,
        %parallel_loop3A_337 = arith.constant 0 : i32
        %parallel_loop3A_338 = arith.addi %parallel_loop3A_282, %parallel_loop3A_337 : i32
        %parallel_loop3A_339 = arith.index_cast %parallel_loop3A_288 : i32 to index
        %parallel_loop3A_340 = arith.constant 64 : index
        %parallel_loop3A_341 = tpu.vector_load %arg7[%parallel_loop3A_339, %parallel_loop3A_340] {strides = array<i32>} : memref<240x128xf32, #tpu.memory_space<vmem>>, vector<1x16xf32>,
        %parallel_loop3A_342 = vector.shape_cast %parallel_loop3A_341 : vector<1x16xf32> to vector<16xf32>
        %parallel_loop3A_343 = arith.index_cast %rem3A_213 : i32 to index
        %parallel_loop3A_344 = arith.index_cast %parallel_loop3A_338 : i32 to index
        %parallel_loop3A_345 = arith.constant 64 : index
        %parallel_loop3A_346 = tpu.vector_load %arg8[%parallel_loop3A_343, %parallel_loop3A_344, %parallel_loop3A_345] {strides = array<i32>} : memref<4x80x128xf32, #tpu.memory_space<vmem>>, vector<1x1x16xf32>,
        %parallel_loop3A_347 = vector.shape_cast %parallel_loop3A_346 : vector<1x1x16xf32> to vector<16xf32>
        %parallel_loop3A_348 = vector.shape_cast %parallel_loop3A_342 : vector<16xf32> to vector<1x1x16xf32>
        tpu.vector_store %arg8[%parallel_loop3A_343, %parallel_loop3A_344, %parallel_loop3A_345], %parallel_loop3A_348 {add = true, strides = array<i32>} : memref<4x80x128xf32, #tpu.memory_space<vmem>>, vector<1x1x16xf32>,
        %parallel_loop3A_349 = arith.constant 0 : i32
        %parallel_loop3A_350 = arith.addi %parallel_loop3A_282, %parallel_loop3A_349 : i32
        %parallel_loop3A_351 = arith.index_cast %parallel_loop3A_288 : i32 to index
        %parallel_loop3A_352 = arith.constant 80 : index
        %parallel_loop3A_353 = tpu.vector_load %arg7[%parallel_loop3A_351, %parallel_loop3A_352] {strides = array<i32>} : memref<240x128xf32, #tpu.memory_space<vmem>>, vector<1x16xf32>,
        %parallel_loop3A_354 = vector.shape_cast %parallel_loop3A_353 : vector<1x16xf32> to vector<16xf32>
        %parallel_loop3A_355 = arith.index_cast %rem3A_213 : i32 to index
        %parallel_loop3A_356 = arith.index_cast %parallel_loop3A_350 : i32 to index
        %parallel_loop3A_357 = arith.constant 80 : index
        %parallel_loop3A_358 = tpu.vector_load %arg8[%parallel_loop3A_355, %parallel_loop3A_356, %parallel_loop3A_357] {strides = array<i32>} : memref<4x80x128xf32, #tpu.memory_space<vmem>>, vector<1x1x16xf32>,
        %parallel_loop3A_359 = vector.shape_cast %parallel_loop3A_358 : vector<1x1x16xf32> to vector<16xf32>
        %parallel_loop3A_360 = vector.shape_cast %parallel_loop3A_354 : vector<16xf32> to vector<1x1x16xf32>
        tpu.vector_store %arg8[%parallel_loop3A_355, %parallel_loop3A_356, %parallel_loop3A_357], %parallel_loop3A_360 {add = true, strides = array<i32>} : memref<4x80x128xf32, #tpu.memory_space<vmem>>, vector<1x1x16xf32>,
        %parallel_loop3A_361 = arith.constant 0 : i32
        %parallel_loop3A_362 = arith.addi %parallel_loop3A_282, %parallel_loop3A_361 : i32
        %parallel_loop3A_363 = arith.index_cast %parallel_loop3A_288 : i32 to index
        %parallel_loop3A_364 = arith.constant 96 : index
        %parallel_loop3A_365 = tpu.vector_load %arg7[%parallel_loop3A_363, %parallel_loop3A_364] {strides = array<i32>} : memref<240x128xf32, #tpu.memory_space<vmem>>, vector<1x16xf32>,
        %parallel_loop3A_366 = vector.shape_cast %parallel_loop3A_365 : vector<1x16xf32> to vector<16xf32>
        %parallel_loop3A_367 = arith.index_cast %rem3A_213 : i32 to index
        %parallel_loop3A_368 = arith.index_cast %parallel_loop3A_362 : i32 to index
        %parallel_loop3A_369 = arith.constant 96 : index
        %parallel_loop3A_370 = tpu.vector_load %arg8[%parallel_loop3A_367, %parallel_loop3A_368, %parallel_loop3A_369] {strides = array<i32>} : memref<4x80x128xf32, #tpu.memory_space<vmem>>, vector<1x1x16xf32>,
        %parallel_loop3A_371 = vector.shape_cast %parallel_loop3A_370 : vector<1x1x16xf32> to vector<16xf32>
        %parallel_loop3A_372 = vector.shape_cast %parallel_loop3A_366 : vector<16xf32> to vector<1x1x16xf32>
        tpu.vector_store %arg8[%parallel_loop3A_367, %parallel_loop3A_368, %parallel_loop3A_369], %parallel_loop3A_372 {add = true, strides = array<i32>} : memref<4x80x128xf32, #tpu.memory_space<vmem>>, vector<1x1x16xf32>,
        %parallel_loop3A_373 = arith.constant 0 : i32
        %parallel_loop3A_374 = arith.addi %parallel_loop3A_282, %parallel_loop3A_373 : i32
        %parallel_loop3A_375 = arith.index_cast %parallel_loop3A_288 : i32 to index
        %parallel_loop3A_376 = arith.constant 112 : index
        %parallel_loop3A_377 = tpu.vector_load %arg7[%parallel_loop3A_375, %parallel_loop3A_376] {strides = array<i32>} : memref<240x128xf32, #tpu.memory_space<vmem>>, vector<1x16xf32>,
        %parallel_loop3A_378 = vector.shape_cast %parallel_loop3A_377 : vector<1x16xf32> to vector<16xf32>
        %parallel_loop3A_379 = arith.index_cast %rem3A_213 : i32 to index
        %parallel_loop3A_380 = arith.index_cast %parallel_loop3A_374 : i32 to index
        %parallel_loop3A_381 = arith.constant 112 : index
        %parallel_loop3A_382 = tpu.vector_load %arg8[%parallel_loop3A_379, %parallel_loop3A_380, %parallel_loop3A_381] {strides = array<i32>} : memref<4x80x128xf32, #tpu.memory_space<vmem>>, vector<1x1x16xf32>,
        %parallel_loop3A_383 = vector.shape_cast %parallel_loop3A_382 : vector<1x1x16xf32> to vector<16xf32>
        %parallel_loop3A_384 = vector.shape_cast %parallel_loop3A_378 : vector<16xf32> to vector<1x1x16xf32>
        tpu.vector_store %arg8[%parallel_loop3A_379, %parallel_loop3A_380, %parallel_loop3A_381], %parallel_loop3A_384 {add = true, strides = array<i32>} : memref<4x80x128xf32, #tpu.memory_space<vmem>>, vector<1x1x16xf32>,
        %parallel_loop3A_385 = vector.extract_strided_slice %parallel_loop3A_286 {offsets = [1], sizes = [1], strides = [1]} : vector<16xi32> to vector<1xi32>
        %parallel_loop3A_386 = vector.extract %parallel_loop3A_385[0] : i32 from vector<1xi32>
        %parallel_loop3A_387 = arith.constant 1 : i32
        %parallel_loop3A_388 = arith.addi %parallel_loop3A_282, %parallel_loop3A_387 : i32
        %parallel_loop3A_389 = arith.index_cast %parallel_loop3A_386 : i32 to index
        %parallel_loop3A_390 = arith.constant 0 : index
        %parallel_loop3A_391 = tpu.vector_load %arg7[%parallel_loop3A_389, %parallel_loop3A_390] {strides = array<i32>} : memref<240x128xf32, #tpu.memory_space<vmem>>, vector<1x16xf32>,
        %parallel_loop3A_392 = vector.shape_cast %parallel_loop3A_391 : vector<1x16xf32> to vector<16xf32>
        %parallel_loop3A_393 = arith.index_cast %rem3A_213 : i32 to index
        %parallel_loop3A_394 = arith.index_cast %parallel_loop3A_388 : i32 to index
        %parallel_loop3A_395 = arith.constant 0 : index
        %parallel_loop3A_396 = tpu.vector_load %arg8[%parallel_loop3A_393, %parallel_loop3A_394, %parallel_loop3A_395] {strides = array<i32>} : memref<4x80x128xf32, #tpu.memory_space<vmem>>, vector<1x1x16xf32>,
        %parallel_loop3A_397 = vector.shape_cast %parallel_loop3A_396 : vector<1x1x16xf32> to vector<16xf32>
        %parallel_loop3A_398 = vector.shape_cast %parallel_loop3A_392 : vector<16xf32> to vector<1x1x16xf32>
        tpu.vector_store %arg8[%parallel_loop3A_393, %parallel_loop3A_394, %parallel_loop3A_395], %parallel_loop3A_398 {add = true, strides = array<i32>} : memref<4x80x128xf32, #tpu.memory_space<vmem>>, vector<1x1x16xf32>,
        %parallel_loop3A_399 = arith.constant 1 : i32
        %parallel_loop3A_400 = arith.addi %parallel_loop3A_282, %parallel_loop3A_399 : i32
        %parallel_loop3A_401 = arith.index_cast %parallel_loop3A_386 : i32 to index
        %parallel_loop3A_402 = arith.constant 16 : index
        %parallel_loop3A_403 = tpu.vector_load %arg7[%parallel_loop3A_401, %parallel_loop3A_402] {strides = array<i32>} : memref<240x128xf32, #tpu.memory_space<vmem>>, vector<1x16xf32>,
        %parallel_loop3A_404 = vector.shape_cast %parallel_loop3A_403 : vector<1x16xf32> to vector<16xf32>
        %parallel_loop3A_405 = arith.index_cast %rem3A_213 : i32 to index
        %parallel_loop3A_406 = arith.index_cast %parallel_loop3A_400 : i32 to index
        %parallel_loop3A_407 = arith.constant 16 : index
        %parallel_loop3A_408 = tpu.vector_load %arg8[%parallel_loop3A_405, %parallel_loop3A_406, %parallel_loop3A_407] {strides = array<i32>} : memref<4x80x128xf32, #tpu.memory_space<vmem>>, vector<1x1x16xf32>,
        %parallel_loop3A_409 = vector.shape_cast %parallel_loop3A_408 : vector<1x1x16xf32> to vector<16xf32>
        %parallel_loop3A_410 = vector.shape_cast %parallel_loop3A_404 : vector<16xf32> to vector<1x1x16xf32>
        tpu.vector_store %arg8[%parallel_loop3A_405, %parallel_loop3A_406, %parallel_loop3A_407], %parallel_loop3A_410 {add = true, strides = array<i32>} : memref<4x80x128xf32, #tpu.memory_space<vmem>>, vector<1x1x16xf32>,
        %parallel_loop3A_411 = arith.constant 1 : i32
        %parallel_loop3A_412 = arith.addi %parallel_loop3A_282, %parallel_loop3A_411 : i32
        %parallel_loop3A_413 = arith.index_cast %parallel_loop3A_386 : i32 to index
        %parallel_loop3A_414 = arith.constant 32 : index
        %parallel_loop3A_415 = tpu.vector_load %arg7[%parallel_loop3A_413, %parallel_loop3A_414] {strides = array<i32>} : memref<240x128xf32, #tpu.memory_space<vmem>>, vector<1x16xf32>,
        %parallel_loop3A_416 = vector.shape_cast %parallel_loop3A_415 : vector<1x16xf32> to vector<16xf32>
        %parallel_loop3A_417 = arith.index_cast %rem3A_213 : i32 to index
        %parallel_loop3A_418 = arith.index_cast %parallel_loop3A_412 : i32 to index
        %parallel_loop3A_419 = arith.constant 32 : index
        %parallel_loop3A_420 = tpu.vector_load %arg8[%parallel_loop3A_417, %parallel_loop3A_418, %parallel_loop3A_419] {strides = array<i32>} : memref<4x80x128xf32, #tpu.memory_space<vmem>>, vector<1x1x16xf32>,
        %parallel_loop3A_421 = vector.shape_cast %parallel_loop3A_420 : vector<1x1x16xf32> to vector<16xf32>
        %parallel_loop3A_422 = vector.shape_cast %parallel_loop3A_416 : vector<16xf32> to vector<1x1x16xf32>
        tpu.vector_store %arg8[%parallel_loop3A_417, %parallel_loop3A_418, %parallel_loop3A_419], %parallel_loop3A_422 {add = true, strides = array<i32>} : memref<4x80x128xf32, #tpu.memory_space<vmem>>, vector<1x1x16xf32>,
        %parallel_loop3A_423 = arith.constant 1 : i32
        %parallel_loop3A_424 = arith.addi %parallel_loop3A_282, %parallel_loop3A_423 : i32
        %parallel_loop3A_425 = arith.index_cast %parallel_loop3A_386 : i32 to index
        %parallel_loop3A_426 = arith.constant 48 : index
        %parallel_loop3A_427 = tpu.vector_load %arg7[%parallel_loop3A_425, %parallel_loop3A_426] {strides = array<i32>} : memref<240x128xf32, #tpu.memory_space<vmem>>, vector<1x16xf32>,
        %parallel_loop3A_428 = vector.shape_cast %parallel_loop3A_427 : vector<1x16xf32> to vector<16xf32>
        %parallel_loop3A_429 = arith.index_cast %rem3A_213 : i32 to index
        %parallel_loop3A_430 = arith.index_cast %parallel_loop3A_424 : i32 to index
        %parallel_loop3A_431 = arith.constant 48 : index
        %parallel_loop3A_432 = tpu.vector_load %arg8[%parallel_loop3A_429, %parallel_loop3A_430, %parallel_loop3A_431] {strides = array<i32>} : memref<4x80x128xf32, #tpu.memory_space<vmem>>, vector<1x1x16xf32>,
        %parallel_loop3A_433 = vector.shape_cast %parallel_loop3A_432 : vector<1x1x16xf32> to vector<16xf32>
        %parallel_loop3A_434 = vector.shape_cast %parallel_loop3A_428 : vector<16xf32> to vector<1x1x16xf32>
        tpu.vector_store %arg8[%parallel_loop3A_429, %parallel_loop3A_430, %parallel_loop3A_431], %parallel_loop3A_434 {add = true, strides = array<i32>} : memref<4x80x128xf32, #tpu.memory_space<vmem>>, vector<1x1x16xf32>,
        %parallel_loop3A_435 = arith.constant 1 : i32
        %parallel_loop3A_436 = arith.addi %parallel_loop3A_282, %parallel_loop3A_435 : i32
        %parallel_loop3A_437 = arith.index_cast %parallel_loop3A_386 : i32 to index
        %parallel_loop3A_438 = arith.constant 64 : index
        %parallel_loop3A_439 = tpu.vector_load %arg7[%parallel_loop3A_437, %parallel_loop3A_438] {strides = array<i32>} : memref<240x128xf32, #tpu.memory_space<vmem>>, vector<1x16xf32>,
        %parallel_loop3A_440 = vector.shape_cast %parallel_loop3A_439 : vector<1x16xf32> to vector<16xf32>
        %parallel_loop3A_441 = arith.index_cast %rem3A_213 : i32 to index
        %parallel_loop3A_442 = arith.index_cast %parallel_loop3A_436 : i32 to index
        %parallel_loop3A_443 = arith.constant 64 : index
        %parallel_loop3A_444 = tpu.vector_load %arg8[%parallel_loop3A_441, %parallel_loop3A_442, %parallel_loop3A_443] {strides = array<i32>} : memref<4x80x128xf32, #tpu.memory_space<vmem>>, vector<1x1x16xf32>,
        %parallel_loop3A_445 = vector.shape_cast %parallel_loop3A_444 : vector<1x1x16xf32> to vector<16xf32>
        %parallel_loop3A_446 = vector.shape_cast %parallel_loop3A_440 : vector<16xf32> to vector<1x1x16xf32>
        tpu.vector_store %arg8[%parallel_loop3A_441, %parallel_loop3A_442, %parallel_loop3A_443], %parallel_loop3A_446 {add = true, strides = array<i32>} : memref<4x80x128xf32, #tpu.memory_space<vmem>>, vector<1x1x16xf32>,
        %parallel_loop3A_447 = arith.constant 1 : i32
        %parallel_loop3A_448 = arith.addi %parallel_loop3A_282, %parallel_loop3A_447 : i32
        %parallel_loop3A_449 = arith.index_cast %parallel_loop3A_386 : i32 to index
        %parallel_loop3A_450 = arith.constant 80 : index
        %parallel_loop3A_451 = tpu.vector_load %arg7[%parallel_loop3A_449, %parallel_loop3A_450] {strides = array<i32>} : memref<240x128xf32, #tpu.memory_space<vmem>>, vector<1x16xf32>,
        %parallel_loop3A_452 = vector.shape_cast %parallel_loop3A_451 : vector<1x16xf32> to vector<16xf32>
        %parallel_loop3A_453 = arith.index_cast %rem3A_213 : i32 to index
        %parallel_loop3A_454 = arith.index_cast %parallel_loop3A_448 : i32 to index
        %parallel_loop3A_455 = arith.constant 80 : index
        %parallel_loop3A_456 = tpu.vector_load %arg8[%parallel_loop3A_453, %parallel_loop3A_454, %parallel_loop3A_455] {strides = array<i32>} : memref<4x80x128xf32, #tpu.memory_space<vmem>>, vector<1x1x16xf32>,
        %parallel_loop3A_457 = vector.shape_cast %parallel_loop3A_456 : vector<1x1x16xf32> to vector<16xf32>
        %parallel_loop3A_458 = vector.shape_cast %parallel_loop3A_452 : vector<16xf32> to vector<1x1x16xf32>
        tpu.vector_store %arg8[%parallel_loop3A_453, %parallel_loop3A_454, %parallel_loop3A_455], %parallel_loop3A_458 {add = true, strides = array<i32>} : memref<4x80x128xf32, #tpu.memory_space<vmem>>, vector<1x1x16xf32>,
        %parallel_loop3A_459 = arith.constant 1 : i32
        %parallel_loop3A_460 = arith.addi %parallel_loop3A_282, %parallel_loop3A_459 : i32
        %parallel_loop3A_461 = arith.index_cast %parallel_loop3A_386 : i32 to index
        %parallel_loop3A_462 = arith.constant 96 : index
        %parallel_loop3A_463 = tpu.vector_load %arg7[%parallel_loop3A_461, %parallel_loop3A_462] {strides = array<i32>} : memref<240x128xf32, #tpu.memory_space<vmem>>, vector<1x16xf32>,
        %parallel_loop3A_464 = vector.shape_cast %parallel_loop3A_463 : vector<1x16xf32> to vector<16xf32>
        %parallel_loop3A_465 = arith.index_cast %rem3A_213 : i32 to index
        %parallel_loop3A_466 = arith.index_cast %parallel_loop3A_460 : i32 to index
        %parallel_loop3A_467 = arith.constant 96 : index
        %parallel_loop3A_468 = tpu.vector_load %arg8[%parallel_loop3A_465, %parallel_loop3A_466, %parallel_loop3A_467] {strides = array<i32>} : memref<4x80x128xf32, #tpu.memory_space<vmem>>, vector<1x1x16xf32>,
        %parallel_loop3A_469 = vector.shape_cast %parallel_loop3A_468 : vector<1x1x16xf32> to vector<16xf32>
        %parallel_loop3A_470 = vector.shape_cast %parallel_loop3A_464 : vector<16xf32> to vector<1x1x16xf32>
        tpu.vector_store %arg8[%parallel_loop3A_465, %parallel_loop3A_466, %parallel_loop3A_467], %parallel_loop3A_470 {add = true, strides = array<i32>} : memref<4x80x128xf32, #tpu.memory_space<vmem>>, vector<1x1x16xf32>,
        %parallel_loop3A_471 = arith.constant 1 : i32
        %parallel_loop3A_472 = arith.addi %parallel_loop3A_282, %parallel_loop3A_471 : i32
        %parallel_loop3A_473 = arith.index_cast %parallel_loop3A_386 : i32 to index
        %parallel_loop3A_474 = arith.constant 112 : index
        %parallel_loop3A_475 = tpu.vector_load %arg7[%parallel_loop3A_473, %parallel_loop3A_474] {strides = array<i32>} : memref<240x128xf32, #tpu.memory_space<vmem>>, vector<1x16xf32>,
        %parallel_loop3A_476 = vector.shape_cast %parallel_loop3A_475 : vector<1x16xf32> to vector<16xf32>
        %parallel_loop3A_477 = arith.index_cast %rem3A_213 : i32 to index
        %parallel_loop3A_478 = arith.index_cast %parallel_loop3A_472 : i32 to index
        %parallel_loop3A_479 = arith.constant 112 : index
        %parallel_loop3A_480 = tpu.vector_load %arg8[%parallel_loop3A_477, %parallel_loop3A_478, %parallel_loop3A_479] {strides = array<i32>} : memref<4x80x128xf32, #tpu.memory_space<vmem>>, vector<1x1x16xf32>,
        %parallel_loop3A_481 = vector.shape_cast %parallel_loop3A_480 : vector<1x1x16xf32> to vector<16xf32>
        %parallel_loop3A_482 = vector.shape_cast %parallel_loop3A_476 : vector<16xf32> to vector<1x1x16xf32>
        tpu.vector_store %arg8[%parallel_loop3A_477, %parallel_loop3A_478, %parallel_loop3A_479], %parallel_loop3A_482 {add = true, strides = array<i32>} : memref<4x80x128xf32, #tpu.memory_space<vmem>>, vector<1x1x16xf32>,
        %parallel_loop3A_483 = vector.extract_strided_slice %parallel_loop3A_286 {offsets = [2], sizes = [1], strides = [1]} : vector<16xi32> to vector<1xi32>
        %parallel_loop3A_484 = vector.extract %parallel_loop3A_483[0] : i32 from vector<1xi32>
        %parallel_loop3A_485 = arith.constant 2 : i32
        %parallel_loop3A_486 = arith.addi %parallel_loop3A_282, %parallel_loop3A_485 : i32
        %parallel_loop3A_487 = arith.index_cast %parallel_loop3A_484 : i32 to index
        %parallel_loop3A_488 = arith.constant 0 : index
        %parallel_loop3A_489 = tpu.vector_load %arg7[%parallel_loop3A_487, %parallel_loop3A_488] {strides = array<i32>} : memref<240x128xf32, #tpu.memory_space<vmem>>, vector<1x16xf32>,
        %parallel_loop3A_490 = vector.shape_cast %parallel_loop3A_489 : vector<1x16xf32> to vector<16xf32>
        %parallel_loop3A_491 = arith.index_cast %rem3A_213 : i32 to index
        %parallel_loop3A_492 = arith.index_cast %parallel_loop3A_486 : i32 to index
        %parallel_loop3A_493 = arith.constant 0 : index
        %parallel_loop3A_494 = tpu.vector_load %arg8[%parallel_loop3A_491, %parallel_loop3A_492, %parallel_loop3A_493] {strides = array<i32>} : memref<4x80x128xf32, #tpu.memory_space<vmem>>, vector<1x1x16xf32>,
        %parallel_loop3A_495 = vector.shape_cast %parallel_loop3A_494 : vector<1x1x16xf32> to vector<16xf32>
        %parallel_loop3A_496 = vector.shape_cast %parallel_loop3A_490 : vector<16xf32> to vector<1x1x16xf32>
        tpu.vector_store %arg8[%parallel_loop3A_491, %parallel_loop3A_492, %parallel_loop3A_493], %parallel_loop3A_496 {add = true, strides = array<i32>} : memref<4x80x128xf32, #tpu.memory_space<vmem>>, vector<1x1x16xf32>,
        %parallel_loop3A_497 = arith.constant 2 : i32
        %parallel_loop3A_498 = arith.addi %parallel_loop3A_282, %parallel_loop3A_497 : i32
        %parallel_loop3A_499 = arith.index_cast %parallel_loop3A_484 : i32 to index
        %parallel_loop3A_500 = arith.constant 16 : index
        %parallel_loop3A_501 = tpu.vector_load %arg7[%parallel_loop3A_499, %parallel_loop3A_500] {strides = array<i32>} : memref<240x128xf32, #tpu.memory_space<vmem>>, vector<1x16xf32>,
        %parallel_loop3A_502 = vector.shape_cast %parallel_loop3A_501 : vector<1x16xf32> to vector<16xf32>
        %parallel_loop3A_503 = arith.index_cast %rem3A_213 : i32 to index
        %parallel_loop3A_504 = arith.index_cast %parallel_loop3A_498 : i32 to index
        %parallel_loop3A_505 = arith.constant 16 : index
        %parallel_loop3A_506 = tpu.vector_load %arg8[%parallel_loop3A_503, %parallel_loop3A_504, %parallel_loop3A_505] {strides = array<i32>} : memref<4x80x128xf32, #tpu.memory_space<vmem>>, vector<1x1x16xf32>,
        %parallel_loop3A_507 = vector.shape_cast %parallel_loop3A_506 : vector<1x1x16xf32> to vector<16xf32>
        %parallel_loop3A_508 = vector.shape_cast %parallel_loop3A_502 : vector<16xf32> to vector<1x1x16xf32>
        tpu.vector_store %arg8[%parallel_loop3A_503, %parallel_loop3A_504, %parallel_loop3A_505], %parallel_loop3A_508 {add = true, strides = array<i32>} : memref<4x80x128xf32, #tpu.memory_space<vmem>>, vector<1x1x16xf32>,
        %parallel_loop3A_509 = arith.constant 2 : i32
        %parallel_loop3A_510 = arith.addi %parallel_loop3A_282, %parallel_loop3A_509 : i32
        %parallel_loop3A_511 = arith.index_cast %parallel_loop3A_484 : i32 to index
        %parallel_loop3A_512 = arith.constant 32 : index
        %parallel_loop3A_513 = tpu.vector_load %arg7[%parallel_loop3A_511, %parallel_loop3A_512] {strides = array<i32>} : memref<240x128xf32, #tpu.memory_space<vmem>>, vector<1x16xf32>,
        %parallel_loop3A_514 = vector.shape_cast %parallel_loop3A_513 : vector<1x16xf32> to vector<16xf32>
        %parallel_loop3A_515 = arith.index_cast %rem3A_213 : i32 to index
        %parallel_loop3A_516 = arith.index_cast %parallel_loop3A_510 : i32 to index
        %parallel_loop3A_517 = arith.constant 32 : index
        %parallel_loop3A_518 = tpu.vector_load %arg8[%parallel_loop3A_515, %parallel_loop3A_516, %parallel_loop3A_517] {strides = array<i32>} : memref<4x80x128xf32, #tpu.memory_space<vmem>>, vector<1x1x16xf32>,
        %parallel_loop3A_519 = vector.shape_cast %parallel_loop3A_518 : vector<1x1x16xf32> to vector<16xf32>
        %parallel_loop3A_520 = vector.shape_cast %parallel_loop3A_514 : vector<16xf32> to vector<1x1x16xf32>
        tpu.vector_store %arg8[%parallel_loop3A_515, %parallel_loop3A_516, %parallel_loop3A_517], %parallel_loop3A_520 {add = true, strides = array<i32>} : memref<4x80x128xf32, #tpu.memory_space<vmem>>, vector<1x1x16xf32>,
        %parallel_loop3A_521 = arith.constant 2 : i32
        %parallel_loop3A_522 = arith.addi %parallel_loop3A_282, %parallel_loop3A_521 : i32
        %parallel_loop3A_523 = arith.index_cast %parallel_loop3A_484 : i32 to index
        %parallel_loop3A_524 = arith.constant 48 : index
        %parallel_loop3A_525 = tpu.vector_load %arg7[%parallel_loop3A_523, %parallel_loop3A_524] {strides = array<i32>} : memref<240x128xf32, #tpu.memory_space<vmem>>, vector<1x16xf32>,
        %parallel_loop3A_526 = vector.shape_cast %parallel_loop3A_525 : vector<1x16xf32> to vector<16xf32>
        %parallel_loop3A_527 = arith.index_cast %rem3A_213 : i32 to index
        %parallel_loop3A_528 = arith.index_cast %parallel_loop3A_522 : i32 to index
        %parallel_loop3A_529 = arith.constant 48 : index
        %parallel_loop3A_530 = tpu.vector_load %arg8[%parallel_loop3A_527, %parallel_loop3A_528, %parallel_loop3A_529] {strides = array<i32>} : memref<4x80x128xf32, #tpu.memory_space<vmem>>, vector<1x1x16xf32>,
        %parallel_loop3A_531 = vector.shape_cast %parallel_loop3A_530 : vector<1x1x16xf32> to vector<16xf32>
        %parallel_loop3A_532 = vector.shape_cast %parallel_loop3A_526 : vector<16xf32> to vector<1x1x16xf32>
        tpu.vector_store %arg8[%parallel_loop3A_527, %parallel_loop3A_528, %parallel_loop3A_529], %parallel_loop3A_532 {add = true, strides = array<i32>} : memref<4x80x128xf32, #tpu.memory_space<vmem>>, vector<1x1x16xf32>,
        %parallel_loop3A_533 = arith.constant 2 : i32
        %parallel_loop3A_534 = arith.addi %parallel_loop3A_282, %parallel_loop3A_533 : i32
        %parallel_loop3A_535 = arith.index_cast %parallel_loop3A_484 : i32 to index
        %parallel_loop3A_536 = arith.constant 64 : index
        %parallel_loop3A_537 = tpu.vector_load %arg7[%parallel_loop3A_535, %parallel_loop3A_536] {strides = array<i32>} : memref<240x128xf32, #tpu.memory_space<vmem>>, vector<1x16xf32>,
        %parallel_loop3A_538 = vector.shape_cast %parallel_loop3A_537 : vector<1x16xf32> to vector<16xf32>
        %parallel_loop3A_539 = arith.index_cast %rem3A_213 : i32 to index
        %parallel_loop3A_540 = arith.index_cast %parallel_loop3A_534 : i32 to index
        %parallel_loop3A_541 = arith.constant 64 : index
        %parallel_loop3A_542 = tpu.vector_load %arg8[%parallel_loop3A_539, %parallel_loop3A_540, %parallel_loop3A_541] {strides = array<i32>} : memref<4x80x128xf32, #tpu.memory_space<vmem>>, vector<1x1x16xf32>,
        %parallel_loop3A_543 = vector.shape_cast %parallel_loop3A_542 : vector<1x1x16xf32> to vector<16xf32>
        %parallel_loop3A_544 = vector.shape_cast %parallel_loop3A_538 : vector<16xf32> to vector<1x1x16xf32>
        tpu.vector_store %arg8[%parallel_loop3A_539, %parallel_loop3A_540, %parallel_loop3A_541], %parallel_loop3A_544 {add = true, strides = array<i32>} : memref<4x80x128xf32, #tpu.memory_space<vmem>>, vector<1x1x16xf32>,
        %parallel_loop3A_545 = arith.constant 2 : i32
        %parallel_loop3A_546 = arith.addi %parallel_loop3A_282, %parallel_loop3A_545 : i32
        %parallel_loop3A_547 = arith.index_cast %parallel_loop3A_484 : i32 to index
        %parallel_loop3A_548 = arith.constant 80 : index
        %parallel_loop3A_549 = tpu.vector_load %arg7[%parallel_loop3A_547, %parallel_loop3A_548] {strides = array<i32>} : memref<240x128xf32, #tpu.memory_space<vmem>>, vector<1x16xf32>,
        %parallel_loop3A_550 = vector.shape_cast %parallel_loop3A_549 : vector<1x16xf32> to vector<16xf32>
        %parallel_loop3A_551 = arith.index_cast %rem3A_213 : i32 to index
        %parallel_loop3A_552 = arith.index_cast %parallel_loop3A_546 : i32 to index
        %parallel_loop3A_553 = arith.constant 80 : index
        %parallel_loop3A_554 = tpu.vector_load %arg8[%parallel_loop3A_551, %parallel_loop3A_552, %parallel_loop3A_553] {strides = array<i32>} : memref<4x80x128xf32, #tpu.memory_space<vmem>>, vector<1x1x16xf32>,
        %parallel_loop3A_555 = vector.shape_cast %parallel_loop3A_554 : vector<1x1x16xf32> to vector<16xf32>
        %parallel_loop3A_556 = vector.shape_cast %parallel_loop3A_550 : vector<16xf32> to vector<1x1x16xf32>
        tpu.vector_store %arg8[%parallel_loop3A_551, %parallel_loop3A_552, %parallel_loop3A_553], %parallel_loop3A_556 {add = true, strides = array<i32>} : memref<4x80x128xf32, #tpu.memory_space<vmem>>, vector<1x1x16xf32>,
        %parallel_loop3A_557 = arith.constant 2 : i32
        %parallel_loop3A_558 = arith.addi %parallel_loop3A_282, %parallel_loop3A_557 : i32
        %parallel_loop3A_559 = arith.index_cast %parallel_loop3A_484 : i32 to index
        %parallel_loop3A_560 = arith.constant 96 : index
        %parallel_loop3A_561 = tpu.vector_load %arg7[%parallel_loop3A_559, %parallel_loop3A_560] {strides = array<i32>} : memref<240x128xf32, #tpu.memory_space<vmem>>, vector<1x16xf32>,
        %parallel_loop3A_562 = vector.shape_cast %parallel_loop3A_561 : vector<1x16xf32> to vector<16xf32>
        %parallel_loop3A_563 = arith.index_cast %rem3A_213 : i32 to index
        %parallel_loop3A_564 = arith.index_cast %parallel_loop3A_558 : i32 to index
        %parallel_loop3A_565 = arith.constant 96 : index
        %parallel_loop3A_566 = tpu.vector_load %arg8[%parallel_loop3A_563, %parallel_loop3A_564, %parallel_loop3A_565] {strides = array<i32>} : memref<4x80x128xf32, #tpu.memory_space<vmem>>, vector<1x1x16xf32>,
        %parallel_loop3A_567 = vector.shape_cast %parallel_loop3A_566 : vector<1x1x16xf32> to vector<16xf32>
        %parallel_loop3A_568 = vector.shape_cast %parallel_loop3A_562 : vector<16xf32> to vector<1x1x16xf32>
        tpu.vector_store %arg8[%parallel_loop3A_563, %parallel_loop3A_564, %parallel_loop3A_565], %parallel_loop3A_568 {add = true, strides = array<i32>} : memref<4x80x128xf32, #tpu.memory_space<vmem>>, vector<1x1x16xf32>,
        %parallel_loop3A_569 = arith.constant 2 : i32
        %parallel_loop3A_570 = arith.addi %parallel_loop3A_282, %parallel_loop3A_569 : i32
        %parallel_loop3A_571 = arith.index_cast %parallel_loop3A_484 : i32 to index
        %parallel_loop3A_572 = arith.constant 112 : index
        %parallel_loop3A_573 = tpu.vector_load %arg7[%parallel_loop3A_571, %parallel_loop3A_572] {strides = array<i32>} : memref<240x128xf32, #tpu.memory_space<vmem>>, vector<1x16xf32>,
        %parallel_loop3A_574 = vector.shape_cast %parallel_loop3A_573 : vector<1x16xf32> to vector<16xf32>
        %parallel_loop3A_575 = arith.index_cast %rem3A_213 : i32 to index
        %parallel_loop3A_576 = arith.index_cast %parallel_loop3A_570 : i32 to index
        %parallel_loop3A_577 = arith.constant 112 : index
        %parallel_loop3A_578 = tpu.vector_load %arg8[%parallel_loop3A_575, %parallel_loop3A_576, %parallel_loop3A_577] {strides = array<i32>} : memref<4x80x128xf32, #tpu.memory_space<vmem>>, vector<1x1x16xf32>,
        %parallel_loop3A_579 = vector.shape_cast %parallel_loop3A_578 : vector<1x1x16xf32> to vector<16xf32>
        %parallel_loop3A_580 = vector.shape_cast %parallel_loop3A_574 : vector<16xf32> to vector<1x1x16xf32>
        tpu.vector_store %arg8[%parallel_loop3A_575, %parallel_loop3A_576, %parallel_loop3A_577], %parallel_loop3A_580 {add = true, strides = array<i32>} : memref<4x80x128xf32, #tpu.memory_space<vmem>>, vector<1x1x16xf32>,
        %parallel_loop3A_581 = vector.extract_strided_slice %parallel_loop3A_286 {offsets = [3], sizes = [1], strides = [1]} : vector<16xi32> to vector<1xi32>
        %parallel_loop3A_582 = vector.extract %parallel_loop3A_581[0] : i32 from vector<1xi32>
        %parallel_loop3A_583 = arith.constant 3 : i32
        %parallel_loop3A_584 = arith.addi %parallel_loop3A_282, %parallel_loop3A_583 : i32
        %parallel_loop3A_585 = arith.index_cast %parallel_loop3A_582 : i32 to index
        %parallel_loop3A_586 = arith.constant 0 : index
        %parallel_loop3A_587 = tpu.vector_load %arg7[%parallel_loop3A_585, %parallel_loop3A_586] {strides = array<i32>} : memref<240x128xf32, #tpu.memory_space<vmem>>, vector<1x16xf32>,
        %parallel_loop3A_588 = vector.shape_cast %parallel_loop3A_587 : vector<1x16xf32> to vector<16xf32>
        %parallel_loop3A_589 = arith.index_cast %rem3A_213 : i32 to index
        %parallel_loop3A_590 = arith.index_cast %parallel_loop3A_584 : i32 to index
        %parallel_loop3A_591 = arith.constant 0 : index
        %parallel_loop3A_592 = tpu.vector_load %arg8[%parallel_loop3A_589, %parallel_loop3A_590, %parallel_loop3A_591] {strides = array<i32>} : memref<4x80x128xf32, #tpu.memory_space<vmem>>, vector<1x1x16xf32>,
        %parallel_loop3A_593 = vector.shape_cast %parallel_loop3A_592 : vector<1x1x16xf32> to vector<16xf32>
        %parallel_loop3A_594 = vector.shape_cast %parallel_loop3A_588 : vector<16xf32> to vector<1x1x16xf32>
        tpu.vector_store %arg8[%parallel_loop3A_589, %parallel_loop3A_590, %parallel_loop3A_591], %parallel_loop3A_594 {add = true, strides = array<i32>} : memref<4x80x128xf32, #tpu.memory_space<vmem>>, vector<1x1x16xf32>,
        %parallel_loop3A_595 = arith.constant 3 : i32
        %parallel_loop3A_596 = arith.addi %parallel_loop3A_282, %parallel_loop3A_595 : i32
        %parallel_loop3A_597 = arith.index_cast %parallel_loop3A_582 : i32 to index
        %parallel_loop3A_598 = arith.constant 16 : index
        %parallel_loop3A_599 = tpu.vector_load %arg7[%parallel_loop3A_597, %parallel_loop3A_598] {strides = array<i32>} : memref<240x128xf32, #tpu.memory_space<vmem>>, vector<1x16xf32>,
        %parallel_loop3A_600 = vector.shape_cast %parallel_loop3A_599 : vector<1x16xf32> to vector<16xf32>
        %parallel_loop3A_601 = arith.index_cast %rem3A_213 : i32 to index
        %parallel_loop3A_602 = arith.index_cast %parallel_loop3A_596 : i32 to index
        %parallel_loop3A_603 = arith.constant 16 : index
        %parallel_loop3A_604 = tpu.vector_load %arg8[%parallel_loop3A_601, %parallel_loop3A_602, %parallel_loop3A_603] {strides = array<i32>} : memref<4x80x128xf32, #tpu.memory_space<vmem>>, vector<1x1x16xf32>,
        %parallel_loop3A_605 = vector.shape_cast %parallel_loop3A_604 : vector<1x1x16xf32> to vector<16xf32>
        %parallel_loop3A_606 = vector.shape_cast %parallel_loop3A_600 : vector<16xf32> to vector<1x1x16xf32>
        tpu.vector_store %arg8[%parallel_loop3A_601, %parallel_loop3A_602, %parallel_loop3A_603], %parallel_loop3A_606 {add = true, strides = array<i32>} : memref<4x80x128xf32, #tpu.memory_space<vmem>>, vector<1x1x16xf32>,
        %parallel_loop3A_607 = arith.constant 3 : i32
        %parallel_loop3A_608 = arith.addi %parallel_loop3A_282, %parallel_loop3A_607 : i32
        %parallel_loop3A_609 = arith.index_cast %parallel_loop3A_582 : i32 to index
        %parallel_loop3A_610 = arith.constant 32 : index
        %parallel_loop3A_611 = tpu.vector_load %arg7[%parallel_loop3A_609, %parallel_loop3A_610] {strides = array<i32>} : memref<240x128xf32, #tpu.memory_space<vmem>>, vector<1x16xf32>,
        %parallel_loop3A_612 = vector.shape_cast %parallel_loop3A_611 : vector<1x16xf32> to vector<16xf32>
        %parallel_loop3A_613 = arith.index_cast %rem3A_213 : i32 to index
        %parallel_loop3A_614 = arith.index_cast %parallel_loop3A_608 : i32 to index
        %parallel_loop3A_615 = arith.constant 32 : index
        %parallel_loop3A_616 = tpu.vector_load %arg8[%parallel_loop3A_613, %parallel_loop3A_614, %parallel_loop3A_615] {strides = array<i32>} : memref<4x80x128xf32, #tpu.memory_space<vmem>>, vector<1x1x16xf32>,
        %parallel_loop3A_617 = vector.shape_cast %parallel_loop3A_616 : vector<1x1x16xf32> to vector<16xf32>
        %parallel_loop3A_618 = vector.shape_cast %parallel_loop3A_612 : vector<16xf32> to vector<1x1x16xf32>
        tpu.vector_store %arg8[%parallel_loop3A_613, %parallel_loop3A_614, %parallel_loop3A_615], %parallel_loop3A_618 {add = true, strides = array<i32>} : memref<4x80x128xf32, #tpu.memory_space<vmem>>, vector<1x1x16xf32>,
        %parallel_loop3A_619 = arith.constant 3 : i32
        %parallel_loop3A_620 = arith.addi %parallel_loop3A_282, %parallel_loop3A_619 : i32
        %parallel_loop3A_621 = arith.index_cast %parallel_loop3A_582 : i32 to index
        %parallel_loop3A_622 = arith.constant 48 : index
        %parallel_loop3A_623 = tpu.vector_load %arg7[%parallel_loop3A_621, %parallel_loop3A_622] {strides = array<i32>} : memref<240x128xf32, #tpu.memory_space<vmem>>, vector<1x16xf32>,
        %parallel_loop3A_624 = vector.shape_cast %parallel_loop3A_623 : vector<1x16xf32> to vector<16xf32>
        %parallel_loop3A_625 = arith.index_cast %rem3A_213 : i32 to index
        %parallel_loop3A_626 = arith.index_cast %parallel_loop3A_620 : i32 to index
        %parallel_loop3A_627 = arith.constant 48 : index
        %parallel_loop3A_628 = tpu.vector_load %arg8[%parallel_loop3A_625, %parallel_loop3A_626, %parallel_loop3A_627] {strides = array<i32>} : memref<4x80x128xf32, #tpu.memory_space<vmem>>, vector<1x1x16xf32>,
        %parallel_loop3A_629 = vector.shape_cast %parallel_loop3A_628 : vector<1x1x16xf32> to vector<16xf32>
        %parallel_loop3A_630 = vector.shape_cast %parallel_loop3A_624 : vector<16xf32> to vector<1x1x16xf32>
        tpu.vector_store %arg8[%parallel_loop3A_625, %parallel_loop3A_626, %parallel_loop3A_627], %parallel_loop3A_630 {add = true, strides = array<i32>} : memref<4x80x128xf32, #tpu.memory_space<vmem>>, vector<1x1x16xf32>,
        %parallel_loop3A_631 = arith.constant 3 : i32
        %parallel_loop3A_632 = arith.addi %parallel_loop3A_282, %parallel_loop3A_631 : i32
        %parallel_loop3A_633 = arith.index_cast %parallel_loop3A_582 : i32 to index
        %parallel_loop3A_634 = arith.constant 64 : index
        %parallel_loop3A_635 = tpu.vector_load %arg7[%parallel_loop3A_633, %parallel_loop3A_634] {strides = array<i32>} : memref<240x128xf32, #tpu.memory_space<vmem>>, vector<1x16xf32>,
        %parallel_loop3A_636 = vector.shape_cast %parallel_loop3A_635 : vector<1x16xf32> to vector<16xf32>
        %parallel_loop3A_637 = arith.index_cast %rem3A_213 : i32 to index
        %parallel_loop3A_638 = arith.index_cast %parallel_loop3A_632 : i32 to index
        %parallel_loop3A_639 = arith.constant 64 : index
        %parallel_loop3A_640 = tpu.vector_load %arg8[%parallel_loop3A_637, %parallel_loop3A_638, %parallel_loop3A_639] {strides = array<i32>} : memref<4x80x128xf32, #tpu.memory_space<vmem>>, vector<1x1x16xf32>,
        %parallel_loop3A_641 = vector.shape_cast %parallel_loop3A_640 : vector<1x1x16xf32> to vector<16xf32>
        %parallel_loop3A_642 = vector.shape_cast %parallel_loop3A_636 : vector<16xf32> to vector<1x1x16xf32>
        tpu.vector_store %arg8[%parallel_loop3A_637, %parallel_loop3A_638, %parallel_loop3A_639], %parallel_loop3A_642 {add = true, strides = array<i32>} : memref<4x80x128xf32, #tpu.memory_space<vmem>>, vector<1x1x16xf32>,
        %parallel_loop3A_643 = arith.constant 3 : i32
        %parallel_loop3A_644 = arith.addi %parallel_loop3A_282, %parallel_loop3A_643 : i32
        %parallel_loop3A_645 = arith.index_cast %parallel_loop3A_582 : i32 to index
        %parallel_loop3A_646 = arith.constant 80 : index
        %parallel_loop3A_647 = tpu.vector_load %arg7[%parallel_loop3A_645, %parallel_loop3A_646] {strides = array<i32>} : memref<240x128xf32, #tpu.memory_space<vmem>>, vector<1x16xf32>,
        %parallel_loop3A_648 = vector.shape_cast %parallel_loop3A_647 : vector<1x16xf32> to vector<16xf32>
        %parallel_loop3A_649 = arith.index_cast %rem3A_213 : i32 to index
        %parallel_loop3A_650 = arith.index_cast %parallel_loop3A_644 : i32 to index
        %parallel_loop3A_651 = arith.constant 80 : index
        %parallel_loop3A_652 = tpu.vector_load %arg8[%parallel_loop3A_649, %parallel_loop3A_650, %parallel_loop3A_651] {strides = array<i32>} : memref<4x80x128xf32, #tpu.memory_space<vmem>>, vector<1x1x16xf32>,
        %parallel_loop3A_653 = vector.shape_cast %parallel_loop3A_652 : vector<1x1x16xf32> to vector<16xf32>
        %parallel_loop3A_654 = vector.shape_cast %parallel_loop3A_648 : vector<16xf32> to vector<1x1x16xf32>
        tpu.vector_store %arg8[%parallel_loop3A_649, %parallel_loop3A_650, %parallel_loop3A_651], %parallel_loop3A_654 {add = true, strides = array<i32>} : memref<4x80x128xf32, #tpu.memory_space<vmem>>, vector<1x1x16xf32>,
        %parallel_loop3A_655 = arith.constant 3 : i32
        %parallel_loop3A_656 = arith.addi %parallel_loop3A_282, %parallel_loop3A_655 : i32
        %parallel_loop3A_657 = arith.index_cast %parallel_loop3A_582 : i32 to index
        %parallel_loop3A_658 = arith.constant 96 : index
        %parallel_loop3A_659 = tpu.vector_load %arg7[%parallel_loop3A_657, %parallel_loop3A_658] {strides = array<i32>} : memref<240x128xf32, #tpu.memory_space<vmem>>, vector<1x16xf32>,
        %parallel_loop3A_660 = vector.shape_cast %parallel_loop3A_659 : vector<1x16xf32> to vector<16xf32>
        %parallel_loop3A_661 = arith.index_cast %rem3A_213 : i32 to index
        %parallel_loop3A_662 = arith.index_cast %parallel_loop3A_656 : i32 to index
        %parallel_loop3A_663 = arith.constant 96 : index
        %parallel_loop3A_664 = tpu.vector_load %arg8[%parallel_loop3A_661, %parallel_loop3A_662, %parallel_loop3A_663] {strides = array<i32>} : memref<4x80x128xf32, #tpu.memory_space<vmem>>, vector<1x1x16xf32>,
        %parallel_loop3A_665 = vector.shape_cast %parallel_loop3A_664 : vector<1x1x16xf32> to vector<16xf32>
        %parallel_loop3A_666 = vector.shape_cast %parallel_loop3A_660 : vector<16xf32> to vector<1x1x16xf32>
        tpu.vector_store %arg8[%parallel_loop3A_661, %parallel_loop3A_662, %parallel_loop3A_663], %parallel_loop3A_666 {add = true, strides = array<i32>} : memref<4x80x128xf32, #tpu.memory_space<vmem>>, vector<1x1x16xf32>,
        %parallel_loop3A_667 = arith.constant 3 : i32
        %parallel_loop3A_668 = arith.addi %parallel_loop3A_282, %parallel_loop3A_667 : i32
        %parallel_loop3A_669 = arith.index_cast %parallel_loop3A_582 : i32 to index
        %parallel_loop3A_670 = arith.constant 112 : index
        %parallel_loop3A_671 = tpu.vector_load %arg7[%parallel_loop3A_669, %parallel_loop3A_670] {strides = array<i32>} : memref<240x128xf32, #tpu.memory_space<vmem>>, vector<1x16xf32>,
        %parallel_loop3A_672 = vector.shape_cast %parallel_loop3A_671 : vector<1x16xf32> to vector<16xf32>
        %parallel_loop3A_673 = arith.index_cast %rem3A_213 : i32 to index
        %parallel_loop3A_674 = arith.index_cast %parallel_loop3A_668 : i32 to index
        %parallel_loop3A_675 = arith.constant 112 : index
        %parallel_loop3A_676 = tpu.vector_load %arg8[%parallel_loop3A_673, %parallel_loop3A_674, %parallel_loop3A_675] {strides = array<i32>} : memref<4x80x128xf32, #tpu.memory_space<vmem>>, vector<1x1x16xf32>,
        %parallel_loop3A_677 = vector.shape_cast %parallel_loop3A_676 : vector<1x1x16xf32> to vector<16xf32>
        %parallel_loop3A_678 = vector.shape_cast %parallel_loop3A_672 : vector<16xf32> to vector<1x1x16xf32>
        tpu.vector_store %arg8[%parallel_loop3A_673, %parallel_loop3A_674, %parallel_loop3A_675], %parallel_loop3A_678 {add = true, strides = array<i32>} : memref<4x80x128xf32, #tpu.memory_space<vmem>>, vector<1x1x16xf32>,
        %parallel_loop3A_679 = vector.extract_strided_slice %parallel_loop3A_286 {offsets = [4], sizes = [1], strides = [1]} : vector<16xi32> to vector<1xi32>
        %parallel_loop3A_680 = vector.extract %parallel_loop3A_679[0] : i32 from vector<1xi32>
        %parallel_loop3A_681 = arith.constant 4 : i32
        %parallel_loop3A_682 = arith.addi %parallel_loop3A_282, %parallel_loop3A_681 : i32
        %parallel_loop3A_683 = arith.index_cast %parallel_loop3A_680 : i32 to index
        %parallel_loop3A_684 = arith.constant 0 : index
        %parallel_loop3A_685 = tpu.vector_load %arg7[%parallel_loop3A_683, %parallel_loop3A_684] {strides = array<i32>} : memref<240x128xf32, #tpu.memory_space<vmem>>, vector<1x16xf32>,
        %parallel_loop3A_686 = vector.shape_cast %parallel_loop3A_685 : vector<1x16xf32> to vector<16xf32>
        %parallel_loop3A_687 = arith.index_cast %rem3A_213 : i32 to index
        %parallel_loop3A_688 = arith.index_cast %parallel_loop3A_682 : i32 to index
        %parallel_loop3A_689 = arith.constant 0 : index
        %parallel_loop3A_690 = tpu.vector_load %arg8[%parallel_loop3A_687, %parallel_loop3A_688, %parallel_loop3A_689] {strides = array<i32>} : memref<4x80x128xf32, #tpu.memory_space<vmem>>, vector<1x1x16xf32>,
        %parallel_loop3A_691 = vector.shape_cast %parallel_loop3A_690 : vector<1x1x16xf32> to vector<16xf32>
        %parallel_loop3A_692 = vector.shape_cast %parallel_loop3A_686 : vector<16xf32> to vector<1x1x16xf32>
        tpu.vector_store %arg8[%parallel_loop3A_687, %parallel_loop3A_688, %parallel_loop3A_689], %parallel_loop3A_692 {add = true, strides = array<i32>} : memref<4x80x128xf32, #tpu.memory_space<vmem>>, vector<1x1x16xf32>,
        %parallel_loop3A_693 = arith.constant 4 : i32
        %parallel_loop3A_694 = arith.addi %parallel_loop3A_282, %parallel_loop3A_693 : i32
        %parallel_loop3A_695 = arith.index_cast %parallel_loop3A_680 : i32 to index
        %parallel_loop3A_696 = arith.constant 16 : index
        %parallel_loop3A_697 = tpu.vector_load %arg7[%parallel_loop3A_695, %parallel_loop3A_696] {strides = array<i32>} : memref<240x128xf32, #tpu.memory_space<vmem>>, vector<1x16xf32>,
        %parallel_loop3A_698 = vector.shape_cast %parallel_loop3A_697 : vector<1x16xf32> to vector<16xf32>
        %parallel_loop3A_699 = arith.index_cast %rem3A_213 : i32 to index
        %parallel_loop3A_700 = arith.index_cast %parallel_loop3A_694 : i32 to index
        %parallel_loop3A_701 = arith.constant 16 : index
        %parallel_loop3A_702 = tpu.vector_load %arg8[%parallel_loop3A_699, %parallel_loop3A_700, %parallel_loop3A_701] {strides = array<i32>} : memref<4x80x128xf32, #tpu.memory_space<vmem>>, vector<1x1x16xf32>,
        %parallel_loop3A_703 = vector.shape_cast %parallel_loop3A_702 : vector<1x1x16xf32> to vector<16xf32>
        %parallel_loop3A_704 = vector.shape_cast %parallel_loop3A_698 : vector<16xf32> to vector<1x1x16xf32>
        tpu.vector_store %arg8[%parallel_loop3A_699, %parallel_loop3A_700, %parallel_loop3A_701], %parallel_loop3A_704 {add = true, strides = array<i32>} : memref<4x80x128xf32, #tpu.memory_space<vmem>>, vector<1x1x16xf32>,
        %parallel_loop3A_705 = arith.constant 4 : i32
        %parallel_loop3A_706 = arith.addi %parallel_loop3A_282, %parallel_loop3A_705 : i32
        %parallel_loop3A_707 = arith.index_cast %parallel_loop3A_680 : i32 to index
        %parallel_loop3A_708 = arith.constant 32 : index
        %parallel_loop3A_709 = tpu.vector_load %arg7[%parallel_loop3A_707, %parallel_loop3A_708] {strides = array<i32>} : memref<240x128xf32, #tpu.memory_space<vmem>>, vector<1x16xf32>,
        %parallel_loop3A_710 = vector.shape_cast %parallel_loop3A_709 : vector<1x16xf32> to vector<16xf32>
        %parallel_loop3A_711 = arith.index_cast %rem3A_213 : i32 to index
        %parallel_loop3A_712 = arith.index_cast %parallel_loop3A_706 : i32 to index
        %parallel_loop3A_713 = arith.constant 32 : index
        %parallel_loop3A_714 = tpu.vector_load %arg8[%parallel_loop3A_711, %parallel_loop3A_712, %parallel_loop3A_713] {strides = array<i32>} : memref<4x80x128xf32, #tpu.memory_space<vmem>>, vector<1x1x16xf32>,
        %parallel_loop3A_715 = vector.shape_cast %parallel_loop3A_714 : vector<1x1x16xf32> to vector<16xf32>
        %parallel_loop3A_716 = vector.shape_cast %parallel_loop3A_710 : vector<16xf32> to vector<1x1x16xf32>
        tpu.vector_store %arg8[%parallel_loop3A_711, %parallel_loop3A_712, %parallel_loop3A_713], %parallel_loop3A_716 {add = true, strides = array<i32>} : memref<4x80x128xf32, #tpu.memory_space<vmem>>, vector<1x1x16xf32>,
        %parallel_loop3A_717 = arith.constant 4 : i32
        %parallel_loop3A_718 = arith.addi %parallel_loop3A_282, %parallel_loop3A_717 : i32
        %parallel_loop3A_719 = arith.index_cast %parallel_loop3A_680 : i32 to index
        %parallel_loop3A_720 = arith.constant 48 : index
        %parallel_loop3A_721 = tpu.vector_load %arg7[%parallel_loop3A_719, %parallel_loop3A_720] {strides = array<i32>} : memref<240x128xf32, #tpu.memory_space<vmem>>, vector<1x16xf32>,
        %parallel_loop3A_722 = vector.shape_cast %parallel_loop3A_721 : vector<1x16xf32> to vector<16xf32>
        %parallel_loop3A_723 = arith.index_cast %rem3A_213 : i32 to index
        %parallel_loop3A_724 = arith.index_cast %parallel_loop3A_718 : i32 to index
        %parallel_loop3A_725 = arith.constant 48 : index
        %parallel_loop3A_726 = tpu.vector_load %arg8[%parallel_loop3A_723, %parallel_loop3A_724, %parallel_loop3A_725] {strides = array<i32>} : memref<4x80x128xf32, #tpu.memory_space<vmem>>, vector<1x1x16xf32>,
        %parallel_loop3A_727 = vector.shape_cast %parallel_loop3A_726 : vector<1x1x16xf32> to vector<16xf32>
        %parallel_loop3A_728 = vector.shape_cast %parallel_loop3A_722 : vector<16xf32> to vector<1x1x16xf32>
        tpu.vector_store %arg8[%parallel_loop3A_723, %parallel_loop3A_724, %parallel_loop3A_725], %parallel_loop3A_728 {add = true, strides = array<i32>} : memref<4x80x128xf32, #tpu.memory_space<vmem>>, vector<1x1x16xf32>,
        %parallel_loop3A_729 = arith.constant 4 : i32
        %parallel_loop3A_730 = arith.addi %parallel_loop3A_282, %parallel_loop3A_729 : i32
        %parallel_loop3A_731 = arith.index_cast %parallel_loop3A_680 : i32 to index
        %parallel_loop3A_732 = arith.constant 64 : index
        %parallel_loop3A_733 = tpu.vector_load %arg7[%parallel_loop3A_731, %parallel_loop3A_732] {strides = array<i32>} : memref<240x128xf32, #tpu.memory_space<vmem>>, vector<1x16xf32>,
        %parallel_loop3A_734 = vector.shape_cast %parallel_loop3A_733 : vector<1x16xf32> to vector<16xf32>
        %parallel_loop3A_735 = arith.index_cast %rem3A_213 : i32 to index
        %parallel_loop3A_736 = arith.index_cast %parallel_loop3A_730 : i32 to index
        %parallel_loop3A_737 = arith.constant 64 : index
        %parallel_loop3A_738 = tpu.vector_load %arg8[%parallel_loop3A_735, %parallel_loop3A_736, %parallel_loop3A_737] {strides = array<i32>} : memref<4x80x128xf32, #tpu.memory_space<vmem>>, vector<1x1x16xf32>,
        %parallel_loop3A_739 = vector.shape_cast %parallel_loop3A_738 : vector<1x1x16xf32> to vector<16xf32>
        %parallel_loop3A_740 = vector.shape_cast %parallel_loop3A_734 : vector<16xf32> to vector<1x1x16xf32>
        tpu.vector_store %arg8[%parallel_loop3A_735, %parallel_loop3A_736, %parallel_loop3A_737], %parallel_loop3A_740 {add = true, strides = array<i32>} : memref<4x80x128xf32, #tpu.memory_space<vmem>>, vector<1x1x16xf32>,
        %parallel_loop3A_741 = arith.constant 4 : i32
        %parallel_loop3A_742 = arith.addi %parallel_loop3A_282, %parallel_loop3A_741 : i32
        %parallel_loop3A_743 = arith.index_cast %parallel_loop3A_680 : i32 to index
        %parallel_loop3A_744 = arith.constant 80 : index
        %parallel_loop3A_745 = tpu.vector_load %arg7[%parallel_loop3A_743, %parallel_loop3A_744] {strides = array<i32>} : memref<240x128xf32, #tpu.memory_space<vmem>>, vector<1x16xf32>,
        %parallel_loop3A_746 = vector.shape_cast %parallel_loop3A_745 : vector<1x16xf32> to vector<16xf32>
        %parallel_loop3A_747 = arith.index_cast %rem3A_213 : i32 to index
        %parallel_loop3A_748 = arith.index_cast %parallel_loop3A_742 : i32 to index
        %parallel_loop3A_749 = arith.constant 80 : index
        %parallel_loop3A_750 = tpu.vector_load %arg8[%parallel_loop3A_747, %parallel_loop3A_748, %parallel_loop3A_749] {strides = array<i32>} : memref<4x80x128xf32, #tpu.memory_space<vmem>>, vector<1x1x16xf32>,
        %parallel_loop3A_751 = vector.shape_cast %parallel_loop3A_750 : vector<1x1x16xf32> to vector<16xf32>
        %parallel_loop3A_752 = vector.shape_cast %parallel_loop3A_746 : vector<16xf32> to vector<1x1x16xf32>
        tpu.vector_store %arg8[%parallel_loop3A_747, %parallel_loop3A_748, %parallel_loop3A_749], %parallel_loop3A_752 {add = true, strides = array<i32>} : memref<4x80x128xf32, #tpu.memory_space<vmem>>, vector<1x1x16xf32>,
        %parallel_loop3A_753 = arith.constant 4 : i32
        %parallel_loop3A_754 = arith.addi %parallel_loop3A_282, %parallel_loop3A_753 : i32
        %parallel_loop3A_755 = arith.index_cast %parallel_loop3A_680 : i32 to index
        %parallel_loop3A_756 = arith.constant 96 : index
        %parallel_loop3A_757 = tpu.vector_load %arg7[%parallel_loop3A_755, %parallel_loop3A_756] {strides = array<i32>} : memref<240x128xf32, #tpu.memory_space<vmem>>, vector<1x16xf32>,
        %parallel_loop3A_758 = vector.shape_cast %parallel_loop3A_757 : vector<1x16xf32> to vector<16xf32>
        %parallel_loop3A_759 = arith.index_cast %rem3A_213 : i32 to index
        %parallel_loop3A_760 = arith.index_cast %parallel_loop3A_754 : i32 to index
        %parallel_loop3A_761 = arith.constant 96 : index
        %parallel_loop3A_762 = tpu.vector_load %arg8[%parallel_loop3A_759, %parallel_loop3A_760, %parallel_loop3A_761] {strides = array<i32>} : memref<4x80x128xf32, #tpu.memory_space<vmem>>, vector<1x1x16xf32>,
        %parallel_loop3A_763 = vector.shape_cast %parallel_loop3A_762 : vector<1x1x16xf32> to vector<16xf32>
        %parallel_loop3A_764 = vector.shape_cast %parallel_loop3A_758 : vector<16xf32> to vector<1x1x16xf32>
        tpu.vector_store %arg8[%parallel_loop3A_759, %parallel_loop3A_760, %parallel_loop3A_761], %parallel_loop3A_764 {add = true, strides = array<i32>} : memref<4x80x128xf32, #tpu.memory_space<vmem>>, vector<1x1x16xf32>,
        %parallel_loop3A_765 = arith.constant 4 : i32
        %parallel_loop3A_766 = arith.addi %parallel_loop3A_282, %parallel_loop3A_765 : i32
        %parallel_loop3A_767 = arith.index_cast %parallel_loop3A_680 : i32 to index
        %parallel_loop3A_768 = arith.constant 112 : index
        %parallel_loop3A_769 = tpu.vector_load %arg7[%parallel_loop3A_767, %parallel_loop3A_768] {strides = array<i32>} : memref<240x128xf32, #tpu.memory_space<vmem>>, vector<1x16xf32>,
        %parallel_loop3A_770 = vector.shape_cast %parallel_loop3A_769 : vector<1x16xf32> to vector<16xf32>
        %parallel_loop3A_771 = arith.index_cast %rem3A_213 : i32 to index
        %parallel_loop3A_772 = arith.index_cast %parallel_loop3A_766 : i32 to index
        %parallel_loop3A_773 = arith.constant 112 : index
        %parallel_loop3A_774 = tpu.vector_load %arg8[%parallel_loop3A_771, %parallel_loop3A_772, %parallel_loop3A_773] {strides = array<i32>} : memref<4x80x128xf32, #tpu.memory_space<vmem>>, vector<1x1x16xf32>,
        %parallel_loop3A_775 = vector.shape_cast %parallel_loop3A_774 : vector<1x1x16xf32> to vector<16xf32>
        %parallel_loop3A_776 = vector.shape_cast %parallel_loop3A_770 : vector<16xf32> to vector<1x1x16xf32>
        tpu.vector_store %arg8[%parallel_loop3A_771, %parallel_loop3A_772, %parallel_loop3A_773], %parallel_loop3A_776 {add = true, strides = array<i32>} : memref<4x80x128xf32, #tpu.memory_space<vmem>>, vector<1x1x16xf32>,
        %parallel_loop3A_777 = vector.extract_strided_slice %parallel_loop3A_286 {offsets = [5], sizes = [1], strides = [1]} : vector<16xi32> to vector<1xi32>
        %parallel_loop3A_778 = vector.extract %parallel_loop3A_777[0] : i32 from vector<1xi32>
        %parallel_loop3A_779 = arith.constant 5 : i32
        %parallel_loop3A_780 = arith.addi %parallel_loop3A_282, %parallel_loop3A_779 : i32
        %parallel_loop3A_781 = arith.index_cast %parallel_loop3A_778 : i32 to index
        %parallel_loop3A_782 = arith.constant 0 : index
        %parallel_loop3A_783 = tpu.vector_load %arg7[%parallel_loop3A_781, %parallel_loop3A_782] {strides = array<i32>} : memref<240x128xf32, #tpu.memory_space<vmem>>, vector<1x16xf32>,
        %parallel_loop3A_784 = vector.shape_cast %parallel_loop3A_783 : vector<1x16xf32> to vector<16xf32>
        %parallel_loop3A_785 = arith.index_cast %rem3A_213 : i32 to index
        %parallel_loop3A_786 = arith.index_cast %parallel_loop3A_780 : i32 to index
        %parallel_loop3A_787 = arith.constant 0 : index
        %parallel_loop3A_788 = tpu.vector_load %arg8[%parallel_loop3A_785, %parallel_loop3A_786, %parallel_loop3A_787] {strides = array<i32>} : memref<4x80x128xf32, #tpu.memory_space<vmem>>, vector<1x1x16xf32>,
        %parallel_loop3A_789 = vector.shape_cast %parallel_loop3A_788 : vector<1x1x16xf32> to vector<16xf32>
        %parallel_loop3A_790 = vector.shape_cast %parallel_loop3A_784 : vector<16xf32> to vector<1x1x16xf32>
        tpu.vector_store %arg8[%parallel_loop3A_785, %parallel_loop3A_786, %parallel_loop3A_787], %parallel_loop3A_790 {add = true, strides = array<i32>} : memref<4x80x128xf32, #tpu.memory_space<vmem>>, vector<1x1x16xf32>,
        %parallel_loop3A_791 = arith.constant 5 : i32
        %parallel_loop3A_792 = arith.addi %parallel_loop3A_282, %parallel_loop3A_791 : i32
        %parallel_loop3A_793 = arith.index_cast %parallel_loop3A_778 : i32 to index
        %parallel_loop3A_794 = arith.constant 16 : index
        %parallel_loop3A_795 = tpu.vector_load %arg7[%parallel_loop3A_793, %parallel_loop3A_794] {strides = array<i32>} : memref<240x128xf32, #tpu.memory_space<vmem>>, vector<1x16xf32>,
        %parallel_loop3A_796 = vector.shape_cast %parallel_loop3A_795 : vector<1x16xf32> to vector<16xf32>
        %parallel_loop3A_797 = arith.index_cast %rem3A_213 : i32 to index
        %parallel_loop3A_798 = arith.index_cast %parallel_loop3A_792 : i32 to index
        %parallel_loop3A_799 = arith.constant 16 : index
        %parallel_loop3A_800 = tpu.vector_load %arg8[%parallel_loop3A_797, %parallel_loop3A_798, %parallel_loop3A_799] {strides = array<i32>} : memref<4x80x128xf32, #tpu.memory_space<vmem>>, vector<1x1x16xf32>,
        %parallel_loop3A_801 = vector.shape_cast %parallel_loop3A_800 : vector<1x1x16xf32> to vector<16xf32>
        %parallel_loop3A_802 = vector.shape_cast %parallel_loop3A_796 : vector<16xf32> to vector<1x1x16xf32>
        tpu.vector_store %arg8[%parallel_loop3A_797, %parallel_loop3A_798, %parallel_loop3A_799], %parallel_loop3A_802 {add = true, strides = array<i32>} : memref<4x80x128xf32, #tpu.memory_space<vmem>>, vector<1x1x16xf32>,
        %parallel_loop3A_803 = arith.constant 5 : i32
        %parallel_loop3A_804 = arith.addi %parallel_loop3A_282, %parallel_loop3A_803 : i32
        %parallel_loop3A_805 = arith.index_cast %parallel_loop3A_778 : i32 to index
        %parallel_loop3A_806 = arith.constant 32 : index
        %parallel_loop3A_807 = tpu.vector_load %arg7[%parallel_loop3A_805, %parallel_loop3A_806] {strides = array<i32>} : memref<240x128xf32, #tpu.memory_space<vmem>>, vector<1x16xf32>,
        %parallel_loop3A_808 = vector.shape_cast %parallel_loop3A_807 : vector<1x16xf32> to vector<16xf32>
        %parallel_loop3A_809 = arith.index_cast %rem3A_213 : i32 to index
        %parallel_loop3A_810 = arith.index_cast %parallel_loop3A_804 : i32 to index
        %parallel_loop3A_811 = arith.constant 32 : index
        %parallel_loop3A_812 = tpu.vector_load %arg8[%parallel_loop3A_809, %parallel_loop3A_810, %parallel_loop3A_811] {strides = array<i32>} : memref<4x80x128xf32, #tpu.memory_space<vmem>>, vector<1x1x16xf32>,
        %parallel_loop3A_813 = vector.shape_cast %parallel_loop3A_812 : vector<1x1x16xf32> to vector<16xf32>
        %parallel_loop3A_814 = vector.shape_cast %parallel_loop3A_808 : vector<16xf32> to vector<1x1x16xf32>
        tpu.vector_store %arg8[%parallel_loop3A_809, %parallel_loop3A_810, %parallel_loop3A_811], %parallel_loop3A_814 {add = true, strides = array<i32>} : memref<4x80x128xf32, #tpu.memory_space<vmem>>, vector<1x1x16xf32>,
        %parallel_loop3A_815 = arith.constant 5 : i32
        %parallel_loop3A_816 = arith.addi %parallel_loop3A_282, %parallel_loop3A_815 : i32
        %parallel_loop3A_817 = arith.index_cast %parallel_loop3A_778 : i32 to index
        %parallel_loop3A_818 = arith.constant 48 : index
        %parallel_loop3A_819 = tpu.vector_load %arg7[%parallel_loop3A_817, %parallel_loop3A_818] {strides = array<i32>} : memref<240x128xf32, #tpu.memory_space<vmem>>, vector<1x16xf32>,
        %parallel_loop3A_820 = vector.shape_cast %parallel_loop3A_819 : vector<1x16xf32> to vector<16xf32>
        %parallel_loop3A_821 = arith.index_cast %rem3A_213 : i32 to index
        %parallel_loop3A_822 = arith.index_cast %parallel_loop3A_816 : i32 to index
        %parallel_loop3A_823 = arith.constant 48 : index
        %parallel_loop3A_824 = tpu.vector_load %arg8[%parallel_loop3A_821, %parallel_loop3A_822, %parallel_loop3A_823] {strides = array<i32>} : memref<4x80x128xf32, #tpu.memory_space<vmem>>, vector<1x1x16xf32>,
        %parallel_loop3A_825 = vector.shape_cast %parallel_loop3A_824 : vector<1x1x16xf32> to vector<16xf32>
        %parallel_loop3A_826 = vector.shape_cast %parallel_loop3A_820 : vector<16xf32> to vector<1x1x16xf32>
        tpu.vector_store %arg8[%parallel_loop3A_821, %parallel_loop3A_822, %parallel_loop3A_823], %parallel_loop3A_826 {add = true, strides = array<i32>} : memref<4x80x128xf32, #tpu.memory_space<vmem>>, vector<1x1x16xf32>,
        %parallel_loop3A_827 = arith.constant 5 : i32
        %parallel_loop3A_828 = arith.addi %parallel_loop3A_282, %parallel_loop3A_827 : i32
        %parallel_loop3A_829 = arith.index_cast %parallel_loop3A_778 : i32 to index
        %parallel_loop3A_830 = arith.constant 64 : index
        %parallel_loop3A_831 = tpu.vector_load %arg7[%parallel_loop3A_829, %parallel_loop3A_830] {strides = array<i32>} : memref<240x128xf32, #tpu.memory_space<vmem>>, vector<1x16xf32>,
        %parallel_loop3A_832 = vector.shape_cast %parallel_loop3A_831 : vector<1x16xf32> to vector<16xf32>
        %parallel_loop3A_833 = arith.index_cast %rem3A_213 : i32 to index
        %parallel_loop3A_834 = arith.index_cast %parallel_loop3A_828 : i32 to index
        %parallel_loop3A_835 = arith.constant 64 : index
        %parallel_loop3A_836 = tpu.vector_load %arg8[%parallel_loop3A_833, %parallel_loop3A_834, %parallel_loop3A_835] {strides = array<i32>} : memref<4x80x128xf32, #tpu.memory_space<vmem>>, vector<1x1x16xf32>,
        %parallel_loop3A_837 = vector.shape_cast %parallel_loop3A_836 : vector<1x1x16xf32> to vector<16xf32>
        %parallel_loop3A_838 = vector.shape_cast %parallel_loop3A_832 : vector<16xf32> to vector<1x1x16xf32>
        tpu.vector_store %arg8[%parallel_loop3A_833, %parallel_loop3A_834, %parallel_loop3A_835], %parallel_loop3A_838 {add = true, strides = array<i32>} : memref<4x80x128xf32, #tpu.memory_space<vmem>>, vector<1x1x16xf32>,
        %parallel_loop3A_839 = arith.constant 5 : i32
        %parallel_loop3A_840 = arith.addi %parallel_loop3A_282, %parallel_loop3A_839 : i32
        %parallel_loop3A_841 = arith.index_cast %parallel_loop3A_778 : i32 to index
        %parallel_loop3A_842 = arith.constant 80 : index
        %parallel_loop3A_843 = tpu.vector_load %arg7[%parallel_loop3A_841, %parallel_loop3A_842] {strides = array<i32>} : memref<240x128xf32, #tpu.memory_space<vmem>>, vector<1x16xf32>,
        %parallel_loop3A_844 = vector.shape_cast %parallel_loop3A_843 : vector<1x16xf32> to vector<16xf32>
        %parallel_loop3A_845 = arith.index_cast %rem3A_213 : i32 to index
        %parallel_loop3A_846 = arith.index_cast %parallel_loop3A_840 : i32 to index
        %parallel_loop3A_847 = arith.constant 80 : index
        %parallel_loop3A_848 = tpu.vector_load %arg8[%parallel_loop3A_845, %parallel_loop3A_846, %parallel_loop3A_847] {strides = array<i32>} : memref<4x80x128xf32, #tpu.memory_space<vmem>>, vector<1x1x16xf32>,
        %parallel_loop3A_849 = vector.shape_cast %parallel_loop3A_848 : vector<1x1x16xf32> to vector<16xf32>
        %parallel_loop3A_850 = vector.shape_cast %parallel_loop3A_844 : vector<16xf32> to vector<1x1x16xf32>
        tpu.vector_store %arg8[%parallel_loop3A_845, %parallel_loop3A_846, %parallel_loop3A_847], %parallel_loop3A_850 {add = true, strides = array<i32>} : memref<4x80x128xf32, #tpu.memory_space<vmem>>, vector<1x1x16xf32>,
        %parallel_loop3A_851 = arith.constant 5 : i32
        %parallel_loop3A_852 = arith.addi %parallel_loop3A_282, %parallel_loop3A_851 : i32
        %parallel_loop3A_853 = arith.index_cast %parallel_loop3A_778 : i32 to index
        %parallel_loop3A_854 = arith.constant 96 : index
        %parallel_loop3A_855 = tpu.vector_load %arg7[%parallel_loop3A_853, %parallel_loop3A_854] {strides = array<i32>} : memref<240x128xf32, #tpu.memory_space<vmem>>, vector<1x16xf32>,
        %parallel_loop3A_856 = vector.shape_cast %parallel_loop3A_855 : vector<1x16xf32> to vector<16xf32>
        %parallel_loop3A_857 = arith.index_cast %rem3A_213 : i32 to index
        %parallel_loop3A_858 = arith.index_cast %parallel_loop3A_852 : i32 to index
        %parallel_loop3A_859 = arith.constant 96 : index
        %parallel_loop3A_860 = tpu.vector_load %arg8[%parallel_loop3A_857, %parallel_loop3A_858, %parallel_loop3A_859] {strides = array<i32>} : memref<4x80x128xf32, #tpu.memory_space<vmem>>, vector<1x1x16xf32>,
        %parallel_loop3A_861 = vector.shape_cast %parallel_loop3A_860 : vector<1x1x16xf32> to vector<16xf32>
        %parallel_loop3A_862 = vector.shape_cast %parallel_loop3A_856 : vector<16xf32> to vector<1x1x16xf32>
        tpu.vector_store %arg8[%parallel_loop3A_857, %parallel_loop3A_858, %parallel_loop3A_859], %parallel_loop3A_862 {add = true, strides = array<i32>} : memref<4x80x128xf32, #tpu.memory_space<vmem>>, vector<1x1x16xf32>,
        %parallel_loop3A_863 = arith.constant 5 : i32
        %parallel_loop3A_864 = arith.addi %parallel_loop3A_282, %parallel_loop3A_863 : i32
        %parallel_loop3A_865 = arith.index_cast %parallel_loop3A_778 : i32 to index
        %parallel_loop3A_866 = arith.constant 112 : index
        %parallel_loop3A_867 = tpu.vector_load %arg7[%parallel_loop3A_865, %parallel_loop3A_866] {strides = array<i32>} : memref<240x128xf32, #tpu.memory_space<vmem>>, vector<1x16xf32>,
        %parallel_loop3A_868 = vector.shape_cast %parallel_loop3A_867 : vector<1x16xf32> to vector<16xf32>
        %parallel_loop3A_869 = arith.index_cast %rem3A_213 : i32 to index
        %parallel_loop3A_870 = arith.index_cast %parallel_loop3A_864 : i32 to index
        %parallel_loop3A_871 = arith.constant 112 : index
        %parallel_loop3A_872 = tpu.vector_load %arg8[%parallel_loop3A_869, %parallel_loop3A_870, %parallel_loop3A_871] {strides = array<i32>} : memref<4x80x128xf32, #tpu.memory_space<vmem>>, vector<1x1x16xf32>,
        %parallel_loop3A_873 = vector.shape_cast %parallel_loop3A_872 : vector<1x1x16xf32> to vector<16xf32>
        %parallel_loop3A_874 = vector.shape_cast %parallel_loop3A_868 : vector<16xf32> to vector<1x1x16xf32>
        tpu.vector_store %arg8[%parallel_loop3A_869, %parallel_loop3A_870, %parallel_loop3A_871], %parallel_loop3A_874 {add = true, strides = array<i32>} : memref<4x80x128xf32, #tpu.memory_space<vmem>>, vector<1x1x16xf32>,
        %parallel_loop3A_875 = vector.extract_strided_slice %parallel_loop3A_286 {offsets = [6], sizes = [1], strides = [1]} : vector<16xi32> to vector<1xi32>
        %parallel_loop3A_876 = vector.extract %parallel_loop3A_875[0] : i32 from vector<1xi32>
        %parallel_loop3A_877 = arith.constant 6 : i32
        %parallel_loop3A_878 = arith.addi %parallel_loop3A_282, %parallel_loop3A_877 : i32
        %parallel_loop3A_879 = arith.index_cast %parallel_loop3A_876 : i32 to index
        %parallel_loop3A_880 = arith.constant 0 : index
        %parallel_loop3A_881 = tpu.vector_load %arg7[%parallel_loop3A_879, %parallel_loop3A_880] {strides = array<i32>} : memref<240x128xf32, #tpu.memory_space<vmem>>, vector<1x16xf32>,
        %parallel_loop3A_882 = vector.shape_cast %parallel_loop3A_881 : vector<1x16xf32> to vector<16xf32>
        %parallel_loop3A_883 = arith.index_cast %rem3A_213 : i32 to index
        %parallel_loop3A_884 = arith.index_cast %parallel_loop3A_878 : i32 to index
        %parallel_loop3A_885 = arith.constant 0 : index
        %parallel_loop3A_886 = tpu.vector_load %arg8[%parallel_loop3A_883, %parallel_loop3A_884, %parallel_loop3A_885] {strides = array<i32>} : memref<4x80x128xf32, #tpu.memory_space<vmem>>, vector<1x1x16xf32>,
        %parallel_loop3A_887 = vector.shape_cast %parallel_loop3A_886 : vector<1x1x16xf32> to vector<16xf32>
        %parallel_loop3A_888 = vector.shape_cast %parallel_loop3A_882 : vector<16xf32> to vector<1x1x16xf32>
        tpu.vector_store %arg8[%parallel_loop3A_883, %parallel_loop3A_884, %parallel_loop3A_885], %parallel_loop3A_888 {add = true, strides = array<i32>} : memref<4x80x128xf32, #tpu.memory_space<vmem>>, vector<1x1x16xf32>,
        %parallel_loop3A_889 = arith.constant 6 : i32
        %parallel_loop3A_890 = arith.addi %parallel_loop3A_282, %parallel_loop3A_889 : i32
        %parallel_loop3A_891 = arith.index_cast %parallel_loop3A_876 : i32 to index
        %parallel_loop3A_892 = arith.constant 16 : index
        %parallel_loop3A_893 = tpu.vector_load %arg7[%parallel_loop3A_891, %parallel_loop3A_892] {strides = array<i32>} : memref<240x128xf32, #tpu.memory_space<vmem>>, vector<1x16xf32>,
        %parallel_loop3A_894 = vector.shape_cast %parallel_loop3A_893 : vector<1x16xf32> to vector<16xf32>
        %parallel_loop3A_895 = arith.index_cast %rem3A_213 : i32 to index
        %parallel_loop3A_896 = arith.index_cast %parallel_loop3A_890 : i32 to index
        %parallel_loop3A_897 = arith.constant 16 : index
        %parallel_loop3A_898 = tpu.vector_load %arg8[%parallel_loop3A_895, %parallel_loop3A_896, %parallel_loop3A_897] {strides = array<i32>} : memref<4x80x128xf32, #tpu.memory_space<vmem>>, vector<1x1x16xf32>,
        %parallel_loop3A_899 = vector.shape_cast %parallel_loop3A_898 : vector<1x1x16xf32> to vector<16xf32>
        %parallel_loop3A_900 = vector.shape_cast %parallel_loop3A_894 : vector<16xf32> to vector<1x1x16xf32>
        tpu.vector_store %arg8[%parallel_loop3A_895, %parallel_loop3A_896, %parallel_loop3A_897], %parallel_loop3A_900 {add = true, strides = array<i32>} : memref<4x80x128xf32, #tpu.memory_space<vmem>>, vector<1x1x16xf32>,
        %parallel_loop3A_901 = arith.constant 6 : i32
        %parallel_loop3A_902 = arith.addi %parallel_loop3A_282, %parallel_loop3A_901 : i32
        %parallel_loop3A_903 = arith.index_cast %parallel_loop3A_876 : i32 to index
        %parallel_loop3A_904 = arith.constant 32 : index
        %parallel_loop3A_905 = tpu.vector_load %arg7[%parallel_loop3A_903, %parallel_loop3A_904] {strides = array<i32>} : memref<240x128xf32, #tpu.memory_space<vmem>>, vector<1x16xf32>,
        %parallel_loop3A_906 = vector.shape_cast %parallel_loop3A_905 : vector<1x16xf32> to vector<16xf32>
        %parallel_loop3A_907 = arith.index_cast %rem3A_213 : i32 to index
        %parallel_loop3A_908 = arith.index_cast %parallel_loop3A_902 : i32 to index
        %parallel_loop3A_909 = arith.constant 32 : index
        %parallel_loop3A_910 = tpu.vector_load %arg8[%parallel_loop3A_907, %parallel_loop3A_908, %parallel_loop3A_909] {strides = array<i32>} : memref<4x80x128xf32, #tpu.memory_space<vmem>>, vector<1x1x16xf32>,
        %parallel_loop3A_911 = vector.shape_cast %parallel_loop3A_910 : vector<1x1x16xf32> to vector<16xf32>
        %parallel_loop3A_912 = vector.shape_cast %parallel_loop3A_906 : vector<16xf32> to vector<1x1x16xf32>
        tpu.vector_store %arg8[%parallel_loop3A_907, %parallel_loop3A_908, %parallel_loop3A_909], %parallel_loop3A_912 {add = true, strides = array<i32>} : memref<4x80x128xf32, #tpu.memory_space<vmem>>, vector<1x1x16xf32>,
        %parallel_loop3A_913 = arith.constant 6 : i32
        %parallel_loop3A_914 = arith.addi %parallel_loop3A_282, %parallel_loop3A_913 : i32
        %parallel_loop3A_915 = arith.index_cast %parallel_loop3A_876 : i32 to index
        %parallel_loop3A_916 = arith.constant 48 : index
        %parallel_loop3A_917 = tpu.vector_load %arg7[%parallel_loop3A_915, %parallel_loop3A_916] {strides = array<i32>} : memref<240x128xf32, #tpu.memory_space<vmem>>, vector<1x16xf32>,
        %parallel_loop3A_918 = vector.shape_cast %parallel_loop3A_917 : vector<1x16xf32> to vector<16xf32>
        %parallel_loop3A_919 = arith.index_cast %rem3A_213 : i32 to index
        %parallel_loop3A_920 = arith.index_cast %parallel_loop3A_914 : i32 to index
        %parallel_loop3A_921 = arith.constant 48 : index
        %parallel_loop3A_922 = tpu.vector_load %arg8[%parallel_loop3A_919, %parallel_loop3A_920, %parallel_loop3A_921] {strides = array<i32>} : memref<4x80x128xf32, #tpu.memory_space<vmem>>, vector<1x1x16xf32>,
        %parallel_loop3A_923 = vector.shape_cast %parallel_loop3A_922 : vector<1x1x16xf32> to vector<16xf32>
        %parallel_loop3A_924 = vector.shape_cast %parallel_loop3A_918 : vector<16xf32> to vector<1x1x16xf32>
        tpu.vector_store %arg8[%parallel_loop3A_919, %parallel_loop3A_920, %parallel_loop3A_921], %parallel_loop3A_924 {add = true, strides = array<i32>} : memref<4x80x128xf32, #tpu.memory_space<vmem>>, vector<1x1x16xf32>,
        %parallel_loop3A_925 = arith.constant 6 : i32
        %parallel_loop3A_926 = arith.addi %parallel_loop3A_282, %parallel_loop3A_925 : i32
        %parallel_loop3A_927 = arith.index_cast %parallel_loop3A_876 : i32 to index
        %parallel_loop3A_928 = arith.constant 64 : index
        %parallel_loop3A_929 = tpu.vector_load %arg7[%parallel_loop3A_927, %parallel_loop3A_928] {strides = array<i32>} : memref<240x128xf32, #tpu.memory_space<vmem>>, vector<1x16xf32>,
        %parallel_loop3A_930 = vector.shape_cast %parallel_loop3A_929 : vector<1x16xf32> to vector<16xf32>
        %parallel_loop3A_931 = arith.index_cast %rem3A_213 : i32 to index
        %parallel_loop3A_932 = arith.index_cast %parallel_loop3A_926 : i32 to index
        %parallel_loop3A_933 = arith.constant 64 : index
        %parallel_loop3A_934 = tpu.vector_load %arg8[%parallel_loop3A_931, %parallel_loop3A_932, %parallel_loop3A_933] {strides = array<i32>} : memref<4x80x128xf32, #tpu.memory_space<vmem>>, vector<1x1x16xf32>,
        %parallel_loop3A_935 = vector.shape_cast %parallel_loop3A_934 : vector<1x1x16xf32> to vector<16xf32>
        %parallel_loop3A_936 = vector.shape_cast %parallel_loop3A_930 : vector<16xf32> to vector<1x1x16xf32>
        tpu.vector_store %arg8[%parallel_loop3A_931, %parallel_loop3A_932, %parallel_loop3A_933], %parallel_loop3A_936 {add = true, strides = array<i32>} : memref<4x80x128xf32, #tpu.memory_space<vmem>>, vector<1x1x16xf32>,
        %parallel_loop3A_937 = arith.constant 6 : i32
        %parallel_loop3A_938 = arith.addi %parallel_loop3A_282, %parallel_loop3A_937 : i32
        %parallel_loop3A_939 = arith.index_cast %parallel_loop3A_876 : i32 to index
        %parallel_loop3A_940 = arith.constant 80 : index
        %parallel_loop3A_941 = tpu.vector_load %arg7[%parallel_loop3A_939, %parallel_loop3A_940] {strides = array<i32>} : memref<240x128xf32, #tpu.memory_space<vmem>>, vector<1x16xf32>,
        %parallel_loop3A_942 = vector.shape_cast %parallel_loop3A_941 : vector<1x16xf32> to vector<16xf32>
        %parallel_loop3A_943 = arith.index_cast %rem3A_213 : i32 to index
        %parallel_loop3A_944 = arith.index_cast %parallel_loop3A_938 : i32 to index
        %parallel_loop3A_945 = arith.constant 80 : index
        %parallel_loop3A_946 = tpu.vector_load %arg8[%parallel_loop3A_943, %parallel_loop3A_944, %parallel_loop3A_945] {strides = array<i32>} : memref<4x80x128xf32, #tpu.memory_space<vmem>>, vector<1x1x16xf32>,
        %parallel_loop3A_947 = vector.shape_cast %parallel_loop3A_946 : vector<1x1x16xf32> to vector<16xf32>
        %parallel_loop3A_948 = vector.shape_cast %parallel_loop3A_942 : vector<16xf32> to vector<1x1x16xf32>
        tpu.vector_store %arg8[%parallel_loop3A_943, %parallel_loop3A_944, %parallel_loop3A_945], %parallel_loop3A_948 {add = true, strides = array<i32>} : memref<4x80x128xf32, #tpu.memory_space<vmem>>, vector<1x1x16xf32>,
        %parallel_loop3A_949 = arith.constant 6 : i32
        %parallel_loop3A_950 = arith.addi %parallel_loop3A_282, %parallel_loop3A_949 : i32
        %parallel_loop3A_951 = arith.index_cast %parallel_loop3A_876 : i32 to index
        %parallel_loop3A_952 = arith.constant 96 : index
        %parallel_loop3A_953 = tpu.vector_load %arg7[%parallel_loop3A_951, %parallel_loop3A_952] {strides = array<i32>} : memref<240x128xf32, #tpu.memory_space<vmem>>, vector<1x16xf32>,
        %parallel_loop3A_954 = vector.shape_cast %parallel_loop3A_953 : vector<1x16xf32> to vector<16xf32>
        %parallel_loop3A_955 = arith.index_cast %rem3A_213 : i32 to index
        %parallel_loop3A_956 = arith.index_cast %parallel_loop3A_950 : i32 to index
        %parallel_loop3A_957 = arith.constant 96 : index
        %parallel_loop3A_958 = tpu.vector_load %arg8[%parallel_loop3A_955, %parallel_loop3A_956, %parallel_loop3A_957] {strides = array<i32>} : memref<4x80x128xf32, #tpu.memory_space<vmem>>, vector<1x1x16xf32>,
        %parallel_loop3A_959 = vector.shape_cast %parallel_loop3A_958 : vector<1x1x16xf32> to vector<16xf32>
        %parallel_loop3A_960 = vector.shape_cast %parallel_loop3A_954 : vector<16xf32> to vector<1x1x16xf32>
        tpu.vector_store %arg8[%parallel_loop3A_955, %parallel_loop3A_956, %parallel_loop3A_957], %parallel_loop3A_960 {add = true, strides = array<i32>} : memref<4x80x128xf32, #tpu.memory_space<vmem>>, vector<1x1x16xf32>,
        %parallel_loop3A_961 = arith.constant 6 : i32
        %parallel_loop3A_962 = arith.addi %parallel_loop3A_282, %parallel_loop3A_961 : i32
        %parallel_loop3A_963 = arith.index_cast %parallel_loop3A_876 : i32 to index
        %parallel_loop3A_964 = arith.constant 112 : index
        %parallel_loop3A_965 = tpu.vector_load %arg7[%parallel_loop3A_963, %parallel_loop3A_964] {strides = array<i32>} : memref<240x128xf32, #tpu.memory_space<vmem>>, vector<1x16xf32>,
        %parallel_loop3A_966 = vector.shape_cast %parallel_loop3A_965 : vector<1x16xf32> to vector<16xf32>
        %parallel_loop3A_967 = arith.index_cast %rem3A_213 : i32 to index
        %parallel_loop3A_968 = arith.index_cast %parallel_loop3A_962 : i32 to index
        %parallel_loop3A_969 = arith.constant 112 : index
        %parallel_loop3A_970 = tpu.vector_load %arg8[%parallel_loop3A_967, %parallel_loop3A_968, %parallel_loop3A_969] {strides = array<i32>} : memref<4x80x128xf32, #tpu.memory_space<vmem>>, vector<1x1x16xf32>,
        %parallel_loop3A_971 = vector.shape_cast %parallel_loop3A_970 : vector<1x1x16xf32> to vector<16xf32>
        %parallel_loop3A_972 = vector.shape_cast %parallel_loop3A_966 : vector<16xf32> to vector<1x1x16xf32>
        tpu.vector_store %arg8[%parallel_loop3A_967, %parallel_loop3A_968, %parallel_loop3A_969], %parallel_loop3A_972 {add = true, strides = array<i32>} : memref<4x80x128xf32, #tpu.memory_space<vmem>>, vector<1x1x16xf32>,
        %parallel_loop3A_973 = vector.extract_strided_slice %parallel_loop3A_286 {offsets = [7], sizes = [1], strides = [1]} : vector<16xi32> to vector<1xi32>
        %parallel_loop3A_974 = vector.extract %parallel_loop3A_973[0] : i32 from vector<1xi32>
        %parallel_loop3A_975 = arith.constant 7 : i32
        %parallel_loop3A_976 = arith.addi %parallel_loop3A_282, %parallel_loop3A_975 : i32
        %parallel_loop3A_977 = arith.index_cast %parallel_loop3A_974 : i32 to index
        %parallel_loop3A_978 = arith.constant 0 : index
        %parallel_loop3A_979 = tpu.vector_load %arg7[%parallel_loop3A_977, %parallel_loop3A_978] {strides = array<i32>} : memref<240x128xf32, #tpu.memory_space<vmem>>, vector<1x16xf32>,
        %parallel_loop3A_980 = vector.shape_cast %parallel_loop3A_979 : vector<1x16xf32> to vector<16xf32>
        %parallel_loop3A_981 = arith.index_cast %rem3A_213 : i32 to index
        %parallel_loop3A_982 = arith.index_cast %parallel_loop3A_976 : i32 to index
        %parallel_loop3A_983 = arith.constant 0 : index
        %parallel_loop3A_984 = tpu.vector_load %arg8[%parallel_loop3A_981, %parallel_loop3A_982, %parallel_loop3A_983] {strides = array<i32>} : memref<4x80x128xf32, #tpu.memory_space<vmem>>, vector<1x1x16xf32>,
        %parallel_loop3A_985 = vector.shape_cast %parallel_loop3A_984 : vector<1x1x16xf32> to vector<16xf32>
        %parallel_loop3A_986 = vector.shape_cast %parallel_loop3A_980 : vector<16xf32> to vector<1x1x16xf32>
        tpu.vector_store %arg8[%parallel_loop3A_981, %parallel_loop3A_982, %parallel_loop3A_983], %parallel_loop3A_986 {add = true, strides = array<i32>} : memref<4x80x128xf32, #tpu.memory_space<vmem>>, vector<1x1x16xf32>,
        %parallel_loop3A_987 = arith.constant 7 : i32
        %parallel_loop3A_988 = arith.addi %parallel_loop3A_282, %parallel_loop3A_987 : i32
        %parallel_loop3A_989 = arith.index_cast %parallel_loop3A_974 : i32 to index
        %parallel_loop3A_990 = arith.constant 16 : index
        %parallel_loop3A_991 = tpu.vector_load %arg7[%parallel_loop3A_989, %parallel_loop3A_990] {strides = array<i32>} : memref<240x128xf32, #tpu.memory_space<vmem>>, vector<1x16xf32>,
        %parallel_loop3A_992 = vector.shape_cast %parallel_loop3A_991 : vector<1x16xf32> to vector<16xf32>
        %parallel_loop3A_993 = arith.index_cast %rem3A_213 : i32 to index
        %parallel_loop3A_994 = arith.index_cast %parallel_loop3A_988 : i32 to index
        %parallel_loop3A_995 = arith.constant 16 : index
        %parallel_loop3A_996 = tpu.vector_load %arg8[%parallel_loop3A_993, %parallel_loop3A_994, %parallel_loop3A_995] {strides = array<i32>} : memref<4x80x128xf32, #tpu.memory_space<vmem>>, vector<1x1x16xf32>,
        %parallel_loop3A_997 = vector.shape_cast %parallel_loop3A_996 : vector<1x1x16xf32> to vector<16xf32>
        %parallel_loop3A_998 = vector.shape_cast %parallel_loop3A_992 : vector<16xf32> to vector<1x1x16xf32>
        tpu.vector_store %arg8[%parallel_loop3A_993, %parallel_loop3A_994, %parallel_loop3A_995], %parallel_loop3A_998 {add = true, strides = array<i32>} : memref<4x80x128xf32, #tpu.memory_space<vmem>>, vector<1x1x16xf32>,
        %parallel_loop3A_999 = arith.constant 7 : i32
        %parallel_loop3A_1000 = arith.addi %parallel_loop3A_282, %parallel_loop3A_999 : i32
        %parallel_loop3A_1001 = arith.index_cast %parallel_loop3A_974 : i32 to index
        %parallel_loop3A_1002 = arith.constant 32 : index
        %parallel_loop3A_1003 = tpu.vector_load %arg7[%parallel_loop3A_1001, %parallel_loop3A_1002] {strides = array<i32>} : memref<240x128xf32, #tpu.memory_space<vmem>>, vector<1x16xf32>,
        %parallel_loop3A_1004 = vector.shape_cast %parallel_loop3A_1003 : vector<1x16xf32> to vector<16xf32>
        %parallel_loop3A_1005 = arith.index_cast %rem3A_213 : i32 to index
        %parallel_loop3A_1006 = arith.index_cast %parallel_loop3A_1000 : i32 to index
        %parallel_loop3A_1007 = arith.constant 32 : index
        %parallel_loop3A_1008 = tpu.vector_load %arg8[%parallel_loop3A_1005, %parallel_loop3A_1006, %parallel_loop3A_1007] {strides = array<i32>} : memref<4x80x128xf32, #tpu.memory_space<vmem>>, vector<1x1x16xf32>,
        %parallel_loop3A_1009 = vector.shape_cast %parallel_loop3A_1008 : vector<1x1x16xf32> to vector<16xf32>
        %parallel_loop3A_1010 = vector.shape_cast %parallel_loop3A_1004 : vector<16xf32> to vector<1x1x16xf32>
        tpu.vector_store %arg8[%parallel_loop3A_1005, %parallel_loop3A_1006, %parallel_loop3A_1007], %parallel_loop3A_1010 {add = true, strides = array<i32>} : memref<4x80x128xf32, #tpu.memory_space<vmem>>, vector<1x1x16xf32>,
        %parallel_loop3A_1011 = arith.constant 7 : i32
        %parallel_loop3A_1012 = arith.addi %parallel_loop3A_282, %parallel_loop3A_1011 : i32
        %parallel_loop3A_1013 = arith.index_cast %parallel_loop3A_974 : i32 to index
        %parallel_loop3A_1014 = arith.constant 48 : index
        %parallel_loop3A_1015 = tpu.vector_load %arg7[%parallel_loop3A_1013, %parallel_loop3A_1014] {strides = array<i32>} : memref<240x128xf32, #tpu.memory_space<vmem>>, vector<1x16xf32>,
        %parallel_loop3A_1016 = vector.shape_cast %parallel_loop3A_1015 : vector<1x16xf32> to vector<16xf32>
        %parallel_loop3A_1017 = arith.index_cast %rem3A_213 : i32 to index
        %parallel_loop3A_1018 = arith.index_cast %parallel_loop3A_1012 : i32 to index
        %parallel_loop3A_1019 = arith.constant 48 : index
        %parallel_loop3A_1020 = tpu.vector_load %arg8[%parallel_loop3A_1017, %parallel_loop3A_1018, %parallel_loop3A_1019] {strides = array<i32>} : memref<4x80x128xf32, #tpu.memory_space<vmem>>, vector<1x1x16xf32>,
        %parallel_loop3A_1021 = vector.shape_cast %parallel_loop3A_1020 : vector<1x1x16xf32> to vector<16xf32>
        %parallel_loop3A_1022 = vector.shape_cast %parallel_loop3A_1016 : vector<16xf32> to vector<1x1x16xf32>
        tpu.vector_store %arg8[%parallel_loop3A_1017, %parallel_loop3A_1018, %parallel_loop3A_1019], %parallel_loop3A_1022 {add = true, strides = array<i32>} : memref<4x80x128xf32, #tpu.memory_space<vmem>>, vector<1x1x16xf32>,
        %parallel_loop3A_1023 = arith.constant 7 : i32
        %parallel_loop3A_1024 = arith.addi %parallel_loop3A_282, %parallel_loop3A_1023 : i32
        %parallel_loop3A_1025 = arith.index_cast %parallel_loop3A_974 : i32 to index
        %parallel_loop3A_1026 = arith.constant 64 : index
        %parallel_loop3A_1027 = tpu.vector_load %arg7[%parallel_loop3A_1025, %parallel_loop3A_1026] {strides = array<i32>} : memref<240x128xf32, #tpu.memory_space<vmem>>, vector<1x16xf32>,
        %parallel_loop3A_1028 = vector.shape_cast %parallel_loop3A_1027 : vector<1x16xf32> to vector<16xf32>
        %parallel_loop3A_1029 = arith.index_cast %rem3A_213 : i32 to index
        %parallel_loop3A_1030 = arith.index_cast %parallel_loop3A_1024 : i32 to index
        %parallel_loop3A_1031 = arith.constant 64 : index
        %parallel_loop3A_1032 = tpu.vector_load %arg8[%parallel_loop3A_1029, %parallel_loop3A_1030, %parallel_loop3A_1031] {strides = array<i32>} : memref<4x80x128xf32, #tpu.memory_space<vmem>>, vector<1x1x16xf32>,
        %parallel_loop3A_1033 = vector.shape_cast %parallel_loop3A_1032 : vector<1x1x16xf32> to vector<16xf32>
        %parallel_loop3A_1034 = vector.shape_cast %parallel_loop3A_1028 : vector<16xf32> to vector<1x1x16xf32>
        tpu.vector_store %arg8[%parallel_loop3A_1029, %parallel_loop3A_1030, %parallel_loop3A_1031], %parallel_loop3A_1034 {add = true, strides = array<i32>} : memref<4x80x128xf32, #tpu.memory_space<vmem>>, vector<1x1x16xf32>,
        %parallel_loop3A_1035 = arith.constant 7 : i32
        %parallel_loop3A_1036 = arith.addi %parallel_loop3A_282, %parallel_loop3A_1035 : i32
        %parallel_loop3A_1037 = arith.index_cast %parallel_loop3A_974 : i32 to index
        %parallel_loop3A_1038 = arith.constant 80 : index
        %parallel_loop3A_1039 = tpu.vector_load %arg7[%parallel_loop3A_1037, %parallel_loop3A_1038] {strides = array<i32>} : memref<240x128xf32, #tpu.memory_space<vmem>>, vector<1x16xf32>,
        %parallel_loop3A_1040 = vector.shape_cast %parallel_loop3A_1039 : vector<1x16xf32> to vector<16xf32>
        %parallel_loop3A_1041 = arith.index_cast %rem3A_213 : i32 to index
        %parallel_loop3A_1042 = arith.index_cast %parallel_loop3A_1036 : i32 to index
        %parallel_loop3A_1043 = arith.constant 80 : index
        %parallel_loop3A_1044 = tpu.vector_load %arg8[%parallel_loop3A_1041, %parallel_loop3A_1042, %parallel_loop3A_1043] {strides = array<i32>} : memref<4x80x128xf32, #tpu.memory_space<vmem>>, vector<1x1x16xf32>,
        %parallel_loop3A_1045 = vector.shape_cast %parallel_loop3A_1044 : vector<1x1x16xf32> to vector<16xf32>
        %parallel_loop3A_1046 = vector.shape_cast %parallel_loop3A_1040 : vector<16xf32> to vector<1x1x16xf32>
        tpu.vector_store %arg8[%parallel_loop3A_1041, %parallel_loop3A_1042, %parallel_loop3A_1043], %parallel_loop3A_1046 {add = true, strides = array<i32>} : memref<4x80x128xf32, #tpu.memory_space<vmem>>, vector<1x1x16xf32>,
        %parallel_loop3A_1047 = arith.constant 7 : i32
        %parallel_loop3A_1048 = arith.addi %parallel_loop3A_282, %parallel_loop3A_1047 : i32
        %parallel_loop3A_1049 = arith.index_cast %parallel_loop3A_974 : i32 to index
        %parallel_loop3A_1050 = arith.constant 96 : index
        %parallel_loop3A_1051 = tpu.vector_load %arg7[%parallel_loop3A_1049, %parallel_loop3A_1050] {strides = array<i32>} : memref<240x128xf32, #tpu.memory_space<vmem>>, vector<1x16xf32>,
        %parallel_loop3A_1052 = vector.shape_cast %parallel_loop3A_1051 : vector<1x16xf32> to vector<16xf32>
        %parallel_loop3A_1053 = arith.index_cast %rem3A_213 : i32 to index
        %parallel_loop3A_1054 = arith.index_cast %parallel_loop3A_1048 : i32 to index
        %parallel_loop3A_1055 = arith.constant 96 : index
        %parallel_loop3A_1056 = tpu.vector_load %arg8[%parallel_loop3A_1053, %parallel_loop3A_1054, %parallel_loop3A_1055] {strides = array<i32>} : memref<4x80x128xf32, #tpu.memory_space<vmem>>, vector<1x1x16xf32>,
        %parallel_loop3A_1057 = vector.shape_cast %parallel_loop3A_1056 : vector<1x1x16xf32> to vector<16xf32>
        %parallel_loop3A_1058 = vector.shape_cast %parallel_loop3A_1052 : vector<16xf32> to vector<1x1x16xf32>
        tpu.vector_store %arg8[%parallel_loop3A_1053, %parallel_loop3A_1054, %parallel_loop3A_1055], %parallel_loop3A_1058 {add = true, strides = array<i32>} : memref<4x80x128xf32, #tpu.memory_space<vmem>>, vector<1x1x16xf32>,
        %parallel_loop3A_1059 = arith.constant 7 : i32
        %parallel_loop3A_1060 = arith.addi %parallel_loop3A_282, %parallel_loop3A_1059 : i32
        %parallel_loop3A_1061 = arith.index_cast %parallel_loop3A_974 : i32 to index
        %parallel_loop3A_1062 = arith.constant 112 : index
        %parallel_loop3A_1063 = tpu.vector_load %arg7[%parallel_loop3A_1061, %parallel_loop3A_1062] {strides = array<i32>} : memref<240x128xf32, #tpu.memory_space<vmem>>, vector<1x16xf32>,
        %parallel_loop3A_1064 = vector.shape_cast %parallel_loop3A_1063 : vector<1x16xf32> to vector<16xf32>
        %parallel_loop3A_1065 = arith.index_cast %rem3A_213 : i32 to index
        %parallel_loop3A_1066 = arith.index_cast %parallel_loop3A_1060 : i32 to index
        %parallel_loop3A_1067 = arith.constant 112 : index
        %parallel_loop3A_1068 = tpu.vector_load %arg8[%parallel_loop3A_1065, %parallel_loop3A_1066, %parallel_loop3A_1067] {strides = array<i32>} : memref<4x80x128xf32, #tpu.memory_space<vmem>>, vector<1x1x16xf32>,
        %parallel_loop3A_1069 = vector.shape_cast %parallel_loop3A_1068 : vector<1x1x16xf32> to vector<16xf32>
        %parallel_loop3A_1070 = vector.shape_cast %parallel_loop3A_1064 : vector<16xf32> to vector<1x1x16xf32>
        tpu.vector_store %arg8[%parallel_loop3A_1065, %parallel_loop3A_1066, %parallel_loop3A_1067], %parallel_loop3A_1070 {add = true, strides = array<i32>} : memref<4x80x128xf32, #tpu.memory_space<vmem>>, vector<1x1x16xf32>,
        %parallel_loop3A_1071 = vector.extract_strided_slice %parallel_loop3A_286 {offsets = [8], sizes = [1], strides = [1]} : vector<16xi32> to vector<1xi32>
        %parallel_loop3A_1072 = vector.extract %parallel_loop3A_1071[0] : i32 from vector<1xi32>
        %parallel_loop3A_1073 = arith.constant 8 : i32
        %parallel_loop3A_1074 = arith.addi %parallel_loop3A_282, %parallel_loop3A_1073 : i32
        %parallel_loop3A_1075 = arith.index_cast %parallel_loop3A_1072 : i32 to index
        %parallel_loop3A_1076 = arith.constant 0 : index
        %parallel_loop3A_1077 = tpu.vector_load %arg7[%parallel_loop3A_1075, %parallel_loop3A_1076] {strides = array<i32>} : memref<240x128xf32, #tpu.memory_space<vmem>>, vector<1x16xf32>,
        %parallel_loop3A_1078 = vector.shape_cast %parallel_loop3A_1077 : vector<1x16xf32> to vector<16xf32>
        %parallel_loop3A_1079 = arith.index_cast %rem3A_213 : i32 to index
        %parallel_loop3A_1080 = arith.index_cast %parallel_loop3A_1074 : i32 to index
        %parallel_loop3A_1081 = arith.constant 0 : index
        %parallel_loop3A_1082 = tpu.vector_load %arg8[%parallel_loop3A_1079, %parallel_loop3A_1080, %parallel_loop3A_1081] {strides = array<i32>} : memref<4x80x128xf32, #tpu.memory_space<vmem>>, vector<1x1x16xf32>,
        %parallel_loop3A_1083 = vector.shape_cast %parallel_loop3A_1082 : vector<1x1x16xf32> to vector<16xf32>
        %parallel_loop3A_1084 = vector.shape_cast %parallel_loop3A_1078 : vector<16xf32> to vector<1x1x16xf32>
        tpu.vector_store %arg8[%parallel_loop3A_1079, %parallel_loop3A_1080, %parallel_loop3A_1081], %parallel_loop3A_1084 {add = true, strides = array<i32>} : memref<4x80x128xf32, #tpu.memory_space<vmem>>, vector<1x1x16xf32>,
        %parallel_loop3A_1085 = arith.constant 8 : i32
        %parallel_loop3A_1086 = arith.addi %parallel_loop3A_282, %parallel_loop3A_1085 : i32
        %parallel_loop3A_1087 = arith.index_cast %parallel_loop3A_1072 : i32 to index
        %parallel_loop3A_1088 = arith.constant 16 : index
        %parallel_loop3A_1089 = tpu.vector_load %arg7[%parallel_loop3A_1087, %parallel_loop3A_1088] {strides = array<i32>} : memref<240x128xf32, #tpu.memory_space<vmem>>, vector<1x16xf32>,
        %parallel_loop3A_1090 = vector.shape_cast %parallel_loop3A_1089 : vector<1x16xf32> to vector<16xf32>
        %parallel_loop3A_1091 = arith.index_cast %rem3A_213 : i32 to index
        %parallel_loop3A_1092 = arith.index_cast %parallel_loop3A_1086 : i32 to index
        %parallel_loop3A_1093 = arith.constant 16 : index
        %parallel_loop3A_1094 = tpu.vector_load %arg8[%parallel_loop3A_1091, %parallel_loop3A_1092, %parallel_loop3A_1093] {strides = array<i32>} : memref<4x80x128xf32, #tpu.memory_space<vmem>>, vector<1x1x16xf32>,
        %parallel_loop3A_1095 = vector.shape_cast %parallel_loop3A_1094 : vector<1x1x16xf32> to vector<16xf32>
        %parallel_loop3A_1096 = vector.shape_cast %parallel_loop3A_1090 : vector<16xf32> to vector<1x1x16xf32>
        tpu.vector_store %arg8[%parallel_loop3A_1091, %parallel_loop3A_1092, %parallel_loop3A_1093], %parallel_loop3A_1096 {add = true, strides = array<i32>} : memref<4x80x128xf32, #tpu.memory_space<vmem>>, vector<1x1x16xf32>,
        %parallel_loop3A_1097 = arith.constant 8 : i32
        %parallel_loop3A_1098 = arith.addi %parallel_loop3A_282, %parallel_loop3A_1097 : i32
        %parallel_loop3A_1099 = arith.index_cast %parallel_loop3A_1072 : i32 to index
        %parallel_loop3A_1100 = arith.constant 32 : index
        %parallel_loop3A_1101 = tpu.vector_load %arg7[%parallel_loop3A_1099, %parallel_loop3A_1100] {strides = array<i32>} : memref<240x128xf32, #tpu.memory_space<vmem>>, vector<1x16xf32>,
        %parallel_loop3A_1102 = vector.shape_cast %parallel_loop3A_1101 : vector<1x16xf32> to vector<16xf32>
        %parallel_loop3A_1103 = arith.index_cast %rem3A_213 : i32 to index
        %parallel_loop3A_1104 = arith.index_cast %parallel_loop3A_1098 : i32 to index
        %parallel_loop3A_1105 = arith.constant 32 : index
        %parallel_loop3A_1106 = tpu.vector_load %arg8[%parallel_loop3A_1103, %parallel_loop3A_1104, %parallel_loop3A_1105] {strides = array<i32>} : memref<4x80x128xf32, #tpu.memory_space<vmem>>, vector<1x1x16xf32>,
        %parallel_loop3A_1107 = vector.shape_cast %parallel_loop3A_1106 : vector<1x1x16xf32> to vector<16xf32>
        %parallel_loop3A_1108 = vector.shape_cast %parallel_loop3A_1102 : vector<16xf32> to vector<1x1x16xf32>
        tpu.vector_store %arg8[%parallel_loop3A_1103, %parallel_loop3A_1104, %parallel_loop3A_1105], %parallel_loop3A_1108 {add = true, strides = array<i32>} : memref<4x80x128xf32, #tpu.memory_space<vmem>>, vector<1x1x16xf32>,
        %parallel_loop3A_1109 = arith.constant 8 : i32
        %parallel_loop3A_1110 = arith.addi %parallel_loop3A_282, %parallel_loop3A_1109 : i32
        %parallel_loop3A_1111 = arith.index_cast %parallel_loop3A_1072 : i32 to index
        %parallel_loop3A_1112 = arith.constant 48 : index
        %parallel_loop3A_1113 = tpu.vector_load %arg7[%parallel_loop3A_1111, %parallel_loop3A_1112] {strides = array<i32>} : memref<240x128xf32, #tpu.memory_space<vmem>>, vector<1x16xf32>,
        %parallel_loop3A_1114 = vector.shape_cast %parallel_loop3A_1113 : vector<1x16xf32> to vector<16xf32>
        %parallel_loop3A_1115 = arith.index_cast %rem3A_213 : i32 to index
        %parallel_loop3A_1116 = arith.index_cast %parallel_loop3A_1110 : i32 to index
        %parallel_loop3A_1117 = arith.constant 48 : index
        %parallel_loop3A_1118 = tpu.vector_load %arg8[%parallel_loop3A_1115, %parallel_loop3A_1116, %parallel_loop3A_1117] {strides = array<i32>} : memref<4x80x128xf32, #tpu.memory_space<vmem>>, vector<1x1x16xf32>,
        %parallel_loop3A_1119 = vector.shape_cast %parallel_loop3A_1118 : vector<1x1x16xf32> to vector<16xf32>
        %parallel_loop3A_1120 = vector.shape_cast %parallel_loop3A_1114 : vector<16xf32> to vector<1x1x16xf32>
        tpu.vector_store %arg8[%parallel_loop3A_1115, %parallel_loop3A_1116, %parallel_loop3A_1117], %parallel_loop3A_1120 {add = true, strides = array<i32>} : memref<4x80x128xf32, #tpu.memory_space<vmem>>, vector<1x1x16xf32>,
        %parallel_loop3A_1121 = arith.constant 8 : i32
        %parallel_loop3A_1122 = arith.addi %parallel_loop3A_282, %parallel_loop3A_1121 : i32
        %parallel_loop3A_1123 = arith.index_cast %parallel_loop3A_1072 : i32 to index
        %parallel_loop3A_1124 = arith.constant 64 : index
        %parallel_loop3A_1125 = tpu.vector_load %arg7[%parallel_loop3A_1123, %parallel_loop3A_1124] {strides = array<i32>} : memref<240x128xf32, #tpu.memory_space<vmem>>, vector<1x16xf32>,
        %parallel_loop3A_1126 = vector.shape_cast %parallel_loop3A_1125 : vector<1x16xf32> to vector<16xf32>
        %parallel_loop3A_1127 = arith.index_cast %rem3A_213 : i32 to index
        %parallel_loop3A_1128 = arith.index_cast %parallel_loop3A_1122 : i32 to index
        %parallel_loop3A_1129 = arith.constant 64 : index
        %parallel_loop3A_1130 = tpu.vector_load %arg8[%parallel_loop3A_1127, %parallel_loop3A_1128, %parallel_loop3A_1129] {strides = array<i32>} : memref<4x80x128xf32, #tpu.memory_space<vmem>>, vector<1x1x16xf32>,
        %parallel_loop3A_1131 = vector.shape_cast %parallel_loop3A_1130 : vector<1x1x16xf32> to vector<16xf32>
        %parallel_loop3A_1132 = vector.shape_cast %parallel_loop3A_1126 : vector<16xf32> to vector<1x1x16xf32>
        tpu.vector_store %arg8[%parallel_loop3A_1127, %parallel_loop3A_1128, %parallel_loop3A_1129], %parallel_loop3A_1132 {add = true, strides = array<i32>} : memref<4x80x128xf32, #tpu.memory_space<vmem>>, vector<1x1x16xf32>,
        %parallel_loop3A_1133 = arith.constant 8 : i32
        %parallel_loop3A_1134 = arith.addi %parallel_loop3A_282, %parallel_loop3A_1133 : i32
        %parallel_loop3A_1135 = arith.index_cast %parallel_loop3A_1072 : i32 to index
        %parallel_loop3A_1136 = arith.constant 80 : index
        %parallel_loop3A_1137 = tpu.vector_load %arg7[%parallel_loop3A_1135, %parallel_loop3A_1136] {strides = array<i32>} : memref<240x128xf32, #tpu.memory_space<vmem>>, vector<1x16xf32>,
        %parallel_loop3A_1138 = vector.shape_cast %parallel_loop3A_1137 : vector<1x16xf32> to vector<16xf32>
        %parallel_loop3A_1139 = arith.index_cast %rem3A_213 : i32 to index
        %parallel_loop3A_1140 = arith.index_cast %parallel_loop3A_1134 : i32 to index
        %parallel_loop3A_1141 = arith.constant 80 : index
        %parallel_loop3A_1142 = tpu.vector_load %arg8[%parallel_loop3A_1139, %parallel_loop3A_1140, %parallel_loop3A_1141] {strides = array<i32>} : memref<4x80x128xf32, #tpu.memory_space<vmem>>, vector<1x1x16xf32>,
        %parallel_loop3A_1143 = vector.shape_cast %parallel_loop3A_1142 : vector<1x1x16xf32> to vector<16xf32>
        %parallel_loop3A_1144 = vector.shape_cast %parallel_loop3A_1138 : vector<16xf32> to vector<1x1x16xf32>
        tpu.vector_store %arg8[%parallel_loop3A_1139, %parallel_loop3A_1140, %parallel_loop3A_1141], %parallel_loop3A_1144 {add = true, strides = array<i32>} : memref<4x80x128xf32, #tpu.memory_space<vmem>>, vector<1x1x16xf32>,
        %parallel_loop3A_1145 = arith.constant 8 : i32
        %parallel_loop3A_1146 = arith.addi %parallel_loop3A_282, %parallel_loop3A_1145 : i32
        %parallel_loop3A_1147 = arith.index_cast %parallel_loop3A_1072 : i32 to index
        %parallel_loop3A_1148 = arith.constant 96 : index
        %parallel_loop3A_1149 = tpu.vector_load %arg7[%parallel_loop3A_1147, %parallel_loop3A_1148] {strides = array<i32>} : memref<240x128xf32, #tpu.memory_space<vmem>>, vector<1x16xf32>,
        %parallel_loop3A_1150 = vector.shape_cast %parallel_loop3A_1149 : vector<1x16xf32> to vector<16xf32>
        %parallel_loop3A_1151 = arith.index_cast %rem3A_213 : i32 to index
        %parallel_loop3A_1152 = arith.index_cast %parallel_loop3A_1146 : i32 to index
        %parallel_loop3A_1153 = arith.constant 96 : index
        %parallel_loop3A_1154 = tpu.vector_load %arg8[%parallel_loop3A_1151, %parallel_loop3A_1152, %parallel_loop3A_1153] {strides = array<i32>} : memref<4x80x128xf32, #tpu.memory_space<vmem>>, vector<1x1x16xf32>,
        %parallel_loop3A_1155 = vector.shape_cast %parallel_loop3A_1154 : vector<1x1x16xf32> to vector<16xf32>
        %parallel_loop3A_1156 = vector.shape_cast %parallel_loop3A_1150 : vector<16xf32> to vector<1x1x16xf32>
        tpu.vector_store %arg8[%parallel_loop3A_1151, %parallel_loop3A_1152, %parallel_loop3A_1153], %parallel_loop3A_1156 {add = true, strides = array<i32>} : memref<4x80x128xf32, #tpu.memory_space<vmem>>, vector<1x1x16xf32>,
        %parallel_loop3A_1157 = arith.constant 8 : i32
        %parallel_loop3A_1158 = arith.addi %parallel_loop3A_282, %parallel_loop3A_1157 : i32
        %parallel_loop3A_1159 = arith.index_cast %parallel_loop3A_1072 : i32 to index
        %parallel_loop3A_1160 = arith.constant 112 : index
        %parallel_loop3A_1161 = tpu.vector_load %arg7[%parallel_loop3A_1159, %parallel_loop3A_1160] {strides = array<i32>} : memref<240x128xf32, #tpu.memory_space<vmem>>, vector<1x16xf32>,
        %parallel_loop3A_1162 = vector.shape_cast %parallel_loop3A_1161 : vector<1x16xf32> to vector<16xf32>
        %parallel_loop3A_1163 = arith.index_cast %rem3A_213 : i32 to index
        %parallel_loop3A_1164 = arith.index_cast %parallel_loop3A_1158 : i32 to index
        %parallel_loop3A_1165 = arith.constant 112 : index
        %parallel_loop3A_1166 = tpu.vector_load %arg8[%parallel_loop3A_1163, %parallel_loop3A_1164, %parallel_loop3A_1165] {strides = array<i32>} : memref<4x80x128xf32, #tpu.memory_space<vmem>>, vector<1x1x16xf32>,
        %parallel_loop3A_1167 = vector.shape_cast %parallel_loop3A_1166 : vector<1x1x16xf32> to vector<16xf32>
        %parallel_loop3A_1168 = vector.shape_cast %parallel_loop3A_1162 : vector<16xf32> to vector<1x1x16xf32>
        tpu.vector_store %arg8[%parallel_loop3A_1163, %parallel_loop3A_1164, %parallel_loop3A_1165], %parallel_loop3A_1168 {add = true, strides = array<i32>} : memref<4x80x128xf32, #tpu.memory_space<vmem>>, vector<1x1x16xf32>,
        %parallel_loop3A_1169 = vector.extract_strided_slice %parallel_loop3A_286 {offsets = [9], sizes = [1], strides = [1]} : vector<16xi32> to vector<1xi32>
        %parallel_loop3A_1170 = vector.extract %parallel_loop3A_1169[0] : i32 from vector<1xi32>
        %parallel_loop3A_1171 = arith.constant 9 : i32
        %parallel_loop3A_1172 = arith.addi %parallel_loop3A_282, %parallel_loop3A_1171 : i32
        %parallel_loop3A_1173 = arith.index_cast %parallel_loop3A_1170 : i32 to index
        %parallel_loop3A_1174 = arith.constant 0 : index
        %parallel_loop3A_1175 = tpu.vector_load %arg7[%parallel_loop3A_1173, %parallel_loop3A_1174] {strides = array<i32>} : memref<240x128xf32, #tpu.memory_space<vmem>>, vector<1x16xf32>,
        %parallel_loop3A_1176 = vector.shape_cast %parallel_loop3A_1175 : vector<1x16xf32> to vector<16xf32>
        %parallel_loop3A_1177 = arith.index_cast %rem3A_213 : i32 to index
        %parallel_loop3A_1178 = arith.index_cast %parallel_loop3A_1172 : i32 to index
        %parallel_loop3A_1179 = arith.constant 0 : index
        %parallel_loop3A_1180 = tpu.vector_load %arg8[%parallel_loop3A_1177, %parallel_loop3A_1178, %parallel_loop3A_1179] {strides = array<i32>} : memref<4x80x128xf32, #tpu.memory_space<vmem>>, vector<1x1x16xf32>,
        %parallel_loop3A_1181 = vector.shape_cast %parallel_loop3A_1180 : vector<1x1x16xf32> to vector<16xf32>
        %parallel_loop3A_1182 = vector.shape_cast %parallel_loop3A_1176 : vector<16xf32> to vector<1x1x16xf32>
        tpu.vector_store %arg8[%parallel_loop3A_1177, %parallel_loop3A_1178, %parallel_loop3A_1179], %parallel_loop3A_1182 {add = true, strides = array<i32>} : memref<4x80x128xf32, #tpu.memory_space<vmem>>, vector<1x1x16xf32>,
        %parallel_loop3A_1183 = arith.constant 9 : i32
        %parallel_loop3A_1184 = arith.addi %parallel_loop3A_282, %parallel_loop3A_1183 : i32
        %parallel_loop3A_1185 = arith.index_cast %parallel_loop3A_1170 : i32 to index
        %parallel_loop3A_1186 = arith.constant 16 : index
        %parallel_loop3A_1187 = tpu.vector_load %arg7[%parallel_loop3A_1185, %parallel_loop3A_1186] {strides = array<i32>} : memref<240x128xf32, #tpu.memory_space<vmem>>, vector<1x16xf32>,
        %parallel_loop3A_1188 = vector.shape_cast %parallel_loop3A_1187 : vector<1x16xf32> to vector<16xf32>
        %parallel_loop3A_1189 = arith.index_cast %rem3A_213 : i32 to index
        %parallel_loop3A_1190 = arith.index_cast %parallel_loop3A_1184 : i32 to index
        %parallel_loop3A_1191 = arith.constant 16 : index
        %parallel_loop3A_1192 = tpu.vector_load %arg8[%parallel_loop3A_1189, %parallel_loop3A_1190, %parallel_loop3A_1191] {strides = array<i32>} : memref<4x80x128xf32, #tpu.memory_space<vmem>>, vector<1x1x16xf32>,
        %parallel_loop3A_1193 = vector.shape_cast %parallel_loop3A_1192 : vector<1x1x16xf32> to vector<16xf32>
        %parallel_loop3A_1194 = vector.shape_cast %parallel_loop3A_1188 : vector<16xf32> to vector<1x1x16xf32>
        tpu.vector_store %arg8[%parallel_loop3A_1189, %parallel_loop3A_1190, %parallel_loop3A_1191], %parallel_loop3A_1194 {add = true, strides = array<i32>} : memref<4x80x128xf32, #tpu.memory_space<vmem>>, vector<1x1x16xf32>,
        %parallel_loop3A_1195 = arith.constant 9 : i32
        %parallel_loop3A_1196 = arith.addi %parallel_loop3A_282, %parallel_loop3A_1195 : i32
        %parallel_loop3A_1197 = arith.index_cast %parallel_loop3A_1170 : i32 to index
        %parallel_loop3A_1198 = arith.constant 32 : index
        %parallel_loop3A_1199 = tpu.vector_load %arg7[%parallel_loop3A_1197, %parallel_loop3A_1198] {strides = array<i32>} : memref<240x128xf32, #tpu.memory_space<vmem>>, vector<1x16xf32>,
        %parallel_loop3A_1200 = vector.shape_cast %parallel_loop3A_1199 : vector<1x16xf32> to vector<16xf32>
        %parallel_loop3A_1201 = arith.index_cast %rem3A_213 : i32 to index
        %parallel_loop3A_1202 = arith.index_cast %parallel_loop3A_1196 : i32 to index
        %parallel_loop3A_1203 = arith.constant 32 : index
        %parallel_loop3A_1204 = tpu.vector_load %arg8[%parallel_loop3A_1201, %parallel_loop3A_1202, %parallel_loop3A_1203] {strides = array<i32>} : memref<4x80x128xf32, #tpu.memory_space<vmem>>, vector<1x1x16xf32>,
        %parallel_loop3A_1205 = vector.shape_cast %parallel_loop3A_1204 : vector<1x1x16xf32> to vector<16xf32>
        %parallel_loop3A_1206 = vector.shape_cast %parallel_loop3A_1200 : vector<16xf32> to vector<1x1x16xf32>
        tpu.vector_store %arg8[%parallel_loop3A_1201, %parallel_loop3A_1202, %parallel_loop3A_1203], %parallel_loop3A_1206 {add = true, strides = array<i32>} : memref<4x80x128xf32, #tpu.memory_space<vmem>>, vector<1x1x16xf32>,
        %parallel_loop3A_1207 = arith.constant 9 : i32
        %parallel_loop3A_1208 = arith.addi %parallel_loop3A_282, %parallel_loop3A_1207 : i32
        %parallel_loop3A_1209 = arith.index_cast %parallel_loop3A_1170 : i32 to index
        %parallel_loop3A_1210 = arith.constant 48 : index
        %parallel_loop3A_1211 = tpu.vector_load %arg7[%parallel_loop3A_1209, %parallel_loop3A_1210] {strides = array<i32>} : memref<240x128xf32, #tpu.memory_space<vmem>>, vector<1x16xf32>,
        %parallel_loop3A_1212 = vector.shape_cast %parallel_loop3A_1211 : vector<1x16xf32> to vector<16xf32>
        %parallel_loop3A_1213 = arith.index_cast %rem3A_213 : i32 to index
        %parallel_loop3A_1214 = arith.index_cast %parallel_loop3A_1208 : i32 to index
        %parallel_loop3A_1215 = arith.constant 48 : index
        %parallel_loop3A_1216 = tpu.vector_load %arg8[%parallel_loop3A_1213, %parallel_loop3A_1214, %parallel_loop3A_1215] {strides = array<i32>} : memref<4x80x128xf32, #tpu.memory_space<vmem>>, vector<1x1x16xf32>,
        %parallel_loop3A_1217 = vector.shape_cast %parallel_loop3A_1216 : vector<1x1x16xf32> to vector<16xf32>
        %parallel_loop3A_1218 = vector.shape_cast %parallel_loop3A_1212 : vector<16xf32> to vector<1x1x16xf32>
        tpu.vector_store %arg8[%parallel_loop3A_1213, %parallel_loop3A_1214, %parallel_loop3A_1215], %parallel_loop3A_1218 {add = true, strides = array<i32>} : memref<4x80x128xf32, #tpu.memory_space<vmem>>, vector<1x1x16xf32>,
        %parallel_loop3A_1219 = arith.constant 9 : i32
        %parallel_loop3A_1220 = arith.addi %parallel_loop3A_282, %parallel_loop3A_1219 : i32
        %parallel_loop3A_1221 = arith.index_cast %parallel_loop3A_1170 : i32 to index
        %parallel_loop3A_1222 = arith.constant 64 : index
        %parallel_loop3A_1223 = tpu.vector_load %arg7[%parallel_loop3A_1221, %parallel_loop3A_1222] {strides = array<i32>} : memref<240x128xf32, #tpu.memory_space<vmem>>, vector<1x16xf32>,
        %parallel_loop3A_1224 = vector.shape_cast %parallel_loop3A_1223 : vector<1x16xf32> to vector<16xf32>
        %parallel_loop3A_1225 = arith.index_cast %rem3A_213 : i32 to index
        %parallel_loop3A_1226 = arith.index_cast %parallel_loop3A_1220 : i32 to index
        %parallel_loop3A_1227 = arith.constant 64 : index
        %parallel_loop3A_1228 = tpu.vector_load %arg8[%parallel_loop3A_1225, %parallel_loop3A_1226, %parallel_loop3A_1227] {strides = array<i32>} : memref<4x80x128xf32, #tpu.memory_space<vmem>>, vector<1x1x16xf32>,
        %parallel_loop3A_1229 = vector.shape_cast %parallel_loop3A_1228 : vector<1x1x16xf32> to vector<16xf32>
        %parallel_loop3A_1230 = vector.shape_cast %parallel_loop3A_1224 : vector<16xf32> to vector<1x1x16xf32>
        tpu.vector_store %arg8[%parallel_loop3A_1225, %parallel_loop3A_1226, %parallel_loop3A_1227], %parallel_loop3A_1230 {add = true, strides = array<i32>} : memref<4x80x128xf32, #tpu.memory_space<vmem>>, vector<1x1x16xf32>,
        %parallel_loop3A_1231 = arith.constant 9 : i32
        %parallel_loop3A_1232 = arith.addi %parallel_loop3A_282, %parallel_loop3A_1231 : i32
        %parallel_loop3A_1233 = arith.index_cast %parallel_loop3A_1170 : i32 to index
        %parallel_loop3A_1234 = arith.constant 80 : index
        %parallel_loop3A_1235 = tpu.vector_load %arg7[%parallel_loop3A_1233, %parallel_loop3A_1234] {strides = array<i32>} : memref<240x128xf32, #tpu.memory_space<vmem>>, vector<1x16xf32>,
        %parallel_loop3A_1236 = vector.shape_cast %parallel_loop3A_1235 : vector<1x16xf32> to vector<16xf32>
        %parallel_loop3A_1237 = arith.index_cast %rem3A_213 : i32 to index
        %parallel_loop3A_1238 = arith.index_cast %parallel_loop3A_1232 : i32 to index
        %parallel_loop3A_1239 = arith.constant 80 : index
        %parallel_loop3A_1240 = tpu.vector_load %arg8[%parallel_loop3A_1237, %parallel_loop3A_1238, %parallel_loop3A_1239] {strides = array<i32>} : memref<4x80x128xf32, #tpu.memory_space<vmem>>, vector<1x1x16xf32>,
        %parallel_loop3A_1241 = vector.shape_cast %parallel_loop3A_1240 : vector<1x1x16xf32> to vector<16xf32>
        %parallel_loop3A_1242 = vector.shape_cast %parallel_loop3A_1236 : vector<16xf32> to vector<1x1x16xf32>
        tpu.vector_store %arg8[%parallel_loop3A_1237, %parallel_loop3A_1238, %parallel_loop3A_1239], %parallel_loop3A_1242 {add = true, strides = array<i32>} : memref<4x80x128xf32, #tpu.memory_space<vmem>>, vector<1x1x16xf32>,
        %parallel_loop3A_1243 = arith.constant 9 : i32
        %parallel_loop3A_1244 = arith.addi %parallel_loop3A_282, %parallel_loop3A_1243 : i32
        %parallel_loop3A_1245 = arith.index_cast %parallel_loop3A_1170 : i32 to index
        %parallel_loop3A_1246 = arith.constant 96 : index
        %parallel_loop3A_1247 = tpu.vector_load %arg7[%parallel_loop3A_1245, %parallel_loop3A_1246] {strides = array<i32>} : memref<240x128xf32, #tpu.memory_space<vmem>>, vector<1x16xf32>,
        %parallel_loop3A_1248 = vector.shape_cast %parallel_loop3A_1247 : vector<1x16xf32> to vector<16xf32>
        %parallel_loop3A_1249 = arith.index_cast %rem3A_213 : i32 to index
        %parallel_loop3A_1250 = arith.index_cast %parallel_loop3A_1244 : i32 to index
        %parallel_loop3A_1251 = arith.constant 96 : index
        %parallel_loop3A_1252 = tpu.vector_load %arg8[%parallel_loop3A_1249, %parallel_loop3A_1250, %parallel_loop3A_1251] {strides = array<i32>} : memref<4x80x128xf32, #tpu.memory_space<vmem>>, vector<1x1x16xf32>,
        %parallel_loop3A_1253 = vector.shape_cast %parallel_loop3A_1252 : vector<1x1x16xf32> to vector<16xf32>
        %parallel_loop3A_1254 = vector.shape_cast %parallel_loop3A_1248 : vector<16xf32> to vector<1x1x16xf32>
        tpu.vector_store %arg8[%parallel_loop3A_1249, %parallel_loop3A_1250, %parallel_loop3A_1251], %parallel_loop3A_1254 {add = true, strides = array<i32>} : memref<4x80x128xf32, #tpu.memory_space<vmem>>, vector<1x1x16xf32>,
        %parallel_loop3A_1255 = arith.constant 9 : i32
        %parallel_loop3A_1256 = arith.addi %parallel_loop3A_282, %parallel_loop3A_1255 : i32
        %parallel_loop3A_1257 = arith.index_cast %parallel_loop3A_1170 : i32 to index
        %parallel_loop3A_1258 = arith.constant 112 : index
        %parallel_loop3A_1259 = tpu.vector_load %arg7[%parallel_loop3A_1257, %parallel_loop3A_1258] {strides = array<i32>} : memref<240x128xf32, #tpu.memory_space<vmem>>, vector<1x16xf32>,
        %parallel_loop3A_1260 = vector.shape_cast %parallel_loop3A_1259 : vector<1x16xf32> to vector<16xf32>
        %parallel_loop3A_1261 = arith.index_cast %rem3A_213 : i32 to index
        %parallel_loop3A_1262 = arith.index_cast %parallel_loop3A_1256 : i32 to index
        %parallel_loop3A_1263 = arith.constant 112 : index
        %parallel_loop3A_1264 = tpu.vector_load %arg8[%parallel_loop3A_1261, %parallel_loop3A_1262, %parallel_loop3A_1263] {strides = array<i32>} : memref<4x80x128xf32, #tpu.memory_space<vmem>>, vector<1x1x16xf32>,
        %parallel_loop3A_1265 = vector.shape_cast %parallel_loop3A_1264 : vector<1x1x16xf32> to vector<16xf32>
        %parallel_loop3A_1266 = vector.shape_cast %parallel_loop3A_1260 : vector<16xf32> to vector<1x1x16xf32>
        tpu.vector_store %arg8[%parallel_loop3A_1261, %parallel_loop3A_1262, %parallel_loop3A_1263], %parallel_loop3A_1266 {add = true, strides = array<i32>} : memref<4x80x128xf32, #tpu.memory_space<vmem>>, vector<1x1x16xf32>,
        %parallel_loop3A_1267 = vector.extract_strided_slice %parallel_loop3A_286 {offsets = [10], sizes = [1], strides = [1]} : vector<16xi32> to vector<1xi32>
        %parallel_loop3A_1268 = vector.extract %parallel_loop3A_1267[0] : i32 from vector<1xi32>
        %parallel_loop3A_1269 = arith.constant 10 : i32
        %parallel_loop3A_1270 = arith.addi %parallel_loop3A_282, %parallel_loop3A_1269 : i32
        %parallel_loop3A_1271 = arith.index_cast %parallel_loop3A_1268 : i32 to index
        %parallel_loop3A_1272 = arith.constant 0 : index
        %parallel_loop3A_1273 = tpu.vector_load %arg7[%parallel_loop3A_1271, %parallel_loop3A_1272] {strides = array<i32>} : memref<240x128xf32, #tpu.memory_space<vmem>>, vector<1x16xf32>,
        %parallel_loop3A_1274 = vector.shape_cast %parallel_loop3A_1273 : vector<1x16xf32> to vector<16xf32>
        %parallel_loop3A_1275 = arith.index_cast %rem3A_213 : i32 to index
        %parallel_loop3A_1276 = arith.index_cast %parallel_loop3A_1270 : i32 to index
        %parallel_loop3A_1277 = arith.constant 0 : index
        %parallel_loop3A_1278 = tpu.vector_load %arg8[%parallel_loop3A_1275, %parallel_loop3A_1276, %parallel_loop3A_1277] {strides = array<i32>} : memref<4x80x128xf32, #tpu.memory_space<vmem>>, vector<1x1x16xf32>,
        %parallel_loop3A_1279 = vector.shape_cast %parallel_loop3A_1278 : vector<1x1x16xf32> to vector<16xf32>
        %parallel_loop3A_1280 = vector.shape_cast %parallel_loop3A_1274 : vector<16xf32> to vector<1x1x16xf32>
        tpu.vector_store %arg8[%parallel_loop3A_1275, %parallel_loop3A_1276, %parallel_loop3A_1277], %parallel_loop3A_1280 {add = true, strides = array<i32>} : memref<4x80x128xf32, #tpu.memory_space<vmem>>, vector<1x1x16xf32>,
        %parallel_loop3A_1281 = arith.constant 10 : i32
        %parallel_loop3A_1282 = arith.addi %parallel_loop3A_282, %parallel_loop3A_1281 : i32
        %parallel_loop3A_1283 = arith.index_cast %parallel_loop3A_1268 : i32 to index
        %parallel_loop3A_1284 = arith.constant 16 : index
        %parallel_loop3A_1285 = tpu.vector_load %arg7[%parallel_loop3A_1283, %parallel_loop3A_1284] {strides = array<i32>} : memref<240x128xf32, #tpu.memory_space<vmem>>, vector<1x16xf32>,
        %parallel_loop3A_1286 = vector.shape_cast %parallel_loop3A_1285 : vector<1x16xf32> to vector<16xf32>
        %parallel_loop3A_1287 = arith.index_cast %rem3A_213 : i32 to index
        %parallel_loop3A_1288 = arith.index_cast %parallel_loop3A_1282 : i32 to index
        %parallel_loop3A_1289 = arith.constant 16 : index
        %parallel_loop3A_1290 = tpu.vector_load %arg8[%parallel_loop3A_1287, %parallel_loop3A_1288, %parallel_loop3A_1289] {strides = array<i32>} : memref<4x80x128xf32, #tpu.memory_space<vmem>>, vector<1x1x16xf32>,
        %parallel_loop3A_1291 = vector.shape_cast %parallel_loop3A_1290 : vector<1x1x16xf32> to vector<16xf32>
        %parallel_loop3A_1292 = vector.shape_cast %parallel_loop3A_1286 : vector<16xf32> to vector<1x1x16xf32>
        tpu.vector_store %arg8[%parallel_loop3A_1287, %parallel_loop3A_1288, %parallel_loop3A_1289], %parallel_loop3A_1292 {add = true, strides = array<i32>} : memref<4x80x128xf32, #tpu.memory_space<vmem>>, vector<1x1x16xf32>,
        %parallel_loop3A_1293 = arith.constant 10 : i32
        %parallel_loop3A_1294 = arith.addi %parallel_loop3A_282, %parallel_loop3A_1293 : i32
        %parallel_loop3A_1295 = arith.index_cast %parallel_loop3A_1268 : i32 to index
        %parallel_loop3A_1296 = arith.constant 32 : index
        %parallel_loop3A_1297 = tpu.vector_load %arg7[%parallel_loop3A_1295, %parallel_loop3A_1296] {strides = array<i32>} : memref<240x128xf32, #tpu.memory_space<vmem>>, vector<1x16xf32>,
        %parallel_loop3A_1298 = vector.shape_cast %parallel_loop3A_1297 : vector<1x16xf32> to vector<16xf32>
        %parallel_loop3A_1299 = arith.index_cast %rem3A_213 : i32 to index
        %parallel_loop3A_1300 = arith.index_cast %parallel_loop3A_1294 : i32 to index
        %parallel_loop3A_1301 = arith.constant 32 : index
        %parallel_loop3A_1302 = tpu.vector_load %arg8[%parallel_loop3A_1299, %parallel_loop3A_1300, %parallel_loop3A_1301] {strides = array<i32>} : memref<4x80x128xf32, #tpu.memory_space<vmem>>, vector<1x1x16xf32>,
        %parallel_loop3A_1303 = vector.shape_cast %parallel_loop3A_1302 : vector<1x1x16xf32> to vector<16xf32>
        %parallel_loop3A_1304 = vector.shape_cast %parallel_loop3A_1298 : vector<16xf32> to vector<1x1x16xf32>
        tpu.vector_store %arg8[%parallel_loop3A_1299, %parallel_loop3A_1300, %parallel_loop3A_1301], %parallel_loop3A_1304 {add = true, strides = array<i32>} : memref<4x80x128xf32, #tpu.memory_space<vmem>>, vector<1x1x16xf32>,
        %parallel_loop3A_1305 = arith.constant 10 : i32
        %parallel_loop3A_1306 = arith.addi %parallel_loop3A_282, %parallel_loop3A_1305 : i32
        %parallel_loop3A_1307 = arith.index_cast %parallel_loop3A_1268 : i32 to index
        %parallel_loop3A_1308 = arith.constant 48 : index
        %parallel_loop3A_1309 = tpu.vector_load %arg7[%parallel_loop3A_1307, %parallel_loop3A_1308] {strides = array<i32>} : memref<240x128xf32, #tpu.memory_space<vmem>>, vector<1x16xf32>,
        %parallel_loop3A_1310 = vector.shape_cast %parallel_loop3A_1309 : vector<1x16xf32> to vector<16xf32>
        %parallel_loop3A_1311 = arith.index_cast %rem3A_213 : i32 to index
        %parallel_loop3A_1312 = arith.index_cast %parallel_loop3A_1306 : i32 to index
        %parallel_loop3A_1313 = arith.constant 48 : index
        %parallel_loop3A_1314 = tpu.vector_load %arg8[%parallel_loop3A_1311, %parallel_loop3A_1312, %parallel_loop3A_1313] {strides = array<i32>} : memref<4x80x128xf32, #tpu.memory_space<vmem>>, vector<1x1x16xf32>,
        %parallel_loop3A_1315 = vector.shape_cast %parallel_loop3A_1314 : vector<1x1x16xf32> to vector<16xf32>
        %parallel_loop3A_1316 = vector.shape_cast %parallel_loop3A_1310 : vector<16xf32> to vector<1x1x16xf32>
        tpu.vector_store %arg8[%parallel_loop3A_1311, %parallel_loop3A_1312, %parallel_loop3A_1313], %parallel_loop3A_1316 {add = true, strides = array<i32>} : memref<4x80x128xf32, #tpu.memory_space<vmem>>, vector<1x1x16xf32>,
        %parallel_loop3A_1317 = arith.constant 10 : i32
        %parallel_loop3A_1318 = arith.addi %parallel_loop3A_282, %parallel_loop3A_1317 : i32
        %parallel_loop3A_1319 = arith.index_cast %parallel_loop3A_1268 : i32 to index
        %parallel_loop3A_1320 = arith.constant 64 : index
        %parallel_loop3A_1321 = tpu.vector_load %arg7[%parallel_loop3A_1319, %parallel_loop3A_1320] {strides = array<i32>} : memref<240x128xf32, #tpu.memory_space<vmem>>, vector<1x16xf32>,
        %parallel_loop3A_1322 = vector.shape_cast %parallel_loop3A_1321 : vector<1x16xf32> to vector<16xf32>
        %parallel_loop3A_1323 = arith.index_cast %rem3A_213 : i32 to index
        %parallel_loop3A_1324 = arith.index_cast %parallel_loop3A_1318 : i32 to index
        %parallel_loop3A_1325 = arith.constant 64 : index
        %parallel_loop3A_1326 = tpu.vector_load %arg8[%parallel_loop3A_1323, %parallel_loop3A_1324, %parallel_loop3A_1325] {strides = array<i32>} : memref<4x80x128xf32, #tpu.memory_space<vmem>>, vector<1x1x16xf32>,
        %parallel_loop3A_1327 = vector.shape_cast %parallel_loop3A_1326 : vector<1x1x16xf32> to vector<16xf32>
        %parallel_loop3A_1328 = vector.shape_cast %parallel_loop3A_1322 : vector<16xf32> to vector<1x1x16xf32>
        tpu.vector_store %arg8[%parallel_loop3A_1323, %parallel_loop3A_1324, %parallel_loop3A_1325], %parallel_loop3A_1328 {add = true, strides = array<i32>} : memref<4x80x128xf32, #tpu.memory_space<vmem>>, vector<1x1x16xf32>,
        %parallel_loop3A_1329 = arith.constant 10 : i32
        %parallel_loop3A_1330 = arith.addi %parallel_loop3A_282, %parallel_loop3A_1329 : i32
        %parallel_loop3A_1331 = arith.index_cast %parallel_loop3A_1268 : i32 to index
        %parallel_loop3A_1332 = arith.constant 80 : index
        %parallel_loop3A_1333 = tpu.vector_load %arg7[%parallel_loop3A_1331, %parallel_loop3A_1332] {strides = array<i32>} : memref<240x128xf32, #tpu.memory_space<vmem>>, vector<1x16xf32>,
        %parallel_loop3A_1334 = vector.shape_cast %parallel_loop3A_1333 : vector<1x16xf32> to vector<16xf32>
        %parallel_loop3A_1335 = arith.index_cast %rem3A_213 : i32 to index
        %parallel_loop3A_1336 = arith.index_cast %parallel_loop3A_1330 : i32 to index
        %parallel_loop3A_1337 = arith.constant 80 : index
        %parallel_loop3A_1338 = tpu.vector_load %arg8[%parallel_loop3A_1335, %parallel_loop3A_1336, %parallel_loop3A_1337] {strides = array<i32>} : memref<4x80x128xf32, #tpu.memory_space<vmem>>, vector<1x1x16xf32>,
        %parallel_loop3A_1339 = vector.shape_cast %parallel_loop3A_1338 : vector<1x1x16xf32> to vector<16xf32>
        %parallel_loop3A_1340 = vector.shape_cast %parallel_loop3A_1334 : vector<16xf32> to vector<1x1x16xf32>
        tpu.vector_store %arg8[%parallel_loop3A_1335, %parallel_loop3A_1336, %parallel_loop3A_1337], %parallel_loop3A_1340 {add = true, strides = array<i32>} : memref<4x80x128xf32, #tpu.memory_space<vmem>>, vector<1x1x16xf32>,
        %parallel_loop3A_1341 = arith.constant 10 : i32
        %parallel_loop3A_1342 = arith.addi %parallel_loop3A_282, %parallel_loop3A_1341 : i32
        %parallel_loop3A_1343 = arith.index_cast %parallel_loop3A_1268 : i32 to index
        %parallel_loop3A_1344 = arith.constant 96 : index
        %parallel_loop3A_1345 = tpu.vector_load %arg7[%parallel_loop3A_1343, %parallel_loop3A_1344] {strides = array<i32>} : memref<240x128xf32, #tpu.memory_space<vmem>>, vector<1x16xf32>,
        %parallel_loop3A_1346 = vector.shape_cast %parallel_loop3A_1345 : vector<1x16xf32> to vector<16xf32>
        %parallel_loop3A_1347 = arith.index_cast %rem3A_213 : i32 to index
        %parallel_loop3A_1348 = arith.index_cast %parallel_loop3A_1342 : i32 to index
        %parallel_loop3A_1349 = arith.constant 96 : index
        %parallel_loop3A_1350 = tpu.vector_load %arg8[%parallel_loop3A_1347, %parallel_loop3A_1348, %parallel_loop3A_1349] {strides = array<i32>} : memref<4x80x128xf32, #tpu.memory_space<vmem>>, vector<1x1x16xf32>,
        %parallel_loop3A_1351 = vector.shape_cast %parallel_loop3A_1350 : vector<1x1x16xf32> to vector<16xf32>
        %parallel_loop3A_1352 = vector.shape_cast %parallel_loop3A_1346 : vector<16xf32> to vector<1x1x16xf32>
        tpu.vector_store %arg8[%parallel_loop3A_1347, %parallel_loop3A_1348, %parallel_loop3A_1349], %parallel_loop3A_1352 {add = true, strides = array<i32>} : memref<4x80x128xf32, #tpu.memory_space<vmem>>, vector<1x1x16xf32>,
        %parallel_loop3A_1353 = arith.constant 10 : i32
        %parallel_loop3A_1354 = arith.addi %parallel_loop3A_282, %parallel_loop3A_1353 : i32
        %parallel_loop3A_1355 = arith.index_cast %parallel_loop3A_1268 : i32 to index
        %parallel_loop3A_1356 = arith.constant 112 : index
        %parallel_loop3A_1357 = tpu.vector_load %arg7[%parallel_loop3A_1355, %parallel_loop3A_1356] {strides = array<i32>} : memref<240x128xf32, #tpu.memory_space<vmem>>, vector<1x16xf32>,
        %parallel_loop3A_1358 = vector.shape_cast %parallel_loop3A_1357 : vector<1x16xf32> to vector<16xf32>
        %parallel_loop3A_1359 = arith.index_cast %rem3A_213 : i32 to index
        %parallel_loop3A_1360 = arith.index_cast %parallel_loop3A_1354 : i32 to index
        %parallel_loop3A_1361 = arith.constant 112 : index
        %parallel_loop3A_1362 = tpu.vector_load %arg8[%parallel_loop3A_1359, %parallel_loop3A_1360, %parallel_loop3A_1361] {strides = array<i32>} : memref<4x80x128xf32, #tpu.memory_space<vmem>>, vector<1x1x16xf32>,
        %parallel_loop3A_1363 = vector.shape_cast %parallel_loop3A_1362 : vector<1x1x16xf32> to vector<16xf32>
        %parallel_loop3A_1364 = vector.shape_cast %parallel_loop3A_1358 : vector<16xf32> to vector<1x1x16xf32>
        tpu.vector_store %arg8[%parallel_loop3A_1359, %parallel_loop3A_1360, %parallel_loop3A_1361], %parallel_loop3A_1364 {add = true, strides = array<i32>} : memref<4x80x128xf32, #tpu.memory_space<vmem>>, vector<1x1x16xf32>,
        %parallel_loop3A_1365 = vector.extract_strided_slice %parallel_loop3A_286 {offsets = [11], sizes = [1], strides = [1]} : vector<16xi32> to vector<1xi32>
        %parallel_loop3A_1366 = vector.extract %parallel_loop3A_1365[0] : i32 from vector<1xi32>
        %parallel_loop3A_1367 = arith.constant 11 : i32
        %parallel_loop3A_1368 = arith.addi %parallel_loop3A_282, %parallel_loop3A_1367 : i32
        %parallel_loop3A_1369 = arith.index_cast %parallel_loop3A_1366 : i32 to index
        %parallel_loop3A_1370 = arith.constant 0 : index
        %parallel_loop3A_1371 = tpu.vector_load %arg7[%parallel_loop3A_1369, %parallel_loop3A_1370] {strides = array<i32>} : memref<240x128xf32, #tpu.memory_space<vmem>>, vector<1x16xf32>,
        %parallel_loop3A_1372 = vector.shape_cast %parallel_loop3A_1371 : vector<1x16xf32> to vector<16xf32>
        %parallel_loop3A_1373 = arith.index_cast %rem3A_213 : i32 to index
        %parallel_loop3A_1374 = arith.index_cast %parallel_loop3A_1368 : i32 to index
        %parallel_loop3A_1375 = arith.constant 0 : index
        %parallel_loop3A_1376 = tpu.vector_load %arg8[%parallel_loop3A_1373, %parallel_loop3A_1374, %parallel_loop3A_1375] {strides = array<i32>} : memref<4x80x128xf32, #tpu.memory_space<vmem>>, vector<1x1x16xf32>,
        %parallel_loop3A_1377 = vector.shape_cast %parallel_loop3A_1376 : vector<1x1x16xf32> to vector<16xf32>
        %parallel_loop3A_1378 = vector.shape_cast %parallel_loop3A_1372 : vector<16xf32> to vector<1x1x16xf32>
        tpu.vector_store %arg8[%parallel_loop3A_1373, %parallel_loop3A_1374, %parallel_loop3A_1375], %parallel_loop3A_1378 {add = true, strides = array<i32>} : memref<4x80x128xf32, #tpu.memory_space<vmem>>, vector<1x1x16xf32>,
        %parallel_loop3A_1379 = arith.constant 11 : i32
        %parallel_loop3A_1380 = arith.addi %parallel_loop3A_282, %parallel_loop3A_1379 : i32
        %parallel_loop3A_1381 = arith.index_cast %parallel_loop3A_1366 : i32 to index
        %parallel_loop3A_1382 = arith.constant 16 : index
        %parallel_loop3A_1383 = tpu.vector_load %arg7[%parallel_loop3A_1381, %parallel_loop3A_1382] {strides = array<i32>} : memref<240x128xf32, #tpu.memory_space<vmem>>, vector<1x16xf32>,
        %parallel_loop3A_1384 = vector.shape_cast %parallel_loop3A_1383 : vector<1x16xf32> to vector<16xf32>
        %parallel_loop3A_1385 = arith.index_cast %rem3A_213 : i32 to index
        %parallel_loop3A_1386 = arith.index_cast %parallel_loop3A_1380 : i32 to index
        %parallel_loop3A_1387 = arith.constant 16 : index
        %parallel_loop3A_1388 = tpu.vector_load %arg8[%parallel_loop3A_1385, %parallel_loop3A_1386, %parallel_loop3A_1387] {strides = array<i32>} : memref<4x80x128xf32, #tpu.memory_space<vmem>>, vector<1x1x16xf32>,
        %parallel_loop3A_1389 = vector.shape_cast %parallel_loop3A_1388 : vector<1x1x16xf32> to vector<16xf32>
        %parallel_loop3A_1390 = vector.shape_cast %parallel_loop3A_1384 : vector<16xf32> to vector<1x1x16xf32>
        tpu.vector_store %arg8[%parallel_loop3A_1385, %parallel_loop3A_1386, %parallel_loop3A_1387], %parallel_loop3A_1390 {add = true, strides = array<i32>} : memref<4x80x128xf32, #tpu.memory_space<vmem>>, vector<1x1x16xf32>,
        %parallel_loop3A_1391 = arith.constant 11 : i32
        %parallel_loop3A_1392 = arith.addi %parallel_loop3A_282, %parallel_loop3A_1391 : i32
        %parallel_loop3A_1393 = arith.index_cast %parallel_loop3A_1366 : i32 to index
        %parallel_loop3A_1394 = arith.constant 32 : index
        %parallel_loop3A_1395 = tpu.vector_load %arg7[%parallel_loop3A_1393, %parallel_loop3A_1394] {strides = array<i32>} : memref<240x128xf32, #tpu.memory_space<vmem>>, vector<1x16xf32>,
        %parallel_loop3A_1396 = vector.shape_cast %parallel_loop3A_1395 : vector<1x16xf32> to vector<16xf32>
        %parallel_loop3A_1397 = arith.index_cast %rem3A_213 : i32 to index
        %parallel_loop3A_1398 = arith.index_cast %parallel_loop3A_1392 : i32 to index
        %parallel_loop3A_1399 = arith.constant 32 : index
        %parallel_loop3A_1400 = tpu.vector_load %arg8[%parallel_loop3A_1397, %parallel_loop3A_1398, %parallel_loop3A_1399] {strides = array<i32>} : memref<4x80x128xf32, #tpu.memory_space<vmem>>, vector<1x1x16xf32>,
        %parallel_loop3A_1401 = vector.shape_cast %parallel_loop3A_1400 : vector<1x1x16xf32> to vector<16xf32>
        %parallel_loop3A_1402 = vector.shape_cast %parallel_loop3A_1396 : vector<16xf32> to vector<1x1x16xf32>
        tpu.vector_store %arg8[%parallel_loop3A_1397, %parallel_loop3A_1398, %parallel_loop3A_1399], %parallel_loop3A_1402 {add = true, strides = array<i32>} : memref<4x80x128xf32, #tpu.memory_space<vmem>>, vector<1x1x16xf32>,
        %parallel_loop3A_1403 = arith.constant 11 : i32
        %parallel_loop3A_1404 = arith.addi %parallel_loop3A_282, %parallel_loop3A_1403 : i32
        %parallel_loop3A_1405 = arith.index_cast %parallel_loop3A_1366 : i32 to index
        %parallel_loop3A_1406 = arith.constant 48 : index
        %parallel_loop3A_1407 = tpu.vector_load %arg7[%parallel_loop3A_1405, %parallel_loop3A_1406] {strides = array<i32>} : memref<240x128xf32, #tpu.memory_space<vmem>>, vector<1x16xf32>,
        %parallel_loop3A_1408 = vector.shape_cast %parallel_loop3A_1407 : vector<1x16xf32> to vector<16xf32>
        %parallel_loop3A_1409 = arith.index_cast %rem3A_213 : i32 to index
        %parallel_loop3A_1410 = arith.index_cast %parallel_loop3A_1404 : i32 to index
        %parallel_loop3A_1411 = arith.constant 48 : index
        %parallel_loop3A_1412 = tpu.vector_load %arg8[%parallel_loop3A_1409, %parallel_loop3A_1410, %parallel_loop3A_1411] {strides = array<i32>} : memref<4x80x128xf32, #tpu.memory_space<vmem>>, vector<1x1x16xf32>,
        %parallel_loop3A_1413 = vector.shape_cast %parallel_loop3A_1412 : vector<1x1x16xf32> to vector<16xf32>
        %parallel_loop3A_1414 = vector.shape_cast %parallel_loop3A_1408 : vector<16xf32> to vector<1x1x16xf32>
        tpu.vector_store %arg8[%parallel_loop3A_1409, %parallel_loop3A_1410, %parallel_loop3A_1411], %parallel_loop3A_1414 {add = true, strides = array<i32>} : memref<4x80x128xf32, #tpu.memory_space<vmem>>, vector<1x1x16xf32>,
        %parallel_loop3A_1415 = arith.constant 11 : i32
        %parallel_loop3A_1416 = arith.addi %parallel_loop3A_282, %parallel_loop3A_1415 : i32
        %parallel_loop3A_1417 = arith.index_cast %parallel_loop3A_1366 : i32 to index
        %parallel_loop3A_1418 = arith.constant 64 : index
        %parallel_loop3A_1419 = tpu.vector_load %arg7[%parallel_loop3A_1417, %parallel_loop3A_1418] {strides = array<i32>} : memref<240x128xf32, #tpu.memory_space<vmem>>, vector<1x16xf32>,
        %parallel_loop3A_1420 = vector.shape_cast %parallel_loop3A_1419 : vector<1x16xf32> to vector<16xf32>
        %parallel_loop3A_1421 = arith.index_cast %rem3A_213 : i32 to index
        %parallel_loop3A_1422 = arith.index_cast %parallel_loop3A_1416 : i32 to index
        %parallel_loop3A_1423 = arith.constant 64 : index
        %parallel_loop3A_1424 = tpu.vector_load %arg8[%parallel_loop3A_1421, %parallel_loop3A_1422, %parallel_loop3A_1423] {strides = array<i32>} : memref<4x80x128xf32, #tpu.memory_space<vmem>>, vector<1x1x16xf32>,
        %parallel_loop3A_1425 = vector.shape_cast %parallel_loop3A_1424 : vector<1x1x16xf32> to vector<16xf32>
        %parallel_loop3A_1426 = vector.shape_cast %parallel_loop3A_1420 : vector<16xf32> to vector<1x1x16xf32>
        tpu.vector_store %arg8[%parallel_loop3A_1421, %parallel_loop3A_1422, %parallel_loop3A_1423], %parallel_loop3A_1426 {add = true, strides = array<i32>} : memref<4x80x128xf32, #tpu.memory_space<vmem>>, vector<1x1x16xf32>,
        %parallel_loop3A_1427 = arith.constant 11 : i32
        %parallel_loop3A_1428 = arith.addi %parallel_loop3A_282, %parallel_loop3A_1427 : i32
        %parallel_loop3A_1429 = arith.index_cast %parallel_loop3A_1366 : i32 to index
        %parallel_loop3A_1430 = arith.constant 80 : index
        %parallel_loop3A_1431 = tpu.vector_load %arg7[%parallel_loop3A_1429, %parallel_loop3A_1430] {strides = array<i32>} : memref<240x128xf32, #tpu.memory_space<vmem>>, vector<1x16xf32>,
        %parallel_loop3A_1432 = vector.shape_cast %parallel_loop3A_1431 : vector<1x16xf32> to vector<16xf32>
        %parallel_loop3A_1433 = arith.index_cast %rem3A_213 : i32 to index
        %parallel_loop3A_1434 = arith.index_cast %parallel_loop3A_1428 : i32 to index
        %parallel_loop3A_1435 = arith.constant 80 : index
        %parallel_loop3A_1436 = tpu.vector_load %arg8[%parallel_loop3A_1433, %parallel_loop3A_1434, %parallel_loop3A_1435] {strides = array<i32>} : memref<4x80x128xf32, #tpu.memory_space<vmem>>, vector<1x1x16xf32>,
        %parallel_loop3A_1437 = vector.shape_cast %parallel_loop3A_1436 : vector<1x1x16xf32> to vector<16xf32>
        %parallel_loop3A_1438 = vector.shape_cast %parallel_loop3A_1432 : vector<16xf32> to vector<1x1x16xf32>
        tpu.vector_store %arg8[%parallel_loop3A_1433, %parallel_loop3A_1434, %parallel_loop3A_1435], %parallel_loop3A_1438 {add = true, strides = array<i32>} : memref<4x80x128xf32, #tpu.memory_space<vmem>>, vector<1x1x16xf32>,
        %parallel_loop3A_1439 = arith.constant 11 : i32
        %parallel_loop3A_1440 = arith.addi %parallel_loop3A_282, %parallel_loop3A_1439 : i32
        %parallel_loop3A_1441 = arith.index_cast %parallel_loop3A_1366 : i32 to index
        %parallel_loop3A_1442 = arith.constant 96 : index
        %parallel_loop3A_1443 = tpu.vector_load %arg7[%parallel_loop3A_1441, %parallel_loop3A_1442] {strides = array<i32>} : memref<240x128xf32, #tpu.memory_space<vmem>>, vector<1x16xf32>,
        %parallel_loop3A_1444 = vector.shape_cast %parallel_loop3A_1443 : vector<1x16xf32> to vector<16xf32>
        %parallel_loop3A_1445 = arith.index_cast %rem3A_213 : i32 to index
        %parallel_loop3A_1446 = arith.index_cast %parallel_loop3A_1440 : i32 to index
        %parallel_loop3A_1447 = arith.constant 96 : index
        %parallel_loop3A_1448 = tpu.vector_load %arg8[%parallel_loop3A_1445, %parallel_loop3A_1446, %parallel_loop3A_1447] {strides = array<i32>} : memref<4x80x128xf32, #tpu.memory_space<vmem>>, vector<1x1x16xf32>,
        %parallel_loop3A_1449 = vector.shape_cast %parallel_loop3A_1448 : vector<1x1x16xf32> to vector<16xf32>
        %parallel_loop3A_1450 = vector.shape_cast %parallel_loop3A_1444 : vector<16xf32> to vector<1x1x16xf32>
        tpu.vector_store %arg8[%parallel_loop3A_1445, %parallel_loop3A_1446, %parallel_loop3A_1447], %parallel_loop3A_1450 {add = true, strides = array<i32>} : memref<4x80x128xf32, #tpu.memory_space<vmem>>, vector<1x1x16xf32>,
        %parallel_loop3A_1451 = arith.constant 11 : i32
        %parallel_loop3A_1452 = arith.addi %parallel_loop3A_282, %parallel_loop3A_1451 : i32
        %parallel_loop3A_1453 = arith.index_cast %parallel_loop3A_1366 : i32 to index
        %parallel_loop3A_1454 = arith.constant 112 : index
        %parallel_loop3A_1455 = tpu.vector_load %arg7[%parallel_loop3A_1453, %parallel_loop3A_1454] {strides = array<i32>} : memref<240x128xf32, #tpu.memory_space<vmem>>, vector<1x16xf32>,
        %parallel_loop3A_1456 = vector.shape_cast %parallel_loop3A_1455 : vector<1x16xf32> to vector<16xf32>
        %parallel_loop3A_1457 = arith.index_cast %rem3A_213 : i32 to index
        %parallel_loop3A_1458 = arith.index_cast %parallel_loop3A_1452 : i32 to index
        %parallel_loop3A_1459 = arith.constant 112 : index
        %parallel_loop3A_1460 = tpu.vector_load %arg8[%parallel_loop3A_1457, %parallel_loop3A_1458, %parallel_loop3A_1459] {strides = array<i32>} : memref<4x80x128xf32, #tpu.memory_space<vmem>>, vector<1x1x16xf32>,
        %parallel_loop3A_1461 = vector.shape_cast %parallel_loop3A_1460 : vector<1x1x16xf32> to vector<16xf32>
        %parallel_loop3A_1462 = vector.shape_cast %parallel_loop3A_1456 : vector<16xf32> to vector<1x1x16xf32>
        tpu.vector_store %arg8[%parallel_loop3A_1457, %parallel_loop3A_1458, %parallel_loop3A_1459], %parallel_loop3A_1462 {add = true, strides = array<i32>} : memref<4x80x128xf32, #tpu.memory_space<vmem>>, vector<1x1x16xf32>,
        %parallel_loop3A_1463 = vector.extract_strided_slice %parallel_loop3A_286 {offsets = [12], sizes = [1], strides = [1]} : vector<16xi32> to vector<1xi32>
        %parallel_loop3A_1464 = vector.extract %parallel_loop3A_1463[0] : i32 from vector<1xi32>
        %parallel_loop3A_1465 = arith.constant 12 : i32
        %parallel_loop3A_1466 = arith.addi %parallel_loop3A_282, %parallel_loop3A_1465 : i32
        %parallel_loop3A_1467 = arith.index_cast %parallel_loop3A_1464 : i32 to index
        %parallel_loop3A_1468 = arith.constant 0 : index
        %parallel_loop3A_1469 = tpu.vector_load %arg7[%parallel_loop3A_1467, %parallel_loop3A_1468] {strides = array<i32>} : memref<240x128xf32, #tpu.memory_space<vmem>>, vector<1x16xf32>,
        %parallel_loop3A_1470 = vector.shape_cast %parallel_loop3A_1469 : vector<1x16xf32> to vector<16xf32>
        %parallel_loop3A_1471 = arith.index_cast %rem3A_213 : i32 to index
        %parallel_loop3A_1472 = arith.index_cast %parallel_loop3A_1466 : i32 to index
        %parallel_loop3A_1473 = arith.constant 0 : index
        %parallel_loop3A_1474 = tpu.vector_load %arg8[%parallel_loop3A_1471, %parallel_loop3A_1472, %parallel_loop3A_1473] {strides = array<i32>} : memref<4x80x128xf32, #tpu.memory_space<vmem>>, vector<1x1x16xf32>,
        %parallel_loop3A_1475 = vector.shape_cast %parallel_loop3A_1474 : vector<1x1x16xf32> to vector<16xf32>
        %parallel_loop3A_1476 = vector.shape_cast %parallel_loop3A_1470 : vector<16xf32> to vector<1x1x16xf32>
        tpu.vector_store %arg8[%parallel_loop3A_1471, %parallel_loop3A_1472, %parallel_loop3A_1473], %parallel_loop3A_1476 {add = true, strides = array<i32>} : memref<4x80x128xf32, #tpu.memory_space<vmem>>, vector<1x1x16xf32>,
        %parallel_loop3A_1477 = arith.constant 12 : i32
        %parallel_loop3A_1478 = arith.addi %parallel_loop3A_282, %parallel_loop3A_1477 : i32
        %parallel_loop3A_1479 = arith.index_cast %parallel_loop3A_1464 : i32 to index
        %parallel_loop3A_1480 = arith.constant 16 : index
        %parallel_loop3A_1481 = tpu.vector_load %arg7[%parallel_loop3A_1479, %parallel_loop3A_1480] {strides = array<i32>} : memref<240x128xf32, #tpu.memory_space<vmem>>, vector<1x16xf32>,
        %parallel_loop3A_1482 = vector.shape_cast %parallel_loop3A_1481 : vector<1x16xf32> to vector<16xf32>
        %parallel_loop3A_1483 = arith.index_cast %rem3A_213 : i32 to index
        %parallel_loop3A_1484 = arith.index_cast %parallel_loop3A_1478 : i32 to index
        %parallel_loop3A_1485 = arith.constant 16 : index
        %parallel_loop3A_1486 = tpu.vector_load %arg8[%parallel_loop3A_1483, %parallel_loop3A_1484, %parallel_loop3A_1485] {strides = array<i32>} : memref<4x80x128xf32, #tpu.memory_space<vmem>>, vector<1x1x16xf32>,
        %parallel_loop3A_1487 = vector.shape_cast %parallel_loop3A_1486 : vector<1x1x16xf32> to vector<16xf32>
        %parallel_loop3A_1488 = vector.shape_cast %parallel_loop3A_1482 : vector<16xf32> to vector<1x1x16xf32>
        tpu.vector_store %arg8[%parallel_loop3A_1483, %parallel_loop3A_1484, %parallel_loop3A_1485], %parallel_loop3A_1488 {add = true, strides = array<i32>} : memref<4x80x128xf32, #tpu.memory_space<vmem>>, vector<1x1x16xf32>,
        %parallel_loop3A_1489 = arith.constant 12 : i32
        %parallel_loop3A_1490 = arith.addi %parallel_loop3A_282, %parallel_loop3A_1489 : i32
        %parallel_loop3A_1491 = arith.index_cast %parallel_loop3A_1464 : i32 to index
        %parallel_loop3A_1492 = arith.constant 32 : index
        %parallel_loop3A_1493 = tpu.vector_load %arg7[%parallel_loop3A_1491, %parallel_loop3A_1492] {strides = array<i32>} : memref<240x128xf32, #tpu.memory_space<vmem>>, vector<1x16xf32>,
        %parallel_loop3A_1494 = vector.shape_cast %parallel_loop3A_1493 : vector<1x16xf32> to vector<16xf32>
        %parallel_loop3A_1495 = arith.index_cast %rem3A_213 : i32 to index
        %parallel_loop3A_1496 = arith.index_cast %parallel_loop3A_1490 : i32 to index
        %parallel_loop3A_1497 = arith.constant 32 : index
        %parallel_loop3A_1498 = tpu.vector_load %arg8[%parallel_loop3A_1495, %parallel_loop3A_1496, %parallel_loop3A_1497] {strides = array<i32>} : memref<4x80x128xf32, #tpu.memory_space<vmem>>, vector<1x1x16xf32>,
        %parallel_loop3A_1499 = vector.shape_cast %parallel_loop3A_1498 : vector<1x1x16xf32> to vector<16xf32>
        %parallel_loop3A_1500 = vector.shape_cast %parallel_loop3A_1494 : vector<16xf32> to vector<1x1x16xf32>
        tpu.vector_store %arg8[%parallel_loop3A_1495, %parallel_loop3A_1496, %parallel_loop3A_1497], %parallel_loop3A_1500 {add = true, strides = array<i32>} : memref<4x80x128xf32, #tpu.memory_space<vmem>>, vector<1x1x16xf32>,
        %parallel_loop3A_1501 = arith.constant 12 : i32
        %parallel_loop3A_1502 = arith.addi %parallel_loop3A_282, %parallel_loop3A_1501 : i32
        %parallel_loop3A_1503 = arith.index_cast %parallel_loop3A_1464 : i32 to index
        %parallel_loop3A_1504 = arith.constant 48 : index
        %parallel_loop3A_1505 = tpu.vector_load %arg7[%parallel_loop3A_1503, %parallel_loop3A_1504] {strides = array<i32>} : memref<240x128xf32, #tpu.memory_space<vmem>>, vector<1x16xf32>,
        %parallel_loop3A_1506 = vector.shape_cast %parallel_loop3A_1505 : vector<1x16xf32> to vector<16xf32>
        %parallel_loop3A_1507 = arith.index_cast %rem3A_213 : i32 to index
        %parallel_loop3A_1508 = arith.index_cast %parallel_loop3A_1502 : i32 to index
        %parallel_loop3A_1509 = arith.constant 48 : index
        %parallel_loop3A_1510 = tpu.vector_load %arg8[%parallel_loop3A_1507, %parallel_loop3A_1508, %parallel_loop3A_1509] {strides = array<i32>} : memref<4x80x128xf32, #tpu.memory_space<vmem>>, vector<1x1x16xf32>,
        %parallel_loop3A_1511 = vector.shape_cast %parallel_loop3A_1510 : vector<1x1x16xf32> to vector<16xf32>
        %parallel_loop3A_1512 = vector.shape_cast %parallel_loop3A_1506 : vector<16xf32> to vector<1x1x16xf32>
        tpu.vector_store %arg8[%parallel_loop3A_1507, %parallel_loop3A_1508, %parallel_loop3A_1509], %parallel_loop3A_1512 {add = true, strides = array<i32>} : memref<4x80x128xf32, #tpu.memory_space<vmem>>, vector<1x1x16xf32>,
        %parallel_loop3A_1513 = arith.constant 12 : i32
        %parallel_loop3A_1514 = arith.addi %parallel_loop3A_282, %parallel_loop3A_1513 : i32
        %parallel_loop3A_1515 = arith.index_cast %parallel_loop3A_1464 : i32 to index
        %parallel_loop3A_1516 = arith.constant 64 : index
        %parallel_loop3A_1517 = tpu.vector_load %arg7[%parallel_loop3A_1515, %parallel_loop3A_1516] {strides = array<i32>} : memref<240x128xf32, #tpu.memory_space<vmem>>, vector<1x16xf32>,
        %parallel_loop3A_1518 = vector.shape_cast %parallel_loop3A_1517 : vector<1x16xf32> to vector<16xf32>
        %parallel_loop3A_1519 = arith.index_cast %rem3A_213 : i32 to index
        %parallel_loop3A_1520 = arith.index_cast %parallel_loop3A_1514 : i32 to index
        %parallel_loop3A_1521 = arith.constant 64 : index
        %parallel_loop3A_1522 = tpu.vector_load %arg8[%parallel_loop3A_1519, %parallel_loop3A_1520, %parallel_loop3A_1521] {strides = array<i32>} : memref<4x80x128xf32, #tpu.memory_space<vmem>>, vector<1x1x16xf32>,
        %parallel_loop3A_1523 = vector.shape_cast %parallel_loop3A_1522 : vector<1x1x16xf32> to vector<16xf32>
        %parallel_loop3A_1524 = vector.shape_cast %parallel_loop3A_1518 : vector<16xf32> to vector<1x1x16xf32>
        tpu.vector_store %arg8[%parallel_loop3A_1519, %parallel_loop3A_1520, %parallel_loop3A_1521], %parallel_loop3A_1524 {add = true, strides = array<i32>} : memref<4x80x128xf32, #tpu.memory_space<vmem>>, vector<1x1x16xf32>,
        %parallel_loop3A_1525 = arith.constant 12 : i32
        %parallel_loop3A_1526 = arith.addi %parallel_loop3A_282, %parallel_loop3A_1525 : i32
        %parallel_loop3A_1527 = arith.index_cast %parallel_loop3A_1464 : i32 to index
        %parallel_loop3A_1528 = arith.constant 80 : index
        %parallel_loop3A_1529 = tpu.vector_load %arg7[%parallel_loop3A_1527, %parallel_loop3A_1528] {strides = array<i32>} : memref<240x128xf32, #tpu.memory_space<vmem>>, vector<1x16xf32>,
        %parallel_loop3A_1530 = vector.shape_cast %parallel_loop3A_1529 : vector<1x16xf32> to vector<16xf32>
        %parallel_loop3A_1531 = arith.index_cast %rem3A_213 : i32 to index
        %parallel_loop3A_1532 = arith.index_cast %parallel_loop3A_1526 : i32 to index
        %parallel_loop3A_1533 = arith.constant 80 : index
        %parallel_loop3A_1534 = tpu.vector_load %arg8[%parallel_loop3A_1531, %parallel_loop3A_1532, %parallel_loop3A_1533] {strides = array<i32>} : memref<4x80x128xf32, #tpu.memory_space<vmem>>, vector<1x1x16xf32>,
        %parallel_loop3A_1535 = vector.shape_cast %parallel_loop3A_1534 : vector<1x1x16xf32> to vector<16xf32>
        %parallel_loop3A_1536 = vector.shape_cast %parallel_loop3A_1530 : vector<16xf32> to vector<1x1x16xf32>
        tpu.vector_store %arg8[%parallel_loop3A_1531, %parallel_loop3A_1532, %parallel_loop3A_1533], %parallel_loop3A_1536 {add = true, strides = array<i32>} : memref<4x80x128xf32, #tpu.memory_space<vmem>>, vector<1x1x16xf32>,
        %parallel_loop3A_1537 = arith.constant 12 : i32
        %parallel_loop3A_1538 = arith.addi %parallel_loop3A_282, %parallel_loop3A_1537 : i32
        %parallel_loop3A_1539 = arith.index_cast %parallel_loop3A_1464 : i32 to index
        %parallel_loop3A_1540 = arith.constant 96 : index
        %parallel_loop3A_1541 = tpu.vector_load %arg7[%parallel_loop3A_1539, %parallel_loop3A_1540] {strides = array<i32>} : memref<240x128xf32, #tpu.memory_space<vmem>>, vector<1x16xf32>,
        %parallel_loop3A_1542 = vector.shape_cast %parallel_loop3A_1541 : vector<1x16xf32> to vector<16xf32>
        %parallel_loop3A_1543 = arith.index_cast %rem3A_213 : i32 to index
        %parallel_loop3A_1544 = arith.index_cast %parallel_loop3A_1538 : i32 to index
        %parallel_loop3A_1545 = arith.constant 96 : index
        %parallel_loop3A_1546 = tpu.vector_load %arg8[%parallel_loop3A_1543, %parallel_loop3A_1544, %parallel_loop3A_1545] {strides = array<i32>} : memref<4x80x128xf32, #tpu.memory_space<vmem>>, vector<1x1x16xf32>,
        %parallel_loop3A_1547 = vector.shape_cast %parallel_loop3A_1546 : vector<1x1x16xf32> to vector<16xf32>
        %parallel_loop3A_1548 = vector.shape_cast %parallel_loop3A_1542 : vector<16xf32> to vector<1x1x16xf32>
        tpu.vector_store %arg8[%parallel_loop3A_1543, %parallel_loop3A_1544, %parallel_loop3A_1545], %parallel_loop3A_1548 {add = true, strides = array<i32>} : memref<4x80x128xf32, #tpu.memory_space<vmem>>, vector<1x1x16xf32>,
        %parallel_loop3A_1549 = arith.constant 12 : i32
        %parallel_loop3A_1550 = arith.addi %parallel_loop3A_282, %parallel_loop3A_1549 : i32
        %parallel_loop3A_1551 = arith.index_cast %parallel_loop3A_1464 : i32 to index
        %parallel_loop3A_1552 = arith.constant 112 : index
        %parallel_loop3A_1553 = tpu.vector_load %arg7[%parallel_loop3A_1551, %parallel_loop3A_1552] {strides = array<i32>} : memref<240x128xf32, #tpu.memory_space<vmem>>, vector<1x16xf32>,
        %parallel_loop3A_1554 = vector.shape_cast %parallel_loop3A_1553 : vector<1x16xf32> to vector<16xf32>
        %parallel_loop3A_1555 = arith.index_cast %rem3A_213 : i32 to index
        %parallel_loop3A_1556 = arith.index_cast %parallel_loop3A_1550 : i32 to index
        %parallel_loop3A_1557 = arith.constant 112 : index
        %parallel_loop3A_1558 = tpu.vector_load %arg8[%parallel_loop3A_1555, %parallel_loop3A_1556, %parallel_loop3A_1557] {strides = array<i32>} : memref<4x80x128xf32, #tpu.memory_space<vmem>>, vector<1x1x16xf32>,
        %parallel_loop3A_1559 = vector.shape_cast %parallel_loop3A_1558 : vector<1x1x16xf32> to vector<16xf32>
        %parallel_loop3A_1560 = vector.shape_cast %parallel_loop3A_1554 : vector<16xf32> to vector<1x1x16xf32>
        tpu.vector_store %arg8[%parallel_loop3A_1555, %parallel_loop3A_1556, %parallel_loop3A_1557], %parallel_loop3A_1560 {add = true, strides = array<i32>} : memref<4x80x128xf32, #tpu.memory_space<vmem>>, vector<1x1x16xf32>,
        %parallel_loop3A_1561 = vector.extract_strided_slice %parallel_loop3A_286 {offsets = [13], sizes = [1], strides = [1]} : vector<16xi32> to vector<1xi32>
        %parallel_loop3A_1562 = vector.extract %parallel_loop3A_1561[0] : i32 from vector<1xi32>
        %parallel_loop3A_1563 = arith.constant 13 : i32
        %parallel_loop3A_1564 = arith.addi %parallel_loop3A_282, %parallel_loop3A_1563 : i32
        %parallel_loop3A_1565 = arith.index_cast %parallel_loop3A_1562 : i32 to index
        %parallel_loop3A_1566 = arith.constant 0 : index
        %parallel_loop3A_1567 = tpu.vector_load %arg7[%parallel_loop3A_1565, %parallel_loop3A_1566] {strides = array<i32>} : memref<240x128xf32, #tpu.memory_space<vmem>>, vector<1x16xf32>,
        %parallel_loop3A_1568 = vector.shape_cast %parallel_loop3A_1567 : vector<1x16xf32> to vector<16xf32>
        %parallel_loop3A_1569 = arith.index_cast %rem3A_213 : i32 to index
        %parallel_loop3A_1570 = arith.index_cast %parallel_loop3A_1564 : i32 to index
        %parallel_loop3A_1571 = arith.constant 0 : index
        %parallel_loop3A_1572 = tpu.vector_load %arg8[%parallel_loop3A_1569, %parallel_loop3A_1570, %parallel_loop3A_1571] {strides = array<i32>} : memref<4x80x128xf32, #tpu.memory_space<vmem>>, vector<1x1x16xf32>,
        %parallel_loop3A_1573 = vector.shape_cast %parallel_loop3A_1572 : vector<1x1x16xf32> to vector<16xf32>
        %parallel_loop3A_1574 = vector.shape_cast %parallel_loop3A_1568 : vector<16xf32> to vector<1x1x16xf32>
        tpu.vector_store %arg8[%parallel_loop3A_1569, %parallel_loop3A_1570, %parallel_loop3A_1571], %parallel_loop3A_1574 {add = true, strides = array<i32>} : memref<4x80x128xf32, #tpu.memory_space<vmem>>, vector<1x1x16xf32>,
        %parallel_loop3A_1575 = arith.constant 13 : i32
        %parallel_loop3A_1576 = arith.addi %parallel_loop3A_282, %parallel_loop3A_1575 : i32
        %parallel_loop3A_1577 = arith.index_cast %parallel_loop3A_1562 : i32 to index
        %parallel_loop3A_1578 = arith.constant 16 : index
        %parallel_loop3A_1579 = tpu.vector_load %arg7[%parallel_loop3A_1577, %parallel_loop3A_1578] {strides = array<i32>} : memref<240x128xf32, #tpu.memory_space<vmem>>, vector<1x16xf32>,
        %parallel_loop3A_1580 = vector.shape_cast %parallel_loop3A_1579 : vector<1x16xf32> to vector<16xf32>
        %parallel_loop3A_1581 = arith.index_cast %rem3A_213 : i32 to index
        %parallel_loop3A_1582 = arith.index_cast %parallel_loop3A_1576 : i32 to index
        %parallel_loop3A_1583 = arith.constant 16 : index
        %parallel_loop3A_1584 = tpu.vector_load %arg8[%parallel_loop3A_1581, %parallel_loop3A_1582, %parallel_loop3A_1583] {strides = array<i32>} : memref<4x80x128xf32, #tpu.memory_space<vmem>>, vector<1x1x16xf32>,
        %parallel_loop3A_1585 = vector.shape_cast %parallel_loop3A_1584 : vector<1x1x16xf32> to vector<16xf32>
        %parallel_loop3A_1586 = vector.shape_cast %parallel_loop3A_1580 : vector<16xf32> to vector<1x1x16xf32>
        tpu.vector_store %arg8[%parallel_loop3A_1581, %parallel_loop3A_1582, %parallel_loop3A_1583], %parallel_loop3A_1586 {add = true, strides = array<i32>} : memref<4x80x128xf32, #tpu.memory_space<vmem>>, vector<1x1x16xf32>,
        %parallel_loop3A_1587 = arith.constant 13 : i32
        %parallel_loop3A_1588 = arith.addi %parallel_loop3A_282, %parallel_loop3A_1587 : i32
        %parallel_loop3A_1589 = arith.index_cast %parallel_loop3A_1562 : i32 to index
        %parallel_loop3A_1590 = arith.constant 32 : index
        %parallel_loop3A_1591 = tpu.vector_load %arg7[%parallel_loop3A_1589, %parallel_loop3A_1590] {strides = array<i32>} : memref<240x128xf32, #tpu.memory_space<vmem>>, vector<1x16xf32>,
        %parallel_loop3A_1592 = vector.shape_cast %parallel_loop3A_1591 : vector<1x16xf32> to vector<16xf32>
        %parallel_loop3A_1593 = arith.index_cast %rem3A_213 : i32 to index
        %parallel_loop3A_1594 = arith.index_cast %parallel_loop3A_1588 : i32 to index
        %parallel_loop3A_1595 = arith.constant 32 : index
        %parallel_loop3A_1596 = tpu.vector_load %arg8[%parallel_loop3A_1593, %parallel_loop3A_1594, %parallel_loop3A_1595] {strides = array<i32>} : memref<4x80x128xf32, #tpu.memory_space<vmem>>, vector<1x1x16xf32>,
        %parallel_loop3A_1597 = vector.shape_cast %parallel_loop3A_1596 : vector<1x1x16xf32> to vector<16xf32>
        %parallel_loop3A_1598 = vector.shape_cast %parallel_loop3A_1592 : vector<16xf32> to vector<1x1x16xf32>
        tpu.vector_store %arg8[%parallel_loop3A_1593, %parallel_loop3A_1594, %parallel_loop3A_1595], %parallel_loop3A_1598 {add = true, strides = array<i32>} : memref<4x80x128xf32, #tpu.memory_space<vmem>>, vector<1x1x16xf32>,
        %parallel_loop3A_1599 = arith.constant 13 : i32
        %parallel_loop3A_1600 = arith.addi %parallel_loop3A_282, %parallel_loop3A_1599 : i32
        %parallel_loop3A_1601 = arith.index_cast %parallel_loop3A_1562 : i32 to index
        %parallel_loop3A_1602 = arith.constant 48 : index
        %parallel_loop3A_1603 = tpu.vector_load %arg7[%parallel_loop3A_1601, %parallel_loop3A_1602] {strides = array<i32>} : memref<240x128xf32, #tpu.memory_space<vmem>>, vector<1x16xf32>,
        %parallel_loop3A_1604 = vector.shape_cast %parallel_loop3A_1603 : vector<1x16xf32> to vector<16xf32>
        %parallel_loop3A_1605 = arith.index_cast %rem3A_213 : i32 to index
        %parallel_loop3A_1606 = arith.index_cast %parallel_loop3A_1600 : i32 to index
        %parallel_loop3A_1607 = arith.constant 48 : index
        %parallel_loop3A_1608 = tpu.vector_load %arg8[%parallel_loop3A_1605, %parallel_loop3A_1606, %parallel_loop3A_1607] {strides = array<i32>} : memref<4x80x128xf32, #tpu.memory_space<vmem>>, vector<1x1x16xf32>,
        %parallel_loop3A_1609 = vector.shape_cast %parallel_loop3A_1608 : vector<1x1x16xf32> to vector<16xf32>
        %parallel_loop3A_1610 = vector.shape_cast %parallel_loop3A_1604 : vector<16xf32> to vector<1x1x16xf32>
        tpu.vector_store %arg8[%parallel_loop3A_1605, %parallel_loop3A_1606, %parallel_loop3A_1607], %parallel_loop3A_1610 {add = true, strides = array<i32>} : memref<4x80x128xf32, #tpu.memory_space<vmem>>, vector<1x1x16xf32>,
        %parallel_loop3A_1611 = arith.constant 13 : i32
        %parallel_loop3A_1612 = arith.addi %parallel_loop3A_282, %parallel_loop3A_1611 : i32
        %parallel_loop3A_1613 = arith.index_cast %parallel_loop3A_1562 : i32 to index
        %parallel_loop3A_1614 = arith.constant 64 : index
        %parallel_loop3A_1615 = tpu.vector_load %arg7[%parallel_loop3A_1613, %parallel_loop3A_1614] {strides = array<i32>} : memref<240x128xf32, #tpu.memory_space<vmem>>, vector<1x16xf32>,
        %parallel_loop3A_1616 = vector.shape_cast %parallel_loop3A_1615 : vector<1x16xf32> to vector<16xf32>
        %parallel_loop3A_1617 = arith.index_cast %rem3A_213 : i32 to index
        %parallel_loop3A_1618 = arith.index_cast %parallel_loop3A_1612 : i32 to index
        %parallel_loop3A_1619 = arith.constant 64 : index
        %parallel_loop3A_1620 = tpu.vector_load %arg8[%parallel_loop3A_1617, %parallel_loop3A_1618, %parallel_loop3A_1619] {strides = array<i32>} : memref<4x80x128xf32, #tpu.memory_space<vmem>>, vector<1x1x16xf32>,
        %parallel_loop3A_1621 = vector.shape_cast %parallel_loop3A_1620 : vector<1x1x16xf32> to vector<16xf32>
        %parallel_loop3A_1622 = vector.shape_cast %parallel_loop3A_1616 : vector<16xf32> to vector<1x1x16xf32>
        tpu.vector_store %arg8[%parallel_loop3A_1617, %parallel_loop3A_1618, %parallel_loop3A_1619], %parallel_loop3A_1622 {add = true, strides = array<i32>} : memref<4x80x128xf32, #tpu.memory_space<vmem>>, vector<1x1x16xf32>,
        %parallel_loop3A_1623 = arith.constant 13 : i32
        %parallel_loop3A_1624 = arith.addi %parallel_loop3A_282, %parallel_loop3A_1623 : i32
        %parallel_loop3A_1625 = arith.index_cast %parallel_loop3A_1562 : i32 to index
        %parallel_loop3A_1626 = arith.constant 80 : index
        %parallel_loop3A_1627 = tpu.vector_load %arg7[%parallel_loop3A_1625, %parallel_loop3A_1626] {strides = array<i32>} : memref<240x128xf32, #tpu.memory_space<vmem>>, vector<1x16xf32>,
        %parallel_loop3A_1628 = vector.shape_cast %parallel_loop3A_1627 : vector<1x16xf32> to vector<16xf32>
        %parallel_loop3A_1629 = arith.index_cast %rem3A_213 : i32 to index
        %parallel_loop3A_1630 = arith.index_cast %parallel_loop3A_1624 : i32 to index
        %parallel_loop3A_1631 = arith.constant 80 : index
        %parallel_loop3A_1632 = tpu.vector_load %arg8[%parallel_loop3A_1629, %parallel_loop3A_1630, %parallel_loop3A_1631] {strides = array<i32>} : memref<4x80x128xf32, #tpu.memory_space<vmem>>, vector<1x1x16xf32>,
        %parallel_loop3A_1633 = vector.shape_cast %parallel_loop3A_1632 : vector<1x1x16xf32> to vector<16xf32>
        %parallel_loop3A_1634 = vector.shape_cast %parallel_loop3A_1628 : vector<16xf32> to vector<1x1x16xf32>
        tpu.vector_store %arg8[%parallel_loop3A_1629, %parallel_loop3A_1630, %parallel_loop3A_1631], %parallel_loop3A_1634 {add = true, strides = array<i32>} : memref<4x80x128xf32, #tpu.memory_space<vmem>>, vector<1x1x16xf32>,
        %parallel_loop3A_1635 = arith.constant 13 : i32
        %parallel_loop3A_1636 = arith.addi %parallel_loop3A_282, %parallel_loop3A_1635 : i32
        %parallel_loop3A_1637 = arith.index_cast %parallel_loop3A_1562 : i32 to index
        %parallel_loop3A_1638 = arith.constant 96 : index
        %parallel_loop3A_1639 = tpu.vector_load %arg7[%parallel_loop3A_1637, %parallel_loop3A_1638] {strides = array<i32>} : memref<240x128xf32, #tpu.memory_space<vmem>>, vector<1x16xf32>,
        %parallel_loop3A_1640 = vector.shape_cast %parallel_loop3A_1639 : vector<1x16xf32> to vector<16xf32>
        %parallel_loop3A_1641 = arith.index_cast %rem3A_213 : i32 to index
        %parallel_loop3A_1642 = arith.index_cast %parallel_loop3A_1636 : i32 to index
        %parallel_loop3A_1643 = arith.constant 96 : index
        %parallel_loop3A_1644 = tpu.vector_load %arg8[%parallel_loop3A_1641, %parallel_loop3A_1642, %parallel_loop3A_1643] {strides = array<i32>} : memref<4x80x128xf32, #tpu.memory_space<vmem>>, vector<1x1x16xf32>,
        %parallel_loop3A_1645 = vector.shape_cast %parallel_loop3A_1644 : vector<1x1x16xf32> to vector<16xf32>
        %parallel_loop3A_1646 = vector.shape_cast %parallel_loop3A_1640 : vector<16xf32> to vector<1x1x16xf32>
        tpu.vector_store %arg8[%parallel_loop3A_1641, %parallel_loop3A_1642, %parallel_loop3A_1643], %parallel_loop3A_1646 {add = true, strides = array<i32>} : memref<4x80x128xf32, #tpu.memory_space<vmem>>, vector<1x1x16xf32>,
        %parallel_loop3A_1647 = arith.constant 13 : i32
        %parallel_loop3A_1648 = arith.addi %parallel_loop3A_282, %parallel_loop3A_1647 : i32
        %parallel_loop3A_1649 = arith.index_cast %parallel_loop3A_1562 : i32 to index
        %parallel_loop3A_1650 = arith.constant 112 : index
        %parallel_loop3A_1651 = tpu.vector_load %arg7[%parallel_loop3A_1649, %parallel_loop3A_1650] {strides = array<i32>} : memref<240x128xf32, #tpu.memory_space<vmem>>, vector<1x16xf32>,
        %parallel_loop3A_1652 = vector.shape_cast %parallel_loop3A_1651 : vector<1x16xf32> to vector<16xf32>
        %parallel_loop3A_1653 = arith.index_cast %rem3A_213 : i32 to index
        %parallel_loop3A_1654 = arith.index_cast %parallel_loop3A_1648 : i32 to index
        %parallel_loop3A_1655 = arith.constant 112 : index
        %parallel_loop3A_1656 = tpu.vector_load %arg8[%parallel_loop3A_1653, %parallel_loop3A_1654, %parallel_loop3A_1655] {strides = array<i32>} : memref<4x80x128xf32, #tpu.memory_space<vmem>>, vector<1x1x16xf32>,
        %parallel_loop3A_1657 = vector.shape_cast %parallel_loop3A_1656 : vector<1x1x16xf32> to vector<16xf32>
        %parallel_loop3A_1658 = vector.shape_cast %parallel_loop3A_1652 : vector<16xf32> to vector<1x1x16xf32>
        tpu.vector_store %arg8[%parallel_loop3A_1653, %parallel_loop3A_1654, %parallel_loop3A_1655], %parallel_loop3A_1658 {add = true, strides = array<i32>} : memref<4x80x128xf32, #tpu.memory_space<vmem>>, vector<1x1x16xf32>,
        %parallel_loop3A_1659 = vector.extract_strided_slice %parallel_loop3A_286 {offsets = [14], sizes = [1], strides = [1]} : vector<16xi32> to vector<1xi32>
        %parallel_loop3A_1660 = vector.extract %parallel_loop3A_1659[0] : i32 from vector<1xi32>
        %parallel_loop3A_1661 = arith.constant 14 : i32
        %parallel_loop3A_1662 = arith.addi %parallel_loop3A_282, %parallel_loop3A_1661 : i32
        %parallel_loop3A_1663 = arith.index_cast %parallel_loop3A_1660 : i32 to index
        %parallel_loop3A_1664 = arith.constant 0 : index
        %parallel_loop3A_1665 = tpu.vector_load %arg7[%parallel_loop3A_1663, %parallel_loop3A_1664] {strides = array<i32>} : memref<240x128xf32, #tpu.memory_space<vmem>>, vector<1x16xf32>,
        %parallel_loop3A_1666 = vector.shape_cast %parallel_loop3A_1665 : vector<1x16xf32> to vector<16xf32>
        %parallel_loop3A_1667 = arith.index_cast %rem3A_213 : i32 to index
        %parallel_loop3A_1668 = arith.index_cast %parallel_loop3A_1662 : i32 to index
        %parallel_loop3A_1669 = arith.constant 0 : index
        %parallel_loop3A_1670 = tpu.vector_load %arg8[%parallel_loop3A_1667, %parallel_loop3A_1668, %parallel_loop3A_1669] {strides = array<i32>} : memref<4x80x128xf32, #tpu.memory_space<vmem>>, vector<1x1x16xf32>,
        %parallel_loop3A_1671 = vector.shape_cast %parallel_loop3A_1670 : vector<1x1x16xf32> to vector<16xf32>
        %parallel_loop3A_1672 = vector.shape_cast %parallel_loop3A_1666 : vector<16xf32> to vector<1x1x16xf32>
        tpu.vector_store %arg8[%parallel_loop3A_1667, %parallel_loop3A_1668, %parallel_loop3A_1669], %parallel_loop3A_1672 {add = true, strides = array<i32>} : memref<4x80x128xf32, #tpu.memory_space<vmem>>, vector<1x1x16xf32>,
        %parallel_loop3A_1673 = arith.constant 14 : i32
        %parallel_loop3A_1674 = arith.addi %parallel_loop3A_282, %parallel_loop3A_1673 : i32
        %parallel_loop3A_1675 = arith.index_cast %parallel_loop3A_1660 : i32 to index
        %parallel_loop3A_1676 = arith.constant 16 : index
        %parallel_loop3A_1677 = tpu.vector_load %arg7[%parallel_loop3A_1675, %parallel_loop3A_1676] {strides = array<i32>} : memref<240x128xf32, #tpu.memory_space<vmem>>, vector<1x16xf32>,
        %parallel_loop3A_1678 = vector.shape_cast %parallel_loop3A_1677 : vector<1x16xf32> to vector<16xf32>
        %parallel_loop3A_1679 = arith.index_cast %rem3A_213 : i32 to index
        %parallel_loop3A_1680 = arith.index_cast %parallel_loop3A_1674 : i32 to index
        %parallel_loop3A_1681 = arith.constant 16 : index
        %parallel_loop3A_1682 = tpu.vector_load %arg8[%parallel_loop3A_1679, %parallel_loop3A_1680, %parallel_loop3A_1681] {strides = array<i32>} : memref<4x80x128xf32, #tpu.memory_space<vmem>>, vector<1x1x16xf32>,
        %parallel_loop3A_1683 = vector.shape_cast %parallel_loop3A_1682 : vector<1x1x16xf32> to vector<16xf32>
        %parallel_loop3A_1684 = vector.shape_cast %parallel_loop3A_1678 : vector<16xf32> to vector<1x1x16xf32>
        tpu.vector_store %arg8[%parallel_loop3A_1679, %parallel_loop3A_1680, %parallel_loop3A_1681], %parallel_loop3A_1684 {add = true, strides = array<i32>} : memref<4x80x128xf32, #tpu.memory_space<vmem>>, vector<1x1x16xf32>,
        %parallel_loop3A_1685 = arith.constant 14 : i32
        %parallel_loop3A_1686 = arith.addi %parallel_loop3A_282, %parallel_loop3A_1685 : i32
        %parallel_loop3A_1687 = arith.index_cast %parallel_loop3A_1660 : i32 to index
        %parallel_loop3A_1688 = arith.constant 32 : index
        %parallel_loop3A_1689 = tpu.vector_load %arg7[%parallel_loop3A_1687, %parallel_loop3A_1688] {strides = array<i32>} : memref<240x128xf32, #tpu.memory_space<vmem>>, vector<1x16xf32>,
        %parallel_loop3A_1690 = vector.shape_cast %parallel_loop3A_1689 : vector<1x16xf32> to vector<16xf32>
        %parallel_loop3A_1691 = arith.index_cast %rem3A_213 : i32 to index
        %parallel_loop3A_1692 = arith.index_cast %parallel_loop3A_1686 : i32 to index
        %parallel_loop3A_1693 = arith.constant 32 : index
        %parallel_loop3A_1694 = tpu.vector_load %arg8[%parallel_loop3A_1691, %parallel_loop3A_1692, %parallel_loop3A_1693] {strides = array<i32>} : memref<4x80x128xf32, #tpu.memory_space<vmem>>, vector<1x1x16xf32>,
        %parallel_loop3A_1695 = vector.shape_cast %parallel_loop3A_1694 : vector<1x1x16xf32> to vector<16xf32>
        %parallel_loop3A_1696 = vector.shape_cast %parallel_loop3A_1690 : vector<16xf32> to vector<1x1x16xf32>
        tpu.vector_store %arg8[%parallel_loop3A_1691, %parallel_loop3A_1692, %parallel_loop3A_1693], %parallel_loop3A_1696 {add = true, strides = array<i32>} : memref<4x80x128xf32, #tpu.memory_space<vmem>>, vector<1x1x16xf32>,
        %parallel_loop3A_1697 = arith.constant 14 : i32
        %parallel_loop3A_1698 = arith.addi %parallel_loop3A_282, %parallel_loop3A_1697 : i32
        %parallel_loop3A_1699 = arith.index_cast %parallel_loop3A_1660 : i32 to index
        %parallel_loop3A_1700 = arith.constant 48 : index
        %parallel_loop3A_1701 = tpu.vector_load %arg7[%parallel_loop3A_1699, %parallel_loop3A_1700] {strides = array<i32>} : memref<240x128xf32, #tpu.memory_space<vmem>>, vector<1x16xf32>,
        %parallel_loop3A_1702 = vector.shape_cast %parallel_loop3A_1701 : vector<1x16xf32> to vector<16xf32>
        %parallel_loop3A_1703 = arith.index_cast %rem3A_213 : i32 to index
        %parallel_loop3A_1704 = arith.index_cast %parallel_loop3A_1698 : i32 to index
        %parallel_loop3A_1705 = arith.constant 48 : index
        %parallel_loop3A_1706 = tpu.vector_load %arg8[%parallel_loop3A_1703, %parallel_loop3A_1704, %parallel_loop3A_1705] {strides = array<i32>} : memref<4x80x128xf32, #tpu.memory_space<vmem>>, vector<1x1x16xf32>,
        %parallel_loop3A_1707 = vector.shape_cast %parallel_loop3A_1706 : vector<1x1x16xf32> to vector<16xf32>
        %parallel_loop3A_1708 = vector.shape_cast %parallel_loop3A_1702 : vector<16xf32> to vector<1x1x16xf32>
        tpu.vector_store %arg8[%parallel_loop3A_1703, %parallel_loop3A_1704, %parallel_loop3A_1705], %parallel_loop3A_1708 {add = true, strides = array<i32>} : memref<4x80x128xf32, #tpu.memory_space<vmem>>, vector<1x1x16xf32>,
        %parallel_loop3A_1709 = arith.constant 14 : i32
        %parallel_loop3A_1710 = arith.addi %parallel_loop3A_282, %parallel_loop3A_1709 : i32
        %parallel_loop3A_1711 = arith.index_cast %parallel_loop3A_1660 : i32 to index
        %parallel_loop3A_1712 = arith.constant 64 : index
        %parallel_loop3A_1713 = tpu.vector_load %arg7[%parallel_loop3A_1711, %parallel_loop3A_1712] {strides = array<i32>} : memref<240x128xf32, #tpu.memory_space<vmem>>, vector<1x16xf32>,
        %parallel_loop3A_1714 = vector.shape_cast %parallel_loop3A_1713 : vector<1x16xf32> to vector<16xf32>
        %parallel_loop3A_1715 = arith.index_cast %rem3A_213 : i32 to index
        %parallel_loop3A_1716 = arith.index_cast %parallel_loop3A_1710 : i32 to index
        %parallel_loop3A_1717 = arith.constant 64 : index
        %parallel_loop3A_1718 = tpu.vector_load %arg8[%parallel_loop3A_1715, %parallel_loop3A_1716, %parallel_loop3A_1717] {strides = array<i32>} : memref<4x80x128xf32, #tpu.memory_space<vmem>>, vector<1x1x16xf32>,
        %parallel_loop3A_1719 = vector.shape_cast %parallel_loop3A_1718 : vector<1x1x16xf32> to vector<16xf32>
        %parallel_loop3A_1720 = vector.shape_cast %parallel_loop3A_1714 : vector<16xf32> to vector<1x1x16xf32>
        tpu.vector_store %arg8[%parallel_loop3A_1715, %parallel_loop3A_1716, %parallel_loop3A_1717], %parallel_loop3A_1720 {add = true, strides = array<i32>} : memref<4x80x128xf32, #tpu.memory_space<vmem>>, vector<1x1x16xf32>,
        %parallel_loop3A_1721 = arith.constant 14 : i32
        %parallel_loop3A_1722 = arith.addi %parallel_loop3A_282, %parallel_loop3A_1721 : i32
        %parallel_loop3A_1723 = arith.index_cast %parallel_loop3A_1660 : i32 to index
        %parallel_loop3A_1724 = arith.constant 80 : index
        %parallel_loop3A_1725 = tpu.vector_load %arg7[%parallel_loop3A_1723, %parallel_loop3A_1724] {strides = array<i32>} : memref<240x128xf32, #tpu.memory_space<vmem>>, vector<1x16xf32>,
        %parallel_loop3A_1726 = vector.shape_cast %parallel_loop3A_1725 : vector<1x16xf32> to vector<16xf32>
        %parallel_loop3A_1727 = arith.index_cast %rem3A_213 : i32 to index
        %parallel_loop3A_1728 = arith.index_cast %parallel_loop3A_1722 : i32 to index
        %parallel_loop3A_1729 = arith.constant 80 : index
        %parallel_loop3A_1730 = tpu.vector_load %arg8[%parallel_loop3A_1727, %parallel_loop3A_1728, %parallel_loop3A_1729] {strides = array<i32>} : memref<4x80x128xf32, #tpu.memory_space<vmem>>, vector<1x1x16xf32>,
        %parallel_loop3A_1731 = vector.shape_cast %parallel_loop3A_1730 : vector<1x1x16xf32> to vector<16xf32>
        %parallel_loop3A_1732 = vector.shape_cast %parallel_loop3A_1726 : vector<16xf32> to vector<1x1x16xf32>
        tpu.vector_store %arg8[%parallel_loop3A_1727, %parallel_loop3A_1728, %parallel_loop3A_1729], %parallel_loop3A_1732 {add = true, strides = array<i32>} : memref<4x80x128xf32, #tpu.memory_space<vmem>>, vector<1x1x16xf32>,
        %parallel_loop3A_1733 = arith.constant 14 : i32
        %parallel_loop3A_1734 = arith.addi %parallel_loop3A_282, %parallel_loop3A_1733 : i32
        %parallel_loop3A_1735 = arith.index_cast %parallel_loop3A_1660 : i32 to index
        %parallel_loop3A_1736 = arith.constant 96 : index
        %parallel_loop3A_1737 = tpu.vector_load %arg7[%parallel_loop3A_1735, %parallel_loop3A_1736] {strides = array<i32>} : memref<240x128xf32, #tpu.memory_space<vmem>>, vector<1x16xf32>,
        %parallel_loop3A_1738 = vector.shape_cast %parallel_loop3A_1737 : vector<1x16xf32> to vector<16xf32>
        %parallel_loop3A_1739 = arith.index_cast %rem3A_213 : i32 to index
        %parallel_loop3A_1740 = arith.index_cast %parallel_loop3A_1734 : i32 to index
        %parallel_loop3A_1741 = arith.constant 96 : index
        %parallel_loop3A_1742 = tpu.vector_load %arg8[%parallel_loop3A_1739, %parallel_loop3A_1740, %parallel_loop3A_1741] {strides = array<i32>} : memref<4x80x128xf32, #tpu.memory_space<vmem>>, vector<1x1x16xf32>,
        %parallel_loop3A_1743 = vector.shape_cast %parallel_loop3A_1742 : vector<1x1x16xf32> to vector<16xf32>
        %parallel_loop3A_1744 = vector.shape_cast %parallel_loop3A_1738 : vector<16xf32> to vector<1x1x16xf32>
        tpu.vector_store %arg8[%parallel_loop3A_1739, %parallel_loop3A_1740, %parallel_loop3A_1741], %parallel_loop3A_1744 {add = true, strides = array<i32>} : memref<4x80x128xf32, #tpu.memory_space<vmem>>, vector<1x1x16xf32>,
        %parallel_loop3A_1745 = arith.constant 14 : i32
        %parallel_loop3A_1746 = arith.addi %parallel_loop3A_282, %parallel_loop3A_1745 : i32
        %parallel_loop3A_1747 = arith.index_cast %parallel_loop3A_1660 : i32 to index
        %parallel_loop3A_1748 = arith.constant 112 : index
        %parallel_loop3A_1749 = tpu.vector_load %arg7[%parallel_loop3A_1747, %parallel_loop3A_1748] {strides = array<i32>} : memref<240x128xf32, #tpu.memory_space<vmem>>, vector<1x16xf32>,
        %parallel_loop3A_1750 = vector.shape_cast %parallel_loop3A_1749 : vector<1x16xf32> to vector<16xf32>
        %parallel_loop3A_1751 = arith.index_cast %rem3A_213 : i32 to index
        %parallel_loop3A_1752 = arith.index_cast %parallel_loop3A_1746 : i32 to index
        %parallel_loop3A_1753 = arith.constant 112 : index
        %parallel_loop3A_1754 = tpu.vector_load %arg8[%parallel_loop3A_1751, %parallel_loop3A_1752, %parallel_loop3A_1753] {strides = array<i32>} : memref<4x80x128xf32, #tpu.memory_space<vmem>>, vector<1x1x16xf32>,
        %parallel_loop3A_1755 = vector.shape_cast %parallel_loop3A_1754 : vector<1x1x16xf32> to vector<16xf32>
        %parallel_loop3A_1756 = vector.shape_cast %parallel_loop3A_1750 : vector<16xf32> to vector<1x1x16xf32>
        tpu.vector_store %arg8[%parallel_loop3A_1751, %parallel_loop3A_1752, %parallel_loop3A_1753], %parallel_loop3A_1756 {add = true, strides = array<i32>} : memref<4x80x128xf32, #tpu.memory_space<vmem>>, vector<1x1x16xf32>,
        %parallel_loop3A_1757 = vector.extract_strided_slice %parallel_loop3A_286 {offsets = [15], sizes = [1], strides = [1]} : vector<16xi32> to vector<1xi32>
        %parallel_loop3A_1758 = vector.extract %parallel_loop3A_1757[0] : i32 from vector<1xi32>
        %parallel_loop3A_1759 = arith.constant 15 : i32
        %parallel_loop3A_1760 = arith.addi %parallel_loop3A_282, %parallel_loop3A_1759 : i32
        %parallel_loop3A_1761 = arith.index_cast %parallel_loop3A_1758 : i32 to index
        %parallel_loop3A_1762 = arith.constant 0 : index
        %parallel_loop3A_1763 = tpu.vector_load %arg7[%parallel_loop3A_1761, %parallel_loop3A_1762] {strides = array<i32>} : memref<240x128xf32, #tpu.memory_space<vmem>>, vector<1x16xf32>,
        %parallel_loop3A_1764 = vector.shape_cast %parallel_loop3A_1763 : vector<1x16xf32> to vector<16xf32>
        %parallel_loop3A_1765 = arith.index_cast %rem3A_213 : i32 to index
        %parallel_loop3A_1766 = arith.index_cast %parallel_loop3A_1760 : i32 to index
        %parallel_loop3A_1767 = arith.constant 0 : index
        %parallel_loop3A_1768 = tpu.vector_load %arg8[%parallel_loop3A_1765, %parallel_loop3A_1766, %parallel_loop3A_1767] {strides = array<i32>} : memref<4x80x128xf32, #tpu.memory_space<vmem>>, vector<1x1x16xf32>,
        %parallel_loop3A_1769 = vector.shape_cast %parallel_loop3A_1768 : vector<1x1x16xf32> to vector<16xf32>
        %parallel_loop3A_1770 = vector.shape_cast %parallel_loop3A_1764 : vector<16xf32> to vector<1x1x16xf32>
        tpu.vector_store %arg8[%parallel_loop3A_1765, %parallel_loop3A_1766, %parallel_loop3A_1767], %parallel_loop3A_1770 {add = true, strides = array<i32>} : memref<4x80x128xf32, #tpu.memory_space<vmem>>, vector<1x1x16xf32>,
        %parallel_loop3A_1771 = arith.constant 15 : i32
        %parallel_loop3A_1772 = arith.addi %parallel_loop3A_282, %parallel_loop3A_1771 : i32
        %parallel_loop3A_1773 = arith.index_cast %parallel_loop3A_1758 : i32 to index
        %parallel_loop3A_1774 = arith.constant 16 : index
        %parallel_loop3A_1775 = tpu.vector_load %arg7[%parallel_loop3A_1773, %parallel_loop3A_1774] {strides = array<i32>} : memref<240x128xf32, #tpu.memory_space<vmem>>, vector<1x16xf32>,
        %parallel_loop3A_1776 = vector.shape_cast %parallel_loop3A_1775 : vector<1x16xf32> to vector<16xf32>
        %parallel_loop3A_1777 = arith.index_cast %rem3A_213 : i32 to index
        %parallel_loop3A_1778 = arith.index_cast %parallel_loop3A_1772 : i32 to index
        %parallel_loop3A_1779 = arith.constant 16 : index
        %parallel_loop3A_1780 = tpu.vector_load %arg8[%parallel_loop3A_1777, %parallel_loop3A_1778, %parallel_loop3A_1779] {strides = array<i32>} : memref<4x80x128xf32, #tpu.memory_space<vmem>>, vector<1x1x16xf32>,
        %parallel_loop3A_1781 = vector.shape_cast %parallel_loop3A_1780 : vector<1x1x16xf32> to vector<16xf32>
        %parallel_loop3A_1782 = vector.shape_cast %parallel_loop3A_1776 : vector<16xf32> to vector<1x1x16xf32>
        tpu.vector_store %arg8[%parallel_loop3A_1777, %parallel_loop3A_1778, %parallel_loop3A_1779], %parallel_loop3A_1782 {add = true, strides = array<i32>} : memref<4x80x128xf32, #tpu.memory_space<vmem>>, vector<1x1x16xf32>,
        %parallel_loop3A_1783 = arith.constant 15 : i32
        %parallel_loop3A_1784 = arith.addi %parallel_loop3A_282, %parallel_loop3A_1783 : i32
        %parallel_loop3A_1785 = arith.index_cast %parallel_loop3A_1758 : i32 to index
        %parallel_loop3A_1786 = arith.constant 32 : index
        %parallel_loop3A_1787 = tpu.vector_load %arg7[%parallel_loop3A_1785, %parallel_loop3A_1786] {strides = array<i32>} : memref<240x128xf32, #tpu.memory_space<vmem>>, vector<1x16xf32>,
        %parallel_loop3A_1788 = vector.shape_cast %parallel_loop3A_1787 : vector<1x16xf32> to vector<16xf32>
        %parallel_loop3A_1789 = arith.index_cast %rem3A_213 : i32 to index
        %parallel_loop3A_1790 = arith.index_cast %parallel_loop3A_1784 : i32 to index
        %parallel_loop3A_1791 = arith.constant 32 : index
        %parallel_loop3A_1792 = tpu.vector_load %arg8[%parallel_loop3A_1789, %parallel_loop3A_1790, %parallel_loop3A_1791] {strides = array<i32>} : memref<4x80x128xf32, #tpu.memory_space<vmem>>, vector<1x1x16xf32>,
        %parallel_loop3A_1793 = vector.shape_cast %parallel_loop3A_1792 : vector<1x1x16xf32> to vector<16xf32>
        %parallel_loop3A_1794 = vector.shape_cast %parallel_loop3A_1788 : vector<16xf32> to vector<1x1x16xf32>
        tpu.vector_store %arg8[%parallel_loop3A_1789, %parallel_loop3A_1790, %parallel_loop3A_1791], %parallel_loop3A_1794 {add = true, strides = array<i32>} : memref<4x80x128xf32, #tpu.memory_space<vmem>>, vector<1x1x16xf32>,
        %parallel_loop3A_1795 = arith.constant 15 : i32
        %parallel_loop3A_1796 = arith.addi %parallel_loop3A_282, %parallel_loop3A_1795 : i32
        %parallel_loop3A_1797 = arith.index_cast %parallel_loop3A_1758 : i32 to index
        %parallel_loop3A_1798 = arith.constant 48 : index
        %parallel_loop3A_1799 = tpu.vector_load %arg7[%parallel_loop3A_1797, %parallel_loop3A_1798] {strides = array<i32>} : memref<240x128xf32, #tpu.memory_space<vmem>>, vector<1x16xf32>,
        %parallel_loop3A_1800 = vector.shape_cast %parallel_loop3A_1799 : vector<1x16xf32> to vector<16xf32>
        %parallel_loop3A_1801 = arith.index_cast %rem3A_213 : i32 to index
        %parallel_loop3A_1802 = arith.index_cast %parallel_loop3A_1796 : i32 to index
        %parallel_loop3A_1803 = arith.constant 48 : index
        %parallel_loop3A_1804 = tpu.vector_load %arg8[%parallel_loop3A_1801, %parallel_loop3A_1802, %parallel_loop3A_1803] {strides = array<i32>} : memref<4x80x128xf32, #tpu.memory_space<vmem>>, vector<1x1x16xf32>,
        %parallel_loop3A_1805 = vector.shape_cast %parallel_loop3A_1804 : vector<1x1x16xf32> to vector<16xf32>
        %parallel_loop3A_1806 = vector.shape_cast %parallel_loop3A_1800 : vector<16xf32> to vector<1x1x16xf32>
        tpu.vector_store %arg8[%parallel_loop3A_1801, %parallel_loop3A_1802, %parallel_loop3A_1803], %parallel_loop3A_1806 {add = true, strides = array<i32>} : memref<4x80x128xf32, #tpu.memory_space<vmem>>, vector<1x1x16xf32>,
        %parallel_loop3A_1807 = arith.constant 15 : i32
        %parallel_loop3A_1808 = arith.addi %parallel_loop3A_282, %parallel_loop3A_1807 : i32
        %parallel_loop3A_1809 = arith.index_cast %parallel_loop3A_1758 : i32 to index
        %parallel_loop3A_1810 = arith.constant 64 : index
        %parallel_loop3A_1811 = tpu.vector_load %arg7[%parallel_loop3A_1809, %parallel_loop3A_1810] {strides = array<i32>} : memref<240x128xf32, #tpu.memory_space<vmem>>, vector<1x16xf32>,
        %parallel_loop3A_1812 = vector.shape_cast %parallel_loop3A_1811 : vector<1x16xf32> to vector<16xf32>
        %parallel_loop3A_1813 = arith.index_cast %rem3A_213 : i32 to index
        %parallel_loop3A_1814 = arith.index_cast %parallel_loop3A_1808 : i32 to index
        %parallel_loop3A_1815 = arith.constant 64 : index
        %parallel_loop3A_1816 = tpu.vector_load %arg8[%parallel_loop3A_1813, %parallel_loop3A_1814, %parallel_loop3A_1815] {strides = array<i32>} : memref<4x80x128xf32, #tpu.memory_space<vmem>>, vector<1x1x16xf32>,
        %parallel_loop3A_1817 = vector.shape_cast %parallel_loop3A_1816 : vector<1x1x16xf32> to vector<16xf32>
        %parallel_loop3A_1818 = vector.shape_cast %parallel_loop3A_1812 : vector<16xf32> to vector<1x1x16xf32>
        tpu.vector_store %arg8[%parallel_loop3A_1813, %parallel_loop3A_1814, %parallel_loop3A_1815], %parallel_loop3A_1818 {add = true, strides = array<i32>} : memref<4x80x128xf32, #tpu.memory_space<vmem>>, vector<1x1x16xf32>,
        %parallel_loop3A_1819 = arith.constant 15 : i32
        %parallel_loop3A_1820 = arith.addi %parallel_loop3A_282, %parallel_loop3A_1819 : i32
        %parallel_loop3A_1821 = arith.index_cast %parallel_loop3A_1758 : i32 to index
        %parallel_loop3A_1822 = arith.constant 80 : index
        %parallel_loop3A_1823 = tpu.vector_load %arg7[%parallel_loop3A_1821, %parallel_loop3A_1822] {strides = array<i32>} : memref<240x128xf32, #tpu.memory_space<vmem>>, vector<1x16xf32>,
        %parallel_loop3A_1824 = vector.shape_cast %parallel_loop3A_1823 : vector<1x16xf32> to vector<16xf32>
        %parallel_loop3A_1825 = arith.index_cast %rem3A_213 : i32 to index
        %parallel_loop3A_1826 = arith.index_cast %parallel_loop3A_1820 : i32 to index
        %parallel_loop3A_1827 = arith.constant 80 : index
        %parallel_loop3A_1828 = tpu.vector_load %arg8[%parallel_loop3A_1825, %parallel_loop3A_1826, %parallel_loop3A_1827] {strides = array<i32>} : memref<4x80x128xf32, #tpu.memory_space<vmem>>, vector<1x1x16xf32>,
        %parallel_loop3A_1829 = vector.shape_cast %parallel_loop3A_1828 : vector<1x1x16xf32> to vector<16xf32>
        %parallel_loop3A_1830 = vector.shape_cast %parallel_loop3A_1824 : vector<16xf32> to vector<1x1x16xf32>
        tpu.vector_store %arg8[%parallel_loop3A_1825, %parallel_loop3A_1826, %parallel_loop3A_1827], %parallel_loop3A_1830 {add = true, strides = array<i32>} : memref<4x80x128xf32, #tpu.memory_space<vmem>>, vector<1x1x16xf32>,
        %parallel_loop3A_1831 = arith.constant 15 : i32
        %parallel_loop3A_1832 = arith.addi %parallel_loop3A_282, %parallel_loop3A_1831 : i32
        %parallel_loop3A_1833 = arith.index_cast %parallel_loop3A_1758 : i32 to index
        %parallel_loop3A_1834 = arith.constant 96 : index
        %parallel_loop3A_1835 = tpu.vector_load %arg7[%parallel_loop3A_1833, %parallel_loop3A_1834] {strides = array<i32>} : memref<240x128xf32, #tpu.memory_space<vmem>>, vector<1x16xf32>,
        %parallel_loop3A_1836 = vector.shape_cast %parallel_loop3A_1835 : vector<1x16xf32> to vector<16xf32>
        %parallel_loop3A_1837 = arith.index_cast %rem3A_213 : i32 to index
        %parallel_loop3A_1838 = arith.index_cast %parallel_loop3A_1832 : i32 to index
        %parallel_loop3A_1839 = arith.constant 96 : index
        %parallel_loop3A_1840 = tpu.vector_load %arg8[%parallel_loop3A_1837, %parallel_loop3A_1838, %parallel_loop3A_1839] {strides = array<i32>} : memref<4x80x128xf32, #tpu.memory_space<vmem>>, vector<1x1x16xf32>,
        %parallel_loop3A_1841 = vector.shape_cast %parallel_loop3A_1840 : vector<1x1x16xf32> to vector<16xf32>
        %parallel_loop3A_1842 = vector.shape_cast %parallel_loop3A_1836 : vector<16xf32> to vector<1x1x16xf32>
        tpu.vector_store %arg8[%parallel_loop3A_1837, %parallel_loop3A_1838, %parallel_loop3A_1839], %parallel_loop3A_1842 {add = true, strides = array<i32>} : memref<4x80x128xf32, #tpu.memory_space<vmem>>, vector<1x1x16xf32>,
        %parallel_loop3A_1843 = arith.constant 15 : i32
        %parallel_loop3A_1844 = arith.addi %parallel_loop3A_282, %parallel_loop3A_1843 : i32
        %parallel_loop3A_1845 = arith.index_cast %parallel_loop3A_1758 : i32 to index
        %parallel_loop3A_1846 = arith.constant 112 : index
        %parallel_loop3A_1847 = tpu.vector_load %arg7[%parallel_loop3A_1845, %parallel_loop3A_1846] {strides = array<i32>} : memref<240x128xf32, #tpu.memory_space<vmem>>, vector<1x16xf32>,
        %parallel_loop3A_1848 = vector.shape_cast %parallel_loop3A_1847 : vector<1x16xf32> to vector<16xf32>
        %parallel_loop3A_1849 = arith.index_cast %rem3A_213 : i32 to index
        %parallel_loop3A_1850 = arith.index_cast %parallel_loop3A_1844 : i32 to index
        %parallel_loop3A_1851 = arith.constant 112 : index
        %parallel_loop3A_1852 = tpu.vector_load %arg8[%parallel_loop3A_1849, %parallel_loop3A_1850, %parallel_loop3A_1851] {strides = array<i32>} : memref<4x80x128xf32, #tpu.memory_space<vmem>>, vector<1x1x16xf32>,
        %parallel_loop3A_1853 = vector.shape_cast %parallel_loop3A_1852 : vector<1x1x16xf32> to vector<16xf32>
        %parallel_loop3A_1854 = vector.shape_cast %parallel_loop3A_1848 : vector<16xf32> to vector<1x1x16xf32>
        tpu.vector_store %arg8[%parallel_loop3A_1849, %parallel_loop3A_1850, %parallel_loop3A_1851], %parallel_loop3A_1854 {add = true, strides = array<i32>} : memref<4x80x128xf32, #tpu.memory_space<vmem>>, vector<1x1x16xf32>,
      } {sc.loop_unroll_factor = 1 : i64, sc.parallel_access}
      %mul3A_237 = arith.constant 80 : i32
      %mul3A_238 = arith.muli %scan3A_211, %mul3A_237 : i32
      %add3A_239 = arith.addi %mul3A_2, %mul3A_238 : i32
      %add3A_240 = arith.constant 0 : i32
      %add3A_241 = arith.addi %add3A_239, %add3A_240 : i32
      %dma_start3A_242 = arith.constant 0 : i32
      %dma_start3A_243 = arith.constant 0 : i32
      %dma_start3A_244 = arith.constant 0 : i32
      %dma_start3A_245 = tpu.memref_slice %arg8[%rem3A_213, %dma_start3A_243, %dma_start3A_244] : memref<4x80x128xf32, #tpu.memory_space<vmem>> -> memref<1x32x128xf32, #tpu.memory_space<vmem>>
      %dma_start3A_246 = tpu.memref_squeeze %dma_start3A_245 : memref<1x32x128xf32, #tpu.memory_space<vmem>> -> memref<32x128xf32, #tpu.memory_space<vmem>>
      %dma_start3A_247 = arith.constant 0 : i32
      %dma_start3A_248 = tpu.memref_slice %arg5[%add3A_241, %dma_start3A_247] : memref<320000x128xf32, #tpu.memory_space<hbm>> -> memref<32x128xf32, #tpu.memory_space<hbm>>
      %dma_start3A_249 = tpu.memref_slice %arg10[%rem3A_213, %dma_start3A_242] : memref<4x2x!tpu.dma_semaphore, #tpu.memory_space<semaphore_mem>> -> memref<1x1x!tpu.dma_semaphore, #tpu.memory_space<semaphore_mem>>
      %dma_start3A_250 = tpu.memref_squeeze %dma_start3A_249 : memref<1x1x!tpu.dma_semaphore, #tpu.memory_space<semaphore_mem>> -> memref<!tpu.dma_semaphore, #tpu.memory_space<semaphore_mem>>
      %dma_start3A_251 = arith.constant 0 : i32
      %dma_start3A_252 = tpu.memref_slice %arg5[%add3A_241, %dma_start3A_251] : memref<320000x128xf32, #tpu.memory_space<hbm>> -> memref<32x128xf32, #tpu.memory_space<hbm>>
      %dma_start3A_253 = arith.constant 0 : i32
      %dma_start3A_254 = arith.constant 0 : i32
      %dma_start3A_255 = tpu.memref_slice %arg8[%rem3A_213, %dma_start3A_253, %dma_start3A_254] : memref<4x80x128xf32, #tpu.memory_space<vmem>> -> memref<1x32x128xf32, #tpu.memory_space<vmem>>
      %dma_start3A_256 = tpu.memref_squeeze %dma_start3A_255 : memref<1x32x128xf32, #tpu.memory_space<vmem>> -> memref<32x128xf32, #tpu.memory_space<vmem>>
      tpu.enqueue_dma source(%dma_start3A_256 : memref<32x128xf32, #tpu.memory_space<vmem>>) target(%dma_start3A_252 : memref<32x128xf32, #tpu.memory_space<hbm>>) target_semaphore(%dma_start3A_250 : memref<!tpu.dma_semaphore, #tpu.memory_space<semaphore_mem>>)
      %parallel_loop3A_257 = arith.constant 2 : i32
      %parallel_loop3A_258 = arith.constant 5 : i32
      %parallel_loop3A_259 = arith.constant 1 : i32
      scf.for %parallel_loop3A_280 = %parallel_loop3A_257 to %parallel_loop3A_258 step %parallel_loop3A_259  : i32 {
        %parallel_loop3A_281 = arith.constant 16 : i32
        %parallel_loop3A_282 = arith.muli %parallel_loop3A_280, %parallel_loop3A_281 : i32
        %parallel_loop3A_283 = arith.index_cast %scan3A_211 : i32 to index
        %parallel_loop3A_284 = arith.index_cast %parallel_loop3A_282 : i32 to index
        %parallel_loop3A_285 = tpu.vector_load %arg6[%parallel_loop3A_283, %parallel_loop3A_284] {strides = array<i32>} : memref<125x80xi32, #tpu.memory_space<vmem>>, vector<1x16xi32>,
        %parallel_loop3A_286 = vector.shape_cast %parallel_loop3A_285 : vector<1x16xi32> to vector<16xi32>
        %parallel_loop3A_287 = vector.extract_strided_slice %parallel_loop3A_286 {offsets = [0], sizes = [1], strides = [1]} : vector<16xi32> to vector<1xi32>
        %parallel_loop3A_288 = vector.extract %parallel_loop3A_287[0] : i32 from vector<1xi32>
        %parallel_loop3A_289 = arith.constant 0 : i32
        %parallel_loop3A_290 = arith.addi %parallel_loop3A_282, %parallel_loop3A_289 : i32
        %parallel_loop3A_291 = arith.index_cast %parallel_loop3A_288 : i32 to index
        %parallel_loop3A_292 = arith.constant 0 : index
        %parallel_loop3A_293 = tpu.vector_load %arg7[%parallel_loop3A_291, %parallel_loop3A_292] {strides = array<i32>} : memref<240x128xf32, #tpu.memory_space<vmem>>, vector<1x16xf32>,
        %parallel_loop3A_294 = vector.shape_cast %parallel_loop3A_293 : vector<1x16xf32> to vector<16xf32>
        %parallel_loop3A_295 = arith.index_cast %rem3A_213 : i32 to index
        %parallel_loop3A_296 = arith.index_cast %parallel_loop3A_290 : i32 to index
        %parallel_loop3A_297 = arith.constant 0 : index
        %parallel_loop3A_298 = tpu.vector_load %arg8[%parallel_loop3A_295, %parallel_loop3A_296, %parallel_loop3A_297] {strides = array<i32>} : memref<4x80x128xf32, #tpu.memory_space<vmem>>, vector<1x1x16xf32>,
        %parallel_loop3A_299 = vector.shape_cast %parallel_loop3A_298 : vector<1x1x16xf32> to vector<16xf32>
        %parallel_loop3A_300 = vector.shape_cast %parallel_loop3A_294 : vector<16xf32> to vector<1x1x16xf32>
        tpu.vector_store %arg8[%parallel_loop3A_295, %parallel_loop3A_296, %parallel_loop3A_297], %parallel_loop3A_300 {add = true, strides = array<i32>} : memref<4x80x128xf32, #tpu.memory_space<vmem>>, vector<1x1x16xf32>,
        %parallel_loop3A_301 = arith.constant 0 : i32
        %parallel_loop3A_302 = arith.addi %parallel_loop3A_282, %parallel_loop3A_301 : i32
        %parallel_loop3A_303 = arith.index_cast %parallel_loop3A_288 : i32 to index
        %parallel_loop3A_304 = arith.constant 16 : index
        %parallel_loop3A_305 = tpu.vector_load %arg7[%parallel_loop3A_303, %parallel_loop3A_304] {strides = array<i32>} : memref<240x128xf32, #tpu.memory_space<vmem>>, vector<1x16xf32>,
        %parallel_loop3A_306 = vector.shape_cast %parallel_loop3A_305 : vector<1x16xf32> to vector<16xf32>
        %parallel_loop3A_307 = arith.index_cast %rem3A_213 : i32 to index
        %parallel_loop3A_308 = arith.index_cast %parallel_loop3A_302 : i32 to index
        %parallel_loop3A_309 = arith.constant 16 : index
        %parallel_loop3A_310 = tpu.vector_load %arg8[%parallel_loop3A_307, %parallel_loop3A_308, %parallel_loop3A_309] {strides = array<i32>} : memref<4x80x128xf32, #tpu.memory_space<vmem>>, vector<1x1x16xf32>,
        %parallel_loop3A_311 = vector.shape_cast %parallel_loop3A_310 : vector<1x1x16xf32> to vector<16xf32>
        %parallel_loop3A_312 = vector.shape_cast %parallel_loop3A_306 : vector<16xf32> to vector<1x1x16xf32>
        tpu.vector_store %arg8[%parallel_loop3A_307, %parallel_loop3A_308, %parallel_loop3A_309], %parallel_loop3A_312 {add = true, strides = array<i32>} : memref<4x80x128xf32, #tpu.memory_space<vmem>>, vector<1x1x16xf32>,
        %parallel_loop3A_313 = arith.constant 0 : i32
        %parallel_loop3A_314 = arith.addi %parallel_loop3A_282, %parallel_loop3A_313 : i32
        %parallel_loop3A_315 = arith.index_cast %parallel_loop3A_288 : i32 to index
        %parallel_loop3A_316 = arith.constant 32 : index
        %parallel_loop3A_317 = tpu.vector_load %arg7[%parallel_loop3A_315, %parallel_loop3A_316] {strides = array<i32>} : memref<240x128xf32, #tpu.memory_space<vmem>>, vector<1x16xf32>,
        %parallel_loop3A_318 = vector.shape_cast %parallel_loop3A_317 : vector<1x16xf32> to vector<16xf32>
        %parallel_loop3A_319 = arith.index_cast %rem3A_213 : i32 to index
        %parallel_loop3A_320 = arith.index_cast %parallel_loop3A_314 : i32 to index
        %parallel_loop3A_321 = arith.constant 32 : index
        %parallel_loop3A_322 = tpu.vector_load %arg8[%parallel_loop3A_319, %parallel_loop3A_320, %parallel_loop3A_321] {strides = array<i32>} : memref<4x80x128xf32, #tpu.memory_space<vmem>>, vector<1x1x16xf32>,
        %parallel_loop3A_323 = vector.shape_cast %parallel_loop3A_322 : vector<1x1x16xf32> to vector<16xf32>
        %parallel_loop3A_324 = vector.shape_cast %parallel_loop3A_318 : vector<16xf32> to vector<1x1x16xf32>
        tpu.vector_store %arg8[%parallel_loop3A_319, %parallel_loop3A_320, %parallel_loop3A_321], %parallel_loop3A_324 {add = true, strides = array<i32>} : memref<4x80x128xf32, #tpu.memory_space<vmem>>, vector<1x1x16xf32>,
        %parallel_loop3A_325 = arith.constant 0 : i32
        %parallel_loop3A_326 = arith.addi %parallel_loop3A_282, %parallel_loop3A_325 : i32
        %parallel_loop3A_327 = arith.index_cast %parallel_loop3A_288 : i32 to index
        %parallel_loop3A_328 = arith.constant 48 : index
        %parallel_loop3A_329 = tpu.vector_load %arg7[%parallel_loop3A_327, %parallel_loop3A_328] {strides = array<i32>} : memref<240x128xf32, #tpu.memory_space<vmem>>, vector<1x16xf32>,
        %parallel_loop3A_330 = vector.shape_cast %parallel_loop3A_329 : vector<1x16xf32> to vector<16xf32>
        %parallel_loop3A_331 = arith.index_cast %rem3A_213 : i32 to index
        %parallel_loop3A_332 = arith.index_cast %parallel_loop3A_326 : i32 to index
        %parallel_loop3A_333 = arith.constant 48 : index
        %parallel_loop3A_334 = tpu.vector_load %arg8[%parallel_loop3A_331, %parallel_loop3A_332, %parallel_loop3A_333] {strides = array<i32>} : memref<4x80x128xf32, #tpu.memory_space<vmem>>, vector<1x1x16xf32>,
        %parallel_loop3A_335 = vector.shape_cast %parallel_loop3A_334 : vector<1x1x16xf32> to vector<16xf32>
        %parallel_loop3A_336 = vector.shape_cast %parallel_loop3A_330 : vector<16xf32> to vector<1x1x16xf32>
        tpu.vector_store %arg8[%parallel_loop3A_331, %parallel_loop3A_332, %parallel_loop3A_333], %parallel_loop3A_336 {add = true, strides = array<i32>} : memref<4x80x128xf32, #tpu.memory_space<vmem>>, vector<1x1x16xf32>,
        %parallel_loop3A_337 = arith.constant 0 : i32
        %parallel_loop3A_338 = arith.addi %parallel_loop3A_282, %parallel_loop3A_337 : i32
        %parallel_loop3A_339 = arith.index_cast %parallel_loop3A_288 : i32 to index
        %parallel_loop3A_340 = arith.constant 64 : index
        %parallel_loop3A_341 = tpu.vector_load %arg7[%parallel_loop3A_339, %parallel_loop3A_340] {strides = array<i32>} : memref<240x128xf32, #tpu.memory_space<vmem>>, vector<1x16xf32>,
        %parallel_loop3A_342 = vector.shape_cast %parallel_loop3A_341 : vector<1x16xf32> to vector<16xf32>
        %parallel_loop3A_343 = arith.index_cast %rem3A_213 : i32 to index
        %parallel_loop3A_344 = arith.index_cast %parallel_loop3A_338 : i32 to index
        %parallel_loop3A_345 = arith.constant 64 : index
        %parallel_loop3A_346 = tpu.vector_load %arg8[%parallel_loop3A_343, %parallel_loop3A_344, %parallel_loop3A_345] {strides = array<i32>} : memref<4x80x128xf32, #tpu.memory_space<vmem>>, vector<1x1x16xf32>,
        %parallel_loop3A_347 = vector.shape_cast %parallel_loop3A_346 : vector<1x1x16xf32> to vector<16xf32>
        %parallel_loop3A_348 = vector.shape_cast %parallel_loop3A_342 : vector<16xf32> to vector<1x1x16xf32>
        tpu.vector_store %arg8[%parallel_loop3A_343, %parallel_loop3A_344, %parallel_loop3A_345], %parallel_loop3A_348 {add = true, strides = array<i32>} : memref<4x80x128xf32, #tpu.memory_space<vmem>>, vector<1x1x16xf32>,
        %parallel_loop3A_349 = arith.constant 0 : i32
        %parallel_loop3A_350 = arith.addi %parallel_loop3A_282, %parallel_loop3A_349 : i32
        %parallel_loop3A_351 = arith.index_cast %parallel_loop3A_288 : i32 to index
        %parallel_loop3A_352 = arith.constant 80 : index
        %parallel_loop3A_353 = tpu.vector_load %arg7[%parallel_loop3A_351, %parallel_loop3A_352] {strides = array<i32>} : memref<240x128xf32, #tpu.memory_space<vmem>>, vector<1x16xf32>,
        %parallel_loop3A_354 = vector.shape_cast %parallel_loop3A_353 : vector<1x16xf32> to vector<16xf32>
        %parallel_loop3A_355 = arith.index_cast %rem3A_213 : i32 to index
        %parallel_loop3A_356 = arith.index_cast %parallel_loop3A_350 : i32 to index
        %parallel_loop3A_357 = arith.constant 80 : index
        %parallel_loop3A_358 = tpu.vector_load %arg8[%parallel_loop3A_355, %parallel_loop3A_356, %parallel_loop3A_357] {strides = array<i32>} : memref<4x80x128xf32, #tpu.memory_space<vmem>>, vector<1x1x16xf32>,
        %parallel_loop3A_359 = vector.shape_cast %parallel_loop3A_358 : vector<1x1x16xf32> to vector<16xf32>
        %parallel_loop3A_360 = vector.shape_cast %parallel_loop3A_354 : vector<16xf32> to vector<1x1x16xf32>
        tpu.vector_store %arg8[%parallel_loop3A_355, %parallel_loop3A_356, %parallel_loop3A_357], %parallel_loop3A_360 {add = true, strides = array<i32>} : memref<4x80x128xf32, #tpu.memory_space<vmem>>, vector<1x1x16xf32>,
        %parallel_loop3A_361 = arith.constant 0 : i32
        %parallel_loop3A_362 = arith.addi %parallel_loop3A_282, %parallel_loop3A_361 : i32
        %parallel_loop3A_363 = arith.index_cast %parallel_loop3A_288 : i32 to index
        %parallel_loop3A_364 = arith.constant 96 : index
        %parallel_loop3A_365 = tpu.vector_load %arg7[%parallel_loop3A_363, %parallel_loop3A_364] {strides = array<i32>} : memref<240x128xf32, #tpu.memory_space<vmem>>, vector<1x16xf32>,
        %parallel_loop3A_366 = vector.shape_cast %parallel_loop3A_365 : vector<1x16xf32> to vector<16xf32>
        %parallel_loop3A_367 = arith.index_cast %rem3A_213 : i32 to index
        %parallel_loop3A_368 = arith.index_cast %parallel_loop3A_362 : i32 to index
        %parallel_loop3A_369 = arith.constant 96 : index
        %parallel_loop3A_370 = tpu.vector_load %arg8[%parallel_loop3A_367, %parallel_loop3A_368, %parallel_loop3A_369] {strides = array<i32>} : memref<4x80x128xf32, #tpu.memory_space<vmem>>, vector<1x1x16xf32>,
        %parallel_loop3A_371 = vector.shape_cast %parallel_loop3A_370 : vector<1x1x16xf32> to vector<16xf32>
        %parallel_loop3A_372 = vector.shape_cast %parallel_loop3A_366 : vector<16xf32> to vector<1x1x16xf32>
        tpu.vector_store %arg8[%parallel_loop3A_367, %parallel_loop3A_368, %parallel_loop3A_369], %parallel_loop3A_372 {add = true, strides = array<i32>} : memref<4x80x128xf32, #tpu.memory_space<vmem>>, vector<1x1x16xf32>,
        %parallel_loop3A_373 = arith.constant 0 : i32
        %parallel_loop3A_374 = arith.addi %parallel_loop3A_282, %parallel_loop3A_373 : i32
        %parallel_loop3A_375 = arith.index_cast %parallel_loop3A_288 : i32 to index
        %parallel_loop3A_376 = arith.constant 112 : index
        %parallel_loop3A_377 = tpu.vector_load %arg7[%parallel_loop3A_375, %parallel_loop3A_376] {strides = array<i32>} : memref<240x128xf32, #tpu.memory_space<vmem>>, vector<1x16xf32>,
        %parallel_loop3A_378 = vector.shape_cast %parallel_loop3A_377 : vector<1x16xf32> to vector<16xf32>
        %parallel_loop3A_379 = arith.index_cast %rem3A_213 : i32 to index
        %parallel_loop3A_380 = arith.index_cast %parallel_loop3A_374 : i32 to index
        %parallel_loop3A_381 = arith.constant 112 : index
        %parallel_loop3A_382 = tpu.vector_load %arg8[%parallel_loop3A_379, %parallel_loop3A_380, %parallel_loop3A_381] {strides = array<i32>} : memref<4x80x128xf32, #tpu.memory_space<vmem>>, vector<1x1x16xf32>,
        %parallel_loop3A_383 = vector.shape_cast %parallel_loop3A_382 : vector<1x1x16xf32> to vector<16xf32>
        %parallel_loop3A_384 = vector.shape_cast %parallel_loop3A_378 : vector<16xf32> to vector<1x1x16xf32>
        tpu.vector_store %arg8[%parallel_loop3A_379, %parallel_loop3A_380, %parallel_loop3A_381], %parallel_loop3A_384 {add = true, strides = array<i32>} : memref<4x80x128xf32, #tpu.memory_space<vmem>>, vector<1x1x16xf32>,
        %parallel_loop3A_385 = vector.extract_strided_slice %parallel_loop3A_286 {offsets = [1], sizes = [1], strides = [1]} : vector<16xi32> to vector<1xi32>
        %parallel_loop3A_386 = vector.extract %parallel_loop3A_385[0] : i32 from vector<1xi32>
        %parallel_loop3A_387 = arith.constant 1 : i32
        %parallel_loop3A_388 = arith.addi %parallel_loop3A_282, %parallel_loop3A_387 : i32
        %parallel_loop3A_389 = arith.index_cast %parallel_loop3A_386 : i32 to index
        %parallel_loop3A_390 = arith.constant 0 : index
        %parallel_loop3A_391 = tpu.vector_load %arg7[%parallel_loop3A_389, %parallel_loop3A_390] {strides = array<i32>} : memref<240x128xf32, #tpu.memory_space<vmem>>, vector<1x16xf32>,
        %parallel_loop3A_392 = vector.shape_cast %parallel_loop3A_391 : vector<1x16xf32> to vector<16xf32>
        %parallel_loop3A_393 = arith.index_cast %rem3A_213 : i32 to index
        %parallel_loop3A_394 = arith.index_cast %parallel_loop3A_388 : i32 to index
        %parallel_loop3A_395 = arith.constant 0 : index
        %parallel_loop3A_396 = tpu.vector_load %arg8[%parallel_loop3A_393, %parallel_loop3A_394, %parallel_loop3A_395] {strides = array<i32>} : memref<4x80x128xf32, #tpu.memory_space<vmem>>, vector<1x1x16xf32>,
        %parallel_loop3A_397 = vector.shape_cast %parallel_loop3A_396 : vector<1x1x16xf32> to vector<16xf32>
        %parallel_loop3A_398 = vector.shape_cast %parallel_loop3A_392 : vector<16xf32> to vector<1x1x16xf32>
        tpu.vector_store %arg8[%parallel_loop3A_393, %parallel_loop3A_394, %parallel_loop3A_395], %parallel_loop3A_398 {add = true, strides = array<i32>} : memref<4x80x128xf32, #tpu.memory_space<vmem>>, vector<1x1x16xf32>,
        %parallel_loop3A_399 = arith.constant 1 : i32
        %parallel_loop3A_400 = arith.addi %parallel_loop3A_282, %parallel_loop3A_399 : i32
        %parallel_loop3A_401 = arith.index_cast %parallel_loop3A_386 : i32 to index
        %parallel_loop3A_402 = arith.constant 16 : index
        %parallel_loop3A_403 = tpu.vector_load %arg7[%parallel_loop3A_401, %parallel_loop3A_402] {strides = array<i32>} : memref<240x128xf32, #tpu.memory_space<vmem>>, vector<1x16xf32>,
        %parallel_loop3A_404 = vector.shape_cast %parallel_loop3A_403 : vector<1x16xf32> to vector<16xf32>
        %parallel_loop3A_405 = arith.index_cast %rem3A_213 : i32 to index
        %parallel_loop3A_406 = arith.index_cast %parallel_loop3A_400 : i32 to index
        %parallel_loop3A_407 = arith.constant 16 : index
        %parallel_loop3A_408 = tpu.vector_load %arg8[%parallel_loop3A_405, %parallel_loop3A_406, %parallel_loop3A_407] {strides = array<i32>} : memref<4x80x128xf32, #tpu.memory_space<vmem>>, vector<1x1x16xf32>,
        %parallel_loop3A_409 = vector.shape_cast %parallel_loop3A_408 : vector<1x1x16xf32> to vector<16xf32>
        %parallel_loop3A_410 = vector.shape_cast %parallel_loop3A_404 : vector<16xf32> to vector<1x1x16xf32>
        tpu.vector_store %arg8[%parallel_loop3A_405, %parallel_loop3A_406, %parallel_loop3A_407], %parallel_loop3A_410 {add = true, strides = array<i32>} : memref<4x80x128xf32, #tpu.memory_space<vmem>>, vector<1x1x16xf32>,
        %parallel_loop3A_411 = arith.constant 1 : i32
        %parallel_loop3A_412 = arith.addi %parallel_loop3A_282, %parallel_loop3A_411 : i32
        %parallel_loop3A_413 = arith.index_cast %parallel_loop3A_386 : i32 to index
        %parallel_loop3A_414 = arith.constant 32 : index
        %parallel_loop3A_415 = tpu.vector_load %arg7[%parallel_loop3A_413, %parallel_loop3A_414] {strides = array<i32>} : memref<240x128xf32, #tpu.memory_space<vmem>>, vector<1x16xf32>,
        %parallel_loop3A_416 = vector.shape_cast %parallel_loop3A_415 : vector<1x16xf32> to vector<16xf32>
        %parallel_loop3A_417 = arith.index_cast %rem3A_213 : i32 to index
        %parallel_loop3A_418 = arith.index_cast %parallel_loop3A_412 : i32 to index
        %parallel_loop3A_419 = arith.constant 32 : index
        %parallel_loop3A_420 = tpu.vector_load %arg8[%parallel_loop3A_417, %parallel_loop3A_418, %parallel_loop3A_419] {strides = array<i32>} : memref<4x80x128xf32, #tpu.memory_space<vmem>>, vector<1x1x16xf32>,
        %parallel_loop3A_421 = vector.shape_cast %parallel_loop3A_420 : vector<1x1x16xf32> to vector<16xf32>
        %parallel_loop3A_422 = vector.shape_cast %parallel_loop3A_416 : vector<16xf32> to vector<1x1x16xf32>
        tpu.vector_store %arg8[%parallel_loop3A_417, %parallel_loop3A_418, %parallel_loop3A_419], %parallel_loop3A_422 {add = true, strides = array<i32>} : memref<4x80x128xf32, #tpu.memory_space<vmem>>, vector<1x1x16xf32>,
        %parallel_loop3A_423 = arith.constant 1 : i32
        %parallel_loop3A_424 = arith.addi %parallel_loop3A_282, %parallel_loop3A_423 : i32
        %parallel_loop3A_425 = arith.index_cast %parallel_loop3A_386 : i32 to index
        %parallel_loop3A_426 = arith.constant 48 : index
        %parallel_loop3A_427 = tpu.vector_load %arg7[%parallel_loop3A_425, %parallel_loop3A_426] {strides = array<i32>} : memref<240x128xf32, #tpu.memory_space<vmem>>, vector<1x16xf32>,
        %parallel_loop3A_428 = vector.shape_cast %parallel_loop3A_427 : vector<1x16xf32> to vector<16xf32>
        %parallel_loop3A_429 = arith.index_cast %rem3A_213 : i32 to index
        %parallel_loop3A_430 = arith.index_cast %parallel_loop3A_424 : i32 to index
        %parallel_loop3A_431 = arith.constant 48 : index
        %parallel_loop3A_432 = tpu.vector_load %arg8[%parallel_loop3A_429, %parallel_loop3A_430, %parallel_loop3A_431] {strides = array<i32>} : memref<4x80x128xf32, #tpu.memory_space<vmem>>, vector<1x1x16xf32>,
        %parallel_loop3A_433 = vector.shape_cast %parallel_loop3A_432 : vector<1x1x16xf32> to vector<16xf32>
        %parallel_loop3A_434 = vector.shape_cast %parallel_loop3A_428 : vector<16xf32> to vector<1x1x16xf32>
        tpu.vector_store %arg8[%parallel_loop3A_429, %parallel_loop3A_430, %parallel_loop3A_431], %parallel_loop3A_434 {add = true, strides = array<i32>} : memref<4x80x128xf32, #tpu.memory_space<vmem>>, vector<1x1x16xf32>,
        %parallel_loop3A_435 = arith.constant 1 : i32
        %parallel_loop3A_436 = arith.addi %parallel_loop3A_282, %parallel_loop3A_435 : i32
        %parallel_loop3A_437 = arith.index_cast %parallel_loop3A_386 : i32 to index
        %parallel_loop3A_438 = arith.constant 64 : index
        %parallel_loop3A_439 = tpu.vector_load %arg7[%parallel_loop3A_437, %parallel_loop3A_438] {strides = array<i32>} : memref<240x128xf32, #tpu.memory_space<vmem>>, vector<1x16xf32>,
        %parallel_loop3A_440 = vector.shape_cast %parallel_loop3A_439 : vector<1x16xf32> to vector<16xf32>
        %parallel_loop3A_441 = arith.index_cast %rem3A_213 : i32 to index
        %parallel_loop3A_442 = arith.index_cast %parallel_loop3A_436 : i32 to index
        %parallel_loop3A_443 = arith.constant 64 : index
        %parallel_loop3A_444 = tpu.vector_load %arg8[%parallel_loop3A_441, %parallel_loop3A_442, %parallel_loop3A_443] {strides = array<i32>} : memref<4x80x128xf32, #tpu.memory_space<vmem>>, vector<1x1x16xf32>,
        %parallel_loop3A_445 = vector.shape_cast %parallel_loop3A_444 : vector<1x1x16xf32> to vector<16xf32>
        %parallel_loop3A_446 = vector.shape_cast %parallel_loop3A_440 : vector<16xf32> to vector<1x1x16xf32>
        tpu.vector_store %arg8[%parallel_loop3A_441, %parallel_loop3A_442, %parallel_loop3A_443], %parallel_loop3A_446 {add = true, strides = array<i32>} : memref<4x80x128xf32, #tpu.memory_space<vmem>>, vector<1x1x16xf32>,
        %parallel_loop3A_447 = arith.constant 1 : i32
        %parallel_loop3A_448 = arith.addi %parallel_loop3A_282, %parallel_loop3A_447 : i32
        %parallel_loop3A_449 = arith.index_cast %parallel_loop3A_386 : i32 to index
        %parallel_loop3A_450 = arith.constant 80 : index
        %parallel_loop3A_451 = tpu.vector_load %arg7[%parallel_loop3A_449, %parallel_loop3A_450] {strides = array<i32>} : memref<240x128xf32, #tpu.memory_space<vmem>>, vector<1x16xf32>,
        %parallel_loop3A_452 = vector.shape_cast %parallel_loop3A_451 : vector<1x16xf32> to vector<16xf32>
        %parallel_loop3A_453 = arith.index_cast %rem3A_213 : i32 to index
        %parallel_loop3A_454 = arith.index_cast %parallel_loop3A_448 : i32 to index
        %parallel_loop3A_455 = arith.constant 80 : index
        %parallel_loop3A_456 = tpu.vector_load %arg8[%parallel_loop3A_453, %parallel_loop3A_454, %parallel_loop3A_455] {strides = array<i32>} : memref<4x80x128xf32, #tpu.memory_space<vmem>>, vector<1x1x16xf32>,
        %parallel_loop3A_457 = vector.shape_cast %parallel_loop3A_456 : vector<1x1x16xf32> to vector<16xf32>
        %parallel_loop3A_458 = vector.shape_cast %parallel_loop3A_452 : vector<16xf32> to vector<1x1x16xf32>
        tpu.vector_store %arg8[%parallel_loop3A_453, %parallel_loop3A_454, %parallel_loop3A_455], %parallel_loop3A_458 {add = true, strides = array<i32>} : memref<4x80x128xf32, #tpu.memory_space<vmem>>, vector<1x1x16xf32>,
        %parallel_loop3A_459 = arith.constant 1 : i32
        %parallel_loop3A_460 = arith.addi %parallel_loop3A_282, %parallel_loop3A_459 : i32
        %parallel_loop3A_461 = arith.index_cast %parallel_loop3A_386 : i32 to index
        %parallel_loop3A_462 = arith.constant 96 : index
        %parallel_loop3A_463 = tpu.vector_load %arg7[%parallel_loop3A_461, %parallel_loop3A_462] {strides = array<i32>} : memref<240x128xf32, #tpu.memory_space<vmem>>, vector<1x16xf32>,
        %parallel_loop3A_464 = vector.shape_cast %parallel_loop3A_463 : vector<1x16xf32> to vector<16xf32>
        %parallel_loop3A_465 = arith.index_cast %rem3A_213 : i32 to index
        %parallel_loop3A_466 = arith.index_cast %parallel_loop3A_460 : i32 to index
        %parallel_loop3A_467 = arith.constant 96 : index
        %parallel_loop3A_468 = tpu.vector_load %arg8[%parallel_loop3A_465, %parallel_loop3A_466, %parallel_loop3A_467] {strides = array<i32>} : memref<4x80x128xf32, #tpu.memory_space<vmem>>, vector<1x1x16xf32>,
        %parallel_loop3A_469 = vector.shape_cast %parallel_loop3A_468 : vector<1x1x16xf32> to vector<16xf32>
        %parallel_loop3A_470 = vector.shape_cast %parallel_loop3A_464 : vector<16xf32> to vector<1x1x16xf32>
        tpu.vector_store %arg8[%parallel_loop3A_465, %parallel_loop3A_466, %parallel_loop3A_467], %parallel_loop3A_470 {add = true, strides = array<i32>} : memref<4x80x128xf32, #tpu.memory_space<vmem>>, vector<1x1x16xf32>,
        %parallel_loop3A_471 = arith.constant 1 : i32
        %parallel_loop3A_472 = arith.addi %parallel_loop3A_282, %parallel_loop3A_471 : i32
        %parallel_loop3A_473 = arith.index_cast %parallel_loop3A_386 : i32 to index
        %parallel_loop3A_474 = arith.constant 112 : index
        %parallel_loop3A_475 = tpu.vector_load %arg7[%parallel_loop3A_473, %parallel_loop3A_474] {strides = array<i32>} : memref<240x128xf32, #tpu.memory_space<vmem>>, vector<1x16xf32>,
        %parallel_loop3A_476 = vector.shape_cast %parallel_loop3A_475 : vector<1x16xf32> to vector<16xf32>
        %parallel_loop3A_477 = arith.index_cast %rem3A_213 : i32 to index
        %parallel_loop3A_478 = arith.index_cast %parallel_loop3A_472 : i32 to index
        %parallel_loop3A_479 = arith.constant 112 : index
        %parallel_loop3A_480 = tpu.vector_load %arg8[%parallel_loop3A_477, %parallel_loop3A_478, %parallel_loop3A_479] {strides = array<i32>} : memref<4x80x128xf32, #tpu.memory_space<vmem>>, vector<1x1x16xf32>,
        %parallel_loop3A_481 = vector.shape_cast %parallel_loop3A_480 : vector<1x1x16xf32> to vector<16xf32>
        %parallel_loop3A_482 = vector.shape_cast %parallel_loop3A_476 : vector<16xf32> to vector<1x1x16xf32>
        tpu.vector_store %arg8[%parallel_loop3A_477, %parallel_loop3A_478, %parallel_loop3A_479], %parallel_loop3A_482 {add = true, strides = array<i32>} : memref<4x80x128xf32, #tpu.memory_space<vmem>>, vector<1x1x16xf32>,
        %parallel_loop3A_483 = vector.extract_strided_slice %parallel_loop3A_286 {offsets = [2], sizes = [1], strides = [1]} : vector<16xi32> to vector<1xi32>
        %parallel_loop3A_484 = vector.extract %parallel_loop3A_483[0] : i32 from vector<1xi32>
        %parallel_loop3A_485 = arith.constant 2 : i32
        %parallel_loop3A_486 = arith.addi %parallel_loop3A_282, %parallel_loop3A_485 : i32
        %parallel_loop3A_487 = arith.index_cast %parallel_loop3A_484 : i32 to index
        %parallel_loop3A_488 = arith.constant 0 : index
        %parallel_loop3A_489 = tpu.vector_load %arg7[%parallel_loop3A_487, %parallel_loop3A_488] {strides = array<i32>} : memref<240x128xf32, #tpu.memory_space<vmem>>, vector<1x16xf32>,
        %parallel_loop3A_490 = vector.shape_cast %parallel_loop3A_489 : vector<1x16xf32> to vector<16xf32>
        %parallel_loop3A_491 = arith.index_cast %rem3A_213 : i32 to index
        %parallel_loop3A_492 = arith.index_cast %parallel_loop3A_486 : i32 to index
        %parallel_loop3A_493 = arith.constant 0 : index
        %parallel_loop3A_494 = tpu.vector_load %arg8[%parallel_loop3A_491, %parallel_loop3A_492, %parallel_loop3A_493] {strides = array<i32>} : memref<4x80x128xf32, #tpu.memory_space<vmem>>, vector<1x1x16xf32>,
        %parallel_loop3A_495 = vector.shape_cast %parallel_loop3A_494 : vector<1x1x16xf32> to vector<16xf32>
        %parallel_loop3A_496 = vector.shape_cast %parallel_loop3A_490 : vector<16xf32> to vector<1x1x16xf32>
        tpu.vector_store %arg8[%parallel_loop3A_491, %parallel_loop3A_492, %parallel_loop3A_493], %parallel_loop3A_496 {add = true, strides = array<i32>} : memref<4x80x128xf32, #tpu.memory_space<vmem>>, vector<1x1x16xf32>,
        %parallel_loop3A_497 = arith.constant 2 : i32
        %parallel_loop3A_498 = arith.addi %parallel_loop3A_282, %parallel_loop3A_497 : i32
        %parallel_loop3A_499 = arith.index_cast %parallel_loop3A_484 : i32 to index
        %parallel_loop3A_500 = arith.constant 16 : index
        %parallel_loop3A_501 = tpu.vector_load %arg7[%parallel_loop3A_499, %parallel_loop3A_500] {strides = array<i32>} : memref<240x128xf32, #tpu.memory_space<vmem>>, vector<1x16xf32>,
        %parallel_loop3A_502 = vector.shape_cast %parallel_loop3A_501 : vector<1x16xf32> to vector<16xf32>
        %parallel_loop3A_503 = arith.index_cast %rem3A_213 : i32 to index
        %parallel_loop3A_504 = arith.index_cast %parallel_loop3A_498 : i32 to index
        %parallel_loop3A_505 = arith.constant 16 : index
        %parallel_loop3A_506 = tpu.vector_load %arg8[%parallel_loop3A_503, %parallel_loop3A_504, %parallel_loop3A_505] {strides = array<i32>} : memref<4x80x128xf32, #tpu.memory_space<vmem>>, vector<1x1x16xf32>,
        %parallel_loop3A_507 = vector.shape_cast %parallel_loop3A_506 : vector<1x1x16xf32> to vector<16xf32>
        %parallel_loop3A_508 = vector.shape_cast %parallel_loop3A_502 : vector<16xf32> to vector<1x1x16xf32>
        tpu.vector_store %arg8[%parallel_loop3A_503, %parallel_loop3A_504, %parallel_loop3A_505], %parallel_loop3A_508 {add = true, strides = array<i32>} : memref<4x80x128xf32, #tpu.memory_space<vmem>>, vector<1x1x16xf32>,
        %parallel_loop3A_509 = arith.constant 2 : i32
        %parallel_loop3A_510 = arith.addi %parallel_loop3A_282, %parallel_loop3A_509 : i32
        %parallel_loop3A_511 = arith.index_cast %parallel_loop3A_484 : i32 to index
        %parallel_loop3A_512 = arith.constant 32 : index
        %parallel_loop3A_513 = tpu.vector_load %arg7[%parallel_loop3A_511, %parallel_loop3A_512] {strides = array<i32>} : memref<240x128xf32, #tpu.memory_space<vmem>>, vector<1x16xf32>,
        %parallel_loop3A_514 = vector.shape_cast %parallel_loop3A_513 : vector<1x16xf32> to vector<16xf32>
        %parallel_loop3A_515 = arith.index_cast %rem3A_213 : i32 to index
        %parallel_loop3A_516 = arith.index_cast %parallel_loop3A_510 : i32 to index
        %parallel_loop3A_517 = arith.constant 32 : index
        %parallel_loop3A_518 = tpu.vector_load %arg8[%parallel_loop3A_515, %parallel_loop3A_516, %parallel_loop3A_517] {strides = array<i32>} : memref<4x80x128xf32, #tpu.memory_space<vmem>>, vector<1x1x16xf32>,
        %parallel_loop3A_519 = vector.shape_cast %parallel_loop3A_518 : vector<1x1x16xf32> to vector<16xf32>
        %parallel_loop3A_520 = vector.shape_cast %parallel_loop3A_514 : vector<16xf32> to vector<1x1x16xf32>
        tpu.vector_store %arg8[%parallel_loop3A_515, %parallel_loop3A_516, %parallel_loop3A_517], %parallel_loop3A_520 {add = true, strides = array<i32>} : memref<4x80x128xf32, #tpu.memory_space<vmem>>, vector<1x1x16xf32>,
        %parallel_loop3A_521 = arith.constant 2 : i32
        %parallel_loop3A_522 = arith.addi %parallel_loop3A_282, %parallel_loop3A_521 : i32
        %parallel_loop3A_523 = arith.index_cast %parallel_loop3A_484 : i32 to index
        %parallel_loop3A_524 = arith.constant 48 : index
        %parallel_loop3A_525 = tpu.vector_load %arg7[%parallel_loop3A_523, %parallel_loop3A_524] {strides = array<i32>} : memref<240x128xf32, #tpu.memory_space<vmem>>, vector<1x16xf32>,
        %parallel_loop3A_526 = vector.shape_cast %parallel_loop3A_525 : vector<1x16xf32> to vector<16xf32>
        %parallel_loop3A_527 = arith.index_cast %rem3A_213 : i32 to index
        %parallel_loop3A_528 = arith.index_cast %parallel_loop3A_522 : i32 to index
        %parallel_loop3A_529 = arith.constant 48 : index
        %parallel_loop3A_530 = tpu.vector_load %arg8[%parallel_loop3A_527, %parallel_loop3A_528, %parallel_loop3A_529] {strides = array<i32>} : memref<4x80x128xf32, #tpu.memory_space<vmem>>, vector<1x1x16xf32>,
        %parallel_loop3A_531 = vector.shape_cast %parallel_loop3A_530 : vector<1x1x16xf32> to vector<16xf32>
        %parallel_loop3A_532 = vector.shape_cast %parallel_loop3A_526 : vector<16xf32> to vector<1x1x16xf32>
        tpu.vector_store %arg8[%parallel_loop3A_527, %parallel_loop3A_528, %parallel_loop3A_529], %parallel_loop3A_532 {add = true, strides = array<i32>} : memref<4x80x128xf32, #tpu.memory_space<vmem>>, vector<1x1x16xf32>,
        %parallel_loop3A_533 = arith.constant 2 : i32
        %parallel_loop3A_534 = arith.addi %parallel_loop3A_282, %parallel_loop3A_533 : i32
        %parallel_loop3A_535 = arith.index_cast %parallel_loop3A_484 : i32 to index
        %parallel_loop3A_536 = arith.constant 64 : index
        %parallel_loop3A_537 = tpu.vector_load %arg7[%parallel_loop3A_535, %parallel_loop3A_536] {strides = array<i32>} : memref<240x128xf32, #tpu.memory_space<vmem>>, vector<1x16xf32>,
        %parallel_loop3A_538 = vector.shape_cast %parallel_loop3A_537 : vector<1x16xf32> to vector<16xf32>
        %parallel_loop3A_539 = arith.index_cast %rem3A_213 : i32 to index
        %parallel_loop3A_540 = arith.index_cast %parallel_loop3A_534 : i32 to index
        %parallel_loop3A_541 = arith.constant 64 : index
        %parallel_loop3A_542 = tpu.vector_load %arg8[%parallel_loop3A_539, %parallel_loop3A_540, %parallel_loop3A_541] {strides = array<i32>} : memref<4x80x128xf32, #tpu.memory_space<vmem>>, vector<1x1x16xf32>,
        %parallel_loop3A_543 = vector.shape_cast %parallel_loop3A_542 : vector<1x1x16xf32> to vector<16xf32>
        %parallel_loop3A_544 = vector.shape_cast %parallel_loop3A_538 : vector<16xf32> to vector<1x1x16xf32>
        tpu.vector_store %arg8[%parallel_loop3A_539, %parallel_loop3A_540, %parallel_loop3A_541], %parallel_loop3A_544 {add = true, strides = array<i32>} : memref<4x80x128xf32, #tpu.memory_space<vmem>>, vector<1x1x16xf32>,
        %parallel_loop3A_545 = arith.constant 2 : i32
        %parallel_loop3A_546 = arith.addi %parallel_loop3A_282, %parallel_loop3A_545 : i32
        %parallel_loop3A_547 = arith.index_cast %parallel_loop3A_484 : i32 to index
        %parallel_loop3A_548 = arith.constant 80 : index
        %parallel_loop3A_549 = tpu.vector_load %arg7[%parallel_loop3A_547, %parallel_loop3A_548] {strides = array<i32>} : memref<240x128xf32, #tpu.memory_space<vmem>>, vector<1x16xf32>,
        %parallel_loop3A_550 = vector.shape_cast %parallel_loop3A_549 : vector<1x16xf32> to vector<16xf32>
        %parallel_loop3A_551 = arith.index_cast %rem3A_213 : i32 to index
        %parallel_loop3A_552 = arith.index_cast %parallel_loop3A_546 : i32 to index
        %parallel_loop3A_553 = arith.constant 80 : index
        %parallel_loop3A_554 = tpu.vector_load %arg8[%parallel_loop3A_551, %parallel_loop3A_552, %parallel_loop3A_553] {strides = array<i32>} : memref<4x80x128xf32, #tpu.memory_space<vmem>>, vector<1x1x16xf32>,
        %parallel_loop3A_555 = vector.shape_cast %parallel_loop3A_554 : vector<1x1x16xf32> to vector<16xf32>
        %parallel_loop3A_556 = vector.shape_cast %parallel_loop3A_550 : vector<16xf32> to vector<1x1x16xf32>
        tpu.vector_store %arg8[%parallel_loop3A_551, %parallel_loop3A_552, %parallel_loop3A_553], %parallel_loop3A_556 {add = true, strides = array<i32>} : memref<4x80x128xf32, #tpu.memory_space<vmem>>, vector<1x1x16xf32>,
        %parallel_loop3A_557 = arith.constant 2 : i32
        %parallel_loop3A_558 = arith.addi %parallel_loop3A_282, %parallel_loop3A_557 : i32
        %parallel_loop3A_559 = arith.index_cast %parallel_loop3A_484 : i32 to index
        %parallel_loop3A_560 = arith.constant 96 : index
        %parallel_loop3A_561 = tpu.vector_load %arg7[%parallel_loop3A_559, %parallel_loop3A_560] {strides = array<i32>} : memref<240x128xf32, #tpu.memory_space<vmem>>, vector<1x16xf32>,
        %parallel_loop3A_562 = vector.shape_cast %parallel_loop3A_561 : vector<1x16xf32> to vector<16xf32>
        %parallel_loop3A_563 = arith.index_cast %rem3A_213 : i32 to index
        %parallel_loop3A_564 = arith.index_cast %parallel_loop3A_558 : i32 to index
        %parallel_loop3A_565 = arith.constant 96 : index
        %parallel_loop3A_566 = tpu.vector_load %arg8[%parallel_loop3A_563, %parallel_loop3A_564, %parallel_loop3A_565] {strides = array<i32>} : memref<4x80x128xf32, #tpu.memory_space<vmem>>, vector<1x1x16xf32>,
        %parallel_loop3A_567 = vector.shape_cast %parallel_loop3A_566 : vector<1x1x16xf32> to vector<16xf32>
        %parallel_loop3A_568 = vector.shape_cast %parallel_loop3A_562 : vector<16xf32> to vector<1x1x16xf32>
        tpu.vector_store %arg8[%parallel_loop3A_563, %parallel_loop3A_564, %parallel_loop3A_565], %parallel_loop3A_568 {add = true, strides = array<i32>} : memref<4x80x128xf32, #tpu.memory_space<vmem>>, vector<1x1x16xf32>,
        %parallel_loop3A_569 = arith.constant 2 : i32
        %parallel_loop3A_570 = arith.addi %parallel_loop3A_282, %parallel_loop3A_569 : i32
        %parallel_loop3A_571 = arith.index_cast %parallel_loop3A_484 : i32 to index
        %parallel_loop3A_572 = arith.constant 112 : index
        %parallel_loop3A_573 = tpu.vector_load %arg7[%parallel_loop3A_571, %parallel_loop3A_572] {strides = array<i32>} : memref<240x128xf32, #tpu.memory_space<vmem>>, vector<1x16xf32>,
        %parallel_loop3A_574 = vector.shape_cast %parallel_loop3A_573 : vector<1x16xf32> to vector<16xf32>
        %parallel_loop3A_575 = arith.index_cast %rem3A_213 : i32 to index
        %parallel_loop3A_576 = arith.index_cast %parallel_loop3A_570 : i32 to index
        %parallel_loop3A_577 = arith.constant 112 : index
        %parallel_loop3A_578 = tpu.vector_load %arg8[%parallel_loop3A_575, %parallel_loop3A_576, %parallel_loop3A_577] {strides = array<i32>} : memref<4x80x128xf32, #tpu.memory_space<vmem>>, vector<1x1x16xf32>,
        %parallel_loop3A_579 = vector.shape_cast %parallel_loop3A_578 : vector<1x1x16xf32> to vector<16xf32>
        %parallel_loop3A_580 = vector.shape_cast %parallel_loop3A_574 : vector<16xf32> to vector<1x1x16xf32>
        tpu.vector_store %arg8[%parallel_loop3A_575, %parallel_loop3A_576, %parallel_loop3A_577], %parallel_loop3A_580 {add = true, strides = array<i32>} : memref<4x80x128xf32, #tpu.memory_space<vmem>>, vector<1x1x16xf32>,
        %parallel_loop3A_581 = vector.extract_strided_slice %parallel_loop3A_286 {offsets = [3], sizes = [1], strides = [1]} : vector<16xi32> to vector<1xi32>
        %parallel_loop3A_582 = vector.extract %parallel_loop3A_581[0] : i32 from vector<1xi32>
        %parallel_loop3A_583 = arith.constant 3 : i32
        %parallel_loop3A_584 = arith.addi %parallel_loop3A_282, %parallel_loop3A_583 : i32
        %parallel_loop3A_585 = arith.index_cast %parallel_loop3A_582 : i32 to index
        %parallel_loop3A_586 = arith.constant 0 : index
        %parallel_loop3A_587 = tpu.vector_load %arg7[%parallel_loop3A_585, %parallel_loop3A_586] {strides = array<i32>} : memref<240x128xf32, #tpu.memory_space<vmem>>, vector<1x16xf32>,
        %parallel_loop3A_588 = vector.shape_cast %parallel_loop3A_587 : vector<1x16xf32> to vector<16xf32>
        %parallel_loop3A_589 = arith.index_cast %rem3A_213 : i32 to index
        %parallel_loop3A_590 = arith.index_cast %parallel_loop3A_584 : i32 to index
        %parallel_loop3A_591 = arith.constant 0 : index
        %parallel_loop3A_592 = tpu.vector_load %arg8[%parallel_loop3A_589, %parallel_loop3A_590, %parallel_loop3A_591] {strides = array<i32>} : memref<4x80x128xf32, #tpu.memory_space<vmem>>, vector<1x1x16xf32>,
        %parallel_loop3A_593 = vector.shape_cast %parallel_loop3A_592 : vector<1x1x16xf32> to vector<16xf32>
        %parallel_loop3A_594 = vector.shape_cast %parallel_loop3A_588 : vector<16xf32> to vector<1x1x16xf32>
        tpu.vector_store %arg8[%parallel_loop3A_589, %parallel_loop3A_590, %parallel_loop3A_591], %parallel_loop3A_594 {add = true, strides = array<i32>} : memref<4x80x128xf32, #tpu.memory_space<vmem>>, vector<1x1x16xf32>,
        %parallel_loop3A_595 = arith.constant 3 : i32
        %parallel_loop3A_596 = arith.addi %parallel_loop3A_282, %parallel_loop3A_595 : i32
        %parallel_loop3A_597 = arith.index_cast %parallel_loop3A_582 : i32 to index
        %parallel_loop3A_598 = arith.constant 16 : index
        %parallel_loop3A_599 = tpu.vector_load %arg7[%parallel_loop3A_597, %parallel_loop3A_598] {strides = array<i32>} : memref<240x128xf32, #tpu.memory_space<vmem>>, vector<1x16xf32>,
        %parallel_loop3A_600 = vector.shape_cast %parallel_loop3A_599 : vector<1x16xf32> to vector<16xf32>
        %parallel_loop3A_601 = arith.index_cast %rem3A_213 : i32 to index
        %parallel_loop3A_602 = arith.index_cast %parallel_loop3A_596 : i32 to index
        %parallel_loop3A_603 = arith.constant 16 : index
        %parallel_loop3A_604 = tpu.vector_load %arg8[%parallel_loop3A_601, %parallel_loop3A_602, %parallel_loop3A_603] {strides = array<i32>} : memref<4x80x128xf32, #tpu.memory_space<vmem>>, vector<1x1x16xf32>,
        %parallel_loop3A_605 = vector.shape_cast %parallel_loop3A_604 : vector<1x1x16xf32> to vector<16xf32>
        %parallel_loop3A_606 = vector.shape_cast %parallel_loop3A_600 : vector<16xf32> to vector<1x1x16xf32>
        tpu.vector_store %arg8[%parallel_loop3A_601, %parallel_loop3A_602, %parallel_loop3A_603], %parallel_loop3A_606 {add = true, strides = array<i32>} : memref<4x80x128xf32, #tpu.memory_space<vmem>>, vector<1x1x16xf32>,
        %parallel_loop3A_607 = arith.constant 3 : i32
        %parallel_loop3A_608 = arith.addi %parallel_loop3A_282, %parallel_loop3A_607 : i32
        %parallel_loop3A_609 = arith.index_cast %parallel_loop3A_582 : i32 to index
        %parallel_loop3A_610 = arith.constant 32 : index
        %parallel_loop3A_611 = tpu.vector_load %arg7[%parallel_loop3A_609, %parallel_loop3A_610] {strides = array<i32>} : memref<240x128xf32, #tpu.memory_space<vmem>>, vector<1x16xf32>,
        %parallel_loop3A_612 = vector.shape_cast %parallel_loop3A_611 : vector<1x16xf32> to vector<16xf32>
        %parallel_loop3A_613 = arith.index_cast %rem3A_213 : i32 to index
        %parallel_loop3A_614 = arith.index_cast %parallel_loop3A_608 : i32 to index
        %parallel_loop3A_615 = arith.constant 32 : index
        %parallel_loop3A_616 = tpu.vector_load %arg8[%parallel_loop3A_613, %parallel_loop3A_614, %parallel_loop3A_615] {strides = array<i32>} : memref<4x80x128xf32, #tpu.memory_space<vmem>>, vector<1x1x16xf32>,
        %parallel_loop3A_617 = vector.shape_cast %parallel_loop3A_616 : vector<1x1x16xf32> to vector<16xf32>
        %parallel_loop3A_618 = vector.shape_cast %parallel_loop3A_612 : vector<16xf32> to vector<1x1x16xf32>
        tpu.vector_store %arg8[%parallel_loop3A_613, %parallel_loop3A_614, %parallel_loop3A_615], %parallel_loop3A_618 {add = true, strides = array<i32>} : memref<4x80x128xf32, #tpu.memory_space<vmem>>, vector<1x1x16xf32>,
        %parallel_loop3A_619 = arith.constant 3 : i32
        %parallel_loop3A_620 = arith.addi %parallel_loop3A_282, %parallel_loop3A_619 : i32
        %parallel_loop3A_621 = arith.index_cast %parallel_loop3A_582 : i32 to index
        %parallel_loop3A_622 = arith.constant 48 : index
        %parallel_loop3A_623 = tpu.vector_load %arg7[%parallel_loop3A_621, %parallel_loop3A_622] {strides = array<i32>} : memref<240x128xf32, #tpu.memory_space<vmem>>, vector<1x16xf32>,
        %parallel_loop3A_624 = vector.shape_cast %parallel_loop3A_623 : vector<1x16xf32> to vector<16xf32>
        %parallel_loop3A_625 = arith.index_cast %rem3A_213 : i32 to index
        %parallel_loop3A_626 = arith.index_cast %parallel_loop3A_620 : i32 to index
        %parallel_loop3A_627 = arith.constant 48 : index
        %parallel_loop3A_628 = tpu.vector_load %arg8[%parallel_loop3A_625, %parallel_loop3A_626, %parallel_loop3A_627] {strides = array<i32>} : memref<4x80x128xf32, #tpu.memory_space<vmem>>, vector<1x1x16xf32>,
        %parallel_loop3A_629 = vector.shape_cast %parallel_loop3A_628 : vector<1x1x16xf32> to vector<16xf32>
        %parallel_loop3A_630 = vector.shape_cast %parallel_loop3A_624 : vector<16xf32> to vector<1x1x16xf32>
        tpu.vector_store %arg8[%parallel_loop3A_625, %parallel_loop3A_626, %parallel_loop3A_627], %parallel_loop3A_630 {add = true, strides = array<i32>} : memref<4x80x128xf32, #tpu.memory_space<vmem>>, vector<1x1x16xf32>,
        %parallel_loop3A_631 = arith.constant 3 : i32
        %parallel_loop3A_632 = arith.addi %parallel_loop3A_282, %parallel_loop3A_631 : i32
        %parallel_loop3A_633 = arith.index_cast %parallel_loop3A_582 : i32 to index
        %parallel_loop3A_634 = arith.constant 64 : index
        %parallel_loop3A_635 = tpu.vector_load %arg7[%parallel_loop3A_633, %parallel_loop3A_634] {strides = array<i32>} : memref<240x128xf32, #tpu.memory_space<vmem>>, vector<1x16xf32>,
        %parallel_loop3A_636 = vector.shape_cast %parallel_loop3A_635 : vector<1x16xf32> to vector<16xf32>
        %parallel_loop3A_637 = arith.index_cast %rem3A_213 : i32 to index
        %parallel_loop3A_638 = arith.index_cast %parallel_loop3A_632 : i32 to index
        %parallel_loop3A_639 = arith.constant 64 : index
        %parallel_loop3A_640 = tpu.vector_load %arg8[%parallel_loop3A_637, %parallel_loop3A_638, %parallel_loop3A_639] {strides = array<i32>} : memref<4x80x128xf32, #tpu.memory_space<vmem>>, vector<1x1x16xf32>,
        %parallel_loop3A_641 = vector.shape_cast %parallel_loop3A_640 : vector<1x1x16xf32> to vector<16xf32>
        %parallel_loop3A_642 = vector.shape_cast %parallel_loop3A_636 : vector<16xf32> to vector<1x1x16xf32>
        tpu.vector_store %arg8[%parallel_loop3A_637, %parallel_loop3A_638, %parallel_loop3A_639], %parallel_loop3A_642 {add = true, strides = array<i32>} : memref<4x80x128xf32, #tpu.memory_space<vmem>>, vector<1x1x16xf32>,
        %parallel_loop3A_643 = arith.constant 3 : i32
        %parallel_loop3A_644 = arith.addi %parallel_loop3A_282, %parallel_loop3A_643 : i32
        %parallel_loop3A_645 = arith.index_cast %parallel_loop3A_582 : i32 to index
        %parallel_loop3A_646 = arith.constant 80 : index
        %parallel_loop3A_647 = tpu.vector_load %arg7[%parallel_loop3A_645, %parallel_loop3A_646] {strides = array<i32>} : memref<240x128xf32, #tpu.memory_space<vmem>>, vector<1x16xf32>,
        %parallel_loop3A_648 = vector.shape_cast %parallel_loop3A_647 : vector<1x16xf32> to vector<16xf32>
        %parallel_loop3A_649 = arith.index_cast %rem3A_213 : i32 to index
        %parallel_loop3A_650 = arith.index_cast %parallel_loop3A_644 : i32 to index
        %parallel_loop3A_651 = arith.constant 80 : index
        %parallel_loop3A_652 = tpu.vector_load %arg8[%parallel_loop3A_649, %parallel_loop3A_650, %parallel_loop3A_651] {strides = array<i32>} : memref<4x80x128xf32, #tpu.memory_space<vmem>>, vector<1x1x16xf32>,
        %parallel_loop3A_653 = vector.shape_cast %parallel_loop3A_652 : vector<1x1x16xf32> to vector<16xf32>
        %parallel_loop3A_654 = vector.shape_cast %parallel_loop3A_648 : vector<16xf32> to vector<1x1x16xf32>
        tpu.vector_store %arg8[%parallel_loop3A_649, %parallel_loop3A_650, %parallel_loop3A_651], %parallel_loop3A_654 {add = true, strides = array<i32>} : memref<4x80x128xf32, #tpu.memory_space<vmem>>, vector<1x1x16xf32>,
        %parallel_loop3A_655 = arith.constant 3 : i32
        %parallel_loop3A_656 = arith.addi %parallel_loop3A_282, %parallel_loop3A_655 : i32
        %parallel_loop3A_657 = arith.index_cast %parallel_loop3A_582 : i32 to index
        %parallel_loop3A_658 = arith.constant 96 : index
        %parallel_loop3A_659 = tpu.vector_load %arg7[%parallel_loop3A_657, %parallel_loop3A_658] {strides = array<i32>} : memref<240x128xf32, #tpu.memory_space<vmem>>, vector<1x16xf32>,
        %parallel_loop3A_660 = vector.shape_cast %parallel_loop3A_659 : vector<1x16xf32> to vector<16xf32>
        %parallel_loop3A_661 = arith.index_cast %rem3A_213 : i32 to index
        %parallel_loop3A_662 = arith.index_cast %parallel_loop3A_656 : i32 to index
        %parallel_loop3A_663 = arith.constant 96 : index
        %parallel_loop3A_664 = tpu.vector_load %arg8[%parallel_loop3A_661, %parallel_loop3A_662, %parallel_loop3A_663] {strides = array<i32>} : memref<4x80x128xf32, #tpu.memory_space<vmem>>, vector<1x1x16xf32>,
        %parallel_loop3A_665 = vector.shape_cast %parallel_loop3A_664 : vector<1x1x16xf32> to vector<16xf32>
        %parallel_loop3A_666 = vector.shape_cast %parallel_loop3A_660 : vector<16xf32> to vector<1x1x16xf32>
        tpu.vector_store %arg8[%parallel_loop3A_661, %parallel_loop3A_662, %parallel_loop3A_663], %parallel_loop3A_666 {add = true, strides = array<i32>} : memref<4x80x128xf32, #tpu.memory_space<vmem>>, vector<1x1x16xf32>,
        %parallel_loop3A_667 = arith.constant 3 : i32
        %parallel_loop3A_668 = arith.addi %parallel_loop3A_282, %parallel_loop3A_667 : i32
        %parallel_loop3A_669 = arith.index_cast %parallel_loop3A_582 : i32 to index
        %parallel_loop3A_670 = arith.constant 112 : index
        %parallel_loop3A_671 = tpu.vector_load %arg7[%parallel_loop3A_669, %parallel_loop3A_670] {strides = array<i32>} : memref<240x128xf32, #tpu.memory_space<vmem>>, vector<1x16xf32>,
        %parallel_loop3A_672 = vector.shape_cast %parallel_loop3A_671 : vector<1x16xf32> to vector<16xf32>
        %parallel_loop3A_673 = arith.index_cast %rem3A_213 : i32 to index
        %parallel_loop3A_674 = arith.index_cast %parallel_loop3A_668 : i32 to index
        %parallel_loop3A_675 = arith.constant 112 : index
        %parallel_loop3A_676 = tpu.vector_load %arg8[%parallel_loop3A_673, %parallel_loop3A_674, %parallel_loop3A_675] {strides = array<i32>} : memref<4x80x128xf32, #tpu.memory_space<vmem>>, vector<1x1x16xf32>,
        %parallel_loop3A_677 = vector.shape_cast %parallel_loop3A_676 : vector<1x1x16xf32> to vector<16xf32>
        %parallel_loop3A_678 = vector.shape_cast %parallel_loop3A_672 : vector<16xf32> to vector<1x1x16xf32>
        tpu.vector_store %arg8[%parallel_loop3A_673, %parallel_loop3A_674, %parallel_loop3A_675], %parallel_loop3A_678 {add = true, strides = array<i32>} : memref<4x80x128xf32, #tpu.memory_space<vmem>>, vector<1x1x16xf32>,
        %parallel_loop3A_679 = vector.extract_strided_slice %parallel_loop3A_286 {offsets = [4], sizes = [1], strides = [1]} : vector<16xi32> to vector<1xi32>
        %parallel_loop3A_680 = vector.extract %parallel_loop3A_679[0] : i32 from vector<1xi32>
        %parallel_loop3A_681 = arith.constant 4 : i32
        %parallel_loop3A_682 = arith.addi %parallel_loop3A_282, %parallel_loop3A_681 : i32
        %parallel_loop3A_683 = arith.index_cast %parallel_loop3A_680 : i32 to index
        %parallel_loop3A_684 = arith.constant 0 : index
        %parallel_loop3A_685 = tpu.vector_load %arg7[%parallel_loop3A_683, %parallel_loop3A_684] {strides = array<i32>} : memref<240x128xf32, #tpu.memory_space<vmem>>, vector<1x16xf32>,
        %parallel_loop3A_686 = vector.shape_cast %parallel_loop3A_685 : vector<1x16xf32> to vector<16xf32>
        %parallel_loop3A_687 = arith.index_cast %rem3A_213 : i32 to index
        %parallel_loop3A_688 = arith.index_cast %parallel_loop3A_682 : i32 to index
        %parallel_loop3A_689 = arith.constant 0 : index
        %parallel_loop3A_690 = tpu.vector_load %arg8[%parallel_loop3A_687, %parallel_loop3A_688, %parallel_loop3A_689] {strides = array<i32>} : memref<4x80x128xf32, #tpu.memory_space<vmem>>, vector<1x1x16xf32>,
        %parallel_loop3A_691 = vector.shape_cast %parallel_loop3A_690 : vector<1x1x16xf32> to vector<16xf32>
        %parallel_loop3A_692 = vector.shape_cast %parallel_loop3A_686 : vector<16xf32> to vector<1x1x16xf32>
        tpu.vector_store %arg8[%parallel_loop3A_687, %parallel_loop3A_688, %parallel_loop3A_689], %parallel_loop3A_692 {add = true, strides = array<i32>} : memref<4x80x128xf32, #tpu.memory_space<vmem>>, vector<1x1x16xf32>,
        %parallel_loop3A_693 = arith.constant 4 : i32
        %parallel_loop3A_694 = arith.addi %parallel_loop3A_282, %parallel_loop3A_693 : i32
        %parallel_loop3A_695 = arith.index_cast %parallel_loop3A_680 : i32 to index
        %parallel_loop3A_696 = arith.constant 16 : index
        %parallel_loop3A_697 = tpu.vector_load %arg7[%parallel_loop3A_695, %parallel_loop3A_696] {strides = array<i32>} : memref<240x128xf32, #tpu.memory_space<vmem>>, vector<1x16xf32>,
        %parallel_loop3A_698 = vector.shape_cast %parallel_loop3A_697 : vector<1x16xf32> to vector<16xf32>
        %parallel_loop3A_699 = arith.index_cast %rem3A_213 : i32 to index
        %parallel_loop3A_700 = arith.index_cast %parallel_loop3A_694 : i32 to index
        %parallel_loop3A_701 = arith.constant 16 : index
        %parallel_loop3A_702 = tpu.vector_load %arg8[%parallel_loop3A_699, %parallel_loop3A_700, %parallel_loop3A_701] {strides = array<i32>} : memref<4x80x128xf32, #tpu.memory_space<vmem>>, vector<1x1x16xf32>,
        %parallel_loop3A_703 = vector.shape_cast %parallel_loop3A_702 : vector<1x1x16xf32> to vector<16xf32>
        %parallel_loop3A_704 = vector.shape_cast %parallel_loop3A_698 : vector<16xf32> to vector<1x1x16xf32>
        tpu.vector_store %arg8[%parallel_loop3A_699, %parallel_loop3A_700, %parallel_loop3A_701], %parallel_loop3A_704 {add = true, strides = array<i32>} : memref<4x80x128xf32, #tpu.memory_space<vmem>>, vector<1x1x16xf32>,
        %parallel_loop3A_705 = arith.constant 4 : i32
        %parallel_loop3A_706 = arith.addi %parallel_loop3A_282, %parallel_loop3A_705 : i32
        %parallel_loop3A_707 = arith.index_cast %parallel_loop3A_680 : i32 to index
        %parallel_loop3A_708 = arith.constant 32 : index
        %parallel_loop3A_709 = tpu.vector_load %arg7[%parallel_loop3A_707, %parallel_loop3A_708] {strides = array<i32>} : memref<240x128xf32, #tpu.memory_space<vmem>>, vector<1x16xf32>,
        %parallel_loop3A_710 = vector.shape_cast %parallel_loop3A_709 : vector<1x16xf32> to vector<16xf32>
        %parallel_loop3A_711 = arith.index_cast %rem3A_213 : i32 to index
        %parallel_loop3A_712 = arith.index_cast %parallel_loop3A_706 : i32 to index
        %parallel_loop3A_713 = arith.constant 32 : index
        %parallel_loop3A_714 = tpu.vector_load %arg8[%parallel_loop3A_711, %parallel_loop3A_712, %parallel_loop3A_713] {strides = array<i32>} : memref<4x80x128xf32, #tpu.memory_space<vmem>>, vector<1x1x16xf32>,
        %parallel_loop3A_715 = vector.shape_cast %parallel_loop3A_714 : vector<1x1x16xf32> to vector<16xf32>
        %parallel_loop3A_716 = vector.shape_cast %parallel_loop3A_710 : vector<16xf32> to vector<1x1x16xf32>
        tpu.vector_store %arg8[%parallel_loop3A_711, %parallel_loop3A_712, %parallel_loop3A_713], %parallel_loop3A_716 {add = true, strides = array<i32>} : memref<4x80x128xf32, #tpu.memory_space<vmem>>, vector<1x1x16xf32>,
        %parallel_loop3A_717 = arith.constant 4 : i32
        %parallel_loop3A_718 = arith.addi %parallel_loop3A_282, %parallel_loop3A_717 : i32
        %parallel_loop3A_719 = arith.index_cast %parallel_loop3A_680 : i32 to index
        %parallel_loop3A_720 = arith.constant 48 : index
        %parallel_loop3A_721 = tpu.vector_load %arg7[%parallel_loop3A_719, %parallel_loop3A_720] {strides = array<i32>} : memref<240x128xf32, #tpu.memory_space<vmem>>, vector<1x16xf32>,
        %parallel_loop3A_722 = vector.shape_cast %parallel_loop3A_721 : vector<1x16xf32> to vector<16xf32>
        %parallel_loop3A_723 = arith.index_cast %rem3A_213 : i32 to index
        %parallel_loop3A_724 = arith.index_cast %parallel_loop3A_718 : i32 to index
        %parallel_loop3A_725 = arith.constant 48 : index
        %parallel_loop3A_726 = tpu.vector_load %arg8[%parallel_loop3A_723, %parallel_loop3A_724, %parallel_loop3A_725] {strides = array<i32>} : memref<4x80x128xf32, #tpu.memory_space<vmem>>, vector<1x1x16xf32>,
        %parallel_loop3A_727 = vector.shape_cast %parallel_loop3A_726 : vector<1x1x16xf32> to vector<16xf32>
        %parallel_loop3A_728 = vector.shape_cast %parallel_loop3A_722 : vector<16xf32> to vector<1x1x16xf32>
        tpu.vector_store %arg8[%parallel_loop3A_723, %parallel_loop3A_724, %parallel_loop3A_725], %parallel_loop3A_728 {add = true, strides = array<i32>} : memref<4x80x128xf32, #tpu.memory_space<vmem>>, vector<1x1x16xf32>,
        %parallel_loop3A_729 = arith.constant 4 : i32
        %parallel_loop3A_730 = arith.addi %parallel_loop3A_282, %parallel_loop3A_729 : i32
        %parallel_loop3A_731 = arith.index_cast %parallel_loop3A_680 : i32 to index
        %parallel_loop3A_732 = arith.constant 64 : index
        %parallel_loop3A_733 = tpu.vector_load %arg7[%parallel_loop3A_731, %parallel_loop3A_732] {strides = array<i32>} : memref<240x128xf32, #tpu.memory_space<vmem>>, vector<1x16xf32>,
        %parallel_loop3A_734 = vector.shape_cast %parallel_loop3A_733 : vector<1x16xf32> to vector<16xf32>
        %parallel_loop3A_735 = arith.index_cast %rem3A_213 : i32 to index
        %parallel_loop3A_736 = arith.index_cast %parallel_loop3A_730 : i32 to index
        %parallel_loop3A_737 = arith.constant 64 : index
        %parallel_loop3A_738 = tpu.vector_load %arg8[%parallel_loop3A_735, %parallel_loop3A_736, %parallel_loop3A_737] {strides = array<i32>} : memref<4x80x128xf32, #tpu.memory_space<vmem>>, vector<1x1x16xf32>,
        %parallel_loop3A_739 = vector.shape_cast %parallel_loop3A_738 : vector<1x1x16xf32> to vector<16xf32>
        %parallel_loop3A_740 = vector.shape_cast %parallel_loop3A_734 : vector<16xf32> to vector<1x1x16xf32>
        tpu.vector_store %arg8[%parallel_loop3A_735, %parallel_loop3A_736, %parallel_loop3A_737], %parallel_loop3A_740 {add = true, strides = array<i32>} : memref<4x80x128xf32, #tpu.memory_space<vmem>>, vector<1x1x16xf32>,
        %parallel_loop3A_741 = arith.constant 4 : i32
        %parallel_loop3A_742 = arith.addi %parallel_loop3A_282, %parallel_loop3A_741 : i32
        %parallel_loop3A_743 = arith.index_cast %parallel_loop3A_680 : i32 to index
        %parallel_loop3A_744 = arith.constant 80 : index
        %parallel_loop3A_745 = tpu.vector_load %arg7[%parallel_loop3A_743, %parallel_loop3A_744] {strides = array<i32>} : memref<240x128xf32, #tpu.memory_space<vmem>>, vector<1x16xf32>,
        %parallel_loop3A_746 = vector.shape_cast %parallel_loop3A_745 : vector<1x16xf32> to vector<16xf32>
        %parallel_loop3A_747 = arith.index_cast %rem3A_213 : i32 to index
        %parallel_loop3A_748 = arith.index_cast %parallel_loop3A_742 : i32 to index
        %parallel_loop3A_749 = arith.constant 80 : index
        %parallel_loop3A_750 = tpu.vector_load %arg8[%parallel_loop3A_747, %parallel_loop3A_748, %parallel_loop3A_749] {strides = array<i32>} : memref<4x80x128xf32, #tpu.memory_space<vmem>>, vector<1x1x16xf32>,
        %parallel_loop3A_751 = vector.shape_cast %parallel_loop3A_750 : vector<1x1x16xf32> to vector<16xf32>
        %parallel_loop3A_752 = vector.shape_cast %parallel_loop3A_746 : vector<16xf32> to vector<1x1x16xf32>
        tpu.vector_store %arg8[%parallel_loop3A_747, %parallel_loop3A_748, %parallel_loop3A_749], %parallel_loop3A_752 {add = true, strides = array<i32>} : memref<4x80x128xf32, #tpu.memory_space<vmem>>, vector<1x1x16xf32>,
        %parallel_loop3A_753 = arith.constant 4 : i32
        %parallel_loop3A_754 = arith.addi %parallel_loop3A_282, %parallel_loop3A_753 : i32
        %parallel_loop3A_755 = arith.index_cast %parallel_loop3A_680 : i32 to index
        %parallel_loop3A_756 = arith.constant 96 : index
        %parallel_loop3A_757 = tpu.vector_load %arg7[%parallel_loop3A_755, %parallel_loop3A_756] {strides = array<i32>} : memref<240x128xf32, #tpu.memory_space<vmem>>, vector<1x16xf32>,
        %parallel_loop3A_758 = vector.shape_cast %parallel_loop3A_757 : vector<1x16xf32> to vector<16xf32>
        %parallel_loop3A_759 = arith.index_cast %rem3A_213 : i32 to index
        %parallel_loop3A_760 = arith.index_cast %parallel_loop3A_754 : i32 to index
        %parallel_loop3A_761 = arith.constant 96 : index
        %parallel_loop3A_762 = tpu.vector_load %arg8[%parallel_loop3A_759, %parallel_loop3A_760, %parallel_loop3A_761] {strides = array<i32>} : memref<4x80x128xf32, #tpu.memory_space<vmem>>, vector<1x1x16xf32>,
        %parallel_loop3A_763 = vector.shape_cast %parallel_loop3A_762 : vector<1x1x16xf32> to vector<16xf32>
        %parallel_loop3A_764 = vector.shape_cast %parallel_loop3A_758 : vector<16xf32> to vector<1x1x16xf32>
        tpu.vector_store %arg8[%parallel_loop3A_759, %parallel_loop3A_760, %parallel_loop3A_761], %parallel_loop3A_764 {add = true, strides = array<i32>} : memref<4x80x128xf32, #tpu.memory_space<vmem>>, vector<1x1x16xf32>,
        %parallel_loop3A_765 = arith.constant 4 : i32
        %parallel_loop3A_766 = arith.addi %parallel_loop3A_282, %parallel_loop3A_765 : i32
        %parallel_loop3A_767 = arith.index_cast %parallel_loop3A_680 : i32 to index
        %parallel_loop3A_768 = arith.constant 112 : index
        %parallel_loop3A_769 = tpu.vector_load %arg7[%parallel_loop3A_767, %parallel_loop3A_768] {strides = array<i32>} : memref<240x128xf32, #tpu.memory_space<vmem>>, vector<1x16xf32>,
        %parallel_loop3A_770 = vector.shape_cast %parallel_loop3A_769 : vector<1x16xf32> to vector<16xf32>
        %parallel_loop3A_771 = arith.index_cast %rem3A_213 : i32 to index
        %parallel_loop3A_772 = arith.index_cast %parallel_loop3A_766 : i32 to index
        %parallel_loop3A_773 = arith.constant 112 : index
        %parallel_loop3A_774 = tpu.vector_load %arg8[%parallel_loop3A_771, %parallel_loop3A_772, %parallel_loop3A_773] {strides = array<i32>} : memref<4x80x128xf32, #tpu.memory_space<vmem>>, vector<1x1x16xf32>,
        %parallel_loop3A_775 = vector.shape_cast %parallel_loop3A_774 : vector<1x1x16xf32> to vector<16xf32>
        %parallel_loop3A_776 = vector.shape_cast %parallel_loop3A_770 : vector<16xf32> to vector<1x1x16xf32>
        tpu.vector_store %arg8[%parallel_loop3A_771, %parallel_loop3A_772, %parallel_loop3A_773], %parallel_loop3A_776 {add = true, strides = array<i32>} : memref<4x80x128xf32, #tpu.memory_space<vmem>>, vector<1x1x16xf32>,
        %parallel_loop3A_777 = vector.extract_strided_slice %parallel_loop3A_286 {offsets = [5], sizes = [1], strides = [1]} : vector<16xi32> to vector<1xi32>
        %parallel_loop3A_778 = vector.extract %parallel_loop3A_777[0] : i32 from vector<1xi32>
        %parallel_loop3A_779 = arith.constant 5 : i32
        %parallel_loop3A_780 = arith.addi %parallel_loop3A_282, %parallel_loop3A_779 : i32
        %parallel_loop3A_781 = arith.index_cast %parallel_loop3A_778 : i32 to index
        %parallel_loop3A_782 = arith.constant 0 : index
        %parallel_loop3A_783 = tpu.vector_load %arg7[%parallel_loop3A_781, %parallel_loop3A_782] {strides = array<i32>} : memref<240x128xf32, #tpu.memory_space<vmem>>, vector<1x16xf32>,
        %parallel_loop3A_784 = vector.shape_cast %parallel_loop3A_783 : vector<1x16xf32> to vector<16xf32>
        %parallel_loop3A_785 = arith.index_cast %rem3A_213 : i32 to index
        %parallel_loop3A_786 = arith.index_cast %parallel_loop3A_780 : i32 to index
        %parallel_loop3A_787 = arith.constant 0 : index
        %parallel_loop3A_788 = tpu.vector_load %arg8[%parallel_loop3A_785, %parallel_loop3A_786, %parallel_loop3A_787] {strides = array<i32>} : memref<4x80x128xf32, #tpu.memory_space<vmem>>, vector<1x1x16xf32>,
        %parallel_loop3A_789 = vector.shape_cast %parallel_loop3A_788 : vector<1x1x16xf32> to vector<16xf32>
        %parallel_loop3A_790 = vector.shape_cast %parallel_loop3A_784 : vector<16xf32> to vector<1x1x16xf32>
        tpu.vector_store %arg8[%parallel_loop3A_785, %parallel_loop3A_786, %parallel_loop3A_787], %parallel_loop3A_790 {add = true, strides = array<i32>} : memref<4x80x128xf32, #tpu.memory_space<vmem>>, vector<1x1x16xf32>,
        %parallel_loop3A_791 = arith.constant 5 : i32
        %parallel_loop3A_792 = arith.addi %parallel_loop3A_282, %parallel_loop3A_791 : i32
        %parallel_loop3A_793 = arith.index_cast %parallel_loop3A_778 : i32 to index
        %parallel_loop3A_794 = arith.constant 16 : index
        %parallel_loop3A_795 = tpu.vector_load %arg7[%parallel_loop3A_793, %parallel_loop3A_794] {strides = array<i32>} : memref<240x128xf32, #tpu.memory_space<vmem>>, vector<1x16xf32>,
        %parallel_loop3A_796 = vector.shape_cast %parallel_loop3A_795 : vector<1x16xf32> to vector<16xf32>
        %parallel_loop3A_797 = arith.index_cast %rem3A_213 : i32 to index
        %parallel_loop3A_798 = arith.index_cast %parallel_loop3A_792 : i32 to index
        %parallel_loop3A_799 = arith.constant 16 : index
        %parallel_loop3A_800 = tpu.vector_load %arg8[%parallel_loop3A_797, %parallel_loop3A_798, %parallel_loop3A_799] {strides = array<i32>} : memref<4x80x128xf32, #tpu.memory_space<vmem>>, vector<1x1x16xf32>,
        %parallel_loop3A_801 = vector.shape_cast %parallel_loop3A_800 : vector<1x1x16xf32> to vector<16xf32>
        %parallel_loop3A_802 = vector.shape_cast %parallel_loop3A_796 : vector<16xf32> to vector<1x1x16xf32>
        tpu.vector_store %arg8[%parallel_loop3A_797, %parallel_loop3A_798, %parallel_loop3A_799], %parallel_loop3A_802 {add = true, strides = array<i32>} : memref<4x80x128xf32, #tpu.memory_space<vmem>>, vector<1x1x16xf32>,
        %parallel_loop3A_803 = arith.constant 5 : i32
        %parallel_loop3A_804 = arith.addi %parallel_loop3A_282, %parallel_loop3A_803 : i32
        %parallel_loop3A_805 = arith.index_cast %parallel_loop3A_778 : i32 to index
        %parallel_loop3A_806 = arith.constant 32 : index
        %parallel_loop3A_807 = tpu.vector_load %arg7[%parallel_loop3A_805, %parallel_loop3A_806] {strides = array<i32>} : memref<240x128xf32, #tpu.memory_space<vmem>>, vector<1x16xf32>,
        %parallel_loop3A_808 = vector.shape_cast %parallel_loop3A_807 : vector<1x16xf32> to vector<16xf32>
        %parallel_loop3A_809 = arith.index_cast %rem3A_213 : i32 to index
        %parallel_loop3A_810 = arith.index_cast %parallel_loop3A_804 : i32 to index
        %parallel_loop3A_811 = arith.constant 32 : index
        %parallel_loop3A_812 = tpu.vector_load %arg8[%parallel_loop3A_809, %parallel_loop3A_810, %parallel_loop3A_811] {strides = array<i32>} : memref<4x80x128xf32, #tpu.memory_space<vmem>>, vector<1x1x16xf32>,
        %parallel_loop3A_813 = vector.shape_cast %parallel_loop3A_812 : vector<1x1x16xf32> to vector<16xf32>
        %parallel_loop3A_814 = vector.shape_cast %parallel_loop3A_808 : vector<16xf32> to vector<1x1x16xf32>
        tpu.vector_store %arg8[%parallel_loop3A_809, %parallel_loop3A_810, %parallel_loop3A_811], %parallel_loop3A_814 {add = true, strides = array<i32>} : memref<4x80x128xf32, #tpu.memory_space<vmem>>, vector<1x1x16xf32>,
        %parallel_loop3A_815 = arith.constant 5 : i32
        %parallel_loop3A_816 = arith.addi %parallel_loop3A_282, %parallel_loop3A_815 : i32
        %parallel_loop3A_817 = arith.index_cast %parallel_loop3A_778 : i32 to index
        %parallel_loop3A_818 = arith.constant 48 : index
        %parallel_loop3A_819 = tpu.vector_load %arg7[%parallel_loop3A_817, %parallel_loop3A_818] {strides = array<i32>} : memref<240x128xf32, #tpu.memory_space<vmem>>, vector<1x16xf32>,
        %parallel_loop3A_820 = vector.shape_cast %parallel_loop3A_819 : vector<1x16xf32> to vector<16xf32>
        %parallel_loop3A_821 = arith.index_cast %rem3A_213 : i32 to index
        %parallel_loop3A_822 = arith.index_cast %parallel_loop3A_816 : i32 to index
        %parallel_loop3A_823 = arith.constant 48 : index
        %parallel_loop3A_824 = tpu.vector_load %arg8[%parallel_loop3A_821, %parallel_loop3A_822, %parallel_loop3A_823] {strides = array<i32>} : memref<4x80x128xf32, #tpu.memory_space<vmem>>, vector<1x1x16xf32>,
        %parallel_loop3A_825 = vector.shape_cast %parallel_loop3A_824 : vector<1x1x16xf32> to vector<16xf32>
        %parallel_loop3A_826 = vector.shape_cast %parallel_loop3A_820 : vector<16xf32> to vector<1x1x16xf32>
        tpu.vector_store %arg8[%parallel_loop3A_821, %parallel_loop3A_822, %parallel_loop3A_823], %parallel_loop3A_826 {add = true, strides = array<i32>} : memref<4x80x128xf32, #tpu.memory_space<vmem>>, vector<1x1x16xf32>,
        %parallel_loop3A_827 = arith.constant 5 : i32
        %parallel_loop3A_828 = arith.addi %parallel_loop3A_282, %parallel_loop3A_827 : i32
        %parallel_loop3A_829 = arith.index_cast %parallel_loop3A_778 : i32 to index
        %parallel_loop3A_830 = arith.constant 64 : index
        %parallel_loop3A_831 = tpu.vector_load %arg7[%parallel_loop3A_829, %parallel_loop3A_830] {strides = array<i32>} : memref<240x128xf32, #tpu.memory_space<vmem>>, vector<1x16xf32>,
        %parallel_loop3A_832 = vector.shape_cast %parallel_loop3A_831 : vector<1x16xf32> to vector<16xf32>
        %parallel_loop3A_833 = arith.index_cast %rem3A_213 : i32 to index
        %parallel_loop3A_834 = arith.index_cast %parallel_loop3A_828 : i32 to index
        %parallel_loop3A_835 = arith.constant 64 : index
        %parallel_loop3A_836 = tpu.vector_load %arg8[%parallel_loop3A_833, %parallel_loop3A_834, %parallel_loop3A_835] {strides = array<i32>} : memref<4x80x128xf32, #tpu.memory_space<vmem>>, vector<1x1x16xf32>,
        %parallel_loop3A_837 = vector.shape_cast %parallel_loop3A_836 : vector<1x1x16xf32> to vector<16xf32>
        %parallel_loop3A_838 = vector.shape_cast %parallel_loop3A_832 : vector<16xf32> to vector<1x1x16xf32>
        tpu.vector_store %arg8[%parallel_loop3A_833, %parallel_loop3A_834, %parallel_loop3A_835], %parallel_loop3A_838 {add = true, strides = array<i32>} : memref<4x80x128xf32, #tpu.memory_space<vmem>>, vector<1x1x16xf32>,
        %parallel_loop3A_839 = arith.constant 5 : i32
        %parallel_loop3A_840 = arith.addi %parallel_loop3A_282, %parallel_loop3A_839 : i32
        %parallel_loop3A_841 = arith.index_cast %parallel_loop3A_778 : i32 to index
        %parallel_loop3A_842 = arith.constant 80 : index
        %parallel_loop3A_843 = tpu.vector_load %arg7[%parallel_loop3A_841, %parallel_loop3A_842] {strides = array<i32>} : memref<240x128xf32, #tpu.memory_space<vmem>>, vector<1x16xf32>,
        %parallel_loop3A_844 = vector.shape_cast %parallel_loop3A_843 : vector<1x16xf32> to vector<16xf32>
        %parallel_loop3A_845 = arith.index_cast %rem3A_213 : i32 to index
        %parallel_loop3A_846 = arith.index_cast %parallel_loop3A_840 : i32 to index
        %parallel_loop3A_847 = arith.constant 80 : index
        %parallel_loop3A_848 = tpu.vector_load %arg8[%parallel_loop3A_845, %parallel_loop3A_846, %parallel_loop3A_847] {strides = array<i32>} : memref<4x80x128xf32, #tpu.memory_space<vmem>>, vector<1x1x16xf32>,
        %parallel_loop3A_849 = vector.shape_cast %parallel_loop3A_848 : vector<1x1x16xf32> to vector<16xf32>
        %parallel_loop3A_850 = vector.shape_cast %parallel_loop3A_844 : vector<16xf32> to vector<1x1x16xf32>
        tpu.vector_store %arg8[%parallel_loop3A_845, %parallel_loop3A_846, %parallel_loop3A_847], %parallel_loop3A_850 {add = true, strides = array<i32>} : memref<4x80x128xf32, #tpu.memory_space<vmem>>, vector<1x1x16xf32>,
        %parallel_loop3A_851 = arith.constant 5 : i32
        %parallel_loop3A_852 = arith.addi %parallel_loop3A_282, %parallel_loop3A_851 : i32
        %parallel_loop3A_853 = arith.index_cast %parallel_loop3A_778 : i32 to index
        %parallel_loop3A_854 = arith.constant 96 : index
        %parallel_loop3A_855 = tpu.vector_load %arg7[%parallel_loop3A_853, %parallel_loop3A_854] {strides = array<i32>} : memref<240x128xf32, #tpu.memory_space<vmem>>, vector<1x16xf32>,
        %parallel_loop3A_856 = vector.shape_cast %parallel_loop3A_855 : vector<1x16xf32> to vector<16xf32>
        %parallel_loop3A_857 = arith.index_cast %rem3A_213 : i32 to index
        %parallel_loop3A_858 = arith.index_cast %parallel_loop3A_852 : i32 to index
        %parallel_loop3A_859 = arith.constant 96 : index
        %parallel_loop3A_860 = tpu.vector_load %arg8[%parallel_loop3A_857, %parallel_loop3A_858, %parallel_loop3A_859] {strides = array<i32>} : memref<4x80x128xf32, #tpu.memory_space<vmem>>, vector<1x1x16xf32>,
        %parallel_loop3A_861 = vector.shape_cast %parallel_loop3A_860 : vector<1x1x16xf32> to vector<16xf32>
        %parallel_loop3A_862 = vector.shape_cast %parallel_loop3A_856 : vector<16xf32> to vector<1x1x16xf32>
        tpu.vector_store %arg8[%parallel_loop3A_857, %parallel_loop3A_858, %parallel_loop3A_859], %parallel_loop3A_862 {add = true, strides = array<i32>} : memref<4x80x128xf32, #tpu.memory_space<vmem>>, vector<1x1x16xf32>,
        %parallel_loop3A_863 = arith.constant 5 : i32
        %parallel_loop3A_864 = arith.addi %parallel_loop3A_282, %parallel_loop3A_863 : i32
        %parallel_loop3A_865 = arith.index_cast %parallel_loop3A_778 : i32 to index
        %parallel_loop3A_866 = arith.constant 112 : index
        %parallel_loop3A_867 = tpu.vector_load %arg7[%parallel_loop3A_865, %parallel_loop3A_866] {strides = array<i32>} : memref<240x128xf32, #tpu.memory_space<vmem>>, vector<1x16xf32>,
        %parallel_loop3A_868 = vector.shape_cast %parallel_loop3A_867 : vector<1x16xf32> to vector<16xf32>
        %parallel_loop3A_869 = arith.index_cast %rem3A_213 : i32 to index
        %parallel_loop3A_870 = arith.index_cast %parallel_loop3A_864 : i32 to index
        %parallel_loop3A_871 = arith.constant 112 : index
        %parallel_loop3A_872 = tpu.vector_load %arg8[%parallel_loop3A_869, %parallel_loop3A_870, %parallel_loop3A_871] {strides = array<i32>} : memref<4x80x128xf32, #tpu.memory_space<vmem>>, vector<1x1x16xf32>,
        %parallel_loop3A_873 = vector.shape_cast %parallel_loop3A_872 : vector<1x1x16xf32> to vector<16xf32>
        %parallel_loop3A_874 = vector.shape_cast %parallel_loop3A_868 : vector<16xf32> to vector<1x1x16xf32>
        tpu.vector_store %arg8[%parallel_loop3A_869, %parallel_loop3A_870, %parallel_loop3A_871], %parallel_loop3A_874 {add = true, strides = array<i32>} : memref<4x80x128xf32, #tpu.memory_space<vmem>>, vector<1x1x16xf32>,
        %parallel_loop3A_875 = vector.extract_strided_slice %parallel_loop3A_286 {offsets = [6], sizes = [1], strides = [1]} : vector<16xi32> to vector<1xi32>
        %parallel_loop3A_876 = vector.extract %parallel_loop3A_875[0] : i32 from vector<1xi32>
        %parallel_loop3A_877 = arith.constant 6 : i32
        %parallel_loop3A_878 = arith.addi %parallel_loop3A_282, %parallel_loop3A_877 : i32
        %parallel_loop3A_879 = arith.index_cast %parallel_loop3A_876 : i32 to index
        %parallel_loop3A_880 = arith.constant 0 : index
        %parallel_loop3A_881 = tpu.vector_load %arg7[%parallel_loop3A_879, %parallel_loop3A_880] {strides = array<i32>} : memref<240x128xf32, #tpu.memory_space<vmem>>, vector<1x16xf32>,
        %parallel_loop3A_882 = vector.shape_cast %parallel_loop3A_881 : vector<1x16xf32> to vector<16xf32>
        %parallel_loop3A_883 = arith.index_cast %rem3A_213 : i32 to index
        %parallel_loop3A_884 = arith.index_cast %parallel_loop3A_878 : i32 to index
        %parallel_loop3A_885 = arith.constant 0 : index
        %parallel_loop3A_886 = tpu.vector_load %arg8[%parallel_loop3A_883, %parallel_loop3A_884, %parallel_loop3A_885] {strides = array<i32>} : memref<4x80x128xf32, #tpu.memory_space<vmem>>, vector<1x1x16xf32>,
        %parallel_loop3A_887 = vector.shape_cast %parallel_loop3A_886 : vector<1x1x16xf32> to vector<16xf32>
        %parallel_loop3A_888 = vector.shape_cast %parallel_loop3A_882 : vector<16xf32> to vector<1x1x16xf32>
        tpu.vector_store %arg8[%parallel_loop3A_883, %parallel_loop3A_884, %parallel_loop3A_885], %parallel_loop3A_888 {add = true, strides = array<i32>} : memref<4x80x128xf32, #tpu.memory_space<vmem>>, vector<1x1x16xf32>,
        %parallel_loop3A_889 = arith.constant 6 : i32
        %parallel_loop3A_890 = arith.addi %parallel_loop3A_282, %parallel_loop3A_889 : i32
        %parallel_loop3A_891 = arith.index_cast %parallel_loop3A_876 : i32 to index
        %parallel_loop3A_892 = arith.constant 16 : index
        %parallel_loop3A_893 = tpu.vector_load %arg7[%parallel_loop3A_891, %parallel_loop3A_892] {strides = array<i32>} : memref<240x128xf32, #tpu.memory_space<vmem>>, vector<1x16xf32>,
        %parallel_loop3A_894 = vector.shape_cast %parallel_loop3A_893 : vector<1x16xf32> to vector<16xf32>
        %parallel_loop3A_895 = arith.index_cast %rem3A_213 : i32 to index
        %parallel_loop3A_896 = arith.index_cast %parallel_loop3A_890 : i32 to index
        %parallel_loop3A_897 = arith.constant 16 : index
        %parallel_loop3A_898 = tpu.vector_load %arg8[%parallel_loop3A_895, %parallel_loop3A_896, %parallel_loop3A_897] {strides = array<i32>} : memref<4x80x128xf32, #tpu.memory_space<vmem>>, vector<1x1x16xf32>,
        %parallel_loop3A_899 = vector.shape_cast %parallel_loop3A_898 : vector<1x1x16xf32> to vector<16xf32>
        %parallel_loop3A_900 = vector.shape_cast %parallel_loop3A_894 : vector<16xf32> to vector<1x1x16xf32>
        tpu.vector_store %arg8[%parallel_loop3A_895, %parallel_loop3A_896, %parallel_loop3A_897], %parallel_loop3A_900 {add = true, strides = array<i32>} : memref<4x80x128xf32, #tpu.memory_space<vmem>>, vector<1x1x16xf32>,
        %parallel_loop3A_901 = arith.constant 6 : i32
        %parallel_loop3A_902 = arith.addi %parallel_loop3A_282, %parallel_loop3A_901 : i32
        %parallel_loop3A_903 = arith.index_cast %parallel_loop3A_876 : i32 to index
        %parallel_loop3A_904 = arith.constant 32 : index
        %parallel_loop3A_905 = tpu.vector_load %arg7[%parallel_loop3A_903, %parallel_loop3A_904] {strides = array<i32>} : memref<240x128xf32, #tpu.memory_space<vmem>>, vector<1x16xf32>,
        %parallel_loop3A_906 = vector.shape_cast %parallel_loop3A_905 : vector<1x16xf32> to vector<16xf32>
        %parallel_loop3A_907 = arith.index_cast %rem3A_213 : i32 to index
        %parallel_loop3A_908 = arith.index_cast %parallel_loop3A_902 : i32 to index
        %parallel_loop3A_909 = arith.constant 32 : index
        %parallel_loop3A_910 = tpu.vector_load %arg8[%parallel_loop3A_907, %parallel_loop3A_908, %parallel_loop3A_909] {strides = array<i32>} : memref<4x80x128xf32, #tpu.memory_space<vmem>>, vector<1x1x16xf32>,
        %parallel_loop3A_911 = vector.shape_cast %parallel_loop3A_910 : vector<1x1x16xf32> to vector<16xf32>
        %parallel_loop3A_912 = vector.shape_cast %parallel_loop3A_906 : vector<16xf32> to vector<1x1x16xf32>
        tpu.vector_store %arg8[%parallel_loop3A_907, %parallel_loop3A_908, %parallel_loop3A_909], %parallel_loop3A_912 {add = true, strides = array<i32>} : memref<4x80x128xf32, #tpu.memory_space<vmem>>, vector<1x1x16xf32>,
        %parallel_loop3A_913 = arith.constant 6 : i32
        %parallel_loop3A_914 = arith.addi %parallel_loop3A_282, %parallel_loop3A_913 : i32
        %parallel_loop3A_915 = arith.index_cast %parallel_loop3A_876 : i32 to index
        %parallel_loop3A_916 = arith.constant 48 : index
        %parallel_loop3A_917 = tpu.vector_load %arg7[%parallel_loop3A_915, %parallel_loop3A_916] {strides = array<i32>} : memref<240x128xf32, #tpu.memory_space<vmem>>, vector<1x16xf32>,
        %parallel_loop3A_918 = vector.shape_cast %parallel_loop3A_917 : vector<1x16xf32> to vector<16xf32>
        %parallel_loop3A_919 = arith.index_cast %rem3A_213 : i32 to index
        %parallel_loop3A_920 = arith.index_cast %parallel_loop3A_914 : i32 to index
        %parallel_loop3A_921 = arith.constant 48 : index
        %parallel_loop3A_922 = tpu.vector_load %arg8[%parallel_loop3A_919, %parallel_loop3A_920, %parallel_loop3A_921] {strides = array<i32>} : memref<4x80x128xf32, #tpu.memory_space<vmem>>, vector<1x1x16xf32>,
        %parallel_loop3A_923 = vector.shape_cast %parallel_loop3A_922 : vector<1x1x16xf32> to vector<16xf32>
        %parallel_loop3A_924 = vector.shape_cast %parallel_loop3A_918 : vector<16xf32> to vector<1x1x16xf32>
        tpu.vector_store %arg8[%parallel_loop3A_919, %parallel_loop3A_920, %parallel_loop3A_921], %parallel_loop3A_924 {add = true, strides = array<i32>} : memref<4x80x128xf32, #tpu.memory_space<vmem>>, vector<1x1x16xf32>,
        %parallel_loop3A_925 = arith.constant 6 : i32
        %parallel_loop3A_926 = arith.addi %parallel_loop3A_282, %parallel_loop3A_925 : i32
        %parallel_loop3A_927 = arith.index_cast %parallel_loop3A_876 : i32 to index
        %parallel_loop3A_928 = arith.constant 64 : index
        %parallel_loop3A_929 = tpu.vector_load %arg7[%parallel_loop3A_927, %parallel_loop3A_928] {strides = array<i32>} : memref<240x128xf32, #tpu.memory_space<vmem>>, vector<1x16xf32>,
        %parallel_loop3A_930 = vector.shape_cast %parallel_loop3A_929 : vector<1x16xf32> to vector<16xf32>
        %parallel_loop3A_931 = arith.index_cast %rem3A_213 : i32 to index
        %parallel_loop3A_932 = arith.index_cast %parallel_loop3A_926 : i32 to index
        %parallel_loop3A_933 = arith.constant 64 : index
        %parallel_loop3A_934 = tpu.vector_load %arg8[%parallel_loop3A_931, %parallel_loop3A_932, %parallel_loop3A_933] {strides = array<i32>} : memref<4x80x128xf32, #tpu.memory_space<vmem>>, vector<1x1x16xf32>,
        %parallel_loop3A_935 = vector.shape_cast %parallel_loop3A_934 : vector<1x1x16xf32> to vector<16xf32>
        %parallel_loop3A_936 = vector.shape_cast %parallel_loop3A_930 : vector<16xf32> to vector<1x1x16xf32>
        tpu.vector_store %arg8[%parallel_loop3A_931, %parallel_loop3A_932, %parallel_loop3A_933], %parallel_loop3A_936 {add = true, strides = array<i32>} : memref<4x80x128xf32, #tpu.memory_space<vmem>>, vector<1x1x16xf32>,
        %parallel_loop3A_937 = arith.constant 6 : i32
        %parallel_loop3A_938 = arith.addi %parallel_loop3A_282, %parallel_loop3A_937 : i32
        %parallel_loop3A_939 = arith.index_cast %parallel_loop3A_876 : i32 to index
        %parallel_loop3A_940 = arith.constant 80 : index
        %parallel_loop3A_941 = tpu.vector_load %arg7[%parallel_loop3A_939, %parallel_loop3A_940] {strides = array<i32>} : memref<240x128xf32, #tpu.memory_space<vmem>>, vector<1x16xf32>,
        %parallel_loop3A_942 = vector.shape_cast %parallel_loop3A_941 : vector<1x16xf32> to vector<16xf32>
        %parallel_loop3A_943 = arith.index_cast %rem3A_213 : i32 to index
        %parallel_loop3A_944 = arith.index_cast %parallel_loop3A_938 : i32 to index
        %parallel_loop3A_945 = arith.constant 80 : index
        %parallel_loop3A_946 = tpu.vector_load %arg8[%parallel_loop3A_943, %parallel_loop3A_944, %parallel_loop3A_945] {strides = array<i32>} : memref<4x80x128xf32, #tpu.memory_space<vmem>>, vector<1x1x16xf32>,
        %parallel_loop3A_947 = vector.shape_cast %parallel_loop3A_946 : vector<1x1x16xf32> to vector<16xf32>
        %parallel_loop3A_948 = vector.shape_cast %parallel_loop3A_942 : vector<16xf32> to vector<1x1x16xf32>
        tpu.vector_store %arg8[%parallel_loop3A_943, %parallel_loop3A_944, %parallel_loop3A_945], %parallel_loop3A_948 {add = true, strides = array<i32>} : memref<4x80x128xf32, #tpu.memory_space<vmem>>, vector<1x1x16xf32>,
        %parallel_loop3A_949 = arith.constant 6 : i32
        %parallel_loop3A_950 = arith.addi %parallel_loop3A_282, %parallel_loop3A_949 : i32
        %parallel_loop3A_951 = arith.index_cast %parallel_loop3A_876 : i32 to index
        %parallel_loop3A_952 = arith.constant 96 : index
        %parallel_loop3A_953 = tpu.vector_load %arg7[%parallel_loop3A_951, %parallel_loop3A_952] {strides = array<i32>} : memref<240x128xf32, #tpu.memory_space<vmem>>, vector<1x16xf32>,
        %parallel_loop3A_954 = vector.shape_cast %parallel_loop3A_953 : vector<1x16xf32> to vector<16xf32>
        %parallel_loop3A_955 = arith.index_cast %rem3A_213 : i32 to index
        %parallel_loop3A_956 = arith.index_cast %parallel_loop3A_950 : i32 to index
        %parallel_loop3A_957 = arith.constant 96 : index
        %parallel_loop3A_958 = tpu.vector_load %arg8[%parallel_loop3A_955, %parallel_loop3A_956, %parallel_loop3A_957] {strides = array<i32>} : memref<4x80x128xf32, #tpu.memory_space<vmem>>, vector<1x1x16xf32>,
        %parallel_loop3A_959 = vector.shape_cast %parallel_loop3A_958 : vector<1x1x16xf32> to vector<16xf32>
        %parallel_loop3A_960 = vector.shape_cast %parallel_loop3A_954 : vector<16xf32> to vector<1x1x16xf32>
        tpu.vector_store %arg8[%parallel_loop3A_955, %parallel_loop3A_956, %parallel_loop3A_957], %parallel_loop3A_960 {add = true, strides = array<i32>} : memref<4x80x128xf32, #tpu.memory_space<vmem>>, vector<1x1x16xf32>,
        %parallel_loop3A_961 = arith.constant 6 : i32
        %parallel_loop3A_962 = arith.addi %parallel_loop3A_282, %parallel_loop3A_961 : i32
        %parallel_loop3A_963 = arith.index_cast %parallel_loop3A_876 : i32 to index
        %parallel_loop3A_964 = arith.constant 112 : index
        %parallel_loop3A_965 = tpu.vector_load %arg7[%parallel_loop3A_963, %parallel_loop3A_964] {strides = array<i32>} : memref<240x128xf32, #tpu.memory_space<vmem>>, vector<1x16xf32>,
        %parallel_loop3A_966 = vector.shape_cast %parallel_loop3A_965 : vector<1x16xf32> to vector<16xf32>
        %parallel_loop3A_967 = arith.index_cast %rem3A_213 : i32 to index
        %parallel_loop3A_968 = arith.index_cast %parallel_loop3A_962 : i32 to index
        %parallel_loop3A_969 = arith.constant 112 : index
        %parallel_loop3A_970 = tpu.vector_load %arg8[%parallel_loop3A_967, %parallel_loop3A_968, %parallel_loop3A_969] {strides = array<i32>} : memref<4x80x128xf32, #tpu.memory_space<vmem>>, vector<1x1x16xf32>,
        %parallel_loop3A_971 = vector.shape_cast %parallel_loop3A_970 : vector<1x1x16xf32> to vector<16xf32>
        %parallel_loop3A_972 = vector.shape_cast %parallel_loop3A_966 : vector<16xf32> to vector<1x1x16xf32>
        tpu.vector_store %arg8[%parallel_loop3A_967, %parallel_loop3A_968, %parallel_loop3A_969], %parallel_loop3A_972 {add = true, strides = array<i32>} : memref<4x80x128xf32, #tpu.memory_space<vmem>>, vector<1x1x16xf32>,
        %parallel_loop3A_973 = vector.extract_strided_slice %parallel_loop3A_286 {offsets = [7], sizes = [1], strides = [1]} : vector<16xi32> to vector<1xi32>
        %parallel_loop3A_974 = vector.extract %parallel_loop3A_973[0] : i32 from vector<1xi32>
        %parallel_loop3A_975 = arith.constant 7 : i32
        %parallel_loop3A_976 = arith.addi %parallel_loop3A_282, %parallel_loop3A_975 : i32
        %parallel_loop3A_977 = arith.index_cast %parallel_loop3A_974 : i32 to index
        %parallel_loop3A_978 = arith.constant 0 : index
        %parallel_loop3A_979 = tpu.vector_load %arg7[%parallel_loop3A_977, %parallel_loop3A_978] {strides = array<i32>} : memref<240x128xf32, #tpu.memory_space<vmem>>, vector<1x16xf32>,
        %parallel_loop3A_980 = vector.shape_cast %parallel_loop3A_979 : vector<1x16xf32> to vector<16xf32>
        %parallel_loop3A_981 = arith.index_cast %rem3A_213 : i32 to index
        %parallel_loop3A_982 = arith.index_cast %parallel_loop3A_976 : i32 to index
        %parallel_loop3A_983 = arith.constant 0 : index
        %parallel_loop3A_984 = tpu.vector_load %arg8[%parallel_loop3A_981, %parallel_loop3A_982, %parallel_loop3A_983] {strides = array<i32>} : memref<4x80x128xf32, #tpu.memory_space<vmem>>, vector<1x1x16xf32>,
        %parallel_loop3A_985 = vector.shape_cast %parallel_loop3A_984 : vector<1x1x16xf32> to vector<16xf32>
        %parallel_loop3A_986 = vector.shape_cast %parallel_loop3A_980 : vector<16xf32> to vector<1x1x16xf32>
        tpu.vector_store %arg8[%parallel_loop3A_981, %parallel_loop3A_982, %parallel_loop3A_983], %parallel_loop3A_986 {add = true, strides = array<i32>} : memref<4x80x128xf32, #tpu.memory_space<vmem>>, vector<1x1x16xf32>,
        %parallel_loop3A_987 = arith.constant 7 : i32
        %parallel_loop3A_988 = arith.addi %parallel_loop3A_282, %parallel_loop3A_987 : i32
        %parallel_loop3A_989 = arith.index_cast %parallel_loop3A_974 : i32 to index
        %parallel_loop3A_990 = arith.constant 16 : index
        %parallel_loop3A_991 = tpu.vector_load %arg7[%parallel_loop3A_989, %parallel_loop3A_990] {strides = array<i32>} : memref<240x128xf32, #tpu.memory_space<vmem>>, vector<1x16xf32>,
        %parallel_loop3A_992 = vector.shape_cast %parallel_loop3A_991 : vector<1x16xf32> to vector<16xf32>
        %parallel_loop3A_993 = arith.index_cast %rem3A_213 : i32 to index
        %parallel_loop3A_994 = arith.index_cast %parallel_loop3A_988 : i32 to index
        %parallel_loop3A_995 = arith.constant 16 : index
        %parallel_loop3A_996 = tpu.vector_load %arg8[%parallel_loop3A_993, %parallel_loop3A_994, %parallel_loop3A_995] {strides = array<i32>} : memref<4x80x128xf32, #tpu.memory_space<vmem>>, vector<1x1x16xf32>,
        %parallel_loop3A_997 = vector.shape_cast %parallel_loop3A_996 : vector<1x1x16xf32> to vector<16xf32>
        %parallel_loop3A_998 = vector.shape_cast %parallel_loop3A_992 : vector<16xf32> to vector<1x1x16xf32>
        tpu.vector_store %arg8[%parallel_loop3A_993, %parallel_loop3A_994, %parallel_loop3A_995], %parallel_loop3A_998 {add = true, strides = array<i32>} : memref<4x80x128xf32, #tpu.memory_space<vmem>>, vector<1x1x16xf32>,
        %parallel_loop3A_999 = arith.constant 7 : i32
        %parallel_loop3A_1000 = arith.addi %parallel_loop3A_282, %parallel_loop3A_999 : i32
        %parallel_loop3A_1001 = arith.index_cast %parallel_loop3A_974 : i32 to index
        %parallel_loop3A_1002 = arith.constant 32 : index
        %parallel_loop3A_1003 = tpu.vector_load %arg7[%parallel_loop3A_1001, %parallel_loop3A_1002] {strides = array<i32>} : memref<240x128xf32, #tpu.memory_space<vmem>>, vector<1x16xf32>,
        %parallel_loop3A_1004 = vector.shape_cast %parallel_loop3A_1003 : vector<1x16xf32> to vector<16xf32>
        %parallel_loop3A_1005 = arith.index_cast %rem3A_213 : i32 to index
        %parallel_loop3A_1006 = arith.index_cast %parallel_loop3A_1000 : i32 to index
        %parallel_loop3A_1007 = arith.constant 32 : index
        %parallel_loop3A_1008 = tpu.vector_load %arg8[%parallel_loop3A_1005, %parallel_loop3A_1006, %parallel_loop3A_1007] {strides = array<i32>} : memref<4x80x128xf32, #tpu.memory_space<vmem>>, vector<1x1x16xf32>,
        %parallel_loop3A_1009 = vector.shape_cast %parallel_loop3A_1008 : vector<1x1x16xf32> to vector<16xf32>
        %parallel_loop3A_1010 = vector.shape_cast %parallel_loop3A_1004 : vector<16xf32> to vector<1x1x16xf32>
        tpu.vector_store %arg8[%parallel_loop3A_1005, %parallel_loop3A_1006, %parallel_loop3A_1007], %parallel_loop3A_1010 {add = true, strides = array<i32>} : memref<4x80x128xf32, #tpu.memory_space<vmem>>, vector<1x1x16xf32>,
        %parallel_loop3A_1011 = arith.constant 7 : i32
        %parallel_loop3A_1012 = arith.addi %parallel_loop3A_282, %parallel_loop3A_1011 : i32
        %parallel_loop3A_1013 = arith.index_cast %parallel_loop3A_974 : i32 to index
        %parallel_loop3A_1014 = arith.constant 48 : index
        %parallel_loop3A_1015 = tpu.vector_load %arg7[%parallel_loop3A_1013, %parallel_loop3A_1014] {strides = array<i32>} : memref<240x128xf32, #tpu.memory_space<vmem>>, vector<1x16xf32>,
        %parallel_loop3A_1016 = vector.shape_cast %parallel_loop3A_1015 : vector<1x16xf32> to vector<16xf32>
        %parallel_loop3A_1017 = arith.index_cast %rem3A_213 : i32 to index
        %parallel_loop3A_1018 = arith.index_cast %parallel_loop3A_1012 : i32 to index
        %parallel_loop3A_1019 = arith.constant 48 : index
        %parallel_loop3A_1020 = tpu.vector_load %arg8[%parallel_loop3A_1017, %parallel_loop3A_1018, %parallel_loop3A_1019] {strides = array<i32>} : memref<4x80x128xf32, #tpu.memory_space<vmem>>, vector<1x1x16xf32>,
        %parallel_loop3A_1021 = vector.shape_cast %parallel_loop3A_1020 : vector<1x1x16xf32> to vector<16xf32>
        %parallel_loop3A_1022 = vector.shape_cast %parallel_loop3A_1016 : vector<16xf32> to vector<1x1x16xf32>
        tpu.vector_store %arg8[%parallel_loop3A_1017, %parallel_loop3A_1018, %parallel_loop3A_1019], %parallel_loop3A_1022 {add = true, strides = array<i32>} : memref<4x80x128xf32, #tpu.memory_space<vmem>>, vector<1x1x16xf32>,
        %parallel_loop3A_1023 = arith.constant 7 : i32
        %parallel_loop3A_1024 = arith.addi %parallel_loop3A_282, %parallel_loop3A_1023 : i32
        %parallel_loop3A_1025 = arith.index_cast %parallel_loop3A_974 : i32 to index
        %parallel_loop3A_1026 = arith.constant 64 : index
        %parallel_loop3A_1027 = tpu.vector_load %arg7[%parallel_loop3A_1025, %parallel_loop3A_1026] {strides = array<i32>} : memref<240x128xf32, #tpu.memory_space<vmem>>, vector<1x16xf32>,
        %parallel_loop3A_1028 = vector.shape_cast %parallel_loop3A_1027 : vector<1x16xf32> to vector<16xf32>
        %parallel_loop3A_1029 = arith.index_cast %rem3A_213 : i32 to index
        %parallel_loop3A_1030 = arith.index_cast %parallel_loop3A_1024 : i32 to index
        %parallel_loop3A_1031 = arith.constant 64 : index
        %parallel_loop3A_1032 = tpu.vector_load %arg8[%parallel_loop3A_1029, %parallel_loop3A_1030, %parallel_loop3A_1031] {strides = array<i32>} : memref<4x80x128xf32, #tpu.memory_space<vmem>>, vector<1x1x16xf32>,
        %parallel_loop3A_1033 = vector.shape_cast %parallel_loop3A_1032 : vector<1x1x16xf32> to vector<16xf32>
        %parallel_loop3A_1034 = vector.shape_cast %parallel_loop3A_1028 : vector<16xf32> to vector<1x1x16xf32>
        tpu.vector_store %arg8[%parallel_loop3A_1029, %parallel_loop3A_1030, %parallel_loop3A_1031], %parallel_loop3A_1034 {add = true, strides = array<i32>} : memref<4x80x128xf32, #tpu.memory_space<vmem>>, vector<1x1x16xf32>,
        %parallel_loop3A_1035 = arith.constant 7 : i32
        %parallel_loop3A_1036 = arith.addi %parallel_loop3A_282, %parallel_loop3A_1035 : i32
        %parallel_loop3A_1037 = arith.index_cast %parallel_loop3A_974 : i32 to index
        %parallel_loop3A_1038 = arith.constant 80 : index
        %parallel_loop3A_1039 = tpu.vector_load %arg7[%parallel_loop3A_1037, %parallel_loop3A_1038] {strides = array<i32>} : memref<240x128xf32, #tpu.memory_space<vmem>>, vector<1x16xf32>,
        %parallel_loop3A_1040 = vector.shape_cast %parallel_loop3A_1039 : vector<1x16xf32> to vector<16xf32>
        %parallel_loop3A_1041 = arith.index_cast %rem3A_213 : i32 to index
        %parallel_loop3A_1042 = arith.index_cast %parallel_loop3A_1036 : i32 to index
        %parallel_loop3A_1043 = arith.constant 80 : index
        %parallel_loop3A_1044 = tpu.vector_load %arg8[%parallel_loop3A_1041, %parallel_loop3A_1042, %parallel_loop3A_1043] {strides = array<i32>} : memref<4x80x128xf32, #tpu.memory_space<vmem>>, vector<1x1x16xf32>,
        %parallel_loop3A_1045 = vector.shape_cast %parallel_loop3A_1044 : vector<1x1x16xf32> to vector<16xf32>
        %parallel_loop3A_1046 = vector.shape_cast %parallel_loop3A_1040 : vector<16xf32> to vector<1x1x16xf32>
        tpu.vector_store %arg8[%parallel_loop3A_1041, %parallel_loop3A_1042, %parallel_loop3A_1043], %parallel_loop3A_1046 {add = true, strides = array<i32>} : memref<4x80x128xf32, #tpu.memory_space<vmem>>, vector<1x1x16xf32>,
        %parallel_loop3A_1047 = arith.constant 7 : i32
        %parallel_loop3A_1048 = arith.addi %parallel_loop3A_282, %parallel_loop3A_1047 : i32
        %parallel_loop3A_1049 = arith.index_cast %parallel_loop3A_974 : i32 to index
        %parallel_loop3A_1050 = arith.constant 96 : index
        %parallel_loop3A_1051 = tpu.vector_load %arg7[%parallel_loop3A_1049, %parallel_loop3A_1050] {strides = array<i32>} : memref<240x128xf32, #tpu.memory_space<vmem>>, vector<1x16xf32>,
        %parallel_loop3A_1052 = vector.shape_cast %parallel_loop3A_1051 : vector<1x16xf32> to vector<16xf32>
        %parallel_loop3A_1053 = arith.index_cast %rem3A_213 : i32 to index
        %parallel_loop3A_1054 = arith.index_cast %parallel_loop3A_1048 : i32 to index
        %parallel_loop3A_1055 = arith.constant 96 : index
        %parallel_loop3A_1056 = tpu.vector_load %arg8[%parallel_loop3A_1053, %parallel_loop3A_1054, %parallel_loop3A_1055] {strides = array<i32>} : memref<4x80x128xf32, #tpu.memory_space<vmem>>, vector<1x1x16xf32>,
        %parallel_loop3A_1057 = vector.shape_cast %parallel_loop3A_1056 : vector<1x1x16xf32> to vector<16xf32>
        %parallel_loop3A_1058 = vector.shape_cast %parallel_loop3A_1052 : vector<16xf32> to vector<1x1x16xf32>
        tpu.vector_store %arg8[%parallel_loop3A_1053, %parallel_loop3A_1054, %parallel_loop3A_1055], %parallel_loop3A_1058 {add = true, strides = array<i32>} : memref<4x80x128xf32, #tpu.memory_space<vmem>>, vector<1x1x16xf32>,
        %parallel_loop3A_1059 = arith.constant 7 : i32
        %parallel_loop3A_1060 = arith.addi %parallel_loop3A_282, %parallel_loop3A_1059 : i32
        %parallel_loop3A_1061 = arith.index_cast %parallel_loop3A_974 : i32 to index
        %parallel_loop3A_1062 = arith.constant 112 : index
        %parallel_loop3A_1063 = tpu.vector_load %arg7[%parallel_loop3A_1061, %parallel_loop3A_1062] {strides = array<i32>} : memref<240x128xf32, #tpu.memory_space<vmem>>, vector<1x16xf32>,
        %parallel_loop3A_1064 = vector.shape_cast %parallel_loop3A_1063 : vector<1x16xf32> to vector<16xf32>
        %parallel_loop3A_1065 = arith.index_cast %rem3A_213 : i32 to index
        %parallel_loop3A_1066 = arith.index_cast %parallel_loop3A_1060 : i32 to index
        %parallel_loop3A_1067 = arith.constant 112 : index
        %parallel_loop3A_1068 = tpu.vector_load %arg8[%parallel_loop3A_1065, %parallel_loop3A_1066, %parallel_loop3A_1067] {strides = array<i32>} : memref<4x80x128xf32, #tpu.memory_space<vmem>>, vector<1x1x16xf32>,
        %parallel_loop3A_1069 = vector.shape_cast %parallel_loop3A_1068 : vector<1x1x16xf32> to vector<16xf32>
        %parallel_loop3A_1070 = vector.shape_cast %parallel_loop3A_1064 : vector<16xf32> to vector<1x1x16xf32>
        tpu.vector_store %arg8[%parallel_loop3A_1065, %parallel_loop3A_1066, %parallel_loop3A_1067], %parallel_loop3A_1070 {add = true, strides = array<i32>} : memref<4x80x128xf32, #tpu.memory_space<vmem>>, vector<1x1x16xf32>,
        %parallel_loop3A_1071 = vector.extract_strided_slice %parallel_loop3A_286 {offsets = [8], sizes = [1], strides = [1]} : vector<16xi32> to vector<1xi32>
        %parallel_loop3A_1072 = vector.extract %parallel_loop3A_1071[0] : i32 from vector<1xi32>
        %parallel_loop3A_1073 = arith.constant 8 : i32
        %parallel_loop3A_1074 = arith.addi %parallel_loop3A_282, %parallel_loop3A_1073 : i32
        %parallel_loop3A_1075 = arith.index_cast %parallel_loop3A_1072 : i32 to index
        %parallel_loop3A_1076 = arith.constant 0 : index
        %parallel_loop3A_1077 = tpu.vector_load %arg7[%parallel_loop3A_1075, %parallel_loop3A_1076] {strides = array<i32>} : memref<240x128xf32, #tpu.memory_space<vmem>>, vector<1x16xf32>,
        %parallel_loop3A_1078 = vector.shape_cast %parallel_loop3A_1077 : vector<1x16xf32> to vector<16xf32>
        %parallel_loop3A_1079 = arith.index_cast %rem3A_213 : i32 to index
        %parallel_loop3A_1080 = arith.index_cast %parallel_loop3A_1074 : i32 to index
        %parallel_loop3A_1081 = arith.constant 0 : index
        %parallel_loop3A_1082 = tpu.vector_load %arg8[%parallel_loop3A_1079, %parallel_loop3A_1080, %parallel_loop3A_1081] {strides = array<i32>} : memref<4x80x128xf32, #tpu.memory_space<vmem>>, vector<1x1x16xf32>,
        %parallel_loop3A_1083 = vector.shape_cast %parallel_loop3A_1082 : vector<1x1x16xf32> to vector<16xf32>
        %parallel_loop3A_1084 = vector.shape_cast %parallel_loop3A_1078 : vector<16xf32> to vector<1x1x16xf32>
        tpu.vector_store %arg8[%parallel_loop3A_1079, %parallel_loop3A_1080, %parallel_loop3A_1081], %parallel_loop3A_1084 {add = true, strides = array<i32>} : memref<4x80x128xf32, #tpu.memory_space<vmem>>, vector<1x1x16xf32>,
        %parallel_loop3A_1085 = arith.constant 8 : i32
        %parallel_loop3A_1086 = arith.addi %parallel_loop3A_282, %parallel_loop3A_1085 : i32
        %parallel_loop3A_1087 = arith.index_cast %parallel_loop3A_1072 : i32 to index
        %parallel_loop3A_1088 = arith.constant 16 : index
        %parallel_loop3A_1089 = tpu.vector_load %arg7[%parallel_loop3A_1087, %parallel_loop3A_1088] {strides = array<i32>} : memref<240x128xf32, #tpu.memory_space<vmem>>, vector<1x16xf32>,
        %parallel_loop3A_1090 = vector.shape_cast %parallel_loop3A_1089 : vector<1x16xf32> to vector<16xf32>
        %parallel_loop3A_1091 = arith.index_cast %rem3A_213 : i32 to index
        %parallel_loop3A_1092 = arith.index_cast %parallel_loop3A_1086 : i32 to index
        %parallel_loop3A_1093 = arith.constant 16 : index
        %parallel_loop3A_1094 = tpu.vector_load %arg8[%parallel_loop3A_1091, %parallel_loop3A_1092, %parallel_loop3A_1093] {strides = array<i32>} : memref<4x80x128xf32, #tpu.memory_space<vmem>>, vector<1x1x16xf32>,
        %parallel_loop3A_1095 = vector.shape_cast %parallel_loop3A_1094 : vector<1x1x16xf32> to vector<16xf32>
        %parallel_loop3A_1096 = vector.shape_cast %parallel_loop3A_1090 : vector<16xf32> to vector<1x1x16xf32>
        tpu.vector_store %arg8[%parallel_loop3A_1091, %parallel_loop3A_1092, %parallel_loop3A_1093], %parallel_loop3A_1096 {add = true, strides = array<i32>} : memref<4x80x128xf32, #tpu.memory_space<vmem>>, vector<1x1x16xf32>,
        %parallel_loop3A_1097 = arith.constant 8 : i32
        %parallel_loop3A_1098 = arith.addi %parallel_loop3A_282, %parallel_loop3A_1097 : i32
        %parallel_loop3A_1099 = arith.index_cast %parallel_loop3A_1072 : i32 to index
        %parallel_loop3A_1100 = arith.constant 32 : index
        %parallel_loop3A_1101 = tpu.vector_load %arg7[%parallel_loop3A_1099, %parallel_loop3A_1100] {strides = array<i32>} : memref<240x128xf32, #tpu.memory_space<vmem>>, vector<1x16xf32>,
        %parallel_loop3A_1102 = vector.shape_cast %parallel_loop3A_1101 : vector<1x16xf32> to vector<16xf32>
        %parallel_loop3A_1103 = arith.index_cast %rem3A_213 : i32 to index
        %parallel_loop3A_1104 = arith.index_cast %parallel_loop3A_1098 : i32 to index
        %parallel_loop3A_1105 = arith.constant 32 : index
        %parallel_loop3A_1106 = tpu.vector_load %arg8[%parallel_loop3A_1103, %parallel_loop3A_1104, %parallel_loop3A_1105] {strides = array<i32>} : memref<4x80x128xf32, #tpu.memory_space<vmem>>, vector<1x1x16xf32>,
        %parallel_loop3A_1107 = vector.shape_cast %parallel_loop3A_1106 : vector<1x1x16xf32> to vector<16xf32>
        %parallel_loop3A_1108 = vector.shape_cast %parallel_loop3A_1102 : vector<16xf32> to vector<1x1x16xf32>
        tpu.vector_store %arg8[%parallel_loop3A_1103, %parallel_loop3A_1104, %parallel_loop3A_1105], %parallel_loop3A_1108 {add = true, strides = array<i32>} : memref<4x80x128xf32, #tpu.memory_space<vmem>>, vector<1x1x16xf32>,
        %parallel_loop3A_1109 = arith.constant 8 : i32
        %parallel_loop3A_1110 = arith.addi %parallel_loop3A_282, %parallel_loop3A_1109 : i32
        %parallel_loop3A_1111 = arith.index_cast %parallel_loop3A_1072 : i32 to index
        %parallel_loop3A_1112 = arith.constant 48 : index
        %parallel_loop3A_1113 = tpu.vector_load %arg7[%parallel_loop3A_1111, %parallel_loop3A_1112] {strides = array<i32>} : memref<240x128xf32, #tpu.memory_space<vmem>>, vector<1x16xf32>,
        %parallel_loop3A_1114 = vector.shape_cast %parallel_loop3A_1113 : vector<1x16xf32> to vector<16xf32>
        %parallel_loop3A_1115 = arith.index_cast %rem3A_213 : i32 to index
        %parallel_loop3A_1116 = arith.index_cast %parallel_loop3A_1110 : i32 to index
        %parallel_loop3A_1117 = arith.constant 48 : index
        %parallel_loop3A_1118 = tpu.vector_load %arg8[%parallel_loop3A_1115, %parallel_loop3A_1116, %parallel_loop3A_1117] {strides = array<i32>} : memref<4x80x128xf32, #tpu.memory_space<vmem>>, vector<1x1x16xf32>,
        %parallel_loop3A_1119 = vector.shape_cast %parallel_loop3A_1118 : vector<1x1x16xf32> to vector<16xf32>
        %parallel_loop3A_1120 = vector.shape_cast %parallel_loop3A_1114 : vector<16xf32> to vector<1x1x16xf32>
        tpu.vector_store %arg8[%parallel_loop3A_1115, %parallel_loop3A_1116, %parallel_loop3A_1117], %parallel_loop3A_1120 {add = true, strides = array<i32>} : memref<4x80x128xf32, #tpu.memory_space<vmem>>, vector<1x1x16xf32>,
        %parallel_loop3A_1121 = arith.constant 8 : i32
        %parallel_loop3A_1122 = arith.addi %parallel_loop3A_282, %parallel_loop3A_1121 : i32
        %parallel_loop3A_1123 = arith.index_cast %parallel_loop3A_1072 : i32 to index
        %parallel_loop3A_1124 = arith.constant 64 : index
        %parallel_loop3A_1125 = tpu.vector_load %arg7[%parallel_loop3A_1123, %parallel_loop3A_1124] {strides = array<i32>} : memref<240x128xf32, #tpu.memory_space<vmem>>, vector<1x16xf32>,
        %parallel_loop3A_1126 = vector.shape_cast %parallel_loop3A_1125 : vector<1x16xf32> to vector<16xf32>
        %parallel_loop3A_1127 = arith.index_cast %rem3A_213 : i32 to index
        %parallel_loop3A_1128 = arith.index_cast %parallel_loop3A_1122 : i32 to index
        %parallel_loop3A_1129 = arith.constant 64 : index
        %parallel_loop3A_1130 = tpu.vector_load %arg8[%parallel_loop3A_1127, %parallel_loop3A_1128, %parallel_loop3A_1129] {strides = array<i32>} : memref<4x80x128xf32, #tpu.memory_space<vmem>>, vector<1x1x16xf32>,
        %parallel_loop3A_1131 = vector.shape_cast %parallel_loop3A_1130 : vector<1x1x16xf32> to vector<16xf32>
        %parallel_loop3A_1132 = vector.shape_cast %parallel_loop3A_1126 : vector<16xf32> to vector<1x1x16xf32>
        tpu.vector_store %arg8[%parallel_loop3A_1127, %parallel_loop3A_1128, %parallel_loop3A_1129], %parallel_loop3A_1132 {add = true, strides = array<i32>} : memref<4x80x128xf32, #tpu.memory_space<vmem>>, vector<1x1x16xf32>,
        %parallel_loop3A_1133 = arith.constant 8 : i32
        %parallel_loop3A_1134 = arith.addi %parallel_loop3A_282, %parallel_loop3A_1133 : i32
        %parallel_loop3A_1135 = arith.index_cast %parallel_loop3A_1072 : i32 to index
        %parallel_loop3A_1136 = arith.constant 80 : index
        %parallel_loop3A_1137 = tpu.vector_load %arg7[%parallel_loop3A_1135, %parallel_loop3A_1136] {strides = array<i32>} : memref<240x128xf32, #tpu.memory_space<vmem>>, vector<1x16xf32>,
        %parallel_loop3A_1138 = vector.shape_cast %parallel_loop3A_1137 : vector<1x16xf32> to vector<16xf32>
        %parallel_loop3A_1139 = arith.index_cast %rem3A_213 : i32 to index
        %parallel_loop3A_1140 = arith.index_cast %parallel_loop3A_1134 : i32 to index
        %parallel_loop3A_1141 = arith.constant 80 : index
        %parallel_loop3A_1142 = tpu.vector_load %arg8[%parallel_loop3A_1139, %parallel_loop3A_1140, %parallel_loop3A_1141] {strides = array<i32>} : memref<4x80x128xf32, #tpu.memory_space<vmem>>, vector<1x1x16xf32>,
        %parallel_loop3A_1143 = vector.shape_cast %parallel_loop3A_1142 : vector<1x1x16xf32> to vector<16xf32>
        %parallel_loop3A_1144 = vector.shape_cast %parallel_loop3A_1138 : vector<16xf32> to vector<1x1x16xf32>
        tpu.vector_store %arg8[%parallel_loop3A_1139, %parallel_loop3A_1140, %parallel_loop3A_1141], %parallel_loop3A_1144 {add = true, strides = array<i32>} : memref<4x80x128xf32, #tpu.memory_space<vmem>>, vector<1x1x16xf32>,
        %parallel_loop3A_1145 = arith.constant 8 : i32
        %parallel_loop3A_1146 = arith.addi %parallel_loop3A_282, %parallel_loop3A_1145 : i32
        %parallel_loop3A_1147 = arith.index_cast %parallel_loop3A_1072 : i32 to index
        %parallel_loop3A_1148 = arith.constant 96 : index
        %parallel_loop3A_1149 = tpu.vector_load %arg7[%parallel_loop3A_1147, %parallel_loop3A_1148] {strides = array<i32>} : memref<240x128xf32, #tpu.memory_space<vmem>>, vector<1x16xf32>,
        %parallel_loop3A_1150 = vector.shape_cast %parallel_loop3A_1149 : vector<1x16xf32> to vector<16xf32>
        %parallel_loop3A_1151 = arith.index_cast %rem3A_213 : i32 to index
        %parallel_loop3A_1152 = arith.index_cast %parallel_loop3A_1146 : i32 to index
        %parallel_loop3A_1153 = arith.constant 96 : index
        %parallel_loop3A_1154 = tpu.vector_load %arg8[%parallel_loop3A_1151, %parallel_loop3A_1152, %parallel_loop3A_1153] {strides = array<i32>} : memref<4x80x128xf32, #tpu.memory_space<vmem>>, vector<1x1x16xf32>,
        %parallel_loop3A_1155 = vector.shape_cast %parallel_loop3A_1154 : vector<1x1x16xf32> to vector<16xf32>
        %parallel_loop3A_1156 = vector.shape_cast %parallel_loop3A_1150 : vector<16xf32> to vector<1x1x16xf32>
        tpu.vector_store %arg8[%parallel_loop3A_1151, %parallel_loop3A_1152, %parallel_loop3A_1153], %parallel_loop3A_1156 {add = true, strides = array<i32>} : memref<4x80x128xf32, #tpu.memory_space<vmem>>, vector<1x1x16xf32>,
        %parallel_loop3A_1157 = arith.constant 8 : i32
        %parallel_loop3A_1158 = arith.addi %parallel_loop3A_282, %parallel_loop3A_1157 : i32
        %parallel_loop3A_1159 = arith.index_cast %parallel_loop3A_1072 : i32 to index
        %parallel_loop3A_1160 = arith.constant 112 : index
        %parallel_loop3A_1161 = tpu.vector_load %arg7[%parallel_loop3A_1159, %parallel_loop3A_1160] {strides = array<i32>} : memref<240x128xf32, #tpu.memory_space<vmem>>, vector<1x16xf32>,
        %parallel_loop3A_1162 = vector.shape_cast %parallel_loop3A_1161 : vector<1x16xf32> to vector<16xf32>
        %parallel_loop3A_1163 = arith.index_cast %rem3A_213 : i32 to index
        %parallel_loop3A_1164 = arith.index_cast %parallel_loop3A_1158 : i32 to index
        %parallel_loop3A_1165 = arith.constant 112 : index
        %parallel_loop3A_1166 = tpu.vector_load %arg8[%parallel_loop3A_1163, %parallel_loop3A_1164, %parallel_loop3A_1165] {strides = array<i32>} : memref<4x80x128xf32, #tpu.memory_space<vmem>>, vector<1x1x16xf32>,
        %parallel_loop3A_1167 = vector.shape_cast %parallel_loop3A_1166 : vector<1x1x16xf32> to vector<16xf32>
        %parallel_loop3A_1168 = vector.shape_cast %parallel_loop3A_1162 : vector<16xf32> to vector<1x1x16xf32>
        tpu.vector_store %arg8[%parallel_loop3A_1163, %parallel_loop3A_1164, %parallel_loop3A_1165], %parallel_loop3A_1168 {add = true, strides = array<i32>} : memref<4x80x128xf32, #tpu.memory_space<vmem>>, vector<1x1x16xf32>,
        %parallel_loop3A_1169 = vector.extract_strided_slice %parallel_loop3A_286 {offsets = [9], sizes = [1], strides = [1]} : vector<16xi32> to vector<1xi32>
        %parallel_loop3A_1170 = vector.extract %parallel_loop3A_1169[0] : i32 from vector<1xi32>
        %parallel_loop3A_1171 = arith.constant 9 : i32
        %parallel_loop3A_1172 = arith.addi %parallel_loop3A_282, %parallel_loop3A_1171 : i32
        %parallel_loop3A_1173 = arith.index_cast %parallel_loop3A_1170 : i32 to index
        %parallel_loop3A_1174 = arith.constant 0 : index
        %parallel_loop3A_1175 = tpu.vector_load %arg7[%parallel_loop3A_1173, %parallel_loop3A_1174] {strides = array<i32>} : memref<240x128xf32, #tpu.memory_space<vmem>>, vector<1x16xf32>,
        %parallel_loop3A_1176 = vector.shape_cast %parallel_loop3A_1175 : vector<1x16xf32> to vector<16xf32>
        %parallel_loop3A_1177 = arith.index_cast %rem3A_213 : i32 to index
        %parallel_loop3A_1178 = arith.index_cast %parallel_loop3A_1172 : i32 to index
        %parallel_loop3A_1179 = arith.constant 0 : index
        %parallel_loop3A_1180 = tpu.vector_load %arg8[%parallel_loop3A_1177, %parallel_loop3A_1178, %parallel_loop3A_1179] {strides = array<i32>} : memref<4x80x128xf32, #tpu.memory_space<vmem>>, vector<1x1x16xf32>,
        %parallel_loop3A_1181 = vector.shape_cast %parallel_loop3A_1180 : vector<1x1x16xf32> to vector<16xf32>
        %parallel_loop3A_1182 = vector.shape_cast %parallel_loop3A_1176 : vector<16xf32> to vector<1x1x16xf32>
        tpu.vector_store %arg8[%parallel_loop3A_1177, %parallel_loop3A_1178, %parallel_loop3A_1179], %parallel_loop3A_1182 {add = true, strides = array<i32>} : memref<4x80x128xf32, #tpu.memory_space<vmem>>, vector<1x1x16xf32>,
        %parallel_loop3A_1183 = arith.constant 9 : i32
        %parallel_loop3A_1184 = arith.addi %parallel_loop3A_282, %parallel_loop3A_1183 : i32
        %parallel_loop3A_1185 = arith.index_cast %parallel_loop3A_1170 : i32 to index
        %parallel_loop3A_1186 = arith.constant 16 : index
        %parallel_loop3A_1187 = tpu.vector_load %arg7[%parallel_loop3A_1185, %parallel_loop3A_1186] {strides = array<i32>} : memref<240x128xf32, #tpu.memory_space<vmem>>, vector<1x16xf32>,
        %parallel_loop3A_1188 = vector.shape_cast %parallel_loop3A_1187 : vector<1x16xf32> to vector<16xf32>
        %parallel_loop3A_1189 = arith.index_cast %rem3A_213 : i32 to index
        %parallel_loop3A_1190 = arith.index_cast %parallel_loop3A_1184 : i32 to index
        %parallel_loop3A_1191 = arith.constant 16 : index
        %parallel_loop3A_1192 = tpu.vector_load %arg8[%parallel_loop3A_1189, %parallel_loop3A_1190, %parallel_loop3A_1191] {strides = array<i32>} : memref<4x80x128xf32, #tpu.memory_space<vmem>>, vector<1x1x16xf32>,
        %parallel_loop3A_1193 = vector.shape_cast %parallel_loop3A_1192 : vector<1x1x16xf32> to vector<16xf32>
        %parallel_loop3A_1194 = vector.shape_cast %parallel_loop3A_1188 : vector<16xf32> to vector<1x1x16xf32>
        tpu.vector_store %arg8[%parallel_loop3A_1189, %parallel_loop3A_1190, %parallel_loop3A_1191], %parallel_loop3A_1194 {add = true, strides = array<i32>} : memref<4x80x128xf32, #tpu.memory_space<vmem>>, vector<1x1x16xf32>,
        %parallel_loop3A_1195 = arith.constant 9 : i32
        %parallel_loop3A_1196 = arith.addi %parallel_loop3A_282, %parallel_loop3A_1195 : i32
        %parallel_loop3A_1197 = arith.index_cast %parallel_loop3A_1170 : i32 to index
        %parallel_loop3A_1198 = arith.constant 32 : index
        %parallel_loop3A_1199 = tpu.vector_load %arg7[%parallel_loop3A_1197, %parallel_loop3A_1198] {strides = array<i32>} : memref<240x128xf32, #tpu.memory_space<vmem>>, vector<1x16xf32>,
        %parallel_loop3A_1200 = vector.shape_cast %parallel_loop3A_1199 : vector<1x16xf32> to vector<16xf32>
        %parallel_loop3A_1201 = arith.index_cast %rem3A_213 : i32 to index
        %parallel_loop3A_1202 = arith.index_cast %parallel_loop3A_1196 : i32 to index
        %parallel_loop3A_1203 = arith.constant 32 : index
        %parallel_loop3A_1204 = tpu.vector_load %arg8[%parallel_loop3A_1201, %parallel_loop3A_1202, %parallel_loop3A_1203] {strides = array<i32>} : memref<4x80x128xf32, #tpu.memory_space<vmem>>, vector<1x1x16xf32>,
        %parallel_loop3A_1205 = vector.shape_cast %parallel_loop3A_1204 : vector<1x1x16xf32> to vector<16xf32>
        %parallel_loop3A_1206 = vector.shape_cast %parallel_loop3A_1200 : vector<16xf32> to vector<1x1x16xf32>
        tpu.vector_store %arg8[%parallel_loop3A_1201, %parallel_loop3A_1202, %parallel_loop3A_1203], %parallel_loop3A_1206 {add = true, strides = array<i32>} : memref<4x80x128xf32, #tpu.memory_space<vmem>>, vector<1x1x16xf32>,
        %parallel_loop3A_1207 = arith.constant 9 : i32
        %parallel_loop3A_1208 = arith.addi %parallel_loop3A_282, %parallel_loop3A_1207 : i32
        %parallel_loop3A_1209 = arith.index_cast %parallel_loop3A_1170 : i32 to index
        %parallel_loop3A_1210 = arith.constant 48 : index
        %parallel_loop3A_1211 = tpu.vector_load %arg7[%parallel_loop3A_1209, %parallel_loop3A_1210] {strides = array<i32>} : memref<240x128xf32, #tpu.memory_space<vmem>>, vector<1x16xf32>,
        %parallel_loop3A_1212 = vector.shape_cast %parallel_loop3A_1211 : vector<1x16xf32> to vector<16xf32>
        %parallel_loop3A_1213 = arith.index_cast %rem3A_213 : i32 to index
        %parallel_loop3A_1214 = arith.index_cast %parallel_loop3A_1208 : i32 to index
        %parallel_loop3A_1215 = arith.constant 48 : index
        %parallel_loop3A_1216 = tpu.vector_load %arg8[%parallel_loop3A_1213, %parallel_loop3A_1214, %parallel_loop3A_1215] {strides = array<i32>} : memref<4x80x128xf32, #tpu.memory_space<vmem>>, vector<1x1x16xf32>,
        %parallel_loop3A_1217 = vector.shape_cast %parallel_loop3A_1216 : vector<1x1x16xf32> to vector<16xf32>
        %parallel_loop3A_1218 = vector.shape_cast %parallel_loop3A_1212 : vector<16xf32> to vector<1x1x16xf32>
        tpu.vector_store %arg8[%parallel_loop3A_1213, %parallel_loop3A_1214, %parallel_loop3A_1215], %parallel_loop3A_1218 {add = true, strides = array<i32>} : memref<4x80x128xf32, #tpu.memory_space<vmem>>, vector<1x1x16xf32>,
        %parallel_loop3A_1219 = arith.constant 9 : i32
        %parallel_loop3A_1220 = arith.addi %parallel_loop3A_282, %parallel_loop3A_1219 : i32
        %parallel_loop3A_1221 = arith.index_cast %parallel_loop3A_1170 : i32 to index
        %parallel_loop3A_1222 = arith.constant 64 : index
        %parallel_loop3A_1223 = tpu.vector_load %arg7[%parallel_loop3A_1221, %parallel_loop3A_1222] {strides = array<i32>} : memref<240x128xf32, #tpu.memory_space<vmem>>, vector<1x16xf32>,
        %parallel_loop3A_1224 = vector.shape_cast %parallel_loop3A_1223 : vector<1x16xf32> to vector<16xf32>
        %parallel_loop3A_1225 = arith.index_cast %rem3A_213 : i32 to index
        %parallel_loop3A_1226 = arith.index_cast %parallel_loop3A_1220 : i32 to index
        %parallel_loop3A_1227 = arith.constant 64 : index
        %parallel_loop3A_1228 = tpu.vector_load %arg8[%parallel_loop3A_1225, %parallel_loop3A_1226, %parallel_loop3A_1227] {strides = array<i32>} : memref<4x80x128xf32, #tpu.memory_space<vmem>>, vector<1x1x16xf32>,
        %parallel_loop3A_1229 = vector.shape_cast %parallel_loop3A_1228 : vector<1x1x16xf32> to vector<16xf32>
        %parallel_loop3A_1230 = vector.shape_cast %parallel_loop3A_1224 : vector<16xf32> to vector<1x1x16xf32>
        tpu.vector_store %arg8[%parallel_loop3A_1225, %parallel_loop3A_1226, %parallel_loop3A_1227], %parallel_loop3A_1230 {add = true, strides = array<i32>} : memref<4x80x128xf32, #tpu.memory_space<vmem>>, vector<1x1x16xf32>,
        %parallel_loop3A_1231 = arith.constant 9 : i32
        %parallel_loop3A_1232 = arith.addi %parallel_loop3A_282, %parallel_loop3A_1231 : i32
        %parallel_loop3A_1233 = arith.index_cast %parallel_loop3A_1170 : i32 to index
        %parallel_loop3A_1234 = arith.constant 80 : index
        %parallel_loop3A_1235 = tpu.vector_load %arg7[%parallel_loop3A_1233, %parallel_loop3A_1234] {strides = array<i32>} : memref<240x128xf32, #tpu.memory_space<vmem>>, vector<1x16xf32>,
        %parallel_loop3A_1236 = vector.shape_cast %parallel_loop3A_1235 : vector<1x16xf32> to vector<16xf32>
        %parallel_loop3A_1237 = arith.index_cast %rem3A_213 : i32 to index
        %parallel_loop3A_1238 = arith.index_cast %parallel_loop3A_1232 : i32 to index
        %parallel_loop3A_1239 = arith.constant 80 : index
        %parallel_loop3A_1240 = tpu.vector_load %arg8[%parallel_loop3A_1237, %parallel_loop3A_1238, %parallel_loop3A_1239] {strides = array<i32>} : memref<4x80x128xf32, #tpu.memory_space<vmem>>, vector<1x1x16xf32>,
        %parallel_loop3A_1241 = vector.shape_cast %parallel_loop3A_1240 : vector<1x1x16xf32> to vector<16xf32>
        %parallel_loop3A_1242 = vector.shape_cast %parallel_loop3A_1236 : vector<16xf32> to vector<1x1x16xf32>
        tpu.vector_store %arg8[%parallel_loop3A_1237, %parallel_loop3A_1238, %parallel_loop3A_1239], %parallel_loop3A_1242 {add = true, strides = array<i32>} : memref<4x80x128xf32, #tpu.memory_space<vmem>>, vector<1x1x16xf32>,
        %parallel_loop3A_1243 = arith.constant 9 : i32
        %parallel_loop3A_1244 = arith.addi %parallel_loop3A_282, %parallel_loop3A_1243 : i32
        %parallel_loop3A_1245 = arith.index_cast %parallel_loop3A_1170 : i32 to index
        %parallel_loop3A_1246 = arith.constant 96 : index
        %parallel_loop3A_1247 = tpu.vector_load %arg7[%parallel_loop3A_1245, %parallel_loop3A_1246] {strides = array<i32>} : memref<240x128xf32, #tpu.memory_space<vmem>>, vector<1x16xf32>,
        %parallel_loop3A_1248 = vector.shape_cast %parallel_loop3A_1247 : vector<1x16xf32> to vector<16xf32>
        %parallel_loop3A_1249 = arith.index_cast %rem3A_213 : i32 to index
        %parallel_loop3A_1250 = arith.index_cast %parallel_loop3A_1244 : i32 to index
        %parallel_loop3A_1251 = arith.constant 96 : index
        %parallel_loop3A_1252 = tpu.vector_load %arg8[%parallel_loop3A_1249, %parallel_loop3A_1250, %parallel_loop3A_1251] {strides = array<i32>} : memref<4x80x128xf32, #tpu.memory_space<vmem>>, vector<1x1x16xf32>,
        %parallel_loop3A_1253 = vector.shape_cast %parallel_loop3A_1252 : vector<1x1x16xf32> to vector<16xf32>
        %parallel_loop3A_1254 = vector.shape_cast %parallel_loop3A_1248 : vector<16xf32> to vector<1x1x16xf32>
        tpu.vector_store %arg8[%parallel_loop3A_1249, %parallel_loop3A_1250, %parallel_loop3A_1251], %parallel_loop3A_1254 {add = true, strides = array<i32>} : memref<4x80x128xf32, #tpu.memory_space<vmem>>, vector<1x1x16xf32>,
        %parallel_loop3A_1255 = arith.constant 9 : i32
        %parallel_loop3A_1256 = arith.addi %parallel_loop3A_282, %parallel_loop3A_1255 : i32
        %parallel_loop3A_1257 = arith.index_cast %parallel_loop3A_1170 : i32 to index
        %parallel_loop3A_1258 = arith.constant 112 : index
        %parallel_loop3A_1259 = tpu.vector_load %arg7[%parallel_loop3A_1257, %parallel_loop3A_1258] {strides = array<i32>} : memref<240x128xf32, #tpu.memory_space<vmem>>, vector<1x16xf32>,
        %parallel_loop3A_1260 = vector.shape_cast %parallel_loop3A_1259 : vector<1x16xf32> to vector<16xf32>
        %parallel_loop3A_1261 = arith.index_cast %rem3A_213 : i32 to index
        %parallel_loop3A_1262 = arith.index_cast %parallel_loop3A_1256 : i32 to index
        %parallel_loop3A_1263 = arith.constant 112 : index
        %parallel_loop3A_1264 = tpu.vector_load %arg8[%parallel_loop3A_1261, %parallel_loop3A_1262, %parallel_loop3A_1263] {strides = array<i32>} : memref<4x80x128xf32, #tpu.memory_space<vmem>>, vector<1x1x16xf32>,
        %parallel_loop3A_1265 = vector.shape_cast %parallel_loop3A_1264 : vector<1x1x16xf32> to vector<16xf32>
        %parallel_loop3A_1266 = vector.shape_cast %parallel_loop3A_1260 : vector<16xf32> to vector<1x1x16xf32>
        tpu.vector_store %arg8[%parallel_loop3A_1261, %parallel_loop3A_1262, %parallel_loop3A_1263], %parallel_loop3A_1266 {add = true, strides = array<i32>} : memref<4x80x128xf32, #tpu.memory_space<vmem>>, vector<1x1x16xf32>,
        %parallel_loop3A_1267 = vector.extract_strided_slice %parallel_loop3A_286 {offsets = [10], sizes = [1], strides = [1]} : vector<16xi32> to vector<1xi32>
        %parallel_loop3A_1268 = vector.extract %parallel_loop3A_1267[0] : i32 from vector<1xi32>
        %parallel_loop3A_1269 = arith.constant 10 : i32
        %parallel_loop3A_1270 = arith.addi %parallel_loop3A_282, %parallel_loop3A_1269 : i32
        %parallel_loop3A_1271 = arith.index_cast %parallel_loop3A_1268 : i32 to index
        %parallel_loop3A_1272 = arith.constant 0 : index
        %parallel_loop3A_1273 = tpu.vector_load %arg7[%parallel_loop3A_1271, %parallel_loop3A_1272] {strides = array<i32>} : memref<240x128xf32, #tpu.memory_space<vmem>>, vector<1x16xf32>,
        %parallel_loop3A_1274 = vector.shape_cast %parallel_loop3A_1273 : vector<1x16xf32> to vector<16xf32>
        %parallel_loop3A_1275 = arith.index_cast %rem3A_213 : i32 to index
        %parallel_loop3A_1276 = arith.index_cast %parallel_loop3A_1270 : i32 to index
        %parallel_loop3A_1277 = arith.constant 0 : index
        %parallel_loop3A_1278 = tpu.vector_load %arg8[%parallel_loop3A_1275, %parallel_loop3A_1276, %parallel_loop3A_1277] {strides = array<i32>} : memref<4x80x128xf32, #tpu.memory_space<vmem>>, vector<1x1x16xf32>,
        %parallel_loop3A_1279 = vector.shape_cast %parallel_loop3A_1278 : vector<1x1x16xf32> to vector<16xf32>
        %parallel_loop3A_1280 = vector.shape_cast %parallel_loop3A_1274 : vector<16xf32> to vector<1x1x16xf32>
        tpu.vector_store %arg8[%parallel_loop3A_1275, %parallel_loop3A_1276, %parallel_loop3A_1277], %parallel_loop3A_1280 {add = true, strides = array<i32>} : memref<4x80x128xf32, #tpu.memory_space<vmem>>, vector<1x1x16xf32>,
        %parallel_loop3A_1281 = arith.constant 10 : i32
        %parallel_loop3A_1282 = arith.addi %parallel_loop3A_282, %parallel_loop3A_1281 : i32
        %parallel_loop3A_1283 = arith.index_cast %parallel_loop3A_1268 : i32 to index
        %parallel_loop3A_1284 = arith.constant 16 : index
        %parallel_loop3A_1285 = tpu.vector_load %arg7[%parallel_loop3A_1283, %parallel_loop3A_1284] {strides = array<i32>} : memref<240x128xf32, #tpu.memory_space<vmem>>, vector<1x16xf32>,
        %parallel_loop3A_1286 = vector.shape_cast %parallel_loop3A_1285 : vector<1x16xf32> to vector<16xf32>
        %parallel_loop3A_1287 = arith.index_cast %rem3A_213 : i32 to index
        %parallel_loop3A_1288 = arith.index_cast %parallel_loop3A_1282 : i32 to index
        %parallel_loop3A_1289 = arith.constant 16 : index
        %parallel_loop3A_1290 = tpu.vector_load %arg8[%parallel_loop3A_1287, %parallel_loop3A_1288, %parallel_loop3A_1289] {strides = array<i32>} : memref<4x80x128xf32, #tpu.memory_space<vmem>>, vector<1x1x16xf32>,
        %parallel_loop3A_1291 = vector.shape_cast %parallel_loop3A_1290 : vector<1x1x16xf32> to vector<16xf32>
        %parallel_loop3A_1292 = vector.shape_cast %parallel_loop3A_1286 : vector<16xf32> to vector<1x1x16xf32>
        tpu.vector_store %arg8[%parallel_loop3A_1287, %parallel_loop3A_1288, %parallel_loop3A_1289], %parallel_loop3A_1292 {add = true, strides = array<i32>} : memref<4x80x128xf32, #tpu.memory_space<vmem>>, vector<1x1x16xf32>,
        %parallel_loop3A_1293 = arith.constant 10 : i32
        %parallel_loop3A_1294 = arith.addi %parallel_loop3A_282, %parallel_loop3A_1293 : i32
        %parallel_loop3A_1295 = arith.index_cast %parallel_loop3A_1268 : i32 to index
        %parallel_loop3A_1296 = arith.constant 32 : index
        %parallel_loop3A_1297 = tpu.vector_load %arg7[%parallel_loop3A_1295, %parallel_loop3A_1296] {strides = array<i32>} : memref<240x128xf32, #tpu.memory_space<vmem>>, vector<1x16xf32>,
        %parallel_loop3A_1298 = vector.shape_cast %parallel_loop3A_1297 : vector<1x16xf32> to vector<16xf32>
        %parallel_loop3A_1299 = arith.index_cast %rem3A_213 : i32 to index
        %parallel_loop3A_1300 = arith.index_cast %parallel_loop3A_1294 : i32 to index
        %parallel_loop3A_1301 = arith.constant 32 : index
        %parallel_loop3A_1302 = tpu.vector_load %arg8[%parallel_loop3A_1299, %parallel_loop3A_1300, %parallel_loop3A_1301] {strides = array<i32>} : memref<4x80x128xf32, #tpu.memory_space<vmem>>, vector<1x1x16xf32>,
        %parallel_loop3A_1303 = vector.shape_cast %parallel_loop3A_1302 : vector<1x1x16xf32> to vector<16xf32>
        %parallel_loop3A_1304 = vector.shape_cast %parallel_loop3A_1298 : vector<16xf32> to vector<1x1x16xf32>
        tpu.vector_store %arg8[%parallel_loop3A_1299, %parallel_loop3A_1300, %parallel_loop3A_1301], %parallel_loop3A_1304 {add = true, strides = array<i32>} : memref<4x80x128xf32, #tpu.memory_space<vmem>>, vector<1x1x16xf32>,
        %parallel_loop3A_1305 = arith.constant 10 : i32
        %parallel_loop3A_1306 = arith.addi %parallel_loop3A_282, %parallel_loop3A_1305 : i32
        %parallel_loop3A_1307 = arith.index_cast %parallel_loop3A_1268 : i32 to index
        %parallel_loop3A_1308 = arith.constant 48 : index
        %parallel_loop3A_1309 = tpu.vector_load %arg7[%parallel_loop3A_1307, %parallel_loop3A_1308] {strides = array<i32>} : memref<240x128xf32, #tpu.memory_space<vmem>>, vector<1x16xf32>,
        %parallel_loop3A_1310 = vector.shape_cast %parallel_loop3A_1309 : vector<1x16xf32> to vector<16xf32>
        %parallel_loop3A_1311 = arith.index_cast %rem3A_213 : i32 to index
        %parallel_loop3A_1312 = arith.index_cast %parallel_loop3A_1306 : i32 to index
        %parallel_loop3A_1313 = arith.constant 48 : index
        %parallel_loop3A_1314 = tpu.vector_load %arg8[%parallel_loop3A_1311, %parallel_loop3A_1312, %parallel_loop3A_1313] {strides = array<i32>} : memref<4x80x128xf32, #tpu.memory_space<vmem>>, vector<1x1x16xf32>,
        %parallel_loop3A_1315 = vector.shape_cast %parallel_loop3A_1314 : vector<1x1x16xf32> to vector<16xf32>
        %parallel_loop3A_1316 = vector.shape_cast %parallel_loop3A_1310 : vector<16xf32> to vector<1x1x16xf32>
        tpu.vector_store %arg8[%parallel_loop3A_1311, %parallel_loop3A_1312, %parallel_loop3A_1313], %parallel_loop3A_1316 {add = true, strides = array<i32>} : memref<4x80x128xf32, #tpu.memory_space<vmem>>, vector<1x1x16xf32>,
        %parallel_loop3A_1317 = arith.constant 10 : i32
        %parallel_loop3A_1318 = arith.addi %parallel_loop3A_282, %parallel_loop3A_1317 : i32
        %parallel_loop3A_1319 = arith.index_cast %parallel_loop3A_1268 : i32 to index
        %parallel_loop3A_1320 = arith.constant 64 : index
        %parallel_loop3A_1321 = tpu.vector_load %arg7[%parallel_loop3A_1319, %parallel_loop3A_1320] {strides = array<i32>} : memref<240x128xf32, #tpu.memory_space<vmem>>, vector<1x16xf32>,
        %parallel_loop3A_1322 = vector.shape_cast %parallel_loop3A_1321 : vector<1x16xf32> to vector<16xf32>
        %parallel_loop3A_1323 = arith.index_cast %rem3A_213 : i32 to index
        %parallel_loop3A_1324 = arith.index_cast %parallel_loop3A_1318 : i32 to index
        %parallel_loop3A_1325 = arith.constant 64 : index
        %parallel_loop3A_1326 = tpu.vector_load %arg8[%parallel_loop3A_1323, %parallel_loop3A_1324, %parallel_loop3A_1325] {strides = array<i32>} : memref<4x80x128xf32, #tpu.memory_space<vmem>>, vector<1x1x16xf32>,
        %parallel_loop3A_1327 = vector.shape_cast %parallel_loop3A_1326 : vector<1x1x16xf32> to vector<16xf32>
        %parallel_loop3A_1328 = vector.shape_cast %parallel_loop3A_1322 : vector<16xf32> to vector<1x1x16xf32>
        tpu.vector_store %arg8[%parallel_loop3A_1323, %parallel_loop3A_1324, %parallel_loop3A_1325], %parallel_loop3A_1328 {add = true, strides = array<i32>} : memref<4x80x128xf32, #tpu.memory_space<vmem>>, vector<1x1x16xf32>,
        %parallel_loop3A_1329 = arith.constant 10 : i32
        %parallel_loop3A_1330 = arith.addi %parallel_loop3A_282, %parallel_loop3A_1329 : i32
        %parallel_loop3A_1331 = arith.index_cast %parallel_loop3A_1268 : i32 to index
        %parallel_loop3A_1332 = arith.constant 80 : index
        %parallel_loop3A_1333 = tpu.vector_load %arg7[%parallel_loop3A_1331, %parallel_loop3A_1332] {strides = array<i32>} : memref<240x128xf32, #tpu.memory_space<vmem>>, vector<1x16xf32>,
        %parallel_loop3A_1334 = vector.shape_cast %parallel_loop3A_1333 : vector<1x16xf32> to vector<16xf32>
        %parallel_loop3A_1335 = arith.index_cast %rem3A_213 : i32 to index
        %parallel_loop3A_1336 = arith.index_cast %parallel_loop3A_1330 : i32 to index
        %parallel_loop3A_1337 = arith.constant 80 : index
        %parallel_loop3A_1338 = tpu.vector_load %arg8[%parallel_loop3A_1335, %parallel_loop3A_1336, %parallel_loop3A_1337] {strides = array<i32>} : memref<4x80x128xf32, #tpu.memory_space<vmem>>, vector<1x1x16xf32>,
        %parallel_loop3A_1339 = vector.shape_cast %parallel_loop3A_1338 : vector<1x1x16xf32> to vector<16xf32>
        %parallel_loop3A_1340 = vector.shape_cast %parallel_loop3A_1334 : vector<16xf32> to vector<1x1x16xf32>
        tpu.vector_store %arg8[%parallel_loop3A_1335, %parallel_loop3A_1336, %parallel_loop3A_1337], %parallel_loop3A_1340 {add = true, strides = array<i32>} : memref<4x80x128xf32, #tpu.memory_space<vmem>>, vector<1x1x16xf32>,
        %parallel_loop3A_1341 = arith.constant 10 : i32
        %parallel_loop3A_1342 = arith.addi %parallel_loop3A_282, %parallel_loop3A_1341 : i32
        %parallel_loop3A_1343 = arith.index_cast %parallel_loop3A_1268 : i32 to index
        %parallel_loop3A_1344 = arith.constant 96 : index
        %parallel_loop3A_1345 = tpu.vector_load %arg7[%parallel_loop3A_1343, %parallel_loop3A_1344] {strides = array<i32>} : memref<240x128xf32, #tpu.memory_space<vmem>>, vector<1x16xf32>,
        %parallel_loop3A_1346 = vector.shape_cast %parallel_loop3A_1345 : vector<1x16xf32> to vector<16xf32>
        %parallel_loop3A_1347 = arith.index_cast %rem3A_213 : i32 to index
        %parallel_loop3A_1348 = arith.index_cast %parallel_loop3A_1342 : i32 to index
        %parallel_loop3A_1349 = arith.constant 96 : index
        %parallel_loop3A_1350 = tpu.vector_load %arg8[%parallel_loop3A_1347, %parallel_loop3A_1348, %parallel_loop3A_1349] {strides = array<i32>} : memref<4x80x128xf32, #tpu.memory_space<vmem>>, vector<1x1x16xf32>,
        %parallel_loop3A_1351 = vector.shape_cast %parallel_loop3A_1350 : vector<1x1x16xf32> to vector<16xf32>
        %parallel_loop3A_1352 = vector.shape_cast %parallel_loop3A_1346 : vector<16xf32> to vector<1x1x16xf32>
        tpu.vector_store %arg8[%parallel_loop3A_1347, %parallel_loop3A_1348, %parallel_loop3A_1349], %parallel_loop3A_1352 {add = true, strides = array<i32>} : memref<4x80x128xf32, #tpu.memory_space<vmem>>, vector<1x1x16xf32>,
        %parallel_loop3A_1353 = arith.constant 10 : i32
        %parallel_loop3A_1354 = arith.addi %parallel_loop3A_282, %parallel_loop3A_1353 : i32
        %parallel_loop3A_1355 = arith.index_cast %parallel_loop3A_1268 : i32 to index
        %parallel_loop3A_1356 = arith.constant 112 : index
        %parallel_loop3A_1357 = tpu.vector_load %arg7[%parallel_loop3A_1355, %parallel_loop3A_1356] {strides = array<i32>} : memref<240x128xf32, #tpu.memory_space<vmem>>, vector<1x16xf32>,
        %parallel_loop3A_1358 = vector.shape_cast %parallel_loop3A_1357 : vector<1x16xf32> to vector<16xf32>
        %parallel_loop3A_1359 = arith.index_cast %rem3A_213 : i32 to index
        %parallel_loop3A_1360 = arith.index_cast %parallel_loop3A_1354 : i32 to index
        %parallel_loop3A_1361 = arith.constant 112 : index
        %parallel_loop3A_1362 = tpu.vector_load %arg8[%parallel_loop3A_1359, %parallel_loop3A_1360, %parallel_loop3A_1361] {strides = array<i32>} : memref<4x80x128xf32, #tpu.memory_space<vmem>>, vector<1x1x16xf32>,
        %parallel_loop3A_1363 = vector.shape_cast %parallel_loop3A_1362 : vector<1x1x16xf32> to vector<16xf32>
        %parallel_loop3A_1364 = vector.shape_cast %parallel_loop3A_1358 : vector<16xf32> to vector<1x1x16xf32>
        tpu.vector_store %arg8[%parallel_loop3A_1359, %parallel_loop3A_1360, %parallel_loop3A_1361], %parallel_loop3A_1364 {add = true, strides = array<i32>} : memref<4x80x128xf32, #tpu.memory_space<vmem>>, vector<1x1x16xf32>,
        %parallel_loop3A_1365 = vector.extract_strided_slice %parallel_loop3A_286 {offsets = [11], sizes = [1], strides = [1]} : vector<16xi32> to vector<1xi32>
        %parallel_loop3A_1366 = vector.extract %parallel_loop3A_1365[0] : i32 from vector<1xi32>
        %parallel_loop3A_1367 = arith.constant 11 : i32
        %parallel_loop3A_1368 = arith.addi %parallel_loop3A_282, %parallel_loop3A_1367 : i32
        %parallel_loop3A_1369 = arith.index_cast %parallel_loop3A_1366 : i32 to index
        %parallel_loop3A_1370 = arith.constant 0 : index
        %parallel_loop3A_1371 = tpu.vector_load %arg7[%parallel_loop3A_1369, %parallel_loop3A_1370] {strides = array<i32>} : memref<240x128xf32, #tpu.memory_space<vmem>>, vector<1x16xf32>,
        %parallel_loop3A_1372 = vector.shape_cast %parallel_loop3A_1371 : vector<1x16xf32> to vector<16xf32>
        %parallel_loop3A_1373 = arith.index_cast %rem3A_213 : i32 to index
        %parallel_loop3A_1374 = arith.index_cast %parallel_loop3A_1368 : i32 to index
        %parallel_loop3A_1375 = arith.constant 0 : index
        %parallel_loop3A_1376 = tpu.vector_load %arg8[%parallel_loop3A_1373, %parallel_loop3A_1374, %parallel_loop3A_1375] {strides = array<i32>} : memref<4x80x128xf32, #tpu.memory_space<vmem>>, vector<1x1x16xf32>,
        %parallel_loop3A_1377 = vector.shape_cast %parallel_loop3A_1376 : vector<1x1x16xf32> to vector<16xf32>
        %parallel_loop3A_1378 = vector.shape_cast %parallel_loop3A_1372 : vector<16xf32> to vector<1x1x16xf32>
        tpu.vector_store %arg8[%parallel_loop3A_1373, %parallel_loop3A_1374, %parallel_loop3A_1375], %parallel_loop3A_1378 {add = true, strides = array<i32>} : memref<4x80x128xf32, #tpu.memory_space<vmem>>, vector<1x1x16xf32>,
        %parallel_loop3A_1379 = arith.constant 11 : i32
        %parallel_loop3A_1380 = arith.addi %parallel_loop3A_282, %parallel_loop3A_1379 : i32
        %parallel_loop3A_1381 = arith.index_cast %parallel_loop3A_1366 : i32 to index
        %parallel_loop3A_1382 = arith.constant 16 : index
        %parallel_loop3A_1383 = tpu.vector_load %arg7[%parallel_loop3A_1381, %parallel_loop3A_1382] {strides = array<i32>} : memref<240x128xf32, #tpu.memory_space<vmem>>, vector<1x16xf32>,
        %parallel_loop3A_1384 = vector.shape_cast %parallel_loop3A_1383 : vector<1x16xf32> to vector<16xf32>
        %parallel_loop3A_1385 = arith.index_cast %rem3A_213 : i32 to index
        %parallel_loop3A_1386 = arith.index_cast %parallel_loop3A_1380 : i32 to index
        %parallel_loop3A_1387 = arith.constant 16 : index
        %parallel_loop3A_1388 = tpu.vector_load %arg8[%parallel_loop3A_1385, %parallel_loop3A_1386, %parallel_loop3A_1387] {strides = array<i32>} : memref<4x80x128xf32, #tpu.memory_space<vmem>>, vector<1x1x16xf32>,
        %parallel_loop3A_1389 = vector.shape_cast %parallel_loop3A_1388 : vector<1x1x16xf32> to vector<16xf32>
        %parallel_loop3A_1390 = vector.shape_cast %parallel_loop3A_1384 : vector<16xf32> to vector<1x1x16xf32>
        tpu.vector_store %arg8[%parallel_loop3A_1385, %parallel_loop3A_1386, %parallel_loop3A_1387], %parallel_loop3A_1390 {add = true, strides = array<i32>} : memref<4x80x128xf32, #tpu.memory_space<vmem>>, vector<1x1x16xf32>,
        %parallel_loop3A_1391 = arith.constant 11 : i32
        %parallel_loop3A_1392 = arith.addi %parallel_loop3A_282, %parallel_loop3A_1391 : i32
        %parallel_loop3A_1393 = arith.index_cast %parallel_loop3A_1366 : i32 to index
        %parallel_loop3A_1394 = arith.constant 32 : index
        %parallel_loop3A_1395 = tpu.vector_load %arg7[%parallel_loop3A_1393, %parallel_loop3A_1394] {strides = array<i32>} : memref<240x128xf32, #tpu.memory_space<vmem>>, vector<1x16xf32>,
        %parallel_loop3A_1396 = vector.shape_cast %parallel_loop3A_1395 : vector<1x16xf32> to vector<16xf32>
        %parallel_loop3A_1397 = arith.index_cast %rem3A_213 : i32 to index
        %parallel_loop3A_1398 = arith.index_cast %parallel_loop3A_1392 : i32 to index
        %parallel_loop3A_1399 = arith.constant 32 : index
        %parallel_loop3A_1400 = tpu.vector_load %arg8[%parallel_loop3A_1397, %parallel_loop3A_1398, %parallel_loop3A_1399] {strides = array<i32>} : memref<4x80x128xf32, #tpu.memory_space<vmem>>, vector<1x1x16xf32>,
        %parallel_loop3A_1401 = vector.shape_cast %parallel_loop3A_1400 : vector<1x1x16xf32> to vector<16xf32>
        %parallel_loop3A_1402 = vector.shape_cast %parallel_loop3A_1396 : vector<16xf32> to vector<1x1x16xf32>
        tpu.vector_store %arg8[%parallel_loop3A_1397, %parallel_loop3A_1398, %parallel_loop3A_1399], %parallel_loop3A_1402 {add = true, strides = array<i32>} : memref<4x80x128xf32, #tpu.memory_space<vmem>>, vector<1x1x16xf32>,
        %parallel_loop3A_1403 = arith.constant 11 : i32
        %parallel_loop3A_1404 = arith.addi %parallel_loop3A_282, %parallel_loop3A_1403 : i32
        %parallel_loop3A_1405 = arith.index_cast %parallel_loop3A_1366 : i32 to index
        %parallel_loop3A_1406 = arith.constant 48 : index
        %parallel_loop3A_1407 = tpu.vector_load %arg7[%parallel_loop3A_1405, %parallel_loop3A_1406] {strides = array<i32>} : memref<240x128xf32, #tpu.memory_space<vmem>>, vector<1x16xf32>,
        %parallel_loop3A_1408 = vector.shape_cast %parallel_loop3A_1407 : vector<1x16xf32> to vector<16xf32>
        %parallel_loop3A_1409 = arith.index_cast %rem3A_213 : i32 to index
        %parallel_loop3A_1410 = arith.index_cast %parallel_loop3A_1404 : i32 to index
        %parallel_loop3A_1411 = arith.constant 48 : index
        %parallel_loop3A_1412 = tpu.vector_load %arg8[%parallel_loop3A_1409, %parallel_loop3A_1410, %parallel_loop3A_1411] {strides = array<i32>} : memref<4x80x128xf32, #tpu.memory_space<vmem>>, vector<1x1x16xf32>,
        %parallel_loop3A_1413 = vector.shape_cast %parallel_loop3A_1412 : vector<1x1x16xf32> to vector<16xf32>
        %parallel_loop3A_1414 = vector.shape_cast %parallel_loop3A_1408 : vector<16xf32> to vector<1x1x16xf32>
        tpu.vector_store %arg8[%parallel_loop3A_1409, %parallel_loop3A_1410, %parallel_loop3A_1411], %parallel_loop3A_1414 {add = true, strides = array<i32>} : memref<4x80x128xf32, #tpu.memory_space<vmem>>, vector<1x1x16xf32>,
        %parallel_loop3A_1415 = arith.constant 11 : i32
        %parallel_loop3A_1416 = arith.addi %parallel_loop3A_282, %parallel_loop3A_1415 : i32
        %parallel_loop3A_1417 = arith.index_cast %parallel_loop3A_1366 : i32 to index
        %parallel_loop3A_1418 = arith.constant 64 : index
        %parallel_loop3A_1419 = tpu.vector_load %arg7[%parallel_loop3A_1417, %parallel_loop3A_1418] {strides = array<i32>} : memref<240x128xf32, #tpu.memory_space<vmem>>, vector<1x16xf32>,
        %parallel_loop3A_1420 = vector.shape_cast %parallel_loop3A_1419 : vector<1x16xf32> to vector<16xf32>
        %parallel_loop3A_1421 = arith.index_cast %rem3A_213 : i32 to index
        %parallel_loop3A_1422 = arith.index_cast %parallel_loop3A_1416 : i32 to index
        %parallel_loop3A_1423 = arith.constant 64 : index
        %parallel_loop3A_1424 = tpu.vector_load %arg8[%parallel_loop3A_1421, %parallel_loop3A_1422, %parallel_loop3A_1423] {strides = array<i32>} : memref<4x80x128xf32, #tpu.memory_space<vmem>>, vector<1x1x16xf32>,
        %parallel_loop3A_1425 = vector.shape_cast %parallel_loop3A_1424 : vector<1x1x16xf32> to vector<16xf32>
        %parallel_loop3A_1426 = vector.shape_cast %parallel_loop3A_1420 : vector<16xf32> to vector<1x1x16xf32>
        tpu.vector_store %arg8[%parallel_loop3A_1421, %parallel_loop3A_1422, %parallel_loop3A_1423], %parallel_loop3A_1426 {add = true, strides = array<i32>} : memref<4x80x128xf32, #tpu.memory_space<vmem>>, vector<1x1x16xf32>,
        %parallel_loop3A_1427 = arith.constant 11 : i32
        %parallel_loop3A_1428 = arith.addi %parallel_loop3A_282, %parallel_loop3A_1427 : i32
        %parallel_loop3A_1429 = arith.index_cast %parallel_loop3A_1366 : i32 to index
        %parallel_loop3A_1430 = arith.constant 80 : index
        %parallel_loop3A_1431 = tpu.vector_load %arg7[%parallel_loop3A_1429, %parallel_loop3A_1430] {strides = array<i32>} : memref<240x128xf32, #tpu.memory_space<vmem>>, vector<1x16xf32>,
        %parallel_loop3A_1432 = vector.shape_cast %parallel_loop3A_1431 : vector<1x16xf32> to vector<16xf32>
        %parallel_loop3A_1433 = arith.index_cast %rem3A_213 : i32 to index
        %parallel_loop3A_1434 = arith.index_cast %parallel_loop3A_1428 : i32 to index
        %parallel_loop3A_1435 = arith.constant 80 : index
        %parallel_loop3A_1436 = tpu.vector_load %arg8[%parallel_loop3A_1433, %parallel_loop3A_1434, %parallel_loop3A_1435] {strides = array<i32>} : memref<4x80x128xf32, #tpu.memory_space<vmem>>, vector<1x1x16xf32>,
        %parallel_loop3A_1437 = vector.shape_cast %parallel_loop3A_1436 : vector<1x1x16xf32> to vector<16xf32>
        %parallel_loop3A_1438 = vector.shape_cast %parallel_loop3A_1432 : vector<16xf32> to vector<1x1x16xf32>
        tpu.vector_store %arg8[%parallel_loop3A_1433, %parallel_loop3A_1434, %parallel_loop3A_1435], %parallel_loop3A_1438 {add = true, strides = array<i32>} : memref<4x80x128xf32, #tpu.memory_space<vmem>>, vector<1x1x16xf32>,
        %parallel_loop3A_1439 = arith.constant 11 : i32
        %parallel_loop3A_1440 = arith.addi %parallel_loop3A_282, %parallel_loop3A_1439 : i32
        %parallel_loop3A_1441 = arith.index_cast %parallel_loop3A_1366 : i32 to index
        %parallel_loop3A_1442 = arith.constant 96 : index
        %parallel_loop3A_1443 = tpu.vector_load %arg7[%parallel_loop3A_1441, %parallel_loop3A_1442] {strides = array<i32>} : memref<240x128xf32, #tpu.memory_space<vmem>>, vector<1x16xf32>,
        %parallel_loop3A_1444 = vector.shape_cast %parallel_loop3A_1443 : vector<1x16xf32> to vector<16xf32>
        %parallel_loop3A_1445 = arith.index_cast %rem3A_213 : i32 to index
        %parallel_loop3A_1446 = arith.index_cast %parallel_loop3A_1440 : i32 to index
        %parallel_loop3A_1447 = arith.constant 96 : index
        %parallel_loop3A_1448 = tpu.vector_load %arg8[%parallel_loop3A_1445, %parallel_loop3A_1446, %parallel_loop3A_1447] {strides = array<i32>} : memref<4x80x128xf32, #tpu.memory_space<vmem>>, vector<1x1x16xf32>,
        %parallel_loop3A_1449 = vector.shape_cast %parallel_loop3A_1448 : vector<1x1x16xf32> to vector<16xf32>
        %parallel_loop3A_1450 = vector.shape_cast %parallel_loop3A_1444 : vector<16xf32> to vector<1x1x16xf32>
        tpu.vector_store %arg8[%parallel_loop3A_1445, %parallel_loop3A_1446, %parallel_loop3A_1447], %parallel_loop3A_1450 {add = true, strides = array<i32>} : memref<4x80x128xf32, #tpu.memory_space<vmem>>, vector<1x1x16xf32>,
        %parallel_loop3A_1451 = arith.constant 11 : i32
        %parallel_loop3A_1452 = arith.addi %parallel_loop3A_282, %parallel_loop3A_1451 : i32
        %parallel_loop3A_1453 = arith.index_cast %parallel_loop3A_1366 : i32 to index
        %parallel_loop3A_1454 = arith.constant 112 : index
        %parallel_loop3A_1455 = tpu.vector_load %arg7[%parallel_loop3A_1453, %parallel_loop3A_1454] {strides = array<i32>} : memref<240x128xf32, #tpu.memory_space<vmem>>, vector<1x16xf32>,
        %parallel_loop3A_1456 = vector.shape_cast %parallel_loop3A_1455 : vector<1x16xf32> to vector<16xf32>
        %parallel_loop3A_1457 = arith.index_cast %rem3A_213 : i32 to index
        %parallel_loop3A_1458 = arith.index_cast %parallel_loop3A_1452 : i32 to index
        %parallel_loop3A_1459 = arith.constant 112 : index
        %parallel_loop3A_1460 = tpu.vector_load %arg8[%parallel_loop3A_1457, %parallel_loop3A_1458, %parallel_loop3A_1459] {strides = array<i32>} : memref<4x80x128xf32, #tpu.memory_space<vmem>>, vector<1x1x16xf32>,
        %parallel_loop3A_1461 = vector.shape_cast %parallel_loop3A_1460 : vector<1x1x16xf32> to vector<16xf32>
        %parallel_loop3A_1462 = vector.shape_cast %parallel_loop3A_1456 : vector<16xf32> to vector<1x1x16xf32>
        tpu.vector_store %arg8[%parallel_loop3A_1457, %parallel_loop3A_1458, %parallel_loop3A_1459], %parallel_loop3A_1462 {add = true, strides = array<i32>} : memref<4x80x128xf32, #tpu.memory_space<vmem>>, vector<1x1x16xf32>,
        %parallel_loop3A_1463 = vector.extract_strided_slice %parallel_loop3A_286 {offsets = [12], sizes = [1], strides = [1]} : vector<16xi32> to vector<1xi32>
        %parallel_loop3A_1464 = vector.extract %parallel_loop3A_1463[0] : i32 from vector<1xi32>
        %parallel_loop3A_1465 = arith.constant 12 : i32
        %parallel_loop3A_1466 = arith.addi %parallel_loop3A_282, %parallel_loop3A_1465 : i32
        %parallel_loop3A_1467 = arith.index_cast %parallel_loop3A_1464 : i32 to index
        %parallel_loop3A_1468 = arith.constant 0 : index
        %parallel_loop3A_1469 = tpu.vector_load %arg7[%parallel_loop3A_1467, %parallel_loop3A_1468] {strides = array<i32>} : memref<240x128xf32, #tpu.memory_space<vmem>>, vector<1x16xf32>,
        %parallel_loop3A_1470 = vector.shape_cast %parallel_loop3A_1469 : vector<1x16xf32> to vector<16xf32>
        %parallel_loop3A_1471 = arith.index_cast %rem3A_213 : i32 to index
        %parallel_loop3A_1472 = arith.index_cast %parallel_loop3A_1466 : i32 to index
        %parallel_loop3A_1473 = arith.constant 0 : index
        %parallel_loop3A_1474 = tpu.vector_load %arg8[%parallel_loop3A_1471, %parallel_loop3A_1472, %parallel_loop3A_1473] {strides = array<i32>} : memref<4x80x128xf32, #tpu.memory_space<vmem>>, vector<1x1x16xf32>,
        %parallel_loop3A_1475 = vector.shape_cast %parallel_loop3A_1474 : vector<1x1x16xf32> to vector<16xf32>
        %parallel_loop3A_1476 = vector.shape_cast %parallel_loop3A_1470 : vector<16xf32> to vector<1x1x16xf32>
        tpu.vector_store %arg8[%parallel_loop3A_1471, %parallel_loop3A_1472, %parallel_loop3A_1473], %parallel_loop3A_1476 {add = true, strides = array<i32>} : memref<4x80x128xf32, #tpu.memory_space<vmem>>, vector<1x1x16xf32>,
        %parallel_loop3A_1477 = arith.constant 12 : i32
        %parallel_loop3A_1478 = arith.addi %parallel_loop3A_282, %parallel_loop3A_1477 : i32
        %parallel_loop3A_1479 = arith.index_cast %parallel_loop3A_1464 : i32 to index
        %parallel_loop3A_1480 = arith.constant 16 : index
        %parallel_loop3A_1481 = tpu.vector_load %arg7[%parallel_loop3A_1479, %parallel_loop3A_1480] {strides = array<i32>} : memref<240x128xf32, #tpu.memory_space<vmem>>, vector<1x16xf32>,
        %parallel_loop3A_1482 = vector.shape_cast %parallel_loop3A_1481 : vector<1x16xf32> to vector<16xf32>
        %parallel_loop3A_1483 = arith.index_cast %rem3A_213 : i32 to index
        %parallel_loop3A_1484 = arith.index_cast %parallel_loop3A_1478 : i32 to index
        %parallel_loop3A_1485 = arith.constant 16 : index
        %parallel_loop3A_1486 = tpu.vector_load %arg8[%parallel_loop3A_1483, %parallel_loop3A_1484, %parallel_loop3A_1485] {strides = array<i32>} : memref<4x80x128xf32, #tpu.memory_space<vmem>>, vector<1x1x16xf32>,
        %parallel_loop3A_1487 = vector.shape_cast %parallel_loop3A_1486 : vector<1x1x16xf32> to vector<16xf32>
        %parallel_loop3A_1488 = vector.shape_cast %parallel_loop3A_1482 : vector<16xf32> to vector<1x1x16xf32>
        tpu.vector_store %arg8[%parallel_loop3A_1483, %parallel_loop3A_1484, %parallel_loop3A_1485], %parallel_loop3A_1488 {add = true, strides = array<i32>} : memref<4x80x128xf32, #tpu.memory_space<vmem>>, vector<1x1x16xf32>,
        %parallel_loop3A_1489 = arith.constant 12 : i32
        %parallel_loop3A_1490 = arith.addi %parallel_loop3A_282, %parallel_loop3A_1489 : i32
        %parallel_loop3A_1491 = arith.index_cast %parallel_loop3A_1464 : i32 to index
        %parallel_loop3A_1492 = arith.constant 32 : index
        %parallel_loop3A_1493 = tpu.vector_load %arg7[%parallel_loop3A_1491, %parallel_loop3A_1492] {strides = array<i32>} : memref<240x128xf32, #tpu.memory_space<vmem>>, vector<1x16xf32>,
        %parallel_loop3A_1494 = vector.shape_cast %parallel_loop3A_1493 : vector<1x16xf32> to vector<16xf32>
        %parallel_loop3A_1495 = arith.index_cast %rem3A_213 : i32 to index
        %parallel_loop3A_1496 = arith.index_cast %parallel_loop3A_1490 : i32 to index
        %parallel_loop3A_1497 = arith.constant 32 : index
        %parallel_loop3A_1498 = tpu.vector_load %arg8[%parallel_loop3A_1495, %parallel_loop3A_1496, %parallel_loop3A_1497] {strides = array<i32>} : memref<4x80x128xf32, #tpu.memory_space<vmem>>, vector<1x1x16xf32>,
        %parallel_loop3A_1499 = vector.shape_cast %parallel_loop3A_1498 : vector<1x1x16xf32> to vector<16xf32>
        %parallel_loop3A_1500 = vector.shape_cast %parallel_loop3A_1494 : vector<16xf32> to vector<1x1x16xf32>
        tpu.vector_store %arg8[%parallel_loop3A_1495, %parallel_loop3A_1496, %parallel_loop3A_1497], %parallel_loop3A_1500 {add = true, strides = array<i32>} : memref<4x80x128xf32, #tpu.memory_space<vmem>>, vector<1x1x16xf32>,
        %parallel_loop3A_1501 = arith.constant 12 : i32
        %parallel_loop3A_1502 = arith.addi %parallel_loop3A_282, %parallel_loop3A_1501 : i32
        %parallel_loop3A_1503 = arith.index_cast %parallel_loop3A_1464 : i32 to index
        %parallel_loop3A_1504 = arith.constant 48 : index
        %parallel_loop3A_1505 = tpu.vector_load %arg7[%parallel_loop3A_1503, %parallel_loop3A_1504] {strides = array<i32>} : memref<240x128xf32, #tpu.memory_space<vmem>>, vector<1x16xf32>,
        %parallel_loop3A_1506 = vector.shape_cast %parallel_loop3A_1505 : vector<1x16xf32> to vector<16xf32>
        %parallel_loop3A_1507 = arith.index_cast %rem3A_213 : i32 to index
        %parallel_loop3A_1508 = arith.index_cast %parallel_loop3A_1502 : i32 to index
        %parallel_loop3A_1509 = arith.constant 48 : index
        %parallel_loop3A_1510 = tpu.vector_load %arg8[%parallel_loop3A_1507, %parallel_loop3A_1508, %parallel_loop3A_1509] {strides = array<i32>} : memref<4x80x128xf32, #tpu.memory_space<vmem>>, vector<1x1x16xf32>,
        %parallel_loop3A_1511 = vector.shape_cast %parallel_loop3A_1510 : vector<1x1x16xf32> to vector<16xf32>
        %parallel_loop3A_1512 = vector.shape_cast %parallel_loop3A_1506 : vector<16xf32> to vector<1x1x16xf32>
        tpu.vector_store %arg8[%parallel_loop3A_1507, %parallel_loop3A_1508, %parallel_loop3A_1509], %parallel_loop3A_1512 {add = true, strides = array<i32>} : memref<4x80x128xf32, #tpu.memory_space<vmem>>, vector<1x1x16xf32>,
        %parallel_loop3A_1513 = arith.constant 12 : i32
        %parallel_loop3A_1514 = arith.addi %parallel_loop3A_282, %parallel_loop3A_1513 : i32
        %parallel_loop3A_1515 = arith.index_cast %parallel_loop3A_1464 : i32 to index
        %parallel_loop3A_1516 = arith.constant 64 : index
        %parallel_loop3A_1517 = tpu.vector_load %arg7[%parallel_loop3A_1515, %parallel_loop3A_1516] {strides = array<i32>} : memref<240x128xf32, #tpu.memory_space<vmem>>, vector<1x16xf32>,
        %parallel_loop3A_1518 = vector.shape_cast %parallel_loop3A_1517 : vector<1x16xf32> to vector<16xf32>
        %parallel_loop3A_1519 = arith.index_cast %rem3A_213 : i32 to index
        %parallel_loop3A_1520 = arith.index_cast %parallel_loop3A_1514 : i32 to index
        %parallel_loop3A_1521 = arith.constant 64 : index
        %parallel_loop3A_1522 = tpu.vector_load %arg8[%parallel_loop3A_1519, %parallel_loop3A_1520, %parallel_loop3A_1521] {strides = array<i32>} : memref<4x80x128xf32, #tpu.memory_space<vmem>>, vector<1x1x16xf32>,
        %parallel_loop3A_1523 = vector.shape_cast %parallel_loop3A_1522 : vector<1x1x16xf32> to vector<16xf32>
        %parallel_loop3A_1524 = vector.shape_cast %parallel_loop3A_1518 : vector<16xf32> to vector<1x1x16xf32>
        tpu.vector_store %arg8[%parallel_loop3A_1519, %parallel_loop3A_1520, %parallel_loop3A_1521], %parallel_loop3A_1524 {add = true, strides = array<i32>} : memref<4x80x128xf32, #tpu.memory_space<vmem>>, vector<1x1x16xf32>,
        %parallel_loop3A_1525 = arith.constant 12 : i32
        %parallel_loop3A_1526 = arith.addi %parallel_loop3A_282, %parallel_loop3A_1525 : i32
        %parallel_loop3A_1527 = arith.index_cast %parallel_loop3A_1464 : i32 to index
        %parallel_loop3A_1528 = arith.constant 80 : index
        %parallel_loop3A_1529 = tpu.vector_load %arg7[%parallel_loop3A_1527, %parallel_loop3A_1528] {strides = array<i32>} : memref<240x128xf32, #tpu.memory_space<vmem>>, vector<1x16xf32>,
        %parallel_loop3A_1530 = vector.shape_cast %parallel_loop3A_1529 : vector<1x16xf32> to vector<16xf32>
        %parallel_loop3A_1531 = arith.index_cast %rem3A_213 : i32 to index
        %parallel_loop3A_1532 = arith.index_cast %parallel_loop3A_1526 : i32 to index
        %parallel_loop3A_1533 = arith.constant 80 : index
        %parallel_loop3A_1534 = tpu.vector_load %arg8[%parallel_loop3A_1531, %parallel_loop3A_1532, %parallel_loop3A_1533] {strides = array<i32>} : memref<4x80x128xf32, #tpu.memory_space<vmem>>, vector<1x1x16xf32>,
        %parallel_loop3A_1535 = vector.shape_cast %parallel_loop3A_1534 : vector<1x1x16xf32> to vector<16xf32>
        %parallel_loop3A_1536 = vector.shape_cast %parallel_loop3A_1530 : vector<16xf32> to vector<1x1x16xf32>
        tpu.vector_store %arg8[%parallel_loop3A_1531, %parallel_loop3A_1532, %parallel_loop3A_1533], %parallel_loop3A_1536 {add = true, strides = array<i32>} : memref<4x80x128xf32, #tpu.memory_space<vmem>>, vector<1x1x16xf32>,
        %parallel_loop3A_1537 = arith.constant 12 : i32
        %parallel_loop3A_1538 = arith.addi %parallel_loop3A_282, %parallel_loop3A_1537 : i32
        %parallel_loop3A_1539 = arith.index_cast %parallel_loop3A_1464 : i32 to index
        %parallel_loop3A_1540 = arith.constant 96 : index
        %parallel_loop3A_1541 = tpu.vector_load %arg7[%parallel_loop3A_1539, %parallel_loop3A_1540] {strides = array<i32>} : memref<240x128xf32, #tpu.memory_space<vmem>>, vector<1x16xf32>,
        %parallel_loop3A_1542 = vector.shape_cast %parallel_loop3A_1541 : vector<1x16xf32> to vector<16xf32>
        %parallel_loop3A_1543 = arith.index_cast %rem3A_213 : i32 to index
        %parallel_loop3A_1544 = arith.index_cast %parallel_loop3A_1538 : i32 to index
        %parallel_loop3A_1545 = arith.constant 96 : index
        %parallel_loop3A_1546 = tpu.vector_load %arg8[%parallel_loop3A_1543, %parallel_loop3A_1544, %parallel_loop3A_1545] {strides = array<i32>} : memref<4x80x128xf32, #tpu.memory_space<vmem>>, vector<1x1x16xf32>,
        %parallel_loop3A_1547 = vector.shape_cast %parallel_loop3A_1546 : vector<1x1x16xf32> to vector<16xf32>
        %parallel_loop3A_1548 = vector.shape_cast %parallel_loop3A_1542 : vector<16xf32> to vector<1x1x16xf32>
        tpu.vector_store %arg8[%parallel_loop3A_1543, %parallel_loop3A_1544, %parallel_loop3A_1545], %parallel_loop3A_1548 {add = true, strides = array<i32>} : memref<4x80x128xf32, #tpu.memory_space<vmem>>, vector<1x1x16xf32>,
        %parallel_loop3A_1549 = arith.constant 12 : i32
        %parallel_loop3A_1550 = arith.addi %parallel_loop3A_282, %parallel_loop3A_1549 : i32
        %parallel_loop3A_1551 = arith.index_cast %parallel_loop3A_1464 : i32 to index
        %parallel_loop3A_1552 = arith.constant 112 : index
        %parallel_loop3A_1553 = tpu.vector_load %arg7[%parallel_loop3A_1551, %parallel_loop3A_1552] {strides = array<i32>} : memref<240x128xf32, #tpu.memory_space<vmem>>, vector<1x16xf32>,
        %parallel_loop3A_1554 = vector.shape_cast %parallel_loop3A_1553 : vector<1x16xf32> to vector<16xf32>
        %parallel_loop3A_1555 = arith.index_cast %rem3A_213 : i32 to index
        %parallel_loop3A_1556 = arith.index_cast %parallel_loop3A_1550 : i32 to index
        %parallel_loop3A_1557 = arith.constant 112 : index
        %parallel_loop3A_1558 = tpu.vector_load %arg8[%parallel_loop3A_1555, %parallel_loop3A_1556, %parallel_loop3A_1557] {strides = array<i32>} : memref<4x80x128xf32, #tpu.memory_space<vmem>>, vector<1x1x16xf32>,
        %parallel_loop3A_1559 = vector.shape_cast %parallel_loop3A_1558 : vector<1x1x16xf32> to vector<16xf32>
        %parallel_loop3A_1560 = vector.shape_cast %parallel_loop3A_1554 : vector<16xf32> to vector<1x1x16xf32>
        tpu.vector_store %arg8[%parallel_loop3A_1555, %parallel_loop3A_1556, %parallel_loop3A_1557], %parallel_loop3A_1560 {add = true, strides = array<i32>} : memref<4x80x128xf32, #tpu.memory_space<vmem>>, vector<1x1x16xf32>,
        %parallel_loop3A_1561 = vector.extract_strided_slice %parallel_loop3A_286 {offsets = [13], sizes = [1], strides = [1]} : vector<16xi32> to vector<1xi32>
        %parallel_loop3A_1562 = vector.extract %parallel_loop3A_1561[0] : i32 from vector<1xi32>
        %parallel_loop3A_1563 = arith.constant 13 : i32
        %parallel_loop3A_1564 = arith.addi %parallel_loop3A_282, %parallel_loop3A_1563 : i32
        %parallel_loop3A_1565 = arith.index_cast %parallel_loop3A_1562 : i32 to index
        %parallel_loop3A_1566 = arith.constant 0 : index
        %parallel_loop3A_1567 = tpu.vector_load %arg7[%parallel_loop3A_1565, %parallel_loop3A_1566] {strides = array<i32>} : memref<240x128xf32, #tpu.memory_space<vmem>>, vector<1x16xf32>,
        %parallel_loop3A_1568 = vector.shape_cast %parallel_loop3A_1567 : vector<1x16xf32> to vector<16xf32>
        %parallel_loop3A_1569 = arith.index_cast %rem3A_213 : i32 to index
        %parallel_loop3A_1570 = arith.index_cast %parallel_loop3A_1564 : i32 to index
        %parallel_loop3A_1571 = arith.constant 0 : index
        %parallel_loop3A_1572 = tpu.vector_load %arg8[%parallel_loop3A_1569, %parallel_loop3A_1570, %parallel_loop3A_1571] {strides = array<i32>} : memref<4x80x128xf32, #tpu.memory_space<vmem>>, vector<1x1x16xf32>,
        %parallel_loop3A_1573 = vector.shape_cast %parallel_loop3A_1572 : vector<1x1x16xf32> to vector<16xf32>
        %parallel_loop3A_1574 = vector.shape_cast %parallel_loop3A_1568 : vector<16xf32> to vector<1x1x16xf32>
        tpu.vector_store %arg8[%parallel_loop3A_1569, %parallel_loop3A_1570, %parallel_loop3A_1571], %parallel_loop3A_1574 {add = true, strides = array<i32>} : memref<4x80x128xf32, #tpu.memory_space<vmem>>, vector<1x1x16xf32>,
        %parallel_loop3A_1575 = arith.constant 13 : i32
        %parallel_loop3A_1576 = arith.addi %parallel_loop3A_282, %parallel_loop3A_1575 : i32
        %parallel_loop3A_1577 = arith.index_cast %parallel_loop3A_1562 : i32 to index
        %parallel_loop3A_1578 = arith.constant 16 : index
        %parallel_loop3A_1579 = tpu.vector_load %arg7[%parallel_loop3A_1577, %parallel_loop3A_1578] {strides = array<i32>} : memref<240x128xf32, #tpu.memory_space<vmem>>, vector<1x16xf32>,
        %parallel_loop3A_1580 = vector.shape_cast %parallel_loop3A_1579 : vector<1x16xf32> to vector<16xf32>
        %parallel_loop3A_1581 = arith.index_cast %rem3A_213 : i32 to index
        %parallel_loop3A_1582 = arith.index_cast %parallel_loop3A_1576 : i32 to index
        %parallel_loop3A_1583 = arith.constant 16 : index
        %parallel_loop3A_1584 = tpu.vector_load %arg8[%parallel_loop3A_1581, %parallel_loop3A_1582, %parallel_loop3A_1583] {strides = array<i32>} : memref<4x80x128xf32, #tpu.memory_space<vmem>>, vector<1x1x16xf32>,
        %parallel_loop3A_1585 = vector.shape_cast %parallel_loop3A_1584 : vector<1x1x16xf32> to vector<16xf32>
        %parallel_loop3A_1586 = vector.shape_cast %parallel_loop3A_1580 : vector<16xf32> to vector<1x1x16xf32>
        tpu.vector_store %arg8[%parallel_loop3A_1581, %parallel_loop3A_1582, %parallel_loop3A_1583], %parallel_loop3A_1586 {add = true, strides = array<i32>} : memref<4x80x128xf32, #tpu.memory_space<vmem>>, vector<1x1x16xf32>,
        %parallel_loop3A_1587 = arith.constant 13 : i32
        %parallel_loop3A_1588 = arith.addi %parallel_loop3A_282, %parallel_loop3A_1587 : i32
        %parallel_loop3A_1589 = arith.index_cast %parallel_loop3A_1562 : i32 to index
        %parallel_loop3A_1590 = arith.constant 32 : index
        %parallel_loop3A_1591 = tpu.vector_load %arg7[%parallel_loop3A_1589, %parallel_loop3A_1590] {strides = array<i32>} : memref<240x128xf32, #tpu.memory_space<vmem>>, vector<1x16xf32>,
        %parallel_loop3A_1592 = vector.shape_cast %parallel_loop3A_1591 : vector<1x16xf32> to vector<16xf32>
        %parallel_loop3A_1593 = arith.index_cast %rem3A_213 : i32 to index
        %parallel_loop3A_1594 = arith.index_cast %parallel_loop3A_1588 : i32 to index
        %parallel_loop3A_1595 = arith.constant 32 : index
        %parallel_loop3A_1596 = tpu.vector_load %arg8[%parallel_loop3A_1593, %parallel_loop3A_1594, %parallel_loop3A_1595] {strides = array<i32>} : memref<4x80x128xf32, #tpu.memory_space<vmem>>, vector<1x1x16xf32>,
        %parallel_loop3A_1597 = vector.shape_cast %parallel_loop3A_1596 : vector<1x1x16xf32> to vector<16xf32>
        %parallel_loop3A_1598 = vector.shape_cast %parallel_loop3A_1592 : vector<16xf32> to vector<1x1x16xf32>
        tpu.vector_store %arg8[%parallel_loop3A_1593, %parallel_loop3A_1594, %parallel_loop3A_1595], %parallel_loop3A_1598 {add = true, strides = array<i32>} : memref<4x80x128xf32, #tpu.memory_space<vmem>>, vector<1x1x16xf32>,
        %parallel_loop3A_1599 = arith.constant 13 : i32
        %parallel_loop3A_1600 = arith.addi %parallel_loop3A_282, %parallel_loop3A_1599 : i32
        %parallel_loop3A_1601 = arith.index_cast %parallel_loop3A_1562 : i32 to index
        %parallel_loop3A_1602 = arith.constant 48 : index
        %parallel_loop3A_1603 = tpu.vector_load %arg7[%parallel_loop3A_1601, %parallel_loop3A_1602] {strides = array<i32>} : memref<240x128xf32, #tpu.memory_space<vmem>>, vector<1x16xf32>,
        %parallel_loop3A_1604 = vector.shape_cast %parallel_loop3A_1603 : vector<1x16xf32> to vector<16xf32>
        %parallel_loop3A_1605 = arith.index_cast %rem3A_213 : i32 to index
        %parallel_loop3A_1606 = arith.index_cast %parallel_loop3A_1600 : i32 to index
        %parallel_loop3A_1607 = arith.constant 48 : index
        %parallel_loop3A_1608 = tpu.vector_load %arg8[%parallel_loop3A_1605, %parallel_loop3A_1606, %parallel_loop3A_1607] {strides = array<i32>} : memref<4x80x128xf32, #tpu.memory_space<vmem>>, vector<1x1x16xf32>,
        %parallel_loop3A_1609 = vector.shape_cast %parallel_loop3A_1608 : vector<1x1x16xf32> to vector<16xf32>
        %parallel_loop3A_1610 = vector.shape_cast %parallel_loop3A_1604 : vector<16xf32> to vector<1x1x16xf32>
        tpu.vector_store %arg8[%parallel_loop3A_1605, %parallel_loop3A_1606, %parallel_loop3A_1607], %parallel_loop3A_1610 {add = true, strides = array<i32>} : memref<4x80x128xf32, #tpu.memory_space<vmem>>, vector<1x1x16xf32>,
        %parallel_loop3A_1611 = arith.constant 13 : i32
        %parallel_loop3A_1612 = arith.addi %parallel_loop3A_282, %parallel_loop3A_1611 : i32
        %parallel_loop3A_1613 = arith.index_cast %parallel_loop3A_1562 : i32 to index
        %parallel_loop3A_1614 = arith.constant 64 : index
        %parallel_loop3A_1615 = tpu.vector_load %arg7[%parallel_loop3A_1613, %parallel_loop3A_1614] {strides = array<i32>} : memref<240x128xf32, #tpu.memory_space<vmem>>, vector<1x16xf32>,
        %parallel_loop3A_1616 = vector.shape_cast %parallel_loop3A_1615 : vector<1x16xf32> to vector<16xf32>
        %parallel_loop3A_1617 = arith.index_cast %rem3A_213 : i32 to index
        %parallel_loop3A_1618 = arith.index_cast %parallel_loop3A_1612 : i32 to index
        %parallel_loop3A_1619 = arith.constant 64 : index
        %parallel_loop3A_1620 = tpu.vector_load %arg8[%parallel_loop3A_1617, %parallel_loop3A_1618, %parallel_loop3A_1619] {strides = array<i32>} : memref<4x80x128xf32, #tpu.memory_space<vmem>>, vector<1x1x16xf32>,
        %parallel_loop3A_1621 = vector.shape_cast %parallel_loop3A_1620 : vector<1x1x16xf32> to vector<16xf32>
        %parallel_loop3A_1622 = vector.shape_cast %parallel_loop3A_1616 : vector<16xf32> to vector<1x1x16xf32>
        tpu.vector_store %arg8[%parallel_loop3A_1617, %parallel_loop3A_1618, %parallel_loop3A_1619], %parallel_loop3A_1622 {add = true, strides = array<i32>} : memref<4x80x128xf32, #tpu.memory_space<vmem>>, vector<1x1x16xf32>,
        %parallel_loop3A_1623 = arith.constant 13 : i32
        %parallel_loop3A_1624 = arith.addi %parallel_loop3A_282, %parallel_loop3A_1623 : i32
        %parallel_loop3A_1625 = arith.index_cast %parallel_loop3A_1562 : i32 to index
        %parallel_loop3A_1626 = arith.constant 80 : index
        %parallel_loop3A_1627 = tpu.vector_load %arg7[%parallel_loop3A_1625, %parallel_loop3A_1626] {strides = array<i32>} : memref<240x128xf32, #tpu.memory_space<vmem>>, vector<1x16xf32>,
        %parallel_loop3A_1628 = vector.shape_cast %parallel_loop3A_1627 : vector<1x16xf32> to vector<16xf32>
        %parallel_loop3A_1629 = arith.index_cast %rem3A_213 : i32 to index
        %parallel_loop3A_1630 = arith.index_cast %parallel_loop3A_1624 : i32 to index
        %parallel_loop3A_1631 = arith.constant 80 : index
        %parallel_loop3A_1632 = tpu.vector_load %arg8[%parallel_loop3A_1629, %parallel_loop3A_1630, %parallel_loop3A_1631] {strides = array<i32>} : memref<4x80x128xf32, #tpu.memory_space<vmem>>, vector<1x1x16xf32>,
        %parallel_loop3A_1633 = vector.shape_cast %parallel_loop3A_1632 : vector<1x1x16xf32> to vector<16xf32>
        %parallel_loop3A_1634 = vector.shape_cast %parallel_loop3A_1628 : vector<16xf32> to vector<1x1x16xf32>
        tpu.vector_store %arg8[%parallel_loop3A_1629, %parallel_loop3A_1630, %parallel_loop3A_1631], %parallel_loop3A_1634 {add = true, strides = array<i32>} : memref<4x80x128xf32, #tpu.memory_space<vmem>>, vector<1x1x16xf32>,
        %parallel_loop3A_1635 = arith.constant 13 : i32
        %parallel_loop3A_1636 = arith.addi %parallel_loop3A_282, %parallel_loop3A_1635 : i32
        %parallel_loop3A_1637 = arith.index_cast %parallel_loop3A_1562 : i32 to index
        %parallel_loop3A_1638 = arith.constant 96 : index
        %parallel_loop3A_1639 = tpu.vector_load %arg7[%parallel_loop3A_1637, %parallel_loop3A_1638] {strides = array<i32>} : memref<240x128xf32, #tpu.memory_space<vmem>>, vector<1x16xf32>,
        %parallel_loop3A_1640 = vector.shape_cast %parallel_loop3A_1639 : vector<1x16xf32> to vector<16xf32>
        %parallel_loop3A_1641 = arith.index_cast %rem3A_213 : i32 to index
        %parallel_loop3A_1642 = arith.index_cast %parallel_loop3A_1636 : i32 to index
        %parallel_loop3A_1643 = arith.constant 96 : index
        %parallel_loop3A_1644 = tpu.vector_load %arg8[%parallel_loop3A_1641, %parallel_loop3A_1642, %parallel_loop3A_1643] {strides = array<i32>} : memref<4x80x128xf32, #tpu.memory_space<vmem>>, vector<1x1x16xf32>,
        %parallel_loop3A_1645 = vector.shape_cast %parallel_loop3A_1644 : vector<1x1x16xf32> to vector<16xf32>
        %parallel_loop3A_1646 = vector.shape_cast %parallel_loop3A_1640 : vector<16xf32> to vector<1x1x16xf32>
        tpu.vector_store %arg8[%parallel_loop3A_1641, %parallel_loop3A_1642, %parallel_loop3A_1643], %parallel_loop3A_1646 {add = true, strides = array<i32>} : memref<4x80x128xf32, #tpu.memory_space<vmem>>, vector<1x1x16xf32>,
        %parallel_loop3A_1647 = arith.constant 13 : i32
        %parallel_loop3A_1648 = arith.addi %parallel_loop3A_282, %parallel_loop3A_1647 : i32
        %parallel_loop3A_1649 = arith.index_cast %parallel_loop3A_1562 : i32 to index
        %parallel_loop3A_1650 = arith.constant 112 : index
        %parallel_loop3A_1651 = tpu.vector_load %arg7[%parallel_loop3A_1649, %parallel_loop3A_1650] {strides = array<i32>} : memref<240x128xf32, #tpu.memory_space<vmem>>, vector<1x16xf32>,
        %parallel_loop3A_1652 = vector.shape_cast %parallel_loop3A_1651 : vector<1x16xf32> to vector<16xf32>
        %parallel_loop3A_1653 = arith.index_cast %rem3A_213 : i32 to index
        %parallel_loop3A_1654 = arith.index_cast %parallel_loop3A_1648 : i32 to index
        %parallel_loop3A_1655 = arith.constant 112 : index
        %parallel_loop3A_1656 = tpu.vector_load %arg8[%parallel_loop3A_1653, %parallel_loop3A_1654, %parallel_loop3A_1655] {strides = array<i32>} : memref<4x80x128xf32, #tpu.memory_space<vmem>>, vector<1x1x16xf32>,
        %parallel_loop3A_1657 = vector.shape_cast %parallel_loop3A_1656 : vector<1x1x16xf32> to vector<16xf32>
        %parallel_loop3A_1658 = vector.shape_cast %parallel_loop3A_1652 : vector<16xf32> to vector<1x1x16xf32>
        tpu.vector_store %arg8[%parallel_loop3A_1653, %parallel_loop3A_1654, %parallel_loop3A_1655], %parallel_loop3A_1658 {add = true, strides = array<i32>} : memref<4x80x128xf32, #tpu.memory_space<vmem>>, vector<1x1x16xf32>,
        %parallel_loop3A_1659 = vector.extract_strided_slice %parallel_loop3A_286 {offsets = [14], sizes = [1], strides = [1]} : vector<16xi32> to vector<1xi32>
        %parallel_loop3A_1660 = vector.extract %parallel_loop3A_1659[0] : i32 from vector<1xi32>
        %parallel_loop3A_1661 = arith.constant 14 : i32
        %parallel_loop3A_1662 = arith.addi %parallel_loop3A_282, %parallel_loop3A_1661 : i32
        %parallel_loop3A_1663 = arith.index_cast %parallel_loop3A_1660 : i32 to index
        %parallel_loop3A_1664 = arith.constant 0 : index
        %parallel_loop3A_1665 = tpu.vector_load %arg7[%parallel_loop3A_1663, %parallel_loop3A_1664] {strides = array<i32>} : memref<240x128xf32, #tpu.memory_space<vmem>>, vector<1x16xf32>,
        %parallel_loop3A_1666 = vector.shape_cast %parallel_loop3A_1665 : vector<1x16xf32> to vector<16xf32>
        %parallel_loop3A_1667 = arith.index_cast %rem3A_213 : i32 to index
        %parallel_loop3A_1668 = arith.index_cast %parallel_loop3A_1662 : i32 to index
        %parallel_loop3A_1669 = arith.constant 0 : index
        %parallel_loop3A_1670 = tpu.vector_load %arg8[%parallel_loop3A_1667, %parallel_loop3A_1668, %parallel_loop3A_1669] {strides = array<i32>} : memref<4x80x128xf32, #tpu.memory_space<vmem>>, vector<1x1x16xf32>,
        %parallel_loop3A_1671 = vector.shape_cast %parallel_loop3A_1670 : vector<1x1x16xf32> to vector<16xf32>
        %parallel_loop3A_1672 = vector.shape_cast %parallel_loop3A_1666 : vector<16xf32> to vector<1x1x16xf32>
        tpu.vector_store %arg8[%parallel_loop3A_1667, %parallel_loop3A_1668, %parallel_loop3A_1669], %parallel_loop3A_1672 {add = true, strides = array<i32>} : memref<4x80x128xf32, #tpu.memory_space<vmem>>, vector<1x1x16xf32>,
        %parallel_loop3A_1673 = arith.constant 14 : i32
        %parallel_loop3A_1674 = arith.addi %parallel_loop3A_282, %parallel_loop3A_1673 : i32
        %parallel_loop3A_1675 = arith.index_cast %parallel_loop3A_1660 : i32 to index
        %parallel_loop3A_1676 = arith.constant 16 : index
        %parallel_loop3A_1677 = tpu.vector_load %arg7[%parallel_loop3A_1675, %parallel_loop3A_1676] {strides = array<i32>} : memref<240x128xf32, #tpu.memory_space<vmem>>, vector<1x16xf32>,
        %parallel_loop3A_1678 = vector.shape_cast %parallel_loop3A_1677 : vector<1x16xf32> to vector<16xf32>
        %parallel_loop3A_1679 = arith.index_cast %rem3A_213 : i32 to index
        %parallel_loop3A_1680 = arith.index_cast %parallel_loop3A_1674 : i32 to index
        %parallel_loop3A_1681 = arith.constant 16 : index
        %parallel_loop3A_1682 = tpu.vector_load %arg8[%parallel_loop3A_1679, %parallel_loop3A_1680, %parallel_loop3A_1681] {strides = array<i32>} : memref<4x80x128xf32, #tpu.memory_space<vmem>>, vector<1x1x16xf32>,
        %parallel_loop3A_1683 = vector.shape_cast %parallel_loop3A_1682 : vector<1x1x16xf32> to vector<16xf32>
        %parallel_loop3A_1684 = vector.shape_cast %parallel_loop3A_1678 : vector<16xf32> to vector<1x1x16xf32>
        tpu.vector_store %arg8[%parallel_loop3A_1679, %parallel_loop3A_1680, %parallel_loop3A_1681], %parallel_loop3A_1684 {add = true, strides = array<i32>} : memref<4x80x128xf32, #tpu.memory_space<vmem>>, vector<1x1x16xf32>,
        %parallel_loop3A_1685 = arith.constant 14 : i32
        %parallel_loop3A_1686 = arith.addi %parallel_loop3A_282, %parallel_loop3A_1685 : i32
        %parallel_loop3A_1687 = arith.index_cast %parallel_loop3A_1660 : i32 to index
        %parallel_loop3A_1688 = arith.constant 32 : index
        %parallel_loop3A_1689 = tpu.vector_load %arg7[%parallel_loop3A_1687, %parallel_loop3A_1688] {strides = array<i32>} : memref<240x128xf32, #tpu.memory_space<vmem>>, vector<1x16xf32>,
        %parallel_loop3A_1690 = vector.shape_cast %parallel_loop3A_1689 : vector<1x16xf32> to vector<16xf32>
        %parallel_loop3A_1691 = arith.index_cast %rem3A_213 : i32 to index
        %parallel_loop3A_1692 = arith.index_cast %parallel_loop3A_1686 : i32 to index
        %parallel_loop3A_1693 = arith.constant 32 : index
        %parallel_loop3A_1694 = tpu.vector_load %arg8[%parallel_loop3A_1691, %parallel_loop3A_1692, %parallel_loop3A_1693] {strides = array<i32>} : memref<4x80x128xf32, #tpu.memory_space<vmem>>, vector<1x1x16xf32>,
        %parallel_loop3A_1695 = vector.shape_cast %parallel_loop3A_1694 : vector<1x1x16xf32> to vector<16xf32>
        %parallel_loop3A_1696 = vector.shape_cast %parallel_loop3A_1690 : vector<16xf32> to vector<1x1x16xf32>
        tpu.vector_store %arg8[%parallel_loop3A_1691, %parallel_loop3A_1692, %parallel_loop3A_1693], %parallel_loop3A_1696 {add = true, strides = array<i32>} : memref<4x80x128xf32, #tpu.memory_space<vmem>>, vector<1x1x16xf32>,
        %parallel_loop3A_1697 = arith.constant 14 : i32
        %parallel_loop3A_1698 = arith.addi %parallel_loop3A_282, %parallel_loop3A_1697 : i32
        %parallel_loop3A_1699 = arith.index_cast %parallel_loop3A_1660 : i32 to index
        %parallel_loop3A_1700 = arith.constant 48 : index
        %parallel_loop3A_1701 = tpu.vector_load %arg7[%parallel_loop3A_1699, %parallel_loop3A_1700] {strides = array<i32>} : memref<240x128xf32, #tpu.memory_space<vmem>>, vector<1x16xf32>,
        %parallel_loop3A_1702 = vector.shape_cast %parallel_loop3A_1701 : vector<1x16xf32> to vector<16xf32>
        %parallel_loop3A_1703 = arith.index_cast %rem3A_213 : i32 to index
        %parallel_loop3A_1704 = arith.index_cast %parallel_loop3A_1698 : i32 to index
        %parallel_loop3A_1705 = arith.constant 48 : index
        %parallel_loop3A_1706 = tpu.vector_load %arg8[%parallel_loop3A_1703, %parallel_loop3A_1704, %parallel_loop3A_1705] {strides = array<i32>} : memref<4x80x128xf32, #tpu.memory_space<vmem>>, vector<1x1x16xf32>,
        %parallel_loop3A_1707 = vector.shape_cast %parallel_loop3A_1706 : vector<1x1x16xf32> to vector<16xf32>
        %parallel_loop3A_1708 = vector.shape_cast %parallel_loop3A_1702 : vector<16xf32> to vector<1x1x16xf32>
        tpu.vector_store %arg8[%parallel_loop3A_1703, %parallel_loop3A_1704, %parallel_loop3A_1705], %parallel_loop3A_1708 {add = true, strides = array<i32>} : memref<4x80x128xf32, #tpu.memory_space<vmem>>, vector<1x1x16xf32>,
        %parallel_loop3A_1709 = arith.constant 14 : i32
        %parallel_loop3A_1710 = arith.addi %parallel_loop3A_282, %parallel_loop3A_1709 : i32
        %parallel_loop3A_1711 = arith.index_cast %parallel_loop3A_1660 : i32 to index
        %parallel_loop3A_1712 = arith.constant 64 : index
        %parallel_loop3A_1713 = tpu.vector_load %arg7[%parallel_loop3A_1711, %parallel_loop3A_1712] {strides = array<i32>} : memref<240x128xf32, #tpu.memory_space<vmem>>, vector<1x16xf32>,
        %parallel_loop3A_1714 = vector.shape_cast %parallel_loop3A_1713 : vector<1x16xf32> to vector<16xf32>
        %parallel_loop3A_1715 = arith.index_cast %rem3A_213 : i32 to index
        %parallel_loop3A_1716 = arith.index_cast %parallel_loop3A_1710 : i32 to index
        %parallel_loop3A_1717 = arith.constant 64 : index
        %parallel_loop3A_1718 = tpu.vector_load %arg8[%parallel_loop3A_1715, %parallel_loop3A_1716, %parallel_loop3A_1717] {strides = array<i32>} : memref<4x80x128xf32, #tpu.memory_space<vmem>>, vector<1x1x16xf32>,
        %parallel_loop3A_1719 = vector.shape_cast %parallel_loop3A_1718 : vector<1x1x16xf32> to vector<16xf32>
        %parallel_loop3A_1720 = vector.shape_cast %parallel_loop3A_1714 : vector<16xf32> to vector<1x1x16xf32>
        tpu.vector_store %arg8[%parallel_loop3A_1715, %parallel_loop3A_1716, %parallel_loop3A_1717], %parallel_loop3A_1720 {add = true, strides = array<i32>} : memref<4x80x128xf32, #tpu.memory_space<vmem>>, vector<1x1x16xf32>,
        %parallel_loop3A_1721 = arith.constant 14 : i32
        %parallel_loop3A_1722 = arith.addi %parallel_loop3A_282, %parallel_loop3A_1721 : i32
        %parallel_loop3A_1723 = arith.index_cast %parallel_loop3A_1660 : i32 to index
        %parallel_loop3A_1724 = arith.constant 80 : index
        %parallel_loop3A_1725 = tpu.vector_load %arg7[%parallel_loop3A_1723, %parallel_loop3A_1724] {strides = array<i32>} : memref<240x128xf32, #tpu.memory_space<vmem>>, vector<1x16xf32>,
        %parallel_loop3A_1726 = vector.shape_cast %parallel_loop3A_1725 : vector<1x16xf32> to vector<16xf32>
        %parallel_loop3A_1727 = arith.index_cast %rem3A_213 : i32 to index
        %parallel_loop3A_1728 = arith.index_cast %parallel_loop3A_1722 : i32 to index
        %parallel_loop3A_1729 = arith.constant 80 : index
        %parallel_loop3A_1730 = tpu.vector_load %arg8[%parallel_loop3A_1727, %parallel_loop3A_1728, %parallel_loop3A_1729] {strides = array<i32>} : memref<4x80x128xf32, #tpu.memory_space<vmem>>, vector<1x1x16xf32>,
        %parallel_loop3A_1731 = vector.shape_cast %parallel_loop3A_1730 : vector<1x1x16xf32> to vector<16xf32>
        %parallel_loop3A_1732 = vector.shape_cast %parallel_loop3A_1726 : vector<16xf32> to vector<1x1x16xf32>
        tpu.vector_store %arg8[%parallel_loop3A_1727, %parallel_loop3A_1728, %parallel_loop3A_1729], %parallel_loop3A_1732 {add = true, strides = array<i32>} : memref<4x80x128xf32, #tpu.memory_space<vmem>>, vector<1x1x16xf32>,
        %parallel_loop3A_1733 = arith.constant 14 : i32
        %parallel_loop3A_1734 = arith.addi %parallel_loop3A_282, %parallel_loop3A_1733 : i32
        %parallel_loop3A_1735 = arith.index_cast %parallel_loop3A_1660 : i32 to index
        %parallel_loop3A_1736 = arith.constant 96 : index
        %parallel_loop3A_1737 = tpu.vector_load %arg7[%parallel_loop3A_1735, %parallel_loop3A_1736] {strides = array<i32>} : memref<240x128xf32, #tpu.memory_space<vmem>>, vector<1x16xf32>,
        %parallel_loop3A_1738 = vector.shape_cast %parallel_loop3A_1737 : vector<1x16xf32> to vector<16xf32>
        %parallel_loop3A_1739 = arith.index_cast %rem3A_213 : i32 to index
        %parallel_loop3A_1740 = arith.index_cast %parallel_loop3A_1734 : i32 to index
        %parallel_loop3A_1741 = arith.constant 96 : index
        %parallel_loop3A_1742 = tpu.vector_load %arg8[%parallel_loop3A_1739, %parallel_loop3A_1740, %parallel_loop3A_1741] {strides = array<i32>} : memref<4x80x128xf32, #tpu.memory_space<vmem>>, vector<1x1x16xf32>,
        %parallel_loop3A_1743 = vector.shape_cast %parallel_loop3A_1742 : vector<1x1x16xf32> to vector<16xf32>
        %parallel_loop3A_1744 = vector.shape_cast %parallel_loop3A_1738 : vector<16xf32> to vector<1x1x16xf32>
        tpu.vector_store %arg8[%parallel_loop3A_1739, %parallel_loop3A_1740, %parallel_loop3A_1741], %parallel_loop3A_1744 {add = true, strides = array<i32>} : memref<4x80x128xf32, #tpu.memory_space<vmem>>, vector<1x1x16xf32>,
        %parallel_loop3A_1745 = arith.constant 14 : i32
        %parallel_loop3A_1746 = arith.addi %parallel_loop3A_282, %parallel_loop3A_1745 : i32
        %parallel_loop3A_1747 = arith.index_cast %parallel_loop3A_1660 : i32 to index
        %parallel_loop3A_1748 = arith.constant 112 : index
        %parallel_loop3A_1749 = tpu.vector_load %arg7[%parallel_loop3A_1747, %parallel_loop3A_1748] {strides = array<i32>} : memref<240x128xf32, #tpu.memory_space<vmem>>, vector<1x16xf32>,
        %parallel_loop3A_1750 = vector.shape_cast %parallel_loop3A_1749 : vector<1x16xf32> to vector<16xf32>
        %parallel_loop3A_1751 = arith.index_cast %rem3A_213 : i32 to index
        %parallel_loop3A_1752 = arith.index_cast %parallel_loop3A_1746 : i32 to index
        %parallel_loop3A_1753 = arith.constant 112 : index
        %parallel_loop3A_1754 = tpu.vector_load %arg8[%parallel_loop3A_1751, %parallel_loop3A_1752, %parallel_loop3A_1753] {strides = array<i32>} : memref<4x80x128xf32, #tpu.memory_space<vmem>>, vector<1x1x16xf32>,
        %parallel_loop3A_1755 = vector.shape_cast %parallel_loop3A_1754 : vector<1x1x16xf32> to vector<16xf32>
        %parallel_loop3A_1756 = vector.shape_cast %parallel_loop3A_1750 : vector<16xf32> to vector<1x1x16xf32>
        tpu.vector_store %arg8[%parallel_loop3A_1751, %parallel_loop3A_1752, %parallel_loop3A_1753], %parallel_loop3A_1756 {add = true, strides = array<i32>} : memref<4x80x128xf32, #tpu.memory_space<vmem>>, vector<1x1x16xf32>,
        %parallel_loop3A_1757 = vector.extract_strided_slice %parallel_loop3A_286 {offsets = [15], sizes = [1], strides = [1]} : vector<16xi32> to vector<1xi32>
        %parallel_loop3A_1758 = vector.extract %parallel_loop3A_1757[0] : i32 from vector<1xi32>
        %parallel_loop3A_1759 = arith.constant 15 : i32
        %parallel_loop3A_1760 = arith.addi %parallel_loop3A_282, %parallel_loop3A_1759 : i32
        %parallel_loop3A_1761 = arith.index_cast %parallel_loop3A_1758 : i32 to index
        %parallel_loop3A_1762 = arith.constant 0 : index
        %parallel_loop3A_1763 = tpu.vector_load %arg7[%parallel_loop3A_1761, %parallel_loop3A_1762] {strides = array<i32>} : memref<240x128xf32, #tpu.memory_space<vmem>>, vector<1x16xf32>,
        %parallel_loop3A_1764 = vector.shape_cast %parallel_loop3A_1763 : vector<1x16xf32> to vector<16xf32>
        %parallel_loop3A_1765 = arith.index_cast %rem3A_213 : i32 to index
        %parallel_loop3A_1766 = arith.index_cast %parallel_loop3A_1760 : i32 to index
        %parallel_loop3A_1767 = arith.constant 0 : index
        %parallel_loop3A_1768 = tpu.vector_load %arg8[%parallel_loop3A_1765, %parallel_loop3A_1766, %parallel_loop3A_1767] {strides = array<i32>} : memref<4x80x128xf32, #tpu.memory_space<vmem>>, vector<1x1x16xf32>,
        %parallel_loop3A_1769 = vector.shape_cast %parallel_loop3A_1768 : vector<1x1x16xf32> to vector<16xf32>
        %parallel_loop3A_1770 = vector.shape_cast %parallel_loop3A_1764 : vector<16xf32> to vector<1x1x16xf32>
        tpu.vector_store %arg8[%parallel_loop3A_1765, %parallel_loop3A_1766, %parallel_loop3A_1767], %parallel_loop3A_1770 {add = true, strides = array<i32>} : memref<4x80x128xf32, #tpu.memory_space<vmem>>, vector<1x1x16xf32>,
        %parallel_loop3A_1771 = arith.constant 15 : i32
        %parallel_loop3A_1772 = arith.addi %parallel_loop3A_282, %parallel_loop3A_1771 : i32
        %parallel_loop3A_1773 = arith.index_cast %parallel_loop3A_1758 : i32 to index
        %parallel_loop3A_1774 = arith.constant 16 : index
        %parallel_loop3A_1775 = tpu.vector_load %arg7[%parallel_loop3A_1773, %parallel_loop3A_1774] {strides = array<i32>} : memref<240x128xf32, #tpu.memory_space<vmem>>, vector<1x16xf32>,
        %parallel_loop3A_1776 = vector.shape_cast %parallel_loop3A_1775 : vector<1x16xf32> to vector<16xf32>
        %parallel_loop3A_1777 = arith.index_cast %rem3A_213 : i32 to index
        %parallel_loop3A_1778 = arith.index_cast %parallel_loop3A_1772 : i32 to index
        %parallel_loop3A_1779 = arith.constant 16 : index
        %parallel_loop3A_1780 = tpu.vector_load %arg8[%parallel_loop3A_1777, %parallel_loop3A_1778, %parallel_loop3A_1779] {strides = array<i32>} : memref<4x80x128xf32, #tpu.memory_space<vmem>>, vector<1x1x16xf32>,
        %parallel_loop3A_1781 = vector.shape_cast %parallel_loop3A_1780 : vector<1x1x16xf32> to vector<16xf32>
        %parallel_loop3A_1782 = vector.shape_cast %parallel_loop3A_1776 : vector<16xf32> to vector<1x1x16xf32>
        tpu.vector_store %arg8[%parallel_loop3A_1777, %parallel_loop3A_1778, %parallel_loop3A_1779], %parallel_loop3A_1782 {add = true, strides = array<i32>} : memref<4x80x128xf32, #tpu.memory_space<vmem>>, vector<1x1x16xf32>,
        %parallel_loop3A_1783 = arith.constant 15 : i32
        %parallel_loop3A_1784 = arith.addi %parallel_loop3A_282, %parallel_loop3A_1783 : i32
        %parallel_loop3A_1785 = arith.index_cast %parallel_loop3A_1758 : i32 to index
        %parallel_loop3A_1786 = arith.constant 32 : index
        %parallel_loop3A_1787 = tpu.vector_load %arg7[%parallel_loop3A_1785, %parallel_loop3A_1786] {strides = array<i32>} : memref<240x128xf32, #tpu.memory_space<vmem>>, vector<1x16xf32>,
        %parallel_loop3A_1788 = vector.shape_cast %parallel_loop3A_1787 : vector<1x16xf32> to vector<16xf32>
        %parallel_loop3A_1789 = arith.index_cast %rem3A_213 : i32 to index
        %parallel_loop3A_1790 = arith.index_cast %parallel_loop3A_1784 : i32 to index
        %parallel_loop3A_1791 = arith.constant 32 : index
        %parallel_loop3A_1792 = tpu.vector_load %arg8[%parallel_loop3A_1789, %parallel_loop3A_1790, %parallel_loop3A_1791] {strides = array<i32>} : memref<4x80x128xf32, #tpu.memory_space<vmem>>, vector<1x1x16xf32>,
        %parallel_loop3A_1793 = vector.shape_cast %parallel_loop3A_1792 : vector<1x1x16xf32> to vector<16xf32>
        %parallel_loop3A_1794 = vector.shape_cast %parallel_loop3A_1788 : vector<16xf32> to vector<1x1x16xf32>
        tpu.vector_store %arg8[%parallel_loop3A_1789, %parallel_loop3A_1790, %parallel_loop3A_1791], %parallel_loop3A_1794 {add = true, strides = array<i32>} : memref<4x80x128xf32, #tpu.memory_space<vmem>>, vector<1x1x16xf32>,
        %parallel_loop3A_1795 = arith.constant 15 : i32
        %parallel_loop3A_1796 = arith.addi %parallel_loop3A_282, %parallel_loop3A_1795 : i32
        %parallel_loop3A_1797 = arith.index_cast %parallel_loop3A_1758 : i32 to index
        %parallel_loop3A_1798 = arith.constant 48 : index
        %parallel_loop3A_1799 = tpu.vector_load %arg7[%parallel_loop3A_1797, %parallel_loop3A_1798] {strides = array<i32>} : memref<240x128xf32, #tpu.memory_space<vmem>>, vector<1x16xf32>,
        %parallel_loop3A_1800 = vector.shape_cast %parallel_loop3A_1799 : vector<1x16xf32> to vector<16xf32>
        %parallel_loop3A_1801 = arith.index_cast %rem3A_213 : i32 to index
        %parallel_loop3A_1802 = arith.index_cast %parallel_loop3A_1796 : i32 to index
        %parallel_loop3A_1803 = arith.constant 48 : index
        %parallel_loop3A_1804 = tpu.vector_load %arg8[%parallel_loop3A_1801, %parallel_loop3A_1802, %parallel_loop3A_1803] {strides = array<i32>} : memref<4x80x128xf32, #tpu.memory_space<vmem>>, vector<1x1x16xf32>,
        %parallel_loop3A_1805 = vector.shape_cast %parallel_loop3A_1804 : vector<1x1x16xf32> to vector<16xf32>
        %parallel_loop3A_1806 = vector.shape_cast %parallel_loop3A_1800 : vector<16xf32> to vector<1x1x16xf32>
        tpu.vector_store %arg8[%parallel_loop3A_1801, %parallel_loop3A_1802, %parallel_loop3A_1803], %parallel_loop3A_1806 {add = true, strides = array<i32>} : memref<4x80x128xf32, #tpu.memory_space<vmem>>, vector<1x1x16xf32>,
        %parallel_loop3A_1807 = arith.constant 15 : i32
        %parallel_loop3A_1808 = arith.addi %parallel_loop3A_282, %parallel_loop3A_1807 : i32
        %parallel_loop3A_1809 = arith.index_cast %parallel_loop3A_1758 : i32 to index
        %parallel_loop3A_1810 = arith.constant 64 : index
        %parallel_loop3A_1811 = tpu.vector_load %arg7[%parallel_loop3A_1809, %parallel_loop3A_1810] {strides = array<i32>} : memref<240x128xf32, #tpu.memory_space<vmem>>, vector<1x16xf32>,
        %parallel_loop3A_1812 = vector.shape_cast %parallel_loop3A_1811 : vector<1x16xf32> to vector<16xf32>
        %parallel_loop3A_1813 = arith.index_cast %rem3A_213 : i32 to index
        %parallel_loop3A_1814 = arith.index_cast %parallel_loop3A_1808 : i32 to index
        %parallel_loop3A_1815 = arith.constant 64 : index
        %parallel_loop3A_1816 = tpu.vector_load %arg8[%parallel_loop3A_1813, %parallel_loop3A_1814, %parallel_loop3A_1815] {strides = array<i32>} : memref<4x80x128xf32, #tpu.memory_space<vmem>>, vector<1x1x16xf32>,
        %parallel_loop3A_1817 = vector.shape_cast %parallel_loop3A_1816 : vector<1x1x16xf32> to vector<16xf32>
        %parallel_loop3A_1818 = vector.shape_cast %parallel_loop3A_1812 : vector<16xf32> to vector<1x1x16xf32>
        tpu.vector_store %arg8[%parallel_loop3A_1813, %parallel_loop3A_1814, %parallel_loop3A_1815], %parallel_loop3A_1818 {add = true, strides = array<i32>} : memref<4x80x128xf32, #tpu.memory_space<vmem>>, vector<1x1x16xf32>,
        %parallel_loop3A_1819 = arith.constant 15 : i32
        %parallel_loop3A_1820 = arith.addi %parallel_loop3A_282, %parallel_loop3A_1819 : i32
        %parallel_loop3A_1821 = arith.index_cast %parallel_loop3A_1758 : i32 to index
        %parallel_loop3A_1822 = arith.constant 80 : index
        %parallel_loop3A_1823 = tpu.vector_load %arg7[%parallel_loop3A_1821, %parallel_loop3A_1822] {strides = array<i32>} : memref<240x128xf32, #tpu.memory_space<vmem>>, vector<1x16xf32>,
        %parallel_loop3A_1824 = vector.shape_cast %parallel_loop3A_1823 : vector<1x16xf32> to vector<16xf32>
        %parallel_loop3A_1825 = arith.index_cast %rem3A_213 : i32 to index
        %parallel_loop3A_1826 = arith.index_cast %parallel_loop3A_1820 : i32 to index
        %parallel_loop3A_1827 = arith.constant 80 : index
        %parallel_loop3A_1828 = tpu.vector_load %arg8[%parallel_loop3A_1825, %parallel_loop3A_1826, %parallel_loop3A_1827] {strides = array<i32>} : memref<4x80x128xf32, #tpu.memory_space<vmem>>, vector<1x1x16xf32>,
        %parallel_loop3A_1829 = vector.shape_cast %parallel_loop3A_1828 : vector<1x1x16xf32> to vector<16xf32>
        %parallel_loop3A_1830 = vector.shape_cast %parallel_loop3A_1824 : vector<16xf32> to vector<1x1x16xf32>
        tpu.vector_store %arg8[%parallel_loop3A_1825, %parallel_loop3A_1826, %parallel_loop3A_1827], %parallel_loop3A_1830 {add = true, strides = array<i32>} : memref<4x80x128xf32, #tpu.memory_space<vmem>>, vector<1x1x16xf32>,
        %parallel_loop3A_1831 = arith.constant 15 : i32
        %parallel_loop3A_1832 = arith.addi %parallel_loop3A_282, %parallel_loop3A_1831 : i32
        %parallel_loop3A_1833 = arith.index_cast %parallel_loop3A_1758 : i32 to index
        %parallel_loop3A_1834 = arith.constant 96 : index
        %parallel_loop3A_1835 = tpu.vector_load %arg7[%parallel_loop3A_1833, %parallel_loop3A_1834] {strides = array<i32>} : memref<240x128xf32, #tpu.memory_space<vmem>>, vector<1x16xf32>,
        %parallel_loop3A_1836 = vector.shape_cast %parallel_loop3A_1835 : vector<1x16xf32> to vector<16xf32>
        %parallel_loop3A_1837 = arith.index_cast %rem3A_213 : i32 to index
        %parallel_loop3A_1838 = arith.index_cast %parallel_loop3A_1832 : i32 to index
        %parallel_loop3A_1839 = arith.constant 96 : index
        %parallel_loop3A_1840 = tpu.vector_load %arg8[%parallel_loop3A_1837, %parallel_loop3A_1838, %parallel_loop3A_1839] {strides = array<i32>} : memref<4x80x128xf32, #tpu.memory_space<vmem>>, vector<1x1x16xf32>,
        %parallel_loop3A_1841 = vector.shape_cast %parallel_loop3A_1840 : vector<1x1x16xf32> to vector<16xf32>
        %parallel_loop3A_1842 = vector.shape_cast %parallel_loop3A_1836 : vector<16xf32> to vector<1x1x16xf32>
        tpu.vector_store %arg8[%parallel_loop3A_1837, %parallel_loop3A_1838, %parallel_loop3A_1839], %parallel_loop3A_1842 {add = true, strides = array<i32>} : memref<4x80x128xf32, #tpu.memory_space<vmem>>, vector<1x1x16xf32>,
        %parallel_loop3A_1843 = arith.constant 15 : i32
        %parallel_loop3A_1844 = arith.addi %parallel_loop3A_282, %parallel_loop3A_1843 : i32
        %parallel_loop3A_1845 = arith.index_cast %parallel_loop3A_1758 : i32 to index
        %parallel_loop3A_1846 = arith.constant 112 : index
        %parallel_loop3A_1847 = tpu.vector_load %arg7[%parallel_loop3A_1845, %parallel_loop3A_1846] {strides = array<i32>} : memref<240x128xf32, #tpu.memory_space<vmem>>, vector<1x16xf32>,
        %parallel_loop3A_1848 = vector.shape_cast %parallel_loop3A_1847 : vector<1x16xf32> to vector<16xf32>
        %parallel_loop3A_1849 = arith.index_cast %rem3A_213 : i32 to index
        %parallel_loop3A_1850 = arith.index_cast %parallel_loop3A_1844 : i32 to index
        %parallel_loop3A_1851 = arith.constant 112 : index
        %parallel_loop3A_1852 = tpu.vector_load %arg8[%parallel_loop3A_1849, %parallel_loop3A_1850, %parallel_loop3A_1851] {strides = array<i32>} : memref<4x80x128xf32, #tpu.memory_space<vmem>>, vector<1x1x16xf32>,
        %parallel_loop3A_1853 = vector.shape_cast %parallel_loop3A_1852 : vector<1x1x16xf32> to vector<16xf32>
        %parallel_loop3A_1854 = vector.shape_cast %parallel_loop3A_1848 : vector<16xf32> to vector<1x1x16xf32>
        tpu.vector_store %arg8[%parallel_loop3A_1849, %parallel_loop3A_1850, %parallel_loop3A_1851], %parallel_loop3A_1854 {add = true, strides = array<i32>} : memref<4x80x128xf32, #tpu.memory_space<vmem>>, vector<1x1x16xf32>,
      } {sc.loop_unroll_factor = 1 : i64, sc.parallel_access}
      %mul3A_260 = arith.constant 80 : i32
      %mul3A_261 = arith.muli %scan3A_211, %mul3A_260 : i32
      %add3A_262 = arith.addi %mul3A_2, %mul3A_261 : i32
      %add3A_263 = arith.constant 32 : i32
      %add3A_264 = arith.addi %add3A_262, %add3A_263 : i32
      %dma_start3A_265 = arith.constant 1 : i32
      %dma_start3A_266 = arith.constant 32 : i32
      %dma_start3A_267 = arith.constant 0 : i32
      %dma_start3A_268 = tpu.memref_slice %arg8[%rem3A_213, %dma_start3A_266, %dma_start3A_267] : memref<4x80x128xf32, #tpu.memory_space<vmem>> -> memref<1x48x128xf32, #tpu.memory_space<vmem>>
      %dma_start3A_269 = tpu.memref_squeeze %dma_start3A_268 : memref<1x48x128xf32, #tpu.memory_space<vmem>> -> memref<48x128xf32, #tpu.memory_space<vmem>>
      %dma_start3A_270 = arith.constant 0 : i32
      %dma_start3A_271 = tpu.memref_slice %arg5[%add3A_264, %dma_start3A_270] : memref<320000x128xf32, #tpu.memory_space<hbm>> -> memref<48x128xf32, #tpu.memory_space<hbm>>
      %dma_start3A_272 = tpu.memref_slice %arg10[%rem3A_213, %dma_start3A_265] : memref<4x2x!tpu.dma_semaphore, #tpu.memory_space<semaphore_mem>> -> memref<1x1x!tpu.dma_semaphore, #tpu.memory_space<semaphore_mem>>
      %dma_start3A_273 = tpu.memref_squeeze %dma_start3A_272 : memref<1x1x!tpu.dma_semaphore, #tpu.memory_space<semaphore_mem>> -> memref<!tpu.dma_semaphore, #tpu.memory_space<semaphore_mem>>
      %dma_start3A_274 = arith.constant 0 : i32
      %dma_start3A_275 = tpu.memref_slice %arg5[%add3A_264, %dma_start3A_274] : memref<320000x128xf32, #tpu.memory_space<hbm>> -> memref<48x128xf32, #tpu.memory_space<hbm>>
      %dma_start3A_276 = arith.constant 32 : i32
      %dma_start3A_277 = arith.constant 0 : i32
      %dma_start3A_278 = tpu.memref_slice %arg8[%rem3A_213, %dma_start3A_276, %dma_start3A_277] : memref<4x80x128xf32, #tpu.memory_space<vmem>> -> memref<1x48x128xf32, #tpu.memory_space<vmem>>
      %dma_start3A_279 = tpu.memref_squeeze %dma_start3A_278 : memref<1x48x128xf32, #tpu.memory_space<vmem>> -> memref<48x128xf32, #tpu.memory_space<vmem>>
      tpu.enqueue_dma source(%dma_start3A_279 : memref<48x128xf32, #tpu.memory_space<vmem>>) target(%dma_start3A_275 : memref<48x128xf32, #tpu.memory_space<hbm>>) target_semaphore(%dma_start3A_273 : memref<!tpu.dma_semaphore, #tpu.memory_space<semaphore_mem>>)
    }
    %scan3A_43 = arith.constant 125 : i32
    %add3A_44 = arith.constant 9680 : i32
    %add3A_45 = arith.addi %mul3A_2, %add3A_44 : i32
    %add3A_46 = arith.constant 0 : i32
    %add3A_47 = arith.addi %add3A_45, %add3A_46 : i32
    %dma_wait3A = arith.constant 1 : i32
    %dma_wait3A_48 = arith.constant 1 : i32
    %dma_wait3A_49 = arith.constant 0 : i32
    %dma_wait3A_50 = arith.constant 0 : i32
    %dma_wait3A_51 = arith.constant 0 : i32
    %dma_wait3A_52 = tpu.memref_slice %arg8[%dma_wait3A, %dma_wait3A_50, %dma_wait3A_51] : memref<4x80x128xf32, #tpu.memory_space<vmem>> -> memref<1x32x128xf32, #tpu.memory_space<vmem>>
    %dma_wait3A_53 = tpu.memref_squeeze %dma_wait3A_52 : memref<1x32x128xf32, #tpu.memory_space<vmem>> -> memref<32x128xf32, #tpu.memory_space<vmem>>
    %dma_wait3A_54 = arith.constant 0 : i32
    %dma_wait3A_55 = tpu.memref_slice %arg5[%add3A_47, %dma_wait3A_54] : memref<320000x128xf32, #tpu.memory_space<hbm>> -> memref<32x128xf32, #tpu.memory_space<hbm>>
    %dma_wait3A_56 = tpu.memref_slice %arg10[%dma_wait3A_48, %dma_wait3A_49] : memref<4x2x!tpu.dma_semaphore, #tpu.memory_space<semaphore_mem>> -> memref<1x1x!tpu.dma_semaphore, #tpu.memory_space<semaphore_mem>>
    %dma_wait3A_57 = tpu.memref_squeeze %dma_wait3A_56 : memref<1x1x!tpu.dma_semaphore, #tpu.memory_space<semaphore_mem>> -> memref<!tpu.dma_semaphore, #tpu.memory_space<semaphore_mem>>
    %dma_wait3A_58 = arith.constant 0 : i32
    %dma_wait3A_59 = tpu.memref_slice %arg5[%add3A_47, %dma_wait3A_58] : memref<320000x128xf32, #tpu.memory_space<hbm>> -> memref<32x128xf32, #tpu.memory_space<hbm>>
    %dma_wait3A_60 = arith.constant 0 : i32
    %dma_wait3A_61 = arith.constant 0 : i32
    %dma_wait3A_62 = tpu.memref_slice %arg8[%dma_wait3A, %dma_wait3A_60, %dma_wait3A_61] : memref<4x80x128xf32, #tpu.memory_space<vmem>> -> memref<1x32x128xf32, #tpu.memory_space<vmem>>
    %dma_wait3A_63 = tpu.memref_squeeze %dma_wait3A_62 : memref<1x32x128xf32, #tpu.memory_space<vmem>> -> memref<32x128xf32, #tpu.memory_space<vmem>>
    tpu.wait_dma2 semaphore(%dma_wait3A_57 : memref<!tpu.dma_semaphore, #tpu.memory_space<semaphore_mem>>) src(%dma_wait3A_63 : memref<32x128xf32, #tpu.memory_space<vmem>>) dst(%dma_wait3A_59 : memref<32x128xf32, #tpu.memory_space<hbm>>)
    %add3A_64 = arith.constant 9680 : i32
    %add3A_65 = arith.addi %mul3A_2, %add3A_64 : i32
    %add3A_66 = arith.constant 32 : i32
    %add3A_67 = arith.addi %add3A_65, %add3A_66 : i32
    %dma_wait3A_68 = arith.constant 1 : i32
    %dma_wait3A_69 = arith.constant 1 : i32
    %dma_wait3A_70 = arith.constant 1 : i32
    %dma_wait3A_71 = arith.constant 32 : i32
    %dma_wait3A_72 = arith.constant 0 : i32
    %dma_wait3A_73 = tpu.memref_slice %arg8[%dma_wait3A_68, %dma_wait3A_71, %dma_wait3A_72] : memref<4x80x128xf32, #tpu.memory_space<vmem>> -> memref<1x48x128xf32, #tpu.memory_space<vmem>>
    %dma_wait3A_74 = tpu.memref_squeeze %dma_wait3A_73 : memref<1x48x128xf32, #tpu.memory_space<vmem>> -> memref<48x128xf32, #tpu.memory_space<vmem>>
    %dma_wait3A_75 = arith.constant 0 : i32
    %dma_wait3A_76 = tpu.memref_slice %arg5[%add3A_67, %dma_wait3A_75] : memref<320000x128xf32, #tpu.memory_space<hbm>> -> memref<48x128xf32, #tpu.memory_space<hbm>>
    %dma_wait3A_77 = tpu.memref_slice %arg10[%dma_wait3A_69, %dma_wait3A_70] : memref<4x2x!tpu.dma_semaphore, #tpu.memory_space<semaphore_mem>> -> memref<1x1x!tpu.dma_semaphore, #tpu.memory_space<semaphore_mem>>
    %dma_wait3A_78 = tpu.memref_squeeze %dma_wait3A_77 : memref<1x1x!tpu.dma_semaphore, #tpu.memory_space<semaphore_mem>> -> memref<!tpu.dma_semaphore, #tpu.memory_space<semaphore_mem>>
    %dma_wait3A_79 = arith.constant 0 : i32
    %dma_wait3A_80 = tpu.memref_slice %arg5[%add3A_67, %dma_wait3A_79] : memref<320000x128xf32, #tpu.memory_space<hbm>> -> memref<48x128xf32, #tpu.memory_space<hbm>>
    %dma_wait3A_81 = arith.constant 32 : i32
    %dma_wait3A_82 = arith.constant 0 : i32
    %dma_wait3A_83 = tpu.memref_slice %arg8[%dma_wait3A_68, %dma_wait3A_81, %dma_wait3A_82] : memref<4x80x128xf32, #tpu.memory_space<vmem>> -> memref<1x48x128xf32, #tpu.memory_space<vmem>>
    %dma_wait3A_84 = tpu.memref_squeeze %dma_wait3A_83 : memref<1x48x128xf32, #tpu.memory_space<vmem>> -> memref<48x128xf32, #tpu.memory_space<vmem>>
    tpu.wait_dma2 semaphore(%dma_wait3A_78 : memref<!tpu.dma_semaphore, #tpu.memory_space<semaphore_mem>>) src(%dma_wait3A_84 : memref<48x128xf32, #tpu.memory_space<vmem>>) dst(%dma_wait3A_80 : memref<48x128xf32, #tpu.memory_space<hbm>>)
    %add3A_85 = arith.constant 9760 : i32
    %add3A_86 = arith.addi %mul3A_2, %add3A_85 : i32
    %add3A_87 = arith.constant 0 : i32
    %add3A_88 = arith.addi %add3A_86, %add3A_87 : i32
    %dma_wait3A_89 = arith.constant 2 : i32
    %dma_wait3A_90 = arith.constant 2 : i32
    %dma_wait3A_91 = arith.constant 0 : i32
    %dma_wait3A_92 = arith.constant 0 : i32
    %dma_wait3A_93 = arith.constant 0 : i32
    %dma_wait3A_94 = tpu.memref_slice %arg8[%dma_wait3A_89, %dma_wait3A_92, %dma_wait3A_93] : memref<4x80x128xf32, #tpu.memory_space<vmem>> -> memref<1x32x128xf32, #tpu.memory_space<vmem>>
    %dma_wait3A_95 = tpu.memref_squeeze %dma_wait3A_94 : memref<1x32x128xf32, #tpu.memory_space<vmem>> -> memref<32x128xf32, #tpu.memory_space<vmem>>
    %dma_wait3A_96 = arith.constant 0 : i32
    %dma_wait3A_97 = tpu.memref_slice %arg5[%add3A_88, %dma_wait3A_96] : memref<320000x128xf32, #tpu.memory_space<hbm>> -> memref<32x128xf32, #tpu.memory_space<hbm>>
    %dma_wait3A_98 = tpu.memref_slice %arg10[%dma_wait3A_90, %dma_wait3A_91] : memref<4x2x!tpu.dma_semaphore, #tpu.memory_space<semaphore_mem>> -> memref<1x1x!tpu.dma_semaphore, #tpu.memory_space<semaphore_mem>>
    %dma_wait3A_99 = tpu.memref_squeeze %dma_wait3A_98 : memref<1x1x!tpu.dma_semaphore, #tpu.memory_space<semaphore_mem>> -> memref<!tpu.dma_semaphore, #tpu.memory_space<semaphore_mem>>
    %dma_wait3A_100 = arith.constant 0 : i32
    %dma_wait3A_101 = tpu.memref_slice %arg5[%add3A_88, %dma_wait3A_100] : memref<320000x128xf32, #tpu.memory_space<hbm>> -> memref<32x128xf32, #tpu.memory_space<hbm>>
    %dma_wait3A_102 = arith.constant 0 : i32
    %dma_wait3A_103 = arith.constant 0 : i32
    %dma_wait3A_104 = tpu.memref_slice %arg8[%dma_wait3A_89, %dma_wait3A_102, %dma_wait3A_103] : memref<4x80x128xf32, #tpu.memory_space<vmem>> -> memref<1x32x128xf32, #tpu.memory_space<vmem>>
    %dma_wait3A_105 = tpu.memref_squeeze %dma_wait3A_104 : memref<1x32x128xf32, #tpu.memory_space<vmem>> -> memref<32x128xf32, #tpu.memory_space<vmem>>
    tpu.wait_dma2 semaphore(%dma_wait3A_99 : memref<!tpu.dma_semaphore, #tpu.memory_space<semaphore_mem>>) src(%dma_wait3A_105 : memref<32x128xf32, #tpu.memory_space<vmem>>) dst(%dma_wait3A_101 : memref<32x128xf32, #tpu.memory_space<hbm>>)
    %add3A_106 = arith.constant 9760 : i32
    %add3A_107 = arith.addi %mul3A_2, %add3A_106 : i32
    %add3A_108 = arith.constant 32 : i32
    %add3A_109 = arith.addi %add3A_107, %add3A_108 : i32
    %dma_wait3A_110 = arith.constant 2 : i32
    %dma_wait3A_111 = arith.constant 2 : i32
    %dma_wait3A_112 = arith.constant 1 : i32
    %dma_wait3A_113 = arith.constant 32 : i32
    %dma_wait3A_114 = arith.constant 0 : i32
    %dma_wait3A_115 = tpu.memref_slice %arg8[%dma_wait3A_110, %dma_wait3A_113, %dma_wait3A_114] : memref<4x80x128xf32, #tpu.memory_space<vmem>> -> memref<1x48x128xf32, #tpu.memory_space<vmem>>
    %dma_wait3A_116 = tpu.memref_squeeze %dma_wait3A_115 : memref<1x48x128xf32, #tpu.memory_space<vmem>> -> memref<48x128xf32, #tpu.memory_space<vmem>>
    %dma_wait3A_117 = arith.constant 0 : i32
    %dma_wait3A_118 = tpu.memref_slice %arg5[%add3A_109, %dma_wait3A_117] : memref<320000x128xf32, #tpu.memory_space<hbm>> -> memref<48x128xf32, #tpu.memory_space<hbm>>
    %dma_wait3A_119 = tpu.memref_slice %arg10[%dma_wait3A_111, %dma_wait3A_112] : memref<4x2x!tpu.dma_semaphore, #tpu.memory_space<semaphore_mem>> -> memref<1x1x!tpu.dma_semaphore, #tpu.memory_space<semaphore_mem>>
    %dma_wait3A_120 = tpu.memref_squeeze %dma_wait3A_119 : memref<1x1x!tpu.dma_semaphore, #tpu.memory_space<semaphore_mem>> -> memref<!tpu.dma_semaphore, #tpu.memory_space<semaphore_mem>>
    %dma_wait3A_121 = arith.constant 0 : i32
    %dma_wait3A_122 = tpu.memref_slice %arg5[%add3A_109, %dma_wait3A_121] : memref<320000x128xf32, #tpu.memory_space<hbm>> -> memref<48x128xf32, #tpu.memory_space<hbm>>
    %dma_wait3A_123 = arith.constant 32 : i32
    %dma_wait3A_124 = arith.constant 0 : i32
    %dma_wait3A_125 = tpu.memref_slice %arg8[%dma_wait3A_110, %dma_wait3A_123, %dma_wait3A_124] : memref<4x80x128xf32, #tpu.memory_space<vmem>> -> memref<1x48x128xf32, #tpu.memory_space<vmem>>
    %dma_wait3A_126 = tpu.memref_squeeze %dma_wait3A_125 : memref<1x48x128xf32, #tpu.memory_space<vmem>> -> memref<48x128xf32, #tpu.memory_space<vmem>>
    tpu.wait_dma2 semaphore(%dma_wait3A_120 : memref<!tpu.dma_semaphore, #tpu.memory_space<semaphore_mem>>) src(%dma_wait3A_126 : memref<48x128xf32, #tpu.memory_space<vmem>>) dst(%dma_wait3A_122 : memref<48x128xf32, #tpu.memory_space<hbm>>)
    %add3A_127 = arith.constant 9840 : i32
    %add3A_128 = arith.addi %mul3A_2, %add3A_127 : i32
    %add3A_129 = arith.constant 0 : i32
    %add3A_130 = arith.addi %add3A_128, %add3A_129 : i32
    %dma_wait3A_131 = arith.constant 3 : i32
    %dma_wait3A_132 = arith.constant 3 : i32
    %dma_wait3A_133 = arith.constant 0 : i32
    %dma_wait3A_134 = arith.constant 0 : i32
    %dma_wait3A_135 = arith.constant 0 : i32
    %dma_wait3A_136 = tpu.memref_slice %arg8[%dma_wait3A_131, %dma_wait3A_134, %dma_wait3A_135] : memref<4x80x128xf32, #tpu.memory_space<vmem>> -> memref<1x32x128xf32, #tpu.memory_space<vmem>>
    %dma_wait3A_137 = tpu.memref_squeeze %dma_wait3A_136 : memref<1x32x128xf32, #tpu.memory_space<vmem>> -> memref<32x128xf32, #tpu.memory_space<vmem>>
    %dma_wait3A_138 = arith.constant 0 : i32
    %dma_wait3A_139 = tpu.memref_slice %arg5[%add3A_130, %dma_wait3A_138] : memref<320000x128xf32, #tpu.memory_space<hbm>> -> memref<32x128xf32, #tpu.memory_space<hbm>>
    %dma_wait3A_140 = tpu.memref_slice %arg10[%dma_wait3A_132, %dma_wait3A_133] : memref<4x2x!tpu.dma_semaphore, #tpu.memory_space<semaphore_mem>> -> memref<1x1x!tpu.dma_semaphore, #tpu.memory_space<semaphore_mem>>
    %dma_wait3A_141 = tpu.memref_squeeze %dma_wait3A_140 : memref<1x1x!tpu.dma_semaphore, #tpu.memory_space<semaphore_mem>> -> memref<!tpu.dma_semaphore, #tpu.memory_space<semaphore_mem>>
    %dma_wait3A_142 = arith.constant 0 : i32
    %dma_wait3A_143 = tpu.memref_slice %arg5[%add3A_130, %dma_wait3A_142] : memref<320000x128xf32, #tpu.memory_space<hbm>> -> memref<32x128xf32, #tpu.memory_space<hbm>>
    %dma_wait3A_144 = arith.constant 0 : i32
    %dma_wait3A_145 = arith.constant 0 : i32
    %dma_wait3A_146 = tpu.memref_slice %arg8[%dma_wait3A_131, %dma_wait3A_144, %dma_wait3A_145] : memref<4x80x128xf32, #tpu.memory_space<vmem>> -> memref<1x32x128xf32, #tpu.memory_space<vmem>>
    %dma_wait3A_147 = tpu.memref_squeeze %dma_wait3A_146 : memref<1x32x128xf32, #tpu.memory_space<vmem>> -> memref<32x128xf32, #tpu.memory_space<vmem>>
    tpu.wait_dma2 semaphore(%dma_wait3A_141 : memref<!tpu.dma_semaphore, #tpu.memory_space<semaphore_mem>>) src(%dma_wait3A_147 : memref<32x128xf32, #tpu.memory_space<vmem>>) dst(%dma_wait3A_143 : memref<32x128xf32, #tpu.memory_space<hbm>>)
    %add3A_148 = arith.constant 9840 : i32
    %add3A_149 = arith.addi %mul3A_2, %add3A_148 : i32
    %add3A_150 = arith.constant 32 : i32
    %add3A_151 = arith.addi %add3A_149, %add3A_150 : i32
    %dma_wait3A_152 = arith.constant 3 : i32
    %dma_wait3A_153 = arith.constant 3 : i32
    %dma_wait3A_154 = arith.constant 1 : i32
    %dma_wait3A_155 = arith.constant 32 : i32
    %dma_wait3A_156 = arith.constant 0 : i32
    %dma_wait3A_157 = tpu.memref_slice %arg8[%dma_wait3A_152, %dma_wait3A_155, %dma_wait3A_156] : memref<4x80x128xf32, #tpu.memory_space<vmem>> -> memref<1x48x128xf32, #tpu.memory_space<vmem>>
    %dma_wait3A_158 = tpu.memref_squeeze %dma_wait3A_157 : memref<1x48x128xf32, #tpu.memory_space<vmem>> -> memref<48x128xf32, #tpu.memory_space<vmem>>
    %dma_wait3A_159 = arith.constant 0 : i32
    %dma_wait3A_160 = tpu.memref_slice %arg5[%add3A_151, %dma_wait3A_159] : memref<320000x128xf32, #tpu.memory_space<hbm>> -> memref<48x128xf32, #tpu.memory_space<hbm>>
    %dma_wait3A_161 = tpu.memref_slice %arg10[%dma_wait3A_153, %dma_wait3A_154] : memref<4x2x!tpu.dma_semaphore, #tpu.memory_space<semaphore_mem>> -> memref<1x1x!tpu.dma_semaphore, #tpu.memory_space<semaphore_mem>>
    %dma_wait3A_162 = tpu.memref_squeeze %dma_wait3A_161 : memref<1x1x!tpu.dma_semaphore, #tpu.memory_space<semaphore_mem>> -> memref<!tpu.dma_semaphore, #tpu.memory_space<semaphore_mem>>
    %dma_wait3A_163 = arith.constant 0 : i32
    %dma_wait3A_164 = tpu.memref_slice %arg5[%add3A_151, %dma_wait3A_163] : memref<320000x128xf32, #tpu.memory_space<hbm>> -> memref<48x128xf32, #tpu.memory_space<hbm>>
    %dma_wait3A_165 = arith.constant 32 : i32
    %dma_wait3A_166 = arith.constant 0 : i32
    %dma_wait3A_167 = tpu.memref_slice %arg8[%dma_wait3A_152, %dma_wait3A_165, %dma_wait3A_166] : memref<4x80x128xf32, #tpu.memory_space<vmem>> -> memref<1x48x128xf32, #tpu.memory_space<vmem>>
    %dma_wait3A_168 = tpu.memref_squeeze %dma_wait3A_167 : memref<1x48x128xf32, #tpu.memory_space<vmem>> -> memref<48x128xf32, #tpu.memory_space<vmem>>
    tpu.wait_dma2 semaphore(%dma_wait3A_162 : memref<!tpu.dma_semaphore, #tpu.memory_space<semaphore_mem>>) src(%dma_wait3A_168 : memref<48x128xf32, #tpu.memory_space<vmem>>) dst(%dma_wait3A_164 : memref<48x128xf32, #tpu.memory_space<hbm>>)
    %add3A_169 = arith.constant 9920 : i32
    %add3A_170 = arith.addi %mul3A_2, %add3A_169 : i32
    %add3A_171 = arith.constant 0 : i32
    %add3A_172 = arith.addi %add3A_170, %add3A_171 : i32
    %dma_wait3A_173 = arith.constant 0 : i32
    %dma_wait3A_174 = arith.constant 0 : i32
    %dma_wait3A_175 = arith.constant 0 : i32
    %dma_wait3A_176 = arith.constant 0 : i32
    %dma_wait3A_177 = arith.constant 0 : i32
    %dma_wait3A_178 = tpu.memref_slice %arg8[%dma_wait3A_173, %dma_wait3A_176, %dma_wait3A_177] : memref<4x80x128xf32, #tpu.memory_space<vmem>> -> memref<1x32x128xf32, #tpu.memory_space<vmem>>
    %dma_wait3A_179 = tpu.memref_squeeze %dma_wait3A_178 : memref<1x32x128xf32, #tpu.memory_space<vmem>> -> memref<32x128xf32, #tpu.memory_space<vmem>>
    %dma_wait3A_180 = arith.constant 0 : i32
    %dma_wait3A_181 = tpu.memref_slice %arg5[%add3A_172, %dma_wait3A_180] : memref<320000x128xf32, #tpu.memory_space<hbm>> -> memref<32x128xf32, #tpu.memory_space<hbm>>
    %dma_wait3A_182 = tpu.memref_slice %arg10[%dma_wait3A_174, %dma_wait3A_175] : memref<4x2x!tpu.dma_semaphore, #tpu.memory_space<semaphore_mem>> -> memref<1x1x!tpu.dma_semaphore, #tpu.memory_space<semaphore_mem>>
    %dma_wait3A_183 = tpu.memref_squeeze %dma_wait3A_182 : memref<1x1x!tpu.dma_semaphore, #tpu.memory_space<semaphore_mem>> -> memref<!tpu.dma_semaphore, #tpu.memory_space<semaphore_mem>>
    %dma_wait3A_184 = arith.constant 0 : i32
    %dma_wait3A_185 = tpu.memref_slice %arg5[%add3A_172, %dma_wait3A_184] : memref<320000x128xf32, #tpu.memory_space<hbm>> -> memref<32x128xf32, #tpu.memory_space<hbm>>
    %dma_wait3A_186 = arith.constant 0 : i32
    %dma_wait3A_187 = arith.constant 0 : i32
    %dma_wait3A_188 = tpu.memref_slice %arg8[%dma_wait3A_173, %dma_wait3A_186, %dma_wait3A_187] : memref<4x80x128xf32, #tpu.memory_space<vmem>> -> memref<1x32x128xf32, #tpu.memory_space<vmem>>
    %dma_wait3A_189 = tpu.memref_squeeze %dma_wait3A_188 : memref<1x32x128xf32, #tpu.memory_space<vmem>> -> memref<32x128xf32, #tpu.memory_space<vmem>>
    tpu.wait_dma2 semaphore(%dma_wait3A_183 : memref<!tpu.dma_semaphore, #tpu.memory_space<semaphore_mem>>) src(%dma_wait3A_189 : memref<32x128xf32, #tpu.memory_space<vmem>>) dst(%dma_wait3A_185 : memref<32x128xf32, #tpu.memory_space<hbm>>)
    %add3A_190 = arith.constant 9920 : i32
    %add3A_191 = arith.addi %mul3A_2, %add3A_190 : i32
    %add3A_192 = arith.constant 32 : i32
    %add3A_193 = arith.addi %add3A_191, %add3A_192 : i32
    %dma_wait3A_194 = arith.constant 0 : i32
    %dma_wait3A_195 = arith.constant 0 : i32
    %dma_wait3A_196 = arith.constant 1 : i32
    %dma_wait3A_197 = arith.constant 32 : i32
    %dma_wait3A_198 = arith.constant 0 : i32
    %dma_wait3A_199 = tpu.memref_slice %arg8[%dma_wait3A_194, %dma_wait3A_197, %dma_wait3A_198] : memref<4x80x128xf32, #tpu.memory_space<vmem>> -> memref<1x48x128xf32, #tpu.memory_space<vmem>>
    %dma_wait3A_200 = tpu.memref_squeeze %dma_wait3A_199 : memref<1x48x128xf32, #tpu.memory_space<vmem>> -> memref<48x128xf32, #tpu.memory_space<vmem>>
    %dma_wait3A_201 = arith.constant 0 : i32
    %dma_wait3A_202 = tpu.memref_slice %arg5[%add3A_193, %dma_wait3A_201] : memref<320000x128xf32, #tpu.memory_space<hbm>> -> memref<48x128xf32, #tpu.memory_space<hbm>>
    %dma_wait3A_203 = tpu.memref_slice %arg10[%dma_wait3A_195, %dma_wait3A_196] : memref<4x2x!tpu.dma_semaphore, #tpu.memory_space<semaphore_mem>> -> memref<1x1x!tpu.dma_semaphore, #tpu.memory_space<semaphore_mem>>
    %dma_wait3A_204 = tpu.memref_squeeze %dma_wait3A_203 : memref<1x1x!tpu.dma_semaphore, #tpu.memory_space<semaphore_mem>> -> memref<!tpu.dma_semaphore, #tpu.memory_space<semaphore_mem>>
    %dma_wait3A_205 = arith.constant 0 : i32
    %dma_wait3A_206 = tpu.memref_slice %arg5[%add3A_193, %dma_wait3A_205] : memref<320000x128xf32, #tpu.memory_space<hbm>> -> memref<48x128xf32, #tpu.memory_space<hbm>>
    %dma_wait3A_207 = arith.constant 32 : i32
    %dma_wait3A_208 = arith.constant 0 : i32
    %dma_wait3A_209 = tpu.memref_slice %arg8[%dma_wait3A_194, %dma_wait3A_207, %dma_wait3A_208] : memref<4x80x128xf32, #tpu.memory_space<vmem>> -> memref<1x48x128xf32, #tpu.memory_space<vmem>>
    %dma_wait3A_210 = tpu.memref_squeeze %dma_wait3A_209 : memref<1x48x128xf32, #tpu.memory_space<vmem>> -> memref<48x128xf32, #tpu.memory_space<vmem>>
    tpu.wait_dma2 semaphore(%dma_wait3A_204 : memref<!tpu.dma_semaphore, #tpu.memory_space<semaphore_mem>>) src(%dma_wait3A_210 : memref<48x128xf32, #tpu.memory_space<vmem>>) dst(%dma_wait3A_206 : memref<48x128xf32, #tpu.memory_space<hbm>>)
    return
  }
}

module attributes {stable_mosaic.version = 14 : i64} {
  func.func @_proj_body(%arg0: memref<240x128xf32, #tpu.memory_space<vmem>>, %arg1: memref<128x128xf32, #tpu.memory_space<vmem>>, %arg2: memref<1x128xf32, #tpu.memory_space<vmem>>, %arg3: memref<240x128xf32, #tpu.memory_space<vmem>>) attributes {dimension_semantics = [], scalar_prefetch = 0 : i64, scratch_operands = 0 : i64, tpu.core_type = #tpu.core_type<tc>} {
    %get3A = arith.constant 0 : index
    %get3A_0 = arith.constant 0 : index
    %get3A_1 = vector.load %arg0[%get3A, %get3A_0] : memref<240x128xf32, #tpu.memory_space<vmem>>, vector<240x128xf32>
    %get3A_2 = arith.constant 0 : index
    %get3A_3 = arith.constant 0 : index
    %get3A_4 = vector.load %arg1[%get3A_2, %get3A_3] : memref<128x128xf32, #tpu.memory_space<vmem>>, vector<128x128xf32>
    %dot_general3A = arith.constant dense<0.000000e+00> : vector<240x128xf32>
    %dot_general3A_5 = tpu.matmul %get3A_1, %get3A_4, %dot_general3A {dimension_numbers = #tpu.dot_dimension_numbers<[1], [1], [0], [0], [0, 0, 1, 0], [], []>, transpose_lhs_hint = false} : vector<240x128xf32>, vector<128x128xf32>, vector<240x128xf32> -> vector<240x128xf32>
    %get3A_6 = arith.constant 0 : index
    %get3A_7 = arith.constant 0 : index
    %get3A_8 = vector.load %arg2[%get3A_6, %get3A_7] : memref<1x128xf32, #tpu.memory_space<vmem>>, vector<1x128xf32>
    %add3A = vector.broadcast %get3A_8 : vector<1x128xf32> to vector<240x128xf32>
    %add3A_9 = arith.addf %dot_general3A_5, %add3A : vector<240x128xf32>
    %swap3A = arith.constant 0 : index
    %swap3A_10 = arith.constant 0 : index
    %swap3A_11 = vector.load %arg3[%swap3A, %swap3A_10] : memref<240x128xf32, #tpu.memory_space<vmem>>, vector<240x128xf32>
    tpu.vector_store %arg3[%swap3A, %swap3A_10], %add3A_9 {strides = array<i32>} : memref<240x128xf32, #tpu.memory_space<vmem>>, vector<240x128xf32>,
    return
  }
}

</mosaic_0001>

<sc_bundles>
// kernel: kernel.4.cloned.1.call-start
scs
__scs_entry_jumppad:
0x0: {  	(pc) =	sbr.rel $0x88, $3  }
0x1: {  	(tag) =	ssettag $0x0;
	lr =	simm.s32 $0x1  }
0x2: {  	[smem:$0x3F9C] =	sst lr;
	_ =	strace $0xD0000000  }
0x3: {  	_ = 	snop  }
0x4: {  	_ = 	snop  }
0x5: {  	_ = 	snop  }
0x6: {  	_ = 	snop  }
0x7: {  	_ = 	snop  }
__scs_overlays_trampoline_lowered:
0x8: {  	[smem:$0x3FAB] =	sst s0  }
0x9: {  	[smem:$0x3FAC] =	sst s1  }
0xa: {  	[smem:$0x3FAD] =	sst s2  }
0xb: {  	[smem:$0x3FAE] =	sst s3  }
0xc: {  	[smem:$0x3FAF] =	sst s4  }
0xd: {  	[smem:$0x3FB0] =	sst s5  }
0xe: {  	[smem:$0x3FB1] =	sst s6  }
0xf: {  	[smem:$0x3FB2] =	sst s7  }
0x10: {  	[smem:$0x3FB3] =	sst s8  }
0x11: {  	[smem:$0x3FB4] =	sst s9;
	s0 =	simm.s32 @!p0 $0x0  }
0x12: {  	s1 =	sld [smem:$0x3F9A];
	s0 =	simm.s32 @p0 $0x1  }
0x13: {  	[smem:$0x3FB5] =	sst s0;
	s0 =	simm.s32 @!p1 $0x0  }
0x14: {  	s2 =	sld [smem:$0x3F99];
	s0 =	simm.s32 @p1 $0x1  }
0x15: {  	[smem:$0x3FB6] =	sst s0;
	s0 =	simm.s32 @!p2 $0x0  }
0x16: {  	s3 =	sld [smem:$0x3FDB];
	s0 =	simm.s32 @p2 $0x1  }
0x17: {  	s4 =	simm.s32 $0x1BF5;
	[smem:$0x3FB8] =	sst s0  }
0x18: {  	s0 =	sld [smem:$0x3F9B];
	_ =	swait.ge [sflag:s4], $0x0  }
0x19: {  	s7 =	sld [smem:$0x3F9C]  }
0x1a: {  	s8 =	sadd.s32 $0xFFFFE003, lr  }
0x1b: {  	s9 =	sadd.s32 $0xFFFFFEF7, lr;
	s5 =	simm.s32 $0xFFFFFFFF;
	p2 =	slt.u32 s8, $0xFFFFF086  }
0x1c: {  	p1 =	slt.u32 s9, $0xF7A;
	s5 =	simm.s32 @!p2 $0x0  }
0x1d: {  	s5 =	simm.s32 @p1 $0x1;
	p0 =	seq.s32 s7, s2  }
0x1e: {  	s7 =	smul.u32 @!p0 $0xF7A, s2;
	p2 =	seq.s32 @!p0 s5, $0x0  }
0x1f: {  	s9 =	smul.u32 $0xF7A, s1;
	s8 =	simm.s32 @!p0 $0x1BF5;
	p2 =	por !p2, p0  }
0x20: {  	[sflag:s8] =	ssyncset.s32 @!p0 $0xFFFFF086;
	s6 =	sadd.s32 @!p0 s3, s7;
	s7 =	simm.s32 @!p0 $0x108  }
0x21: {  	s3 =	sadd.s32 s3, s9;
	s6 =	sadd.s32 @!p0 $0x88, s6;
	s7 =	simm.s32 @p2 $0x1082  }
0x22: {  	[simem:s7], [sflag:s8] =	dma.local @!p0 [hbm:s6], $0xF7A  }
0x23: {  	s9 =	sor.u32 $0xD0000000, s2;
	s6 =	simm.s32 $0x108;
	_ =	swait.ge @!p0 [sflag:s8], $0x0  }
0x24: {  	s3 =	sadd.s32 $0x88, s3;
	s6 =	simm.s32 @!p1 $0x1082;
	[sflag:s4] =	ssyncset.s32 $0xFFFFF086  }
0x25: {  	[simem:s6], [sflag:s4] =	dma.local [hbm:s3], $0xF7A  }
0x26: {  	[smem:$0x3F9C] =	sst s1;
	(tag) =	ssettag s2;
	_ =	strace s9  }
0x27: {  	s1 =	sld [smem:$0x3FAC]  }
0x28: {  	s2 =	sld [smem:$0x3FAD]  }
0x29: {  	s4 =	sld [smem:$0x3FAF]  }
0x2a: {  	p0 =	seq.s32 s5, $0x0;
	s5 =	sld [smem:$0x3FB0]  }
0x2b: {  	s6 =	sld [smem:$0x3FB1]  }
0x2c: {  	s7 =	sld [smem:$0x3FB2]  }
0x2d: {  	s3 =	simm.s32 $0x108;
	s8 =	sld [smem:$0x3FB3]  }
0x2e: {  	s3 =	simm.s32 @!p0 $0x1082;
	s9 =	sld [smem:$0x3FB4]  }
0x2f: {  	lr =	sadd.s32 s0, s3;
	s0 =	sld [smem:$0x3FAB]  }
0x30: {  	s3 =	sld [smem:$0x3FAE]  }
0x31: {  	[smem:$0x3FB7] =	sst s10  }
0x32: {  	s10 =	sld [smem:$0x3FB5];
	_ =	sdelay $0x3  }
0x33: {  	p0 =	seq.s32 s10, $0x1;
	s10 =	sld [smem:$0x3FB7];
	_ =	sdelay $0x3  }
0x34: {  	[smem:$0x3FB7] =	sst s10  }
0x35: {  	s10 =	sld [smem:$0x3FB6];
	_ =	sdelay $0x3  }
0x36: {  	p1 =	seq.s32 s10, $0x1;
	s10 =	sld [smem:$0x3FB7];
	_ =	sdelay $0x3  }
0x37: {  	[smem:$0x3FB7] =	sst s10  }
0x38: {  	s10 =	sld [smem:$0x3FB8]  }
0x39: {  	_ = 	snop;
	(pc) =	sbr.ind lr, $3  }
0x3a: {  	_ = 	snop  }
0x3b: {  	_ = 	snop  }
0x3c: {  	p2 =	seq.s32 s10, $0x1;
	s10 =	sld [smem:$0x3FB7]  }
0x3d: {  	_ =	shalt  }
0x3e: {  	_ =	shalt  }
0x3f: {  	_ =	shalt  }
0x40: {  	_ =	shalt  }
0x41: {  	_ =	shalt  }
0x42: {  	_ =	shalt  }
0x43: {  	_ =	shalt  }
0x44: {  	_ =	shalt  }
0x45: {  	_ =	shalt  }
0x46: {  	_ =	shalt  }
0x47: {  	_ =	shalt  }
0x48: {  	_ =	shalt  }
0x49: {  	_ =	shalt  }
0x4a: {  	_ =	shalt  }
0x4b: {  	_ =	shalt  }
0x4c: {  	_ =	shalt  }
0x4d: {  	_ =	shalt  }
0x4e: {  	_ =	shalt  }
0x4f: {  	_ =	shalt  }
0x50: {  	_ =	shalt  }
0x51: {  	_ =	shalt  }
0x52: {  	_ =	shalt  }
0x53: {  	_ =	shalt  }
0x54: {  	_ =	shalt  }
0x55: {  	_ =	shalt  }
0x56: {  	_ =	shalt  }
0x57: {  	_ =	shalt  }
0x58: {  	_ =	shalt  }
0x59: {  	_ =	shalt  }
0x5a: {  	_ =	shalt  }
0x5b: {  	_ =	shalt  }
0x5c: {  	_ =	shalt  }
0x5d: {  	_ =	shalt  }
0x5e: {  	_ =	shalt  }
0x5f: {  	_ =	shalt  }
0x60: {  	_ =	shalt  }
0x61: {  	_ =	shalt  }
0x62: {  	_ =	shalt  }
0x63: {  	_ =	shalt  }
0x64: {  	_ =	shalt  }
0x65: {  	_ =	shalt  }
0x66: {  	_ =	shalt  }
0x67: {  	_ =	shalt  }
0x68: {  	_ =	shalt  }
0x69: {  	_ =	shalt  }
0x6a: {  	_ =	shalt  }
0x6b: {  	_ =	shalt  }
0x6c: {  	_ =	shalt  }
0x6d: {  	_ =	shalt  }
0x6e: {  	_ =	shalt  }
0x6f: {  	_ =	shalt  }
0x70: {  	_ =	shalt  }
0x71: {  	_ =	shalt  }
0x72: {  	_ =	shalt  }
0x73: {  	_ =	shalt  }
0x74: {  	_ =	shalt  }
0x75: {  	_ =	shalt  }
0x76: {  	_ =	shalt  }
0x77: {  	_ =	shalt  }
0x78: {  	_ =	shalt  }
0x79: {  	_ =	shalt  }
0x7a: {  	_ =	shalt  }
0x7b: {  	_ =	shalt  }
0x7c: {  	_ =	shalt  }
0x7d: {  	_ =	shalt  }
0x7e: {  	_ =	shalt  }
0x7f: {  	_ =	shalt  }
0x80: {  	_ =	shalt  }
0x81: {  	_ =	shalt  }
0x82: {  	_ =	shalt  }
0x83: {  	_ =	shalt  }
0x84: {  	_ =	shalt  }
0x85: {  	_ =	shalt  }
0x86: {  	_ =	shalt  }
0x87: {  	_ =	shalt  }
.Lfunc_end0:
.L_simem_size_0:
called_computation_lowered:
.L_overlay_start_0:
0x88: {  	s2 =	sld [smem:$0x3FD9]  }
0x89: {  	s3 =	sld [smem:$0x3FFE];
	_ =	sdelay $0x1  }
0x8a: {  	s1 =	srdreg.scid  }
0x8b: {  	s0 =	sand.u32 $0x1, s1  }
0x8c: {  	s17 =	sshll.u32 s0, $0xA;
	s2 =	sadd.s32 s3, s2  }
0x8d: {  	s2 =	sadd.s32 s2, s17  }
0x8e: {  	[smem:$0x3FC3] =	sst s2  }
0x8f: {  	_ = 	snop  }
0x90: {  	s2 =	sld [smem:$0x3FC9]  }
0x91: {  	s18 =	sld [smem:$0x3FD0];
	(tm) =	ssettm $0x1  }
0x92: {  	s4 =	sld [smem:$0x3FFB];
	_ =	sdelay $0x3  }
0x93: {  	_ =	strace s4  }
0x94: {  	s4 =	sld [smem:$0x3FFC];
	_ =	sdelay $0x3  }
0x95: {  	_ =	strace s4  }
0x96: {  	s4 =	sld [smem:$0x3FFD];
	_ =	sdelay $0x3  }
0x97: {  	_ =	strace s4  }
0x98: {  	_ =	strace $0x8FFFFFFF  }
0x99: {  	s19 =	sld [smem:$0x3FDB];
	_ =	sdelay $0x1  }
0x9a: {  	s5 =	simm.s32 $_scs_section_size  }
0x9b: {  	s6 =	simm.s32 $_size__tile_overlayer_lowered;
	s7 =	simm.s32 $_tile_overlayer_lowered  }
0x9c: {  	s22 =	simm.s32 $0x1BFF;
	s21 =	sshll.u32 s7, $0x1;
	s4 =	sadd.s32 s5, s19  }
0x9d: {  	s8 =	simm.s32 $0x0;
	s20 =	sshll.u32 s6, $0x1;
	s6 =	sadd.s32 s21, s4  }
0x9e: {  	[timem:s8], [sflag:s22] =	dma.local [hbm:s6], s20  }
0x9f: {  	_ =	swait.ge [sflag:s22], s20  }
0xa0: {  	s5 =	ssub.s32 $0x0, s20;
	[sflag:s22] =	ssyncset.done $0x0  }
0xa1: {  	[sflag:s22] =	ssyncadd.s32 s5;
	_ =	sdelay $0x1  }
0xa2: {  	s23 =	simm.s32 $0x1B8B  }
0xa3: {  	_ =	swait.ge [sflag:s23], $0x1  }
0xa4: {  	[sflag:s23] =	ssyncset.done $0x0  }
0xa5: {  	s25 =	simm.s32 $0x1B8E;
	s24 =	sld [smem:$0x3FFE];
	[sflag:s23] =	ssyncadd.s32 $0xFFFFFFFF  }
0xa6: {  	s26 =	simm.s32 $execute0_lowered;
	[smem:$0x3FD2] =	sst s25  }
0xa7: {  	s6 =	sshll.u32 s26, $0x1;
	_ =	strace $0x80000046;
	[dreg:$0x1] =	wrdreg $0xFFFFFFFF  }
0xa8: {  	s28 =	simm.s32 $_size_execute0_lowered;
	s4 =	sadd.s32 s4, s6;
	[dreg:$0x0] =	wrdreg $0x0  }
0xa9: {  	s6 =	sshll.u32 s28, $0x1;
	[dreg:$0x2] =	wrdreg s4  }
0xaa: {  	[dreg:$0x3] =	wrdreg s6  }
0xab: {  	[dreg:$0x4] =	wrdreg $0xC0  }
0xac: {  	_ =	task [dreg:s8], $0x5FFFF  }
0xad: {  	[dreg:$0x1] =	wrdreg $0xFFFFFFFF  }
0xae: {  	[dreg:$0x0] =	wrdreg $0x60  }
0xaf: {  	[dreg:$0x2] =	wrdreg s2  }
0xb0: {  	[dreg:$0x3] =	wrdreg s24  }
0xb1: {  	[dreg:$0x4] =	wrdreg s18  }
0xb2: {  	[dreg:$0x5] =	wrdreg $0x9  }
0xb3: {  	_ =	task.clear_ibuf [dreg:s8], $0x6FFFF;
	_ =	strace $0x90000046  }
0xb4: {  	s29 =	simm.s32 $0x9;
	_ =	strace $0x80000048  }
0xb5: {  	_ =	swait.ge [sflag:s29], $0x1  }
0xb6: {  	[sflag:s29] =	ssyncadd.s32 $0xFFFFFFFF  }
0xb7: {  	_ =	strace $0x90000048  }
0xb8: {  	_ =	sfence  }
0xb9: {  	s30 =	sld [smem:$0x0];
	_ =	sdelay $0x2  }
0xba: {  	s31 =	sshll.u32 s1, $0xD;
	s1 =	sshrl.u32 s1, $0x2  }
0xbb: {  	s3 =	sand.u32 $0x4000, s31;
	s1 =	sadd.s32 s1, s30  }
0xbc: {  	s0 =	sor.u32 s3, s0;
	s1 =	sshll.u32 s1, $0x11  }
0xbd: {  	s0 =	sor.u32 s1, s0  }
0xbe: {  	s0 =	sadd.s32 $0x8F2B, s0  }
0xbf: {  	[sflag:s0] =	ssyncadd.remote.s32 $0x1  }
0xc0: {  	_ =	sfence.sel $0xFFFF  }
0xc1: {  	[dreg:$0x0] =	wrdreg $0xFFFFFFFF;
	(pc) =	sbr.abs _section_cstart, $3  }
0xc2: {  	[dreg:$0x1] =	wrdreg $0xFFFFFFFF  }
0xc3: {  	_ =	task.clear_ibuf [dreg:s8], $0x2FFFF;
	_ =	strace $0x9FFFFFFF  }
0xc4: {  	(tm) =	ssettm $0x7FFFFFFF  }
0xc5: {  	_ =	shalt  }
tec
execute0_lowered:
.L_overlay_start_1:
0x0: {  	(tag) =	ssettag $0x1  }
0x1: {  	s1 =	rddreg [dreg:$0x0]  }
0x2: {  	s0 =	rddreg [dreg:$0x1]  }
0x3: {  	s3 =	rddreg [dreg:$0x2];
	s4 =	simm.s32 $0x0;
	s2 =	srdreg.scid  }
0x4: {  	s5 =	stileid.u32;
	s13 =	simm.s32 $0xD;
	s16 =	simm.s32 $0x7  }
0x5: {  	s17 =	simm.s32 $0x8;
	s18 =	simm.s32 $0x9;
	s19 =	simm.s32 $0xA  }
0x6: {  	s20 =	simm.s32 $0xB;
	s21 =	simm.s32 $0xC;
	s22 =	simm.s32 $0x5  }
0x7: {  	s23 =	simm.s32 $0x6;
	s24 =	simm.s32 $0x0;
	[smem:$0x7FF] =	sst s4  }
0x8: {  	s2 =	sand.u32 $0x1, s2;
	s5 =	sshll.u32 s5, $0x1;
	s10 =	sadd.s32 $0x200, s3  }
0x9: {  	_ =	strace $0x80000047;
	s6 =	sor.u32 s2, s5;
	s30 =	ssub.s32 $0x2, s2  }
0xa: {  	s5 =	sshll.u32 s6, $0xB;
	s7 =	smul.u32 $0x138800, s6;
	s2 =	sshrl.u32 s30, $0x1  }
0xb: {  	s9 =	smul.u32 $0x27100, s6;
	s8 =	sadd.s32 s5, s0;
	s0 =	sadd.s32 $0x10C00, s0  }
0xc: {  	s6 =	smul.u32 $0x2710, s6;
	[dreg:$0x4] =	wrdreg s0;
	s7 =	sshrl.u32 s7, $0x3  }
0xd: {  	s0 =	ssub.s32 s30, s2;
	s31 =	sadd.s32 s1, s7;
	s7 =	sadd.s32 $0xC00, s8  }
0xe: {  	s8 =	sadd.s32 s1, s9;
	s11 =	smax.u32 s0, $0x1;
	s9 =	sadd.s32 $0x500, s31  }
.LBB2_1:
0xf: {  	s0 =	rddreg [dreg:$0x4];
	s2 =	simm.s32 $0x4000  }
0x10: {  	[tilespmem:s2], [sflag:$0xD] =	stream.linear.gather [hbm4b:s0+s4], $0x7800, $0x38;
	[tilespmem:$0x15800] =	vst v63  }
0x11: {  	_ =	swait.ge [sflag:s13], $0x7800  }
0x12: {  	[sflag:s13] =	ssyncset.done $0x0  }
0x13: {  	[sflag:s13] =	ssyncadd.s32 $0xFFFF8800  }
0x14: {  	[tilespmem:s4], [sflag:$0xD] =	stream.linear.gather [hbm4b:s7+s4], $0x3E80, $0x38;
	[tilespmem:$0x15800] =	vst v63  }
0x15: {  	_ =	swait.ge [sflag:s13], $0x3E80  }
0x16: {  	[sflag:s13] =	ssyncset.done $0x0  }
0x17: {  	s30 =	simm.s32 $0xB800;
	s31 =	simm.s32 $0xE000;
	[sflag:s13] =	ssyncadd.s32 $0xFFFFC180  }
0x18: {  	[tilespmem:s30], [sflag:$0x1] =	stream.linear.gather [hbm4b:s8+s4], $0x2800, $0x38;
	[tilespmem:$0x15800] =	vst v63  }
0x19: {  	s14 =	simm.s32 $0x20;
	s26 =	simm.s32 $0x0;
	s28 =	simm.s32 $0x0  }
0x1a: {  	[tilespmem:s31], [sflag:$0x2] =	stream.linear.gather [hbm4b:s9+s4], $0x2800, $0x38;
	[tilespmem:$0x15800] =	vst v63  }
.LBB2_2:
0x1b: {  	p0 =	sgt.u32 s28, $0x7A  }
0x1c: {  	p1 =	slt.u32 @!p0 s28, $0x2  }
0x1d: {  	s0 =	sand.u32 $0x3, s28;
	p1 =	por p1, p0  }
0x1e: {  	s15 =	sand.u32 $0x3, s26;
	s2 =	sadd.s32 $0x1, s0;
	s12 =	sshll.u32 @!p1 s28, $0x1  }
0x1f: {  	s5 =	sshll.u32 s28, $0x7;
	_ =	swait.ge [sflag:s2], $0x2800;
	s12 =	sand.u32 @!p1 $0x6, s12  }
0x20: {  	s15 =	smul.u32 $0xA000, s15;
	[sflag:s2] =	ssyncset.done $0x0;
	s12 =	sxor.u32 @!p1 $0x4, s12  }
0x21: {  	[sflag:s2] =	ssyncadd.s32 $0xFFFFD800;
	s2 =	sadd.s32 $0x2, s28;
	s25 =	sadd.s32 @!p1 $0x5, s12  }
0x22: {  	s29 =	sand.u32 @!p0 $0x3, s2;
	s2 =	smul.u32 @!p0 $0x50, s2;
	_ =	swait.ge @!p1 [sflag:s25], $0x1000  }
0x23: {  	s31 =	sshrl.u32 s15, $0x2;
	s30 =	smul.u32 @!p0 $0xA000, s29;
	[sflag:s25] =	ssyncset.done @!p1 $0x0  }
0x24: {  	s12 =	sadd.s32 @!p1 $0x6, s12;
	s2 =	sadd.s32 @!p0 s6, s2;
	[sflag:s25] =	ssyncadd.s32 @!p1 $0xFFFFF000  }
0x25: {  	s29 =	sadd.s32 @!p0 $0x1, s29;
	s2 =	sshll.u32 @!p0 s2, $0x4;
	_ =	swait.ge @!p1 [sflag:s12], $0x1800  }
0x26: {  	s30 =	sshrl.u32 @!p0 s30, $0x2;
	s2 =	sadd.s32 @!p0 s1, s2;
	[sflag:s12] =	ssyncset.done @!p1 $0x0  }
0x27: {  	[sflag:s12] =	ssyncadd.s32 @!p1 $0xFFFFE800;
	s12 =	sadd.s32 @!p0 $0xB800, s30;
	s30 =	simm.s32 @!p0 $0x0  }
0x28: {  	[tilespmem:s12], [sflag:s29] =	stream.linear.gather @!p0 [hbm4b:s2+s30], $0x2800, $0x38;
	[tilespmem:$0x15800] =	vst v63  }
0x29: {  	s12 =	smul.u32 $0xA000, s0;
	s30 =	sadd.s32 $0xB800, s31;
	s31 =	sand.u32 $0x3FFFFF80, s5  }
0x2a: {  	s25 =	smul.u32 $0x50, s28;
	v0 =	vmov s31  }
0x2b: {  	s15 =	simm.s32 $0x0;
	s29 =	sshrl.u32 s12, $0x2  }
0x2c: {  	s2 =	sadd.s32 s6, s25;
	p0 =	por $0x1, $0x1;
	s12 =	sadd.s32 $0xB800, s29  }
.LBB2_3:
0x2d: {  	s25 =	sshll.u32 s15, $0x4  }
0x2e: {  	s25 =	sand.u32 $0x3FFFFFF0, s25  }
0x2f: {  	v1 =	vld.idx.msk [tilespmem:v0+s25+$0x0 ss:$0x1], $0xffff;
	_ =	sdelay $0x4  }
0x30: {  	v1 =	vshll.u32 v1, $0x9  }
0x31: {  	v1 =	vshra.s32 v1, $0x2  }
0x32: {  	(v2sf) =	vpush v1, $0x0;
	_ =	sdelay $0xe  }
0x33: {  	s31 =	spop (v2sf)  }
0x34: {  	v2 =	vld [tilespmem:s31+$0x4000];
	_ =	sdelay $0x1  }
0x35: {  	s5 =	sshll.u32 s15, $0xB  }
0x36: {  	s15 =	sand.u32 $0x3FFFF800, s5  }
0x37: {  	s15 =	sadd.s32 s15, s12  }
0x38: {  	[tilespmem:s15+$0x0] =	vst.add.f32.msk $0xffff, v2  }
0x39: {  	v2 =	vld [tilespmem:s31+$0x4010];
	_ =	sdelay $0x4  }
0x3a: {  	[tilespmem:s15+$0x10] =	vst.add.f32.msk $0xffff, v2  }
0x3b: {  	v2 =	vld [tilespmem:s31+$0x4020];
	_ =	sdelay $0x4  }
0x3c: {  	[tilespmem:s15+$0x20] =	vst.add.f32.msk $0xffff, v2  }
0x3d: {  	v2 =	vld [tilespmem:s31+$0x4030];
	_ =	sdelay $0x4  }
0x3e: {  	[tilespmem:s15+$0x30] =	vst.add.f32.msk $0xffff, v2  }
0x3f: {  	v2 =	vld [tilespmem:s31+$0x4040];
	_ =	sdelay $0x4  }
0x40: {  	[tilespmem:s15+$0x40] =	vst.add.f32.msk $0xffff, v2  }
0x41: {  	v2 =	vld [tilespmem:s31+$0x4050];
	_ =	sdelay $0x1  }
0x42: {  	(v2sf) =	vpush v1, $0x1;
	_ =	sdelay $0x2  }
0x43: {  	[tilespmem:s15+$0x50] =	vst.add.f32.msk $0xffff, v2  }
0x44: {  	v2 =	vld [tilespmem:s31+$0x4060];
	_ =	sdelay $0x4  }
0x45: {  	[tilespmem:s15+$0x60] =	vst.add.f32.msk $0xffff, v2  }
0x46: {  	v2 =	vld [tilespmem:s31+$0x4070];
	_ =	sdelay $0x4  }
0x47: {  	s31 =	spop (v2sf);
	[tilespmem:s15+$0x70] =	vst.add.f32.msk $0xffff, v2  }
0x48: {  	v2 =	vld [tilespmem:s31+$0x4000];
	_ =	sdelay $0x4  }
0x49: {  	[tilespmem:s15+$0x80] =	vst.add.f32.msk $0xffff, v2  }
0x4a: {  	v2 =	vld [tilespmem:s31+$0x4010];
	_ =	sdelay $0x4  }
0x4b: {  	[tilespmem:s15+$0x90] =	vst.add.f32.msk $0xffff, v2  }
0x4c: {  	v2 =	vld [tilespmem:s31+$0x4020];
	_ =	sdelay $0x4  }
0x4d: {  	[tilespmem:s15+$0xA0] =	vst.add.f32.msk $0xffff, v2  }
0x4e: {  	v2 =	vld [tilespmem:s31+$0x4030];
	_ =	sdelay $0x4  }
0x4f: {  	[tilespmem:s15+$0xB0] =	vst.add.f32.msk $0xffff, v2  }
0x50: {  	v2 =	vld [tilespmem:s31+$0x4040];
	_ =	sdelay $0x4  }
0x51: {  	[tilespmem:s15+$0xC0] =	vst.add.f32.msk $0xffff, v2  }
0x52: {  	v2 =	vld [tilespmem:s31+$0x4050];
	_ =	sdelay $0x1  }
0x53: {  	(v2sf) =	vpush v1, $0x2;
	_ =	sdelay $0x2  }
0x54: {  	[tilespmem:s15+$0xD0] =	vst.add.f32.msk $0xffff, v2  }
0x55: {  	v2 =	vld [tilespmem:s31+$0x4060];
	_ =	sdelay $0x4  }
0x56: {  	[tilespmem:s15+$0xE0] =	vst.add.f32.msk $0xffff, v2  }
0x57: {  	v2 =	vld [tilespmem:s31+$0x4070];
	_ =	sdelay $0x4  }
0x58: {  	s5 =	spop (v2sf);
	[tilespmem:s15+$0xF0] =	vst.add.f32.msk $0xffff, v2  }
0x59: {  	v2 =	vld [tilespmem:s5+$0x4000];
	_ =	sdelay $0x4  }
0x5a: {  	[tilespmem:s15+$0x100] =	vst.add.f32.msk $0xffff, v2  }
0x5b: {  	v2 =	vld [tilespmem:s5+$0x4010];
	_ =	sdelay $0x4  }
0x5c: {  	[tilespmem:s15+$0x110] =	vst.add.f32.msk $0xffff, v2  }
0x5d: {  	v2 =	vld [tilespmem:s5+$0x4020];
	_ =	sdelay $0x4  }
0x5e: {  	[tilespmem:s15+$0x120] =	vst.add.f32.msk $0xffff, v2  }
0x5f: {  	v2 =	vld [tilespmem:s5+$0x4030];
	_ =	sdelay $0x4  }
0x60: {  	[tilespmem:s15+$0x130] =	vst.add.f32.msk $0xffff, v2  }
0x61: {  	v2 =	vld [tilespmem:s5+$0x4040];
	_ =	sdelay $0x4  }
0x62: {  	[tilespmem:s15+$0x140] =	vst.add.f32.msk $0xffff, v2  }
0x63: {  	v2 =	vld [tilespmem:s5+$0x4050];
	_ =	sdelay $0x1  }
0x64: {  	(v2sf) =	vpush v1, $0x3;
	_ =	sdelay $0x2  }
0x65: {  	[tilespmem:s15+$0x150] =	vst.add.f32.msk $0xffff, v2  }
0x66: {  	v2 =	vld [tilespmem:s5+$0x4060];
	_ =	sdelay $0x4  }
0x67: {  	[tilespmem:s15+$0x160] =	vst.add.f32.msk $0xffff, v2  }
0x68: {  	v2 =	vld [tilespmem:s5+$0x4070];
	_ =	sdelay $0x4  }
0x69: {  	s31 =	spop (v2sf);
	[tilespmem:s15+$0x170] =	vst.add.f32.msk $0xffff, v2  }
0x6a: {  	v2 =	vld [tilespmem:s31+$0x4000];
	_ =	sdelay $0x4  }
0x6b: {  	[tilespmem:s15+$0x180] =	vst.add.f32.msk $0xffff, v2  }
0x6c: {  	v2 =	vld [tilespmem:s31+$0x4010];
	_ =	sdelay $0x4  }
0x6d: {  	[tilespmem:s15+$0x190] =	vst.add.f32.msk $0xffff, v2  }
0x6e: {  	v2 =	vld [tilespmem:s31+$0x4020];
	_ =	sdelay $0x4  }
0x6f: {  	[tilespmem:s15+$0x1A0] =	vst.add.f32.msk $0xffff, v2  }
0x70: {  	v2 =	vld [tilespmem:s31+$0x4030];
	_ =	sdelay $0x4  }
0x71: {  	[tilespmem:s15+$0x1B0] =	vst.add.f32.msk $0xffff, v2  }
0x72: {  	v2 =	vld [tilespmem:s31+$0x4040];
	_ =	sdelay $0x4  }
0x73: {  	[tilespmem:s15+$0x1C0] =	vst.add.f32.msk $0xffff, v2  }
0x74: {  	v2 =	vld [tilespmem:s31+$0x4050];
	_ =	sdelay $0x1  }
0x75: {  	(v2sf) =	vpush v1, $0x4;
	_ =	sdelay $0x2  }
0x76: {  	[tilespmem:s15+$0x1D0] =	vst.add.f32.msk $0xffff, v2  }
0x77: {  	v2 =	vld [tilespmem:s31+$0x4060];
	_ =	sdelay $0x4  }
0x78: {  	[tilespmem:s15+$0x1E0] =	vst.add.f32.msk $0xffff, v2  }
0x79: {  	v2 =	vld [tilespmem:s31+$0x4070];
	_ =	sdelay $0x4  }
0x7a: {  	s5 =	spop (v2sf);
	[tilespmem:s15+$0x1F0] =	vst.add.f32.msk $0xffff, v2  }
0x7b: {  	v2 =	vld [tilespmem:s5+$0x4000];
	_ =	sdelay $0x4  }
0x7c: {  	[tilespmem:s15+$0x200] =	vst.add.f32.msk $0xffff, v2  }
0x7d: {  	v2 =	vld [tilespmem:s5+$0x4010];
	_ =	sdelay $0x4  }
0x7e: {  	[tilespmem:s15+$0x210] =	vst.add.f32.msk $0xffff, v2  }
0x7f: {  	v2 =	vld [tilespmem:s5+$0x4020];
	_ =	sdelay $0x4  }
0x80: {  	[tilespmem:s15+$0x220] =	vst.add.f32.msk $0xffff, v2  }
0x81: {  	v2 =	vld [tilespmem:s5+$0x4030];
	_ =	sdelay $0x4  }
0x82: {  	[tilespmem:s15+$0x230] =	vst.add.f32.msk $0xffff, v2  }
0x83: {  	v2 =	vld [tilespmem:s5+$0x4040];
	_ =	sdelay $0x4  }
0x84: {  	[tilespmem:s15+$0x240] =	vst.add.f32.msk $0xffff, v2  }
0x85: {  	v2 =	vld [tilespmem:s5+$0x4050];
	_ =	sdelay $0x1  }
0x86: {  	(v2sf) =	vpush v1, $0x5;
	_ =	sdelay $0x2  }
0x87: {  	[tilespmem:s15+$0x250] =	vst.add.f32.msk $0xffff, v2  }
0x88: {  	v2 =	vld [tilespmem:s5+$0x4060];
	_ =	sdelay $0x4  }
0x89: {  	[tilespmem:s15+$0x260] =	vst.add.f32.msk $0xffff, v2  }
0x8a: {  	v2 =	vld [tilespmem:s5+$0x4070];
	_ =	sdelay $0x4  }
0x8b: {  	s31 =	spop (v2sf);
	[tilespmem:s15+$0x270] =	vst.add.f32.msk $0xffff, v2  }
0x8c: {  	v2 =	vld [tilespmem:s31+$0x4000];
	_ =	sdelay $0x4  }
0x8d: {  	[tilespmem:s15+$0x280] =	vst.add.f32.msk $0xffff, v2  }
0x8e: {  	v2 =	vld [tilespmem:s31+$0x4010];
	_ =	sdelay $0x4  }
0x8f: {  	[tilespmem:s15+$0x290] =	vst.add.f32.msk $0xffff, v2  }
0x90: {  	v2 =	vld [tilespmem:s31+$0x4020];
	_ =	sdelay $0x4  }
0x91: {  	[tilespmem:s15+$0x2A0] =	vst.add.f32.msk $0xffff, v2  }
0x92: {  	v2 =	vld [tilespmem:s31+$0x4030];
	_ =	sdelay $0x4  }
0x93: {  	[tilespmem:s15+$0x2B0] =	vst.add.f32.msk $0xffff, v2  }
0x94: {  	v2 =	vld [tilespmem:s31+$0x4040];
	_ =	sdelay $0x4  }
0x95: {  	[tilespmem:s15+$0x2C0] =	vst.add.f32.msk $0xffff, v2  }
0x96: {  	v2 =	vld [tilespmem:s31+$0x4050];
	_ =	sdelay $0x1  }
0x97: {  	(v2sf) =	vpush v1, $0x6;
	_ =	sdelay $0x2  }
0x98: {  	[tilespmem:s15+$0x2D0] =	vst.add.f32.msk $0xffff, v2  }
0x99: {  	v2 =	vld [tilespmem:s31+$0x4060];
	_ =	sdelay $0x4  }
0x9a: {  	[tilespmem:s15+$0x2E0] =	vst.add.f32.msk $0xffff, v2  }
0x9b: {  	v2 =	vld [tilespmem:s31+$0x4070];
	_ =	sdelay $0x4  }
0x9c: {  	s5 =	spop (v2sf);
	[tilespmem:s15+$0x2F0] =	vst.add.f32.msk $0xffff, v2  }
0x9d: {  	v2 =	vld [tilespmem:s5+$0x4000];
	_ =	sdelay $0x4  }
0x9e: {  	[tilespmem:s15+$0x300] =	vst.add.f32.msk $0xffff, v2  }
0x9f: {  	v2 =	vld [tilespmem:s5+$0x4010];
	_ =	sdelay $0x4  }
0xa0: {  	[tilespmem:s15+$0x310] =	vst.add.f32.msk $0xffff, v2  }
0xa1: {  	v2 =	vld [tilespmem:s5+$0x4020];
	_ =	sdelay $0x4  }
0xa2: {  	[tilespmem:s15+$0x320] =	vst.add.f32.msk $0xffff, v2  }
0xa3: {  	v2 =	vld [tilespmem:s5+$0x4030];
	_ =	sdelay $0x4  }
0xa4: {  	[tilespmem:s15+$0x330] =	vst.add.f32.msk $0xffff, v2  }
0xa5: {  	v2 =	vld [tilespmem:s5+$0x4040];
	_ =	sdelay $0x4  }
0xa6: {  	[tilespmem:s15+$0x340] =	vst.add.f32.msk $0xffff, v2  }
0xa7: {  	v2 =	vld [tilespmem:s5+$0x4050];
	_ =	sdelay $0x1  }
0xa8: {  	(v2sf) =	vpush v1, $0x7;
	_ =	sdelay $0x2  }
0xa9: {  	[tilespmem:s15+$0x350] =	vst.add.f32.msk $0xffff, v2  }
0xaa: {  	v2 =	vld [tilespmem:s5+$0x4060];
	_ =	sdelay $0x4  }
0xab: {  	[tilespmem:s15+$0x360] =	vst.add.f32.msk $0xffff, v2  }
0xac: {  	v2 =	vld [tilespmem:s5+$0x4070];
	_ =	sdelay $0x4  }
0xad: {  	s31 =	spop (v2sf);
	[tilespmem:s15+$0x370] =	vst.add.f32.msk $0xffff, v2  }
0xae: {  	v2 =	vld [tilespmem:s31+$0x4000];
	_ =	sdelay $0x4  }
0xaf: {  	[tilespmem:s15+$0x380] =	vst.add.f32.msk $0xffff, v2  }
0xb0: {  	v2 =	vld [tilespmem:s31+$0x4010];
	_ =	sdelay $0x4  }
0xb1: {  	[tilespmem:s15+$0x390] =	vst.add.f32.msk $0xffff, v2  }
0xb2: {  	v2 =	vld [tilespmem:s31+$0x4020];
	_ =	sdelay $0x4  }
0xb3: {  	[tilespmem:s15+$0x3A0] =	vst.add.f32.msk $0xffff, v2  }
0xb4: {  	v2 =	vld [tilespmem:s31+$0x4030];
	_ =	sdelay $0x4  }
0xb5: {  	[tilespmem:s15+$0x3B0] =	vst.add.f32.msk $0xffff, v2  }
0xb6: {  	v2 =	vld [tilespmem:s31+$0x4040];
	_ =	sdelay $0x4  }
0xb7: {  	[tilespmem:s15+$0x3C0] =	vst.add.f32.msk $0xffff, v2  }
0xb8: {  	v2 =	vld [tilespmem:s31+$0x4050];
	_ =	sdelay $0x1  }
0xb9: {  	(v2sf) =	vpush v1, $0x8;
	_ =	sdelay $0x2  }
0xba: {  	[tilespmem:s15+$0x3D0] =	vst.add.f32.msk $0xffff, v2  }
0xbb: {  	v2 =	vld [tilespmem:s31+$0x4060];
	_ =	sdelay $0x4  }
0xbc: {  	[tilespmem:s15+$0x3E0] =	vst.add.f32.msk $0xffff, v2  }
0xbd: {  	v2 =	vld [tilespmem:s31+$0x4070];
	_ =	sdelay $0x4  }
0xbe: {  	s5 =	spop (v2sf);
	[tilespmem:s15+$0x3F0] =	vst.add.f32.msk $0xffff, v2  }
0xbf: {  	v2 =	vld [tilespmem:s5+$0x4000];
	_ =	sdelay $0x4  }
0xc0: {  	[tilespmem:s15+$0x400] =	vst.add.f32.msk $0xffff, v2  }
0xc1: {  	v2 =	vld [tilespmem:s5+$0x4010];
	_ =	sdelay $0x4  }
0xc2: {  	[tilespmem:s15+$0x410] =	vst.add.f32.msk $0xffff, v2  }
0xc3: {  	v2 =	vld [tilespmem:s5+$0x4020];
	_ =	sdelay $0x4  }
0xc4: {  	[tilespmem:s15+$0x420] =	vst.add.f32.msk $0xffff, v2  }
0xc5: {  	v2 =	vld [tilespmem:s5+$0x4030];
	_ =	sdelay $0x4  }
0xc6: {  	[tilespmem:s15+$0x430] =	vst.add.f32.msk $0xffff, v2  }
0xc7: {  	v2 =	vld [tilespmem:s5+$0x4040];
	_ =	sdelay $0x4  }
0xc8: {  	[tilespmem:s15+$0x440] =	vst.add.f32.msk $0xffff, v2  }
0xc9: {  	v2 =	vld [tilespmem:s5+$0x4050];
	_ =	sdelay $0x1  }
0xca: {  	(v2sf) =	vpush v1, $0x9;
	_ =	sdelay $0x2  }
0xcb: {  	[tilespmem:s15+$0x450] =	vst.add.f32.msk $0xffff, v2  }
0xcc: {  	v2 =	vld [tilespmem:s5+$0x4060];
	_ =	sdelay $0x4  }
0xcd: {  	[tilespmem:s15+$0x460] =	vst.add.f32.msk $0xffff, v2  }
0xce: {  	v2 =	vld [tilespmem:s5+$0x4070];
	_ =	sdelay $0x4  }
0xcf: {  	s31 =	spop (v2sf);
	[tilespmem:s15+$0x470] =	vst.add.f32.msk $0xffff, v2  }
0xd0: {  	v2 =	vld [tilespmem:s31+$0x4000];
	_ =	sdelay $0x4  }
0xd1: {  	[tilespmem:s15+$0x480] =	vst.add.f32.msk $0xffff, v2  }
0xd2: {  	v2 =	vld [tilespmem:s31+$0x4010];
	_ =	sdelay $0x4  }
0xd3: {  	[tilespmem:s15+$0x490] =	vst.add.f32.msk $0xffff, v2  }
0xd4: {  	v2 =	vld [tilespmem:s31+$0x4020];
	_ =	sdelay $0x4  }
0xd5: {  	[tilespmem:s15+$0x4A0] =	vst.add.f32.msk $0xffff, v2  }
0xd6: {  	v2 =	vld [tilespmem:s31+$0x4030];
	_ =	sdelay $0x4  }
0xd7: {  	[tilespmem:s15+$0x4B0] =	vst.add.f32.msk $0xffff, v2  }
0xd8: {  	v2 =	vld [tilespmem:s31+$0x4040];
	_ =	sdelay $0x4  }
0xd9: {  	[tilespmem:s15+$0x4C0] =	vst.add.f32.msk $0xffff, v2  }
0xda: {  	v2 =	vld [tilespmem:s31+$0x4050];
	_ =	sdelay $0x1  }
0xdb: {  	(v2sf) =	vpush v1, $0xA;
	_ =	sdelay $0x2  }
0xdc: {  	[tilespmem:s15+$0x4D0] =	vst.add.f32.msk $0xffff, v2  }
0xdd: {  	v2 =	vld [tilespmem:s31+$0x4060];
	_ =	sdelay $0x4  }
0xde: {  	[tilespmem:s15+$0x4E0] =	vst.add.f32.msk $0xffff, v2  }
0xdf: {  	v2 =	vld [tilespmem:s31+$0x4070];
	_ =	sdelay $0x4  }
0xe0: {  	s5 =	spop (v2sf);
	[tilespmem:s15+$0x4F0] =	vst.add.f32.msk $0xffff, v2  }
0xe1: {  	v2 =	vld [tilespmem:s5+$0x4000];
	_ =	sdelay $0x4  }
0xe2: {  	[tilespmem:s15+$0x500] =	vst.add.f32.msk $0xffff, v2  }
0xe3: {  	v2 =	vld [tilespmem:s5+$0x4010];
	_ =	sdelay $0x4  }
0xe4: {  	[tilespmem:s15+$0x510] =	vst.add.f32.msk $0xffff, v2  }
0xe5: {  	v2 =	vld [tilespmem:s5+$0x4020];
	_ =	sdelay $0x4  }
0xe6: {  	[tilespmem:s15+$0x520] =	vst.add.f32.msk $0xffff, v2  }
0xe7: {  	v2 =	vld [tilespmem:s5+$0x4030];
	_ =	sdelay $0x4  }
0xe8: {  	[tilespmem:s15+$0x530] =	vst.add.f32.msk $0xffff, v2  }
0xe9: {  	v2 =	vld [tilespmem:s5+$0x4040];
	_ =	sdelay $0x4  }
0xea: {  	[tilespmem:s15+$0x540] =	vst.add.f32.msk $0xffff, v2  }
0xeb: {  	v2 =	vld [tilespmem:s5+$0x4050];
	_ =	sdelay $0x1  }
0xec: {  	(v2sf) =	vpush v1, $0xB;
	_ =	sdelay $0x2  }
0xed: {  	[tilespmem:s15+$0x550] =	vst.add.f32.msk $0xffff, v2  }
0xee: {  	v2 =	vld [tilespmem:s5+$0x4060];
	_ =	sdelay $0x4  }
0xef: {  	[tilespmem:s15+$0x560] =	vst.add.f32.msk $0xffff, v2  }
0xf0: {  	v2 =	vld [tilespmem:s5+$0x4070];
	_ =	sdelay $0x4  }
0xf1: {  	s31 =	spop (v2sf);
	[tilespmem:s15+$0x570] =	vst.add.f32.msk $0xffff, v2  }
0xf2: {  	v2 =	vld [tilespmem:s31+$0x4000];
	_ =	sdelay $0x4  }
0xf3: {  	[tilespmem:s15+$0x580] =	vst.add.f32.msk $0xffff, v2  }
0xf4: {  	v2 =	vld [tilespmem:s31+$0x4010];
	_ =	sdelay $0x4  }
0xf5: {  	[tilespmem:s15+$0x590] =	vst.add.f32.msk $0xffff, v2  }
0xf6: {  	v2 =	vld [tilespmem:s31+$0x4020];
	_ =	sdelay $0x4  }
0xf7: {  	[tilespmem:s15+$0x5A0] =	vst.add.f32.msk $0xffff, v2  }
0xf8: {  	v2 =	vld [tilespmem:s31+$0x4030];
	_ =	sdelay $0x4  }
0xf9: {  	[tilespmem:s15+$0x5B0] =	vst.add.f32.msk $0xffff, v2  }
0xfa: {  	v2 =	vld [tilespmem:s31+$0x4040];
	_ =	sdelay $0x4  }
0xfb: {  	[tilespmem:s15+$0x5C0] =	vst.add.f32.msk $0xffff, v2  }
0xfc: {  	v2 =	vld [tilespmem:s31+$0x4050];
	_ =	sdelay $0x1  }
0xfd: {  	(v2sf) =	vpush v1, $0xC;
	_ =	sdelay $0x2  }
0xfe: {  	[tilespmem:s15+$0x5D0] =	vst.add.f32.msk $0xffff, v2  }
0xff: {  	v2 =	vld [tilespmem:s31+$0x4060];
	_ =	sdelay $0x4  }
0x100: {  	[tilespmem:s15+$0x5E0] =	vst.add.f32.msk $0xffff, v2  }
0x101: {  	v2 =	vld [tilespmem:s31+$0x4070];
	_ =	sdelay $0x4  }
0x102: {  	s5 =	spop (v2sf);
	[tilespmem:s15+$0x5F0] =	vst.add.f32.msk $0xffff, v2  }
0x103: {  	v2 =	vld [tilespmem:s5+$0x4000];
	_ =	sdelay $0x4  }
0x104: {  	[tilespmem:s15+$0x600] =	vst.add.f32.msk $0xffff, v2  }
0x105: {  	v2 =	vld [tilespmem:s5+$0x4010];
	_ =	sdelay $0x4  }
0x106: {  	[tilespmem:s15+$0x610] =	vst.add.f32.msk $0xffff, v2  }
0x107: {  	v2 =	vld [tilespmem:s5+$0x4020];
	_ =	sdelay $0x4  }
0x108: {  	[tilespmem:s15+$0x620] =	vst.add.f32.msk $0xffff, v2  }
0x109: {  	v2 =	vld [tilespmem:s5+$0x4030];
	_ =	sdelay $0x4  }
0x10a: {  	[tilespmem:s15+$0x630] =	vst.add.f32.msk $0xffff, v2  }
0x10b: {  	v2 =	vld [tilespmem:s5+$0x4040];
	_ =	sdelay $0x4  }
0x10c: {  	[tilespmem:s15+$0x640] =	vst.add.f32.msk $0xffff, v2  }
0x10d: {  	v2 =	vld [tilespmem:s5+$0x4050];
	_ =	sdelay $0x1  }
0x10e: {  	(v2sf) =	vpush v1, $0xD;
	_ =	sdelay $0x2  }
0x10f: {  	[tilespmem:s15+$0x650] =	vst.add.f32.msk $0xffff, v2  }
0x110: {  	v2 =	vld [tilespmem:s5+$0x4060];
	_ =	sdelay $0x4  }
0x111: {  	[tilespmem:s15+$0x660] =	vst.add.f32.msk $0xffff, v2  }
0x112: {  	v2 =	vld [tilespmem:s5+$0x4070];
	_ =	sdelay $0x4  }
0x113: {  	s31 =	spop (v2sf);
	[tilespmem:s15+$0x670] =	vst.add.f32.msk $0xffff, v2  }
0x114: {  	v2 =	vld [tilespmem:s31+$0x4000];
	_ =	sdelay $0x4  }
0x115: {  	[tilespmem:s15+$0x680] =	vst.add.f32.msk $0xffff, v2  }
0x116: {  	v2 =	vld [tilespmem:s31+$0x4010];
	_ =	sdelay $0x4  }
0x117: {  	[tilespmem:s15+$0x690] =	vst.add.f32.msk $0xffff, v2  }
0x118: {  	v2 =	vld [tilespmem:s31+$0x4020];
	_ =	sdelay $0x4  }
0x119: {  	[tilespmem:s15+$0x6A0] =	vst.add.f32.msk $0xffff, v2  }
0x11a: {  	v2 =	vld [tilespmem:s31+$0x4030];
	_ =	sdelay $0x4  }
0x11b: {  	[tilespmem:s15+$0x6B0] =	vst.add.f32.msk $0xffff, v2  }
0x11c: {  	v2 =	vld [tilespmem:s31+$0x4040];
	_ =	sdelay $0x4  }
0x11d: {  	[tilespmem:s15+$0x6C0] =	vst.add.f32.msk $0xffff, v2  }
0x11e: {  	v2 =	vld [tilespmem:s31+$0x4050];
	_ =	sdelay $0x1  }
0x11f: {  	(v2sf) =	vpush v1, $0xE;
	_ =	sdelay $0x2  }
0x120: {  	[tilespmem:s15+$0x6D0] =	vst.add.f32.msk $0xffff, v2  }
0x121: {  	v2 =	vld [tilespmem:s31+$0x4060];
	_ =	sdelay $0x4  }
0x122: {  	[tilespmem:s15+$0x6E0] =	vst.add.f32.msk $0xffff, v2  }
0x123: {  	v2 =	vld [tilespmem:s31+$0x4070];
	_ =	sdelay $0x4  }
0x124: {  	s5 =	spop (v2sf);
	[tilespmem:s15+$0x6F0] =	vst.add.f32.msk $0xffff, v2  }
0x125: {  	v2 =	vld [tilespmem:s5+$0x4000];
	_ =	sdelay $0x4  }
0x126: {  	[tilespmem:s15+$0x700] =	vst.add.f32.msk $0xffff, v2  }
0x127: {  	v2 =	vld [tilespmem:s5+$0x4010];
	_ =	sdelay $0x4  }
0x128: {  	[tilespmem:s15+$0x710] =	vst.add.f32.msk $0xffff, v2  }
0x129: {  	v2 =	vld [tilespmem:s5+$0x4020];
	_ =	sdelay $0x4  }
0x12a: {  	[tilespmem:s15+$0x720] =	vst.add.f32.msk $0xffff, v2  }
0x12b: {  	v2 =	vld [tilespmem:s5+$0x4030];
	_ =	sdelay $0x4  }
0x12c: {  	[tilespmem:s15+$0x730] =	vst.add.f32.msk $0xffff, v2  }
0x12d: {  	v2 =	vld [tilespmem:s5+$0x4040];
	_ =	sdelay $0x4  }
0x12e: {  	[tilespmem:s15+$0x740] =	vst.add.f32.msk $0xffff, v2  }
0x12f: {  	v2 =	vld [tilespmem:s5+$0x4050];
	_ =	sdelay $0x1  }
0x130: {  	(v2sf) =	vpush v1, $0xF;
	_ =	sdelay $0x2  }
0x131: {  	[tilespmem:s15+$0x750] =	vst.add.f32.msk $0xffff, v2  }
0x132: {  	v1 =	vld [tilespmem:s5+$0x4060];
	_ =	sdelay $0x4  }
0x133: {  	[tilespmem:s15+$0x760] =	vst.add.f32.msk $0xffff, v1  }
0x134: {  	v1 =	vld [tilespmem:s5+$0x4070];
	_ =	sdelay $0x4  }
0x135: {  	s31 =	spop (v2sf);
	[tilespmem:s15+$0x770] =	vst.add.f32.msk $0xffff, v1  }
0x136: {  	v1 =	vld [tilespmem:s31+$0x4000];
	_ =	sdelay $0x4  }
0x137: {  	[tilespmem:s15+$0x780] =	vst.add.f32.msk $0xffff, v1  }
0x138: {  	v1 =	vld [tilespmem:s31+$0x4010];
	_ =	sdelay $0x4  }
0x139: {  	[tilespmem:s15+$0x790] =	vst.add.f32.msk $0xffff, v1  }
0x13a: {  	v1 =	vld [tilespmem:s31+$0x4020];
	_ =	sdelay $0x4  }
0x13b: {  	[tilespmem:s15+$0x7A0] =	vst.add.f32.msk $0xffff, v1  }
0x13c: {  	v1 =	vld [tilespmem:s31+$0x4030];
	_ =	sdelay $0x4  }
0x13d: {  	[tilespmem:s15+$0x7B0] =	vst.add.f32.msk $0xffff, v1  }
0x13e: {  	v1 =	vld [tilespmem:s31+$0x4040];
	_ =	sdelay $0x4  }
0x13f: {  	[tilespmem:s15+$0x7C0] =	vst.add.f32.msk $0xffff, v1  }
0x140: {  	v1 =	vld [tilespmem:s31+$0x4050];
	_ =	sdelay $0x4  }
0x141: {  	[tilespmem:s15+$0x7D0] =	vst.add.f32.msk $0xffff, v1  }
0x142: {  	v1 =	vld [tilespmem:s31+$0x4060];
	_ =	sdelay $0x4  }
0x143: {  	[tilespmem:s15+$0x7E0] =	vst.add.f32.msk $0xffff, v1  }
0x144: {  	p1 =	por p0, p0;
	v1 =	vld [tilespmem:s31+$0x4070]  }
.Ltmp0:
0x145: {  	_ = 	snop;
	(pc) =	sbr.rel @p1 .LBB2_3-.Ltmp0, $2  }
0x146: {  	_ =	sdelay $0x2  }
0x147: {  	p0 =	por $0x0, $0x0;
	[tilespmem:s15+$0x7F0] =	vst.add.f32.msk $0xffff, v1;
	s15 =	simm.s32 $0x1  }
0x148: {  	s31 =	sshll.u32 s0, $0x1;
	s0 =	sshll.u32 s2, $0x4  }
0x149: {  	s2 =	simm.s32 $0x0;
	s15 =	sadd.s32 $0x5, s31;
	s25 =	sadd.s32 s3, s0  }
0x14a: {  	[hbm4b:s25+s2] =	stream.linear.scatter [tilespmem:s12], [sflag:s15], $0x1000, $0x38;
	[tilespmem:$0x15800] =	vst v63  }
0x14b: {  	s12 =	simm.s32 $0x2000;
	s25 =	smov.u32 s14;
	v0 =	vld [tilespmem:s14+$0x0]  }
.LBB2_5:
0x14c: {  	p0 =	sne.s32 s12, $0x4000;
	_ =	sdelay $0x3  }
0x14d: {  	v0 =	vshll.u32 v0, $0x9  }
0x14e: {  	v0 =	vshra.s32 v0, $0x2  }
0x14f: {  	(v2sf) =	vpush v0, $0x0;
	_ =	sdelay $0xe  }
0x150: {  	s5 =	spop (v2sf)  }
0x151: {  	v1 =	vld [tilespmem:s5+$0x4000];
	_ =	sdelay $0x2  }
0x152: {  	s15 =	sshra.s32 s2, $0x2;
	s2 =	smov.u32 s12  }
0x153: {  	s15 =	sadd.s32 s15, s30  }
0x154: {  	[tilespmem:s15+$0x1000] =	vst.add.f32.msk $0xffff, v1  }
0x155: {  	v1 =	vld [tilespmem:s5+$0x4010];
	_ =	sdelay $0x4  }
0x156: {  	[tilespmem:s15+$0x1010] =	vst.add.f32.msk $0xffff, v1  }
0x157: {  	v1 =	vld [tilespmem:s5+$0x4020];
	_ =	sdelay $0x4  }
0x158: {  	[tilespmem:s15+$0x1020] =	vst.add.f32.msk $0xffff, v1  }
0x159: {  	v1 =	vld [tilespmem:s5+$0x4030];
	_ =	sdelay $0x4  }
0x15a: {  	[tilespmem:s15+$0x1030] =	vst.add.f32.msk $0xffff, v1  }
0x15b: {  	v1 =	vld [tilespmem:s5+$0x4040];
	_ =	sdelay $0x4  }
0x15c: {  	[tilespmem:s15+$0x1040] =	vst.add.f32.msk $0xffff, v1  }
0x15d: {  	v1 =	vld [tilespmem:s5+$0x4050];
	_ =	sdelay $0x1  }
0x15e: {  	(v2sf) =	vpush v0, $0x1;
	_ =	sdelay $0x2  }
0x15f: {  	[tilespmem:s15+$0x1050] =	vst.add.f32.msk $0xffff, v1  }
0x160: {  	v1 =	vld [tilespmem:s5+$0x4060];
	_ =	sdelay $0x4  }
0x161: {  	[tilespmem:s15+$0x1060] =	vst.add.f32.msk $0xffff, v1  }
0x162: {  	v1 =	vld [tilespmem:s5+$0x4070];
	_ =	sdelay $0x4  }
0x163: {  	[tilespmem:s15+$0x1070] =	vst.add.f32.msk $0xffff, v1;
	s5 =	spop (v2sf)  }
0x164: {  	v1 =	vld [tilespmem:s5+$0x4000];
	_ =	sdelay $0x4  }
0x165: {  	[tilespmem:s15+$0x1080] =	vst.add.f32.msk $0xffff, v1  }
0x166: {  	v1 =	vld [tilespmem:s5+$0x4010];
	_ =	sdelay $0x4  }
0x167: {  	[tilespmem:s15+$0x1090] =	vst.add.f32.msk $0xffff, v1  }
0x168: {  	v1 =	vld [tilespmem:s5+$0x4020];
	_ =	sdelay $0x4  }
0x169: {  	[tilespmem:s15+$0x10A0] =	vst.add.f32.msk $0xffff, v1  }
0x16a: {  	v1 =	vld [tilespmem:s5+$0x4030];
	_ =	sdelay $0x4  }
0x16b: {  	[tilespmem:s15+$0x10B0] =	vst.add.f32.msk $0xffff, v1  }
0x16c: {  	v1 =	vld [tilespmem:s5+$0x4040];
	_ =	sdelay $0x4  }
0x16d: {  	[tilespmem:s15+$0x10C0] =	vst.add.f32.msk $0xffff, v1  }
0x16e: {  	v1 =	vld [tilespmem:s5+$0x4050];
	_ =	sdelay $0x1  }
0x16f: {  	(v2sf) =	vpush v0, $0x2;
	_ =	sdelay $0x2  }
0x170: {  	[tilespmem:s15+$0x10D0] =	vst.add.f32.msk $0xffff, v1  }
0x171: {  	v1 =	vld [tilespmem:s5+$0x4060];
	_ =	sdelay $0x4  }
0x172: {  	[tilespmem:s15+$0x10E0] =	vst.add.f32.msk $0xffff, v1  }
0x173: {  	v1 =	vld [tilespmem:s5+$0x4070];
	_ =	sdelay $0x4  }
0x174: {  	[tilespmem:s15+$0x10F0] =	vst.add.f32.msk $0xffff, v1;
	s5 =	spop (v2sf)  }
0x175: {  	v1 =	vld [tilespmem:s5+$0x4000];
	_ =	sdelay $0x4  }
0x176: {  	[tilespmem:s15+$0x1100] =	vst.add.f32.msk $0xffff, v1  }
0x177: {  	v1 =	vld [tilespmem:s5+$0x4010];
	_ =	sdelay $0x4  }
0x178: {  	[tilespmem:s15+$0x1110] =	vst.add.f32.msk $0xffff, v1  }
0x179: {  	v1 =	vld [tilespmem:s5+$0x4020];
	_ =	sdelay $0x4  }
0x17a: {  	[tilespmem:s15+$0x1120] =	vst.add.f32.msk $0xffff, v1  }
0x17b: {  	v1 =	vld [tilespmem:s5+$0x4030];
	_ =	sdelay $0x4  }
0x17c: {  	[tilespmem:s15+$0x1130] =	vst.add.f32.msk $0xffff, v1  }
0x17d: {  	v1 =	vld [tilespmem:s5+$0x4040];
	_ =	sdelay $0x4  }
0x17e: {  	[tilespmem:s15+$0x1140] =	vst.add.f32.msk $0xffff, v1  }
0x17f: {  	v1 =	vld [tilespmem:s5+$0x4050];
	_ =	sdelay $0x1  }
0x180: {  	(v2sf) =	vpush v0, $0x3;
	_ =	sdelay $0x2  }
0x181: {  	[tilespmem:s15+$0x1150] =	vst.add.f32.msk $0xffff, v1  }
0x182: {  	v1 =	vld [tilespmem:s5+$0x4060];
	_ =	sdelay $0x4  }
0x183: {  	[tilespmem:s15+$0x1160] =	vst.add.f32.msk $0xffff, v1  }
0x184: {  	v1 =	vld [tilespmem:s5+$0x4070];
	_ =	sdelay $0x4  }
0x185: {  	[tilespmem:s15+$0x1170] =	vst.add.f32.msk $0xffff, v1;
	s5 =	spop (v2sf)  }
0x186: {  	v1 =	vld [tilespmem:s5+$0x4000];
	_ =	sdelay $0x4  }
0x187: {  	[tilespmem:s15+$0x1180] =	vst.add.f32.msk $0xffff, v1  }
0x188: {  	v1 =	vld [tilespmem:s5+$0x4010];
	_ =	sdelay $0x4  }
0x189: {  	[tilespmem:s15+$0x1190] =	vst.add.f32.msk $0xffff, v1  }
0x18a: {  	v1 =	vld [tilespmem:s5+$0x4020];
	_ =	sdelay $0x4  }
0x18b: {  	[tilespmem:s15+$0x11A0] =	vst.add.f32.msk $0xffff, v1  }
0x18c: {  	v1 =	vld [tilespmem:s5+$0x4030];
	_ =	sdelay $0x4  }
0x18d: {  	[tilespmem:s15+$0x11B0] =	vst.add.f32.msk $0xffff, v1  }
0x18e: {  	v1 =	vld [tilespmem:s5+$0x4040];
	_ =	sdelay $0x4  }
0x18f: {  	[tilespmem:s15+$0x11C0] =	vst.add.f32.msk $0xffff, v1  }
0x190: {  	v1 =	vld [tilespmem:s5+$0x4050];
	_ =	sdelay $0x1  }
0x191: {  	(v2sf) =	vpush v0, $0x4;
	_ =	sdelay $0x2  }
0x192: {  	[tilespmem:s15+$0x11D0] =	vst.add.f32.msk $0xffff, v1  }
0x193: {  	v1 =	vld [tilespmem:s5+$0x4060];
	_ =	sdelay $0x4  }
0x194: {  	[tilespmem:s15+$0x11E0] =	vst.add.f32.msk $0xffff, v1  }
0x195: {  	v1 =	vld [tilespmem:s5+$0x4070];
	_ =	sdelay $0x4  }
0x196: {  	[tilespmem:s15+$0x11F0] =	vst.add.f32.msk $0xffff, v1;
	s5 =	spop (v2sf)  }
0x197: {  	v1 =	vld [tilespmem:s5+$0x4000];
	_ =	sdelay $0x4  }
0x198: {  	[tilespmem:s15+$0x1200] =	vst.add.f32.msk $0xffff, v1  }
0x199: {  	v1 =	vld [tilespmem:s5+$0x4010];
	_ =	sdelay $0x4  }
0x19a: {  	[tilespmem:s15+$0x1210] =	vst.add.f32.msk $0xffff, v1  }
0x19b: {  	v1 =	vld [tilespmem:s5+$0x4020];
	_ =	sdelay $0x4  }
0x19c: {  	[tilespmem:s15+$0x1220] =	vst.add.f32.msk $0xffff, v1  }
0x19d: {  	v1 =	vld [tilespmem:s5+$0x4030];
	_ =	sdelay $0x4  }
0x19e: {  	[tilespmem:s15+$0x1230] =	vst.add.f32.msk $0xffff, v1  }
0x19f: {  	v1 =	vld [tilespmem:s5+$0x4040];
	_ =	sdelay $0x4  }
0x1a0: {  	[tilespmem:s15+$0x1240] =	vst.add.f32.msk $0xffff, v1  }
0x1a1: {  	v1 =	vld [tilespmem:s5+$0x4050];
	_ =	sdelay $0x1  }
0x1a2: {  	(v2sf) =	vpush v0, $0x5;
	_ =	sdelay $0x2  }
0x1a3: {  	[tilespmem:s15+$0x1250] =	vst.add.f32.msk $0xffff, v1  }
0x1a4: {  	v1 =	vld [tilespmem:s5+$0x4060];
	_ =	sdelay $0x4  }
0x1a5: {  	[tilespmem:s15+$0x1260] =	vst.add.f32.msk $0xffff, v1  }
0x1a6: {  	v1 =	vld [tilespmem:s5+$0x4070];
	_ =	sdelay $0x4  }
0x1a7: {  	[tilespmem:s15+$0x1270] =	vst.add.f32.msk $0xffff, v1;
	s5 =	spop (v2sf)  }
0x1a8: {  	v1 =	vld [tilespmem:s5+$0x4000];
	_ =	sdelay $0x4  }
0x1a9: {  	[tilespmem:s15+$0x1280] =	vst.add.f32.msk $0xffff, v1  }
0x1aa: {  	v1 =	vld [tilespmem:s5+$0x4010];
	_ =	sdelay $0x4  }
0x1ab: {  	[tilespmem:s15+$0x1290] =	vst.add.f32.msk $0xffff, v1  }
0x1ac: {  	v1 =	vld [tilespmem:s5+$0x4020];
	_ =	sdelay $0x4  }
0x1ad: {  	[tilespmem:s15+$0x12A0] =	vst.add.f32.msk $0xffff, v1  }
0x1ae: {  	v1 =	vld [tilespmem:s5+$0x4030];
	_ =	sdelay $0x4  }
0x1af: {  	[tilespmem:s15+$0x12B0] =	vst.add.f32.msk $0xffff, v1  }
0x1b0: {  	v1 =	vld [tilespmem:s5+$0x4040];
	_ =	sdelay $0x4  }
0x1b1: {  	[tilespmem:s15+$0x12C0] =	vst.add.f32.msk $0xffff, v1  }
0x1b2: {  	v1 =	vld [tilespmem:s5+$0x4050];
	_ =	sdelay $0x1  }
0x1b3: {  	(v2sf) =	vpush v0, $0x6;
	_ =	sdelay $0x2  }
0x1b4: {  	[tilespmem:s15+$0x12D0] =	vst.add.f32.msk $0xffff, v1  }
0x1b5: {  	v1 =	vld [tilespmem:s5+$0x4060];
	_ =	sdelay $0x4  }
0x1b6: {  	[tilespmem:s15+$0x12E0] =	vst.add.f32.msk $0xffff, v1  }
0x1b7: {  	v1 =	vld [tilespmem:s5+$0x4070];
	_ =	sdelay $0x4  }
0x1b8: {  	[tilespmem:s15+$0x12F0] =	vst.add.f32.msk $0xffff, v1;
	s5 =	spop (v2sf)  }
0x1b9: {  	v1 =	vld [tilespmem:s5+$0x4000];
	_ =	sdelay $0x4  }
0x1ba: {  	[tilespmem:s15+$0x1300] =	vst.add.f32.msk $0xffff, v1  }
0x1bb: {  	v1 =	vld [tilespmem:s5+$0x4010];
	_ =	sdelay $0x4  }
0x1bc: {  	[tilespmem:s15+$0x1310] =	vst.add.f32.msk $0xffff, v1  }
0x1bd: {  	v1 =	vld [tilespmem:s5+$0x4020];
	_ =	sdelay $0x4  }
0x1be: {  	[tilespmem:s15+$0x1320] =	vst.add.f32.msk $0xffff, v1  }
0x1bf: {  	v1 =	vld [tilespmem:s5+$0x4030];
	_ =	sdelay $0x4  }
0x1c0: {  	[tilespmem:s15+$0x1330] =	vst.add.f32.msk $0xffff, v1  }
0x1c1: {  	v1 =	vld [tilespmem:s5+$0x4040];
	_ =	sdelay $0x4  }
0x1c2: {  	[tilespmem:s15+$0x1340] =	vst.add.f32.msk $0xffff, v1  }
0x1c3: {  	v1 =	vld [tilespmem:s5+$0x4050];
	_ =	sdelay $0x1  }
0x1c4: {  	(v2sf) =	vpush v0, $0x7;
	_ =	sdelay $0x2  }
0x1c5: {  	[tilespmem:s15+$0x1350] =	vst.add.f32.msk $0xffff, v1  }
0x1c6: {  	v1 =	vld [tilespmem:s5+$0x4060];
	_ =	sdelay $0x4  }
0x1c7: {  	[tilespmem:s15+$0x1360] =	vst.add.f32.msk $0xffff, v1  }
0x1c8: {  	v1 =	vld [tilespmem:s5+$0x4070];
	_ =	sdelay $0x4  }
0x1c9: {  	[tilespmem:s15+$0x1370] =	vst.add.f32.msk $0xffff, v1;
	s5 =	spop (v2sf)  }
0x1ca: {  	v1 =	vld [tilespmem:s5+$0x4000];
	_ =	sdelay $0x4  }
0x1cb: {  	[tilespmem:s15+$0x1380] =	vst.add.f32.msk $0xffff, v1  }
0x1cc: {  	v1 =	vld [tilespmem:s5+$0x4010];
	_ =	sdelay $0x4  }
0x1cd: {  	[tilespmem:s15+$0x1390] =	vst.add.f32.msk $0xffff, v1  }
0x1ce: {  	v1 =	vld [tilespmem:s5+$0x4020];
	_ =	sdelay $0x4  }
0x1cf: {  	[tilespmem:s15+$0x13A0] =	vst.add.f32.msk $0xffff, v1  }
0x1d0: {  	v1 =	vld [tilespmem:s5+$0x4030];
	_ =	sdelay $0x4  }
0x1d1: {  	[tilespmem:s15+$0x13B0] =	vst.add.f32.msk $0xffff, v1  }
0x1d2: {  	v1 =	vld [tilespmem:s5+$0x4040];
	_ =	sdelay $0x4  }
0x1d3: {  	[tilespmem:s15+$0x13C0] =	vst.add.f32.msk $0xffff, v1  }
0x1d4: {  	v1 =	vld [tilespmem:s5+$0x4050];
	_ =	sdelay $0x1  }
0x1d5: {  	(v2sf) =	vpush v0, $0x8;
	_ =	sdelay $0x2  }
0x1d6: {  	[tilespmem:s15+$0x13D0] =	vst.add.f32.msk $0xffff, v1  }
0x1d7: {  	v1 =	vld [tilespmem:s5+$0x4060];
	_ =	sdelay $0x4  }
0x1d8: {  	[tilespmem:s15+$0x13E0] =	vst.add.f32.msk $0xffff, v1  }
0x1d9: {  	v1 =	vld [tilespmem:s5+$0x4070];
	_ =	sdelay $0x4  }
0x1da: {  	[tilespmem:s15+$0x13F0] =	vst.add.f32.msk $0xffff, v1;
	s5 =	spop (v2sf)  }
0x1db: {  	v1 =	vld [tilespmem:s5+$0x4000];
	_ =	sdelay $0x4  }
0x1dc: {  	[tilespmem:s15+$0x1400] =	vst.add.f32.msk $0xffff, v1  }
0x1dd: {  	v1 =	vld [tilespmem:s5+$0x4010];
	_ =	sdelay $0x4  }
0x1de: {  	[tilespmem:s15+$0x1410] =	vst.add.f32.msk $0xffff, v1  }
0x1df: {  	v1 =	vld [tilespmem:s5+$0x4020];
	_ =	sdelay $0x4  }
0x1e0: {  	[tilespmem:s15+$0x1420] =	vst.add.f32.msk $0xffff, v1  }
0x1e1: {  	v1 =	vld [tilespmem:s5+$0x4030];
	_ =	sdelay $0x4  }
0x1e2: {  	[tilespmem:s15+$0x1430] =	vst.add.f32.msk $0xffff, v1  }
0x1e3: {  	v1 =	vld [tilespmem:s5+$0x4040];
	_ =	sdelay $0x4  }
0x1e4: {  	[tilespmem:s15+$0x1440] =	vst.add.f32.msk $0xffff, v1  }
0x1e5: {  	v1 =	vld [tilespmem:s5+$0x4050];
	_ =	sdelay $0x1  }
0x1e6: {  	(v2sf) =	vpush v0, $0x9;
	_ =	sdelay $0x2  }
0x1e7: {  	[tilespmem:s15+$0x1450] =	vst.add.f32.msk $0xffff, v1  }
0x1e8: {  	v1 =	vld [tilespmem:s5+$0x4060];
	_ =	sdelay $0x4  }
0x1e9: {  	[tilespmem:s15+$0x1460] =	vst.add.f32.msk $0xffff, v1  }
0x1ea: {  	v1 =	vld [tilespmem:s5+$0x4070];
	_ =	sdelay $0x4  }
0x1eb: {  	[tilespmem:s15+$0x1470] =	vst.add.f32.msk $0xffff, v1;
	s5 =	spop (v2sf)  }
0x1ec: {  	v1 =	vld [tilespmem:s5+$0x4000];
	_ =	sdelay $0x4  }
0x1ed: {  	[tilespmem:s15+$0x1480] =	vst.add.f32.msk $0xffff, v1  }
0x1ee: {  	v1 =	vld [tilespmem:s5+$0x4010];
	_ =	sdelay $0x4  }
0x1ef: {  	[tilespmem:s15+$0x1490] =	vst.add.f32.msk $0xffff, v1  }
0x1f0: {  	v1 =	vld [tilespmem:s5+$0x4020];
	_ =	sdelay $0x4  }
0x1f1: {  	[tilespmem:s15+$0x14A0] =	vst.add.f32.msk $0xffff, v1  }
0x1f2: {  	v1 =	vld [tilespmem:s5+$0x4030];
	_ =	sdelay $0x4  }
0x1f3: {  	[tilespmem:s15+$0x14B0] =	vst.add.f32.msk $0xffff, v1  }
0x1f4: {  	v1 =	vld [tilespmem:s5+$0x4040];
	_ =	sdelay $0x4  }
0x1f5: {  	[tilespmem:s15+$0x14C0] =	vst.add.f32.msk $0xffff, v1  }
0x1f6: {  	v1 =	vld [tilespmem:s5+$0x4050];
	_ =	sdelay $0x1  }
0x1f7: {  	(v2sf) =	vpush v0, $0xA;
	_ =	sdelay $0x2  }
0x1f8: {  	[tilespmem:s15+$0x14D0] =	vst.add.f32.msk $0xffff, v1  }
0x1f9: {  	v1 =	vld [tilespmem:s5+$0x4060];
	_ =	sdelay $0x4  }
0x1fa: {  	[tilespmem:s15+$0x14E0] =	vst.add.f32.msk $0xffff, v1  }
0x1fb: {  	v1 =	vld [tilespmem:s5+$0x4070];
	_ =	sdelay $0x4  }
0x1fc: {  	[tilespmem:s15+$0x14F0] =	vst.add.f32.msk $0xffff, v1;
	s5 =	spop (v2sf)  }
0x1fd: {  	v1 =	vld [tilespmem:s5+$0x4000];
	_ =	sdelay $0x4  }
0x1fe: {  	[tilespmem:s15+$0x1500] =	vst.add.f32.msk $0xffff, v1  }
0x1ff: {  	v1 =	vld [tilespmem:s5+$0x4010];
	_ =	sdelay $0x4  }
0x200: {  	[tilespmem:s15+$0x1510] =	vst.add.f32.msk $0xffff, v1  }
0x201: {  	v1 =	vld [tilespmem:s5+$0x4020];
	_ =	sdelay $0x4  }
0x202: {  	[tilespmem:s15+$0x1520] =	vst.add.f32.msk $0xffff, v1  }
0x203: {  	v1 =	vld [tilespmem:s5+$0x4030];
	_ =	sdelay $0x4  }
0x204: {  	[tilespmem:s15+$0x1530] =	vst.add.f32.msk $0xffff, v1  }
0x205: {  	v1 =	vld [tilespmem:s5+$0x4040];
	_ =	sdelay $0x4  }
0x206: {  	[tilespmem:s15+$0x1540] =	vst.add.f32.msk $0xffff, v1  }
0x207: {  	v1 =	vld [tilespmem:s5+$0x4050];
	_ =	sdelay $0x1  }
0x208: {  	(v2sf) =	vpush v0, $0xB;
	_ =	sdelay $0x2  }
0x209: {  	[tilespmem:s15+$0x1550] =	vst.add.f32.msk $0xffff, v1  }
0x20a: {  	v1 =	vld [tilespmem:s5+$0x4060];
	_ =	sdelay $0x4  }
0x20b: {  	[tilespmem:s15+$0x1560] =	vst.add.f32.msk $0xffff, v1  }
0x20c: {  	v1 =	vld [tilespmem:s5+$0x4070];
	_ =	sdelay $0x4  }
0x20d: {  	[tilespmem:s15+$0x1570] =	vst.add.f32.msk $0xffff, v1;
	s5 =	spop (v2sf)  }
0x20e: {  	v1 =	vld [tilespmem:s5+$0x4000];
	_ =	sdelay $0x4  }
0x20f: {  	[tilespmem:s15+$0x1580] =	vst.add.f32.msk $0xffff, v1  }
0x210: {  	v1 =	vld [tilespmem:s5+$0x4010];
	_ =	sdelay $0x4  }
0x211: {  	[tilespmem:s15+$0x1590] =	vst.add.f32.msk $0xffff, v1  }
0x212: {  	v1 =	vld [tilespmem:s5+$0x4020];
	_ =	sdelay $0x4  }
0x213: {  	[tilespmem:s15+$0x15A0] =	vst.add.f32.msk $0xffff, v1  }
0x214: {  	v1 =	vld [tilespmem:s5+$0x4030];
	_ =	sdelay $0x4  }
0x215: {  	[tilespmem:s15+$0x15B0] =	vst.add.f32.msk $0xffff, v1  }
0x216: {  	v1 =	vld [tilespmem:s5+$0x4040];
	_ =	sdelay $0x4  }
0x217: {  	[tilespmem:s15+$0x15C0] =	vst.add.f32.msk $0xffff, v1  }
0x218: {  	v1 =	vld [tilespmem:s5+$0x4050];
	_ =	sdelay $0x1  }
0x219: {  	(v2sf) =	vpush v0, $0xC;
	_ =	sdelay $0x2  }
0x21a: {  	[tilespmem:s15+$0x15D0] =	vst.add.f32.msk $0xffff, v1  }
0x21b: {  	v1 =	vld [tilespmem:s5+$0x4060];
	_ =	sdelay $0x4  }
0x21c: {  	[tilespmem:s15+$0x15E0] =	vst.add.f32.msk $0xffff, v1  }
0x21d: {  	v1 =	vld [tilespmem:s5+$0x4070];
	_ =	sdelay $0x4  }
0x21e: {  	[tilespmem:s15+$0x15F0] =	vst.add.f32.msk $0xffff, v1;
	s5 =	spop (v2sf)  }
0x21f: {  	v1 =	vld [tilespmem:s5+$0x4000];
	_ =	sdelay $0x4  }
0x220: {  	[tilespmem:s15+$0x1600] =	vst.add.f32.msk $0xffff, v1  }
0x221: {  	v1 =	vld [tilespmem:s5+$0x4010];
	_ =	sdelay $0x4  }
0x222: {  	[tilespmem:s15+$0x1610] =	vst.add.f32.msk $0xffff, v1  }
0x223: {  	v1 =	vld [tilespmem:s5+$0x4020];
	_ =	sdelay $0x4  }
0x224: {  	[tilespmem:s15+$0x1620] =	vst.add.f32.msk $0xffff, v1  }
0x225: {  	v1 =	vld [tilespmem:s5+$0x4030];
	_ =	sdelay $0x4  }
0x226: {  	[tilespmem:s15+$0x1630] =	vst.add.f32.msk $0xffff, v1  }
0x227: {  	v1 =	vld [tilespmem:s5+$0x4040];
	_ =	sdelay $0x4  }
0x228: {  	[tilespmem:s15+$0x1640] =	vst.add.f32.msk $0xffff, v1  }
0x229: {  	v1 =	vld [tilespmem:s5+$0x4050];
	_ =	sdelay $0x1  }
0x22a: {  	(v2sf) =	vpush v0, $0xD;
	_ =	sdelay $0x2  }
0x22b: {  	[tilespmem:s15+$0x1650] =	vst.add.f32.msk $0xffff, v1  }
0x22c: {  	v1 =	vld [tilespmem:s5+$0x4060];
	_ =	sdelay $0x4  }
0x22d: {  	[tilespmem:s15+$0x1660] =	vst.add.f32.msk $0xffff, v1  }
0x22e: {  	v1 =	vld [tilespmem:s5+$0x4070];
	_ =	sdelay $0x4  }
0x22f: {  	[tilespmem:s15+$0x1670] =	vst.add.f32.msk $0xffff, v1;
	s5 =	spop (v2sf)  }
0x230: {  	v1 =	vld [tilespmem:s5+$0x4000];
	_ =	sdelay $0x4  }
0x231: {  	[tilespmem:s15+$0x1680] =	vst.add.f32.msk $0xffff, v1  }
0x232: {  	v1 =	vld [tilespmem:s5+$0x4010];
	_ =	sdelay $0x4  }
0x233: {  	[tilespmem:s15+$0x1690] =	vst.add.f32.msk $0xffff, v1  }
0x234: {  	v1 =	vld [tilespmem:s5+$0x4020];
	_ =	sdelay $0x4  }
0x235: {  	[tilespmem:s15+$0x16A0] =	vst.add.f32.msk $0xffff, v1  }
0x236: {  	v1 =	vld [tilespmem:s5+$0x4030];
	_ =	sdelay $0x4  }
0x237: {  	[tilespmem:s15+$0x16B0] =	vst.add.f32.msk $0xffff, v1  }
0x238: {  	v1 =	vld [tilespmem:s5+$0x4040];
	_ =	sdelay $0x4  }
0x239: {  	[tilespmem:s15+$0x16C0] =	vst.add.f32.msk $0xffff, v1  }
0x23a: {  	v1 =	vld [tilespmem:s5+$0x4050];
	_ =	sdelay $0x1  }
0x23b: {  	(v2sf) =	vpush v0, $0xE;
	_ =	sdelay $0x2  }
0x23c: {  	[tilespmem:s15+$0x16D0] =	vst.add.f32.msk $0xffff, v1  }
0x23d: {  	v1 =	vld [tilespmem:s5+$0x4060];
	_ =	sdelay $0x4  }
0x23e: {  	[tilespmem:s15+$0x16E0] =	vst.add.f32.msk $0xffff, v1  }
0x23f: {  	v1 =	vld [tilespmem:s5+$0x4070];
	_ =	sdelay $0x4  }
0x240: {  	[tilespmem:s15+$0x16F0] =	vst.add.f32.msk $0xffff, v1;
	s5 =	spop (v2sf)  }
0x241: {  	v1 =	vld [tilespmem:s5+$0x4000];
	_ =	sdelay $0x4  }
0x242: {  	[tilespmem:s15+$0x1700] =	vst.add.f32.msk $0xffff, v1  }
0x243: {  	v1 =	vld [tilespmem:s5+$0x4010];
	_ =	sdelay $0x4  }
0x244: {  	[tilespmem:s15+$0x1710] =	vst.add.f32.msk $0xffff, v1  }
0x245: {  	v1 =	vld [tilespmem:s5+$0x4020];
	_ =	sdelay $0x4  }
0x246: {  	[tilespmem:s15+$0x1720] =	vst.add.f32.msk $0xffff, v1  }
0x247: {  	v1 =	vld [tilespmem:s5+$0x4030];
	_ =	sdelay $0x4  }
0x248: {  	[tilespmem:s15+$0x1730] =	vst.add.f32.msk $0xffff, v1  }
0x249: {  	v1 =	vld [tilespmem:s5+$0x4040];
	_ =	sdelay $0x4  }
0x24a: {  	[tilespmem:s15+$0x1740] =	vst.add.f32.msk $0xffff, v1  }
0x24b: {  	v1 =	vld [tilespmem:s5+$0x4050];
	_ =	sdelay $0x1  }
0x24c: {  	(v2sf) =	vpush v0, $0xF;
	_ =	sdelay $0x2  }
0x24d: {  	[tilespmem:s15+$0x1750] =	vst.add.f32.msk $0xffff, v1  }
0x24e: {  	v0 =	vld [tilespmem:s5+$0x4060];
	_ =	sdelay $0x4  }
0x24f: {  	[tilespmem:s15+$0x1760] =	vst.add.f32.msk $0xffff, v0  }
0x250: {  	v0 =	vld [tilespmem:s5+$0x4070];
	_ =	sdelay $0x4  }
0x251: {  	[tilespmem:s15+$0x1770] =	vst.add.f32.msk $0xffff, v0;
	s5 =	spop (v2sf)  }
0x252: {  	v0 =	vld [tilespmem:s5+$0x4000];
	_ =	sdelay $0x4  }
0x253: {  	[tilespmem:s15+$0x1780] =	vst.add.f32.msk $0xffff, v0  }
0x254: {  	v0 =	vld [tilespmem:s5+$0x4010];
	_ =	sdelay $0x4  }
0x255: {  	[tilespmem:s15+$0x1790] =	vst.add.f32.msk $0xffff, v0  }
0x256: {  	v0 =	vld [tilespmem:s5+$0x4020];
	_ =	sdelay $0x4  }
0x257: {  	[tilespmem:s15+$0x17A0] =	vst.add.f32.msk $0xffff, v0  }
0x258: {  	v0 =	vld [tilespmem:s5+$0x4030];
	_ =	sdelay $0x4  }
0x259: {  	[tilespmem:s15+$0x17B0] =	vst.add.f32.msk $0xffff, v0  }
0x25a: {  	v0 =	vld [tilespmem:s5+$0x4040];
	_ =	sdelay $0x4  }
0x25b: {  	[tilespmem:s15+$0x17C0] =	vst.add.f32.msk $0xffff, v0  }
0x25c: {  	v0 =	vld [tilespmem:s5+$0x4050];
	_ =	sdelay $0x4  }
0x25d: {  	[tilespmem:s15+$0x17D0] =	vst.add.f32.msk $0xffff, v0  }
0x25e: {  	v0 =	vld [tilespmem:s5+$0x4060];
	_ =	sdelay $0x4  }
0x25f: {  	[tilespmem:s15+$0x17E0] =	vst.add.f32.msk $0xffff, v0  }
0x260: {  	v1 =	vld [tilespmem:s5+$0x4070]  }
.Ltmp1:
0x261: {  	(pc) =	sbr.rel @p0 .LBB2_5-.Ltmp1, $4  }
0x262: {  	_ = 	snop  }
0x263: {  	s25 =	sadd.s32 $0x10, s25  }
0x264: {  	v0 =	vld [tilespmem:s25+$0x0]  }
0x265: {  	s12 =	sadd.s32 $0x2000, s12;
	[tilespmem:s15+$0x17F0] =	vst.add.f32.msk $0xffff, v1  }
0x266: {  	_ =	sdelay $0x2  }
0x267: {  	v0 =	vshll.u32 v0, $0x9  }
0x268: {  	v0 =	vshra.s32 v0, $0x2  }
0x269: {  	(v2sf) =	vpush v0, $0x0;
	_ =	sdelay $0xe  }
0x26a: {  	s5 =	spop (v2sf)  }
0x26b: {  	v1 =	vld [tilespmem:s5+$0x4000];
	_ =	sdelay $0x2  }
0x26c: {  	s2 =	sshra.s32 s2, $0x2  }
0x26d: {  	s2 =	sadd.s32 s2, s30  }
0x26e: {  	[tilespmem:s2+$0x1000] =	vst.add.f32.msk $0xffff, v1  }
0x26f: {  	v1 =	vld [tilespmem:s5+$0x4010];
	_ =	sdelay $0x4  }
0x270: {  	[tilespmem:s2+$0x1010] =	vst.add.f32.msk $0xffff, v1  }
0x271: {  	v1 =	vld [tilespmem:s5+$0x4020];
	_ =	sdelay $0x4  }
0x272: {  	[tilespmem:s2+$0x1020] =	vst.add.f32.msk $0xffff, v1  }
0x273: {  	v1 =	vld [tilespmem:s5+$0x4030];
	_ =	sdelay $0x4  }
0x274: {  	[tilespmem:s2+$0x1030] =	vst.add.f32.msk $0xffff, v1  }
0x275: {  	v1 =	vld [tilespmem:s5+$0x4040];
	_ =	sdelay $0x4  }
0x276: {  	[tilespmem:s2+$0x1040] =	vst.add.f32.msk $0xffff, v1  }
0x277: {  	v1 =	vld [tilespmem:s5+$0x4050];
	_ =	sdelay $0x1  }
0x278: {  	(v2sf) =	vpush v0, $0x1;
	_ =	sdelay $0x2  }
0x279: {  	[tilespmem:s2+$0x1050] =	vst.add.f32.msk $0xffff, v1  }
0x27a: {  	v1 =	vld [tilespmem:s5+$0x4060];
	_ =	sdelay $0x4  }
0x27b: {  	[tilespmem:s2+$0x1060] =	vst.add.f32.msk $0xffff, v1  }
0x27c: {  	v1 =	vld [tilespmem:s5+$0x4070];
	_ =	sdelay $0x4  }
0x27d: {  	s12 =	spop (v2sf);
	[tilespmem:s2+$0x1070] =	vst.add.f32.msk $0xffff, v1  }
0x27e: {  	v1 =	vld [tilespmem:s12+$0x4000];
	_ =	sdelay $0x4  }
0x27f: {  	[tilespmem:s2+$0x1080] =	vst.add.f32.msk $0xffff, v1  }
0x280: {  	v1 =	vld [tilespmem:s12+$0x4010];
	_ =	sdelay $0x4  }
0x281: {  	[tilespmem:s2+$0x1090] =	vst.add.f32.msk $0xffff, v1  }
0x282: {  	v1 =	vld [tilespmem:s12+$0x4020];
	_ =	sdelay $0x4  }
0x283: {  	[tilespmem:s2+$0x10A0] =	vst.add.f32.msk $0xffff, v1  }
0x284: {  	v1 =	vld [tilespmem:s12+$0x4030];
	_ =	sdelay $0x4  }
0x285: {  	[tilespmem:s2+$0x10B0] =	vst.add.f32.msk $0xffff, v1  }
0x286: {  	v1 =	vld [tilespmem:s12+$0x4040];
	_ =	sdelay $0x4  }
0x287: {  	[tilespmem:s2+$0x10C0] =	vst.add.f32.msk $0xffff, v1  }
0x288: {  	v1 =	vld [tilespmem:s12+$0x4050];
	_ =	sdelay $0x1  }
0x289: {  	(v2sf) =	vpush v0, $0x2;
	_ =	sdelay $0x2  }
0x28a: {  	[tilespmem:s2+$0x10D0] =	vst.add.f32.msk $0xffff, v1  }
0x28b: {  	v1 =	vld [tilespmem:s12+$0x4060];
	_ =	sdelay $0x4  }
0x28c: {  	[tilespmem:s2+$0x10E0] =	vst.add.f32.msk $0xffff, v1  }
0x28d: {  	v1 =	vld [tilespmem:s12+$0x4070];
	_ =	sdelay $0x4  }
0x28e: {  	s15 =	spop (v2sf);
	[tilespmem:s2+$0x10F0] =	vst.add.f32.msk $0xffff, v1  }
0x28f: {  	v1 =	vld [tilespmem:s15+$0x4000];
	_ =	sdelay $0x4  }
0x290: {  	[tilespmem:s2+$0x1100] =	vst.add.f32.msk $0xffff, v1  }
0x291: {  	v1 =	vld [tilespmem:s15+$0x4010];
	_ =	sdelay $0x4  }
0x292: {  	[tilespmem:s2+$0x1110] =	vst.add.f32.msk $0xffff, v1  }
0x293: {  	v1 =	vld [tilespmem:s15+$0x4020];
	_ =	sdelay $0x4  }
0x294: {  	[tilespmem:s2+$0x1120] =	vst.add.f32.msk $0xffff, v1  }
0x295: {  	v1 =	vld [tilespmem:s15+$0x4030];
	_ =	sdelay $0x4  }
0x296: {  	[tilespmem:s2+$0x1130] =	vst.add.f32.msk $0xffff, v1  }
0x297: {  	v1 =	vld [tilespmem:s15+$0x4040];
	_ =	sdelay $0x4  }
0x298: {  	[tilespmem:s2+$0x1140] =	vst.add.f32.msk $0xffff, v1  }
0x299: {  	v1 =	vld [tilespmem:s15+$0x4050];
	_ =	sdelay $0x1  }
0x29a: {  	(v2sf) =	vpush v0, $0x3;
	_ =	sdelay $0x2  }
0x29b: {  	[tilespmem:s2+$0x1150] =	vst.add.f32.msk $0xffff, v1  }
0x29c: {  	v1 =	vld [tilespmem:s15+$0x4060];
	_ =	sdelay $0x4  }
0x29d: {  	[tilespmem:s2+$0x1160] =	vst.add.f32.msk $0xffff, v1  }
0x29e: {  	v1 =	vld [tilespmem:s15+$0x4070];
	_ =	sdelay $0x4  }
0x29f: {  	s25 =	spop (v2sf);
	[tilespmem:s2+$0x1170] =	vst.add.f32.msk $0xffff, v1  }
0x2a0: {  	v1 =	vld [tilespmem:s25+$0x4000];
	_ =	sdelay $0x4  }
0x2a1: {  	[tilespmem:s2+$0x1180] =	vst.add.f32.msk $0xffff, v1  }
0x2a2: {  	v1 =	vld [tilespmem:s25+$0x4010];
	_ =	sdelay $0x4  }
0x2a3: {  	[tilespmem:s2+$0x1190] =	vst.add.f32.msk $0xffff, v1  }
0x2a4: {  	v1 =	vld [tilespmem:s25+$0x4020];
	_ =	sdelay $0x4  }
0x2a5: {  	[tilespmem:s2+$0x11A0] =	vst.add.f32.msk $0xffff, v1  }
0x2a6: {  	v1 =	vld [tilespmem:s25+$0x4030];
	_ =	sdelay $0x4  }
0x2a7: {  	[tilespmem:s2+$0x11B0] =	vst.add.f32.msk $0xffff, v1  }
0x2a8: {  	v1 =	vld [tilespmem:s25+$0x4040];
	_ =	sdelay $0x4  }
0x2a9: {  	[tilespmem:s2+$0x11C0] =	vst.add.f32.msk $0xffff, v1  }
0x2aa: {  	v1 =	vld [tilespmem:s25+$0x4050];
	_ =	sdelay $0x1  }
0x2ab: {  	(v2sf) =	vpush v0, $0x4;
	_ =	sdelay $0x2  }
0x2ac: {  	[tilespmem:s2+$0x11D0] =	vst.add.f32.msk $0xffff, v1  }
0x2ad: {  	v1 =	vld [tilespmem:s25+$0x4060];
	_ =	sdelay $0x4  }
0x2ae: {  	[tilespmem:s2+$0x11E0] =	vst.add.f32.msk $0xffff, v1  }
0x2af: {  	v1 =	vld [tilespmem:s25+$0x4070];
	_ =	sdelay $0x4  }
0x2b0: {  	s30 =	spop (v2sf);
	[tilespmem:s2+$0x11F0] =	vst.add.f32.msk $0xffff, v1  }
0x2b1: {  	v1 =	vld [tilespmem:s30+$0x4000];
	_ =	sdelay $0x4  }
0x2b2: {  	[tilespmem:s2+$0x1200] =	vst.add.f32.msk $0xffff, v1  }
0x2b3: {  	v1 =	vld [tilespmem:s30+$0x4010];
	_ =	sdelay $0x4  }
0x2b4: {  	[tilespmem:s2+$0x1210] =	vst.add.f32.msk $0xffff, v1  }
0x2b5: {  	v1 =	vld [tilespmem:s30+$0x4020];
	_ =	sdelay $0x4  }
0x2b6: {  	[tilespmem:s2+$0x1220] =	vst.add.f32.msk $0xffff, v1  }
0x2b7: {  	v1 =	vld [tilespmem:s30+$0x4030];
	_ =	sdelay $0x4  }
0x2b8: {  	[tilespmem:s2+$0x1230] =	vst.add.f32.msk $0xffff, v1  }
0x2b9: {  	v1 =	vld [tilespmem:s30+$0x4040];
	_ =	sdelay $0x4  }
0x2ba: {  	[tilespmem:s2+$0x1240] =	vst.add.f32.msk $0xffff, v1  }
0x2bb: {  	v1 =	vld [tilespmem:s30+$0x4050];
	_ =	sdelay $0x1  }
0x2bc: {  	(v2sf) =	vpush v0, $0x5;
	_ =	sdelay $0x2  }
0x2bd: {  	[tilespmem:s2+$0x1250] =	vst.add.f32.msk $0xffff, v1  }
0x2be: {  	v1 =	vld [tilespmem:s30+$0x4060];
	_ =	sdelay $0x4  }
0x2bf: {  	[tilespmem:s2+$0x1260] =	vst.add.f32.msk $0xffff, v1  }
0x2c0: {  	v1 =	vld [tilespmem:s30+$0x4070];
	_ =	sdelay $0x4  }
0x2c1: {  	s12 =	spop (v2sf);
	[tilespmem:s2+$0x1270] =	vst.add.f32.msk $0xffff, v1  }
0x2c2: {  	v1 =	vld [tilespmem:s12+$0x4000];
	_ =	sdelay $0x4  }
0x2c3: {  	[tilespmem:s2+$0x1280] =	vst.add.f32.msk $0xffff, v1  }
0x2c4: {  	v1 =	vld [tilespmem:s12+$0x4010];
	_ =	sdelay $0x4  }
0x2c5: {  	[tilespmem:s2+$0x1290] =	vst.add.f32.msk $0xffff, v1  }
0x2c6: {  	v1 =	vld [tilespmem:s12+$0x4020];
	_ =	sdelay $0x4  }
0x2c7: {  	[tilespmem:s2+$0x12A0] =	vst.add.f32.msk $0xffff, v1  }
0x2c8: {  	v1 =	vld [tilespmem:s12+$0x4030];
	_ =	sdelay $0x4  }
0x2c9: {  	[tilespmem:s2+$0x12B0] =	vst.add.f32.msk $0xffff, v1  }
0x2ca: {  	v1 =	vld [tilespmem:s12+$0x4040];
	_ =	sdelay $0x4  }
0x2cb: {  	[tilespmem:s2+$0x12C0] =	vst.add.f32.msk $0xffff, v1  }
0x2cc: {  	v1 =	vld [tilespmem:s12+$0x4050];
	_ =	sdelay $0x1  }
0x2cd: {  	(v2sf) =	vpush v0, $0x6;
	_ =	sdelay $0x2  }
0x2ce: {  	[tilespmem:s2+$0x12D0] =	vst.add.f32.msk $0xffff, v1  }
0x2cf: {  	v1 =	vld [tilespmem:s12+$0x4060];
	_ =	sdelay $0x4  }
0x2d0: {  	[tilespmem:s2+$0x12E0] =	vst.add.f32.msk $0xffff, v1  }
0x2d1: {  	v1 =	vld [tilespmem:s12+$0x4070];
	_ =	sdelay $0x4  }
0x2d2: {  	s15 =	spop (v2sf);
	[tilespmem:s2+$0x12F0] =	vst.add.f32.msk $0xffff, v1  }
0x2d3: {  	v1 =	vld [tilespmem:s15+$0x4000];
	_ =	sdelay $0x4  }
0x2d4: {  	[tilespmem:s2+$0x1300] =	vst.add.f32.msk $0xffff, v1  }
0x2d5: {  	v1 =	vld [tilespmem:s15+$0x4010];
	_ =	sdelay $0x4  }
0x2d6: {  	[tilespmem:s2+$0x1310] =	vst.add.f32.msk $0xffff, v1  }
0x2d7: {  	v1 =	vld [tilespmem:s15+$0x4020];
	_ =	sdelay $0x4  }
0x2d8: {  	[tilespmem:s2+$0x1320] =	vst.add.f32.msk $0xffff, v1  }
0x2d9: {  	v1 =	vld [tilespmem:s15+$0x4030];
	_ =	sdelay $0x4  }
0x2da: {  	[tilespmem:s2+$0x1330] =	vst.add.f32.msk $0xffff, v1  }
0x2db: {  	v1 =	vld [tilespmem:s15+$0x4040];
	_ =	sdelay $0x4  }
0x2dc: {  	[tilespmem:s2+$0x1340] =	vst.add.f32.msk $0xffff, v1  }
0x2dd: {  	v1 =	vld [tilespmem:s15+$0x4050];
	_ =	sdelay $0x1  }
0x2de: {  	(v2sf) =	vpush v0, $0x7;
	_ =	sdelay $0x2  }
0x2df: {  	[tilespmem:s2+$0x1350] =	vst.add.f32.msk $0xffff, v1  }
0x2e0: {  	v1 =	vld [tilespmem:s15+$0x4060];
	_ =	sdelay $0x4  }
0x2e1: {  	[tilespmem:s2+$0x1360] =	vst.add.f32.msk $0xffff, v1  }
0x2e2: {  	v1 =	vld [tilespmem:s15+$0x4070];
	_ =	sdelay $0x4  }
0x2e3: {  	s25 =	spop (v2sf);
	[tilespmem:s2+$0x1370] =	vst.add.f32.msk $0xffff, v1  }
0x2e4: {  	v1 =	vld [tilespmem:s25+$0x4000];
	_ =	sdelay $0x4  }
0x2e5: {  	[tilespmem:s2+$0x1380] =	vst.add.f32.msk $0xffff, v1  }
0x2e6: {  	v1 =	vld [tilespmem:s25+$0x4010];
	_ =	sdelay $0x4  }
0x2e7: {  	[tilespmem:s2+$0x1390] =	vst.add.f32.msk $0xffff, v1  }
0x2e8: {  	v1 =	vld [tilespmem:s25+$0x4020];
	_ =	sdelay $0x4  }
0x2e9: {  	[tilespmem:s2+$0x13A0] =	vst.add.f32.msk $0xffff, v1  }
0x2ea: {  	v1 =	vld [tilespmem:s25+$0x4030];
	_ =	sdelay $0x4  }
0x2eb: {  	[tilespmem:s2+$0x13B0] =	vst.add.f32.msk $0xffff, v1  }
0x2ec: {  	v1 =	vld [tilespmem:s25+$0x4040];
	_ =	sdelay $0x4  }
0x2ed: {  	[tilespmem:s2+$0x13C0] =	vst.add.f32.msk $0xffff, v1  }
0x2ee: {  	v1 =	vld [tilespmem:s25+$0x4050];
	_ =	sdelay $0x1  }
0x2ef: {  	(v2sf) =	vpush v0, $0x8;
	_ =	sdelay $0x2  }
0x2f0: {  	[tilespmem:s2+$0x13D0] =	vst.add.f32.msk $0xffff, v1  }
0x2f1: {  	v1 =	vld [tilespmem:s25+$0x4060];
	_ =	sdelay $0x4  }
0x2f2: {  	[tilespmem:s2+$0x13E0] =	vst.add.f32.msk $0xffff, v1  }
0x2f3: {  	v1 =	vld [tilespmem:s25+$0x4070];
	_ =	sdelay $0x4  }
0x2f4: {  	s30 =	spop (v2sf);
	[tilespmem:s2+$0x13F0] =	vst.add.f32.msk $0xffff, v1  }
0x2f5: {  	v1 =	vld [tilespmem:s30+$0x4000];
	_ =	sdelay $0x4  }
0x2f6: {  	[tilespmem:s2+$0x1400] =	vst.add.f32.msk $0xffff, v1  }
0x2f7: {  	v1 =	vld [tilespmem:s30+$0x4010];
	_ =	sdelay $0x4  }
0x2f8: {  	[tilespmem:s2+$0x1410] =	vst.add.f32.msk $0xffff, v1  }
0x2f9: {  	v1 =	vld [tilespmem:s30+$0x4020];
	_ =	sdelay $0x4  }
0x2fa: {  	[tilespmem:s2+$0x1420] =	vst.add.f32.msk $0xffff, v1  }
0x2fb: {  	v1 =	vld [tilespmem:s30+$0x4030];
	_ =	sdelay $0x4  }
0x2fc: {  	[tilespmem:s2+$0x1430] =	vst.add.f32.msk $0xffff, v1  }
0x2fd: {  	v1 =	vld [tilespmem:s30+$0x4040];
	_ =	sdelay $0x4  }
0x2fe: {  	[tilespmem:s2+$0x1440] =	vst.add.f32.msk $0xffff, v1  }
0x2ff: {  	v1 =	vld [tilespmem:s30+$0x4050];
	_ =	sdelay $0x1  }
0x300: {  	(v2sf) =	vpush v0, $0x9;
	_ =	sdelay $0x2  }
0x301: {  	[tilespmem:s2+$0x1450] =	vst.add.f32.msk $0xffff, v1  }
0x302: {  	v1 =	vld [tilespmem:s30+$0x4060];
	_ =	sdelay $0x4  }
0x303: {  	[tilespmem:s2+$0x1460] =	vst.add.f32.msk $0xffff, v1  }
0x304: {  	v1 =	vld [tilespmem:s30+$0x4070];
	_ =	sdelay $0x4  }
0x305: {  	s12 =	spop (v2sf);
	[tilespmem:s2+$0x1470] =	vst.add.f32.msk $0xffff, v1  }
0x306: {  	v1 =	vld [tilespmem:s12+$0x4000];
	_ =	sdelay $0x4  }
0x307: {  	[tilespmem:s2+$0x1480] =	vst.add.f32.msk $0xffff, v1  }
0x308: {  	v1 =	vld [tilespmem:s12+$0x4010];
	_ =	sdelay $0x4  }
0x309: {  	[tilespmem:s2+$0x1490] =	vst.add.f32.msk $0xffff, v1  }
0x30a: {  	v1 =	vld [tilespmem:s12+$0x4020];
	_ =	sdelay $0x4  }
0x30b: {  	[tilespmem:s2+$0x14A0] =	vst.add.f32.msk $0xffff, v1  }
0x30c: {  	v1 =	vld [tilespmem:s12+$0x4030];
	_ =	sdelay $0x4  }
0x30d: {  	[tilespmem:s2+$0x14B0] =	vst.add.f32.msk $0xffff, v1  }
0x30e: {  	v1 =	vld [tilespmem:s12+$0x4040];
	_ =	sdelay $0x4  }
0x30f: {  	[tilespmem:s2+$0x14C0] =	vst.add.f32.msk $0xffff, v1  }
0x310: {  	v1 =	vld [tilespmem:s12+$0x4050];
	_ =	sdelay $0x1  }
0x311: {  	(v2sf) =	vpush v0, $0xA;
	_ =	sdelay $0x2  }
0x312: {  	[tilespmem:s2+$0x14D0] =	vst.add.f32.msk $0xffff, v1  }
0x313: {  	v1 =	vld [tilespmem:s12+$0x4060];
	_ =	sdelay $0x4  }
0x314: {  	[tilespmem:s2+$0x14E0] =	vst.add.f32.msk $0xffff, v1  }
0x315: {  	v1 =	vld [tilespmem:s12+$0x4070];
	_ =	sdelay $0x4  }
0x316: {  	s15 =	spop (v2sf);
	[tilespmem:s2+$0x14F0] =	vst.add.f32.msk $0xffff, v1  }
0x317: {  	v1 =	vld [tilespmem:s15+$0x4000];
	_ =	sdelay $0x4  }
0x318: {  	[tilespmem:s2+$0x1500] =	vst.add.f32.msk $0xffff, v1  }
0x319: {  	v1 =	vld [tilespmem:s15+$0x4010];
	_ =	sdelay $0x4  }
0x31a: {  	[tilespmem:s2+$0x1510] =	vst.add.f32.msk $0xffff, v1  }
0x31b: {  	v1 =	vld [tilespmem:s15+$0x4020];
	_ =	sdelay $0x4  }
0x31c: {  	[tilespmem:s2+$0x1520] =	vst.add.f32.msk $0xffff, v1  }
0x31d: {  	v1 =	vld [tilespmem:s15+$0x4030];
	_ =	sdelay $0x4  }
0x31e: {  	[tilespmem:s2+$0x1530] =	vst.add.f32.msk $0xffff, v1  }
0x31f: {  	v1 =	vld [tilespmem:s15+$0x4040];
	_ =	sdelay $0x4  }
0x320: {  	[tilespmem:s2+$0x1540] =	vst.add.f32.msk $0xffff, v1  }
0x321: {  	v1 =	vld [tilespmem:s15+$0x4050];
	_ =	sdelay $0x1  }
0x322: {  	(v2sf) =	vpush v0, $0xB;
	_ =	sdelay $0x2  }
0x323: {  	[tilespmem:s2+$0x1550] =	vst.add.f32.msk $0xffff, v1  }
0x324: {  	v1 =	vld [tilespmem:s15+$0x4060];
	_ =	sdelay $0x4  }
0x325: {  	[tilespmem:s2+$0x1560] =	vst.add.f32.msk $0xffff, v1  }
0x326: {  	v1 =	vld [tilespmem:s15+$0x4070];
	_ =	sdelay $0x4  }
0x327: {  	s25 =	spop (v2sf);
	[tilespmem:s2+$0x1570] =	vst.add.f32.msk $0xffff, v1  }
0x328: {  	v1 =	vld [tilespmem:s25+$0x4000];
	_ =	sdelay $0x4  }
0x329: {  	[tilespmem:s2+$0x1580] =	vst.add.f32.msk $0xffff, v1  }
0x32a: {  	v1 =	vld [tilespmem:s25+$0x4010];
	_ =	sdelay $0x4  }
0x32b: {  	[tilespmem:s2+$0x1590] =	vst.add.f32.msk $0xffff, v1  }
0x32c: {  	v1 =	vld [tilespmem:s25+$0x4020];
	_ =	sdelay $0x4  }
0x32d: {  	[tilespmem:s2+$0x15A0] =	vst.add.f32.msk $0xffff, v1  }
0x32e: {  	v1 =	vld [tilespmem:s25+$0x4030];
	_ =	sdelay $0x4  }
0x32f: {  	[tilespmem:s2+$0x15B0] =	vst.add.f32.msk $0xffff, v1  }
0x330: {  	v1 =	vld [tilespmem:s25+$0x4040];
	_ =	sdelay $0x4  }
0x331: {  	[tilespmem:s2+$0x15C0] =	vst.add.f32.msk $0xffff, v1  }
0x332: {  	v1 =	vld [tilespmem:s25+$0x4050];
	_ =	sdelay $0x1  }
0x333: {  	(v2sf) =	vpush v0, $0xC;
	_ =	sdelay $0x2  }
0x334: {  	[tilespmem:s2+$0x15D0] =	vst.add.f32.msk $0xffff, v1  }
0x335: {  	v1 =	vld [tilespmem:s25+$0x4060];
	_ =	sdelay $0x4  }
0x336: {  	[tilespmem:s2+$0x15E0] =	vst.add.f32.msk $0xffff, v1  }
0x337: {  	v1 =	vld [tilespmem:s25+$0x4070];
	_ =	sdelay $0x4  }
0x338: {  	s30 =	spop (v2sf);
	[tilespmem:s2+$0x15F0] =	vst.add.f32.msk $0xffff, v1  }
0x339: {  	v1 =	vld [tilespmem:s30+$0x4000];
	_ =	sdelay $0x4  }
0x33a: {  	[tilespmem:s2+$0x1600] =	vst.add.f32.msk $0xffff, v1  }
0x33b: {  	v1 =	vld [tilespmem:s30+$0x4010];
	_ =	sdelay $0x4  }
0x33c: {  	[tilespmem:s2+$0x1610] =	vst.add.f32.msk $0xffff, v1  }
0x33d: {  	v1 =	vld [tilespmem:s30+$0x4020];
	_ =	sdelay $0x4  }
0x33e: {  	[tilespmem:s2+$0x1620] =	vst.add.f32.msk $0xffff, v1  }
0x33f: {  	v1 =	vld [tilespmem:s30+$0x4030];
	_ =	sdelay $0x4  }
0x340: {  	[tilespmem:s2+$0x1630] =	vst.add.f32.msk $0xffff, v1  }
0x341: {  	v1 =	vld [tilespmem:s30+$0x4040];
	_ =	sdelay $0x4  }
0x342: {  	[tilespmem:s2+$0x1640] =	vst.add.f32.msk $0xffff, v1  }
0x343: {  	v1 =	vld [tilespmem:s30+$0x4050];
	_ =	sdelay $0x1  }
0x344: {  	(v2sf) =	vpush v0, $0xD;
	_ =	sdelay $0x2  }
0x345: {  	[tilespmem:s2+$0x1650] =	vst.add.f32.msk $0xffff, v1  }
0x346: {  	v1 =	vld [tilespmem:s30+$0x4060];
	_ =	sdelay $0x4  }
0x347: {  	[tilespmem:s2+$0x1660] =	vst.add.f32.msk $0xffff, v1  }
0x348: {  	v1 =	vld [tilespmem:s30+$0x4070];
	_ =	sdelay $0x4  }
0x349: {  	s12 =	spop (v2sf);
	[tilespmem:s2+$0x1670] =	vst.add.f32.msk $0xffff, v1  }
0x34a: {  	v1 =	vld [tilespmem:s12+$0x4000];
	_ =	sdelay $0x4  }
0x34b: {  	[tilespmem:s2+$0x1680] =	vst.add.f32.msk $0xffff, v1  }
0x34c: {  	v1 =	vld [tilespmem:s12+$0x4010];
	_ =	sdelay $0x4  }
0x34d: {  	[tilespmem:s2+$0x1690] =	vst.add.f32.msk $0xffff, v1  }
0x34e: {  	v1 =	vld [tilespmem:s12+$0x4020];
	_ =	sdelay $0x4  }
0x34f: {  	[tilespmem:s2+$0x16A0] =	vst.add.f32.msk $0xffff, v1  }
0x350: {  	v1 =	vld [tilespmem:s12+$0x4030];
	_ =	sdelay $0x4  }
0x351: {  	[tilespmem:s2+$0x16B0] =	vst.add.f32.msk $0xffff, v1  }
0x352: {  	v1 =	vld [tilespmem:s12+$0x4040];
	_ =	sdelay $0x4  }
0x353: {  	[tilespmem:s2+$0x16C0] =	vst.add.f32.msk $0xffff, v1  }
0x354: {  	v1 =	vld [tilespmem:s12+$0x4050];
	_ =	sdelay $0x1  }
0x355: {  	(v2sf) =	vpush v0, $0xE;
	_ =	sdelay $0x2  }
0x356: {  	[tilespmem:s2+$0x16D0] =	vst.add.f32.msk $0xffff, v1  }
0x357: {  	v1 =	vld [tilespmem:s12+$0x4060];
	_ =	sdelay $0x4  }
0x358: {  	[tilespmem:s2+$0x16E0] =	vst.add.f32.msk $0xffff, v1  }
0x359: {  	v1 =	vld [tilespmem:s12+$0x4070];
	_ =	sdelay $0x4  }
0x35a: {  	s15 =	spop (v2sf);
	[tilespmem:s2+$0x16F0] =	vst.add.f32.msk $0xffff, v1  }
0x35b: {  	v1 =	vld [tilespmem:s15+$0x4000];
	_ =	sdelay $0x4  }
0x35c: {  	[tilespmem:s2+$0x1700] =	vst.add.f32.msk $0xffff, v1  }
0x35d: {  	v1 =	vld [tilespmem:s15+$0x4010];
	_ =	sdelay $0x4  }
0x35e: {  	[tilespmem:s2+$0x1710] =	vst.add.f32.msk $0xffff, v1  }
0x35f: {  	v1 =	vld [tilespmem:s15+$0x4020];
	_ =	sdelay $0x4  }
0x360: {  	[tilespmem:s2+$0x1720] =	vst.add.f32.msk $0xffff, v1  }
0x361: {  	v1 =	vld [tilespmem:s15+$0x4030];
	_ =	sdelay $0x4  }
0x362: {  	[tilespmem:s2+$0x1730] =	vst.add.f32.msk $0xffff, v1  }
0x363: {  	v1 =	vld [tilespmem:s15+$0x4040];
	_ =	sdelay $0x4  }
0x364: {  	[tilespmem:s2+$0x1740] =	vst.add.f32.msk $0xffff, v1  }
0x365: {  	v1 =	vld [tilespmem:s15+$0x4050];
	_ =	sdelay $0x1  }
0x366: {  	(v2sf) =	vpush v0, $0xF;
	_ =	sdelay $0x2  }
0x367: {  	[tilespmem:s2+$0x1750] =	vst.add.f32.msk $0xffff, v1  }
0x368: {  	v63 =	vld [tilespmem:s15+$0x4060];
	_ =	sdelay $0x4  }
0x369: {  	[tilespmem:s2+$0x1760] =	vst.add.f32.msk $0xffff, v63  }
0x36a: {  	v0 =	vld [tilespmem:s15+$0x4070];
	_ =	sdelay $0x4  }
0x36b: {  	s25 =	spop (v2sf);
	[tilespmem:s2+$0x1770] =	vst.add.f32.msk $0xffff, v0  }
0x36c: {  	v0 =	vld [tilespmem:s25+$0x4000];
	_ =	sdelay $0x4  }
0x36d: {  	[tilespmem:s2+$0x1780] =	vst.add.f32.msk $0xffff, v0  }
0x36e: {  	v0 =	vld [tilespmem:s25+$0x4010];
	_ =	sdelay $0x4  }
0x36f: {  	[tilespmem:s2+$0x1790] =	vst.add.f32.msk $0xffff, v0  }
0x370: {  	v0 =	vld [tilespmem:s25+$0x4020];
	_ =	sdelay $0x4  }
0x371: {  	[tilespmem:s2+$0x17A0] =	vst.add.f32.msk $0xffff, v0  }
0x372: {  	v0 =	vld [tilespmem:s25+$0x4030];
	_ =	sdelay $0x4  }
0x373: {  	[tilespmem:s2+$0x17B0] =	vst.add.f32.msk $0xffff, v0  }
0x374: {  	v0 =	vld [tilespmem:s25+$0x4040];
	_ =	sdelay $0x4  }
0x375: {  	[tilespmem:s2+$0x17C0] =	vst.add.f32.msk $0xffff, v0  }
0x376: {  	v0 =	vld [tilespmem:s25+$0x4050];
	_ =	sdelay $0x4  }
0x377: {  	[tilespmem:s2+$0x17D0] =	vst.add.f32.msk $0xffff, v0  }
0x378: {  	v0 =	vld [tilespmem:s25+$0x4060];
	_ =	sdelay $0x4  }
0x379: {  	[tilespmem:s2+$0x17E0] =	vst.add.f32.msk $0xffff, v0  }
0x37a: {  	s28 =	sadd.s32 $0x1, s28;
	v0 =	vld [tilespmem:s25+$0x4070]  }
0x37b: {  	p0 =	sne.s32 s28, $0x7D  }
.Ltmp2:
0x37c: {  	_ = 	snop;
	(pc) =	sbr.rel @p0 .LBB2_2-.Ltmp2, $4  }
0x37d: {  	_ = 	snop  }
0x37e: {  	s31 =	sadd.s32 $0x6, s31;
	s0 =	sadd.s32 s0, s10  }
0x37f: {  	s26 =	sadd.s32 $0x1, s26;
	s14 =	sadd.s32 $0x80, s14;
	s30 =	sadd.s32 $0xC800, s29;
	[tilespmem:s2+$0x17F0] =	vst.add.f32.msk $0xffff, v0  }
0x380: {  	[hbm4b:s0+s4] =	stream.linear.scatter [tilespmem:s30], [sflag:s31], $0x1800, $0x38;
	[tilespmem:$0x15800] =	vst v63  }
0x381: {  	_ =	swait.ge [sflag:s16], $0x1000  }
0x382: {  	[sflag:s16] =	ssyncset.done $0x0  }
0x383: {  	[sflag:s16] =	ssyncadd.s32 $0xFFFFF000  }
0x384: {  	_ =	swait.ge [sflag:s17], $0x1800  }
0x385: {  	[sflag:s17] =	ssyncset.done $0x0  }
0x386: {  	[sflag:s17] =	ssyncadd.s32 $0xFFFFE800  }
0x387: {  	_ =	swait.ge [sflag:s18], $0x1000  }
0x388: {  	[sflag:s18] =	ssyncset.done $0x0  }
0x389: {  	[sflag:s18] =	ssyncadd.s32 $0xFFFFF000  }
0x38a: {  	_ =	swait.ge [sflag:s19], $0x1800  }
0x38b: {  	[sflag:s19] =	ssyncset.done $0x0  }
0x38c: {  	[sflag:s19] =	ssyncadd.s32 $0xFFFFE800  }
0x38d: {  	_ =	swait.ge [sflag:s20], $0x1000  }
0x38e: {  	[sflag:s20] =	ssyncset.done $0x0  }
0x38f: {  	[sflag:s20] =	ssyncadd.s32 $0xFFFFF000  }
0x390: {  	_ =	swait.ge [sflag:s21], $0x1800  }
0x391: {  	[sflag:s21] =	ssyncset.done $0x0  }
0x392: {  	s24 =	sadd.s32 $0x1, s24;
	[sflag:s21] =	ssyncadd.s32 $0xFFFFE800  }
0x393: {  	p0 =	sne.s32 s24, s11;
	_ =	swait.ge [sflag:s22], $0x1000  }
.Ltmp3:
0x394: {  	[sflag:s22] =	ssyncset.done $0x0;
	(pc) =	sbr.rel @p0 .LBB2_1-.Ltmp3, $4  }
0x395: {  	[sflag:s22] =	ssyncadd.s32 $0xFFFFF000  }
0x396: {  	_ =	swait.ge [sflag:s23], $0x1800  }
0x397: {  	[sflag:s23] =	ssyncset.done $0x0  }
0x398: {  	[sflag:s23] =	ssyncadd.s32 $0xFFFFE800  }
0x399: {  	_ =	sfence.sel $0x180000  }
0x39a: {  	[bflag:$0x0] =	sbarrier.arrive $0xFFFF  }
0x39b: {  	_ =	strace $0x90000047  }
0x39c: {  	s0 =	stileid.u32;
	[bflag:$0x2] =	sbarrier.arrive $0xFFFF  }
0x39d: {  	p0 =	sne.s32 s0, $0x0;
	s0 =	rddreg [dreg:$0x3]  }
0x39e: {  	s0 =	sadd.s32 @!p0 $0x100000, s0  }
0x39f: {  	[sflag:s0] =	ssyncadd.tile.s32 @!p0 $0x1;
	_ =	shalt  }
.Lfunc_end2:
_tile_overlayer_lowered:
.L_overlay_start_2:
0x3a0: {  	(tag) =	ssettag $0x2  }
0x3a1: {  	s0 =	rddreg [dreg:$0x0];
	s2 =	stileid.u32  }
0x3a2: {  	s1 =	rddreg [dreg:$0x1];
	p0 =	sne.s32 s2, $0x0  }
0x3a3: {  	s3 =	rddreg [dreg:$0x2];
	[bflag:$0x3] =	sbarrier.arrive $0xFFFF;
	s2 =	simm.s32 @!p0 $0x1C0D  }
0x3a4: {  	[timem:s3], [sflag:s2] =	dma.local @!p0 [hbm:s0], s1  }
0x3a5: {  	s0 =	simm.s32 @!p0 $0xD  }
0x3a6: {  	_ =	swait.ge @!p0 [sflag:s0], s1  }
0x3a7: {  	s1 =	ssub.s32 @!p0 $0x0, s1;
	[sflag:s0] =	ssyncset.done @!p0 $0x0  }
0x3a8: {  	[sflag:s0] =	ssyncadd.s32 @!p0 s1  }
0x3a9: {  	[bflag:$0x3] =	sbarrier.arrive $0xFFFF  }
0x3aa: {  	_ =	shalt  }

</sc_bundles>
